<compile_context>
chip_gen: v7x
topology: tpu7x:2x2x1
jax: 0.10.2.dev20260603
libtpu: 0.0.44.dev20260713+nightly
codegen_flags: <defaults>
</compile_context>

<pallas_src>
import functools

import jax
import jax.numpy as jnp
from jax import lax
from jax.experimental import pallas as pl
from jax.experimental.pallas import tpu as pltpu
from jax.experimental.pallas import tpu_sc as plsc

_TOP_K = 8
_N_GROUPS = 8
_GROUP_SIZE = 8
_LANES = 16
_SC_SUB = 256

_SORT8 = (
    (0, 1), (2, 3), (4, 5), (6, 7),
    (0, 2), (1, 3), (4, 6), (5, 7),
    (1, 2), (5, 6), (0, 4), (3, 7),
    (1, 5), (2, 6),
    (1, 4), (3, 6),
    (2, 4), (3, 5),
    (3, 4),
)
_BMERGE8 = (
    (0, 4), (1, 5), (2, 6), (3, 7),
    (0, 2), (1, 3), (4, 6), (5, 7),
    (0, 1), (2, 3), (4, 5), (6, 7),
)


def _gate_softmax_body(x_ref, w_ref, p_ref, *, sc_tok):
    s = lax.dot_general(
        w_ref[...], x_ref[...],
        (((1,), (1,)), ((), ())),
        preferred_element_type=jnp.float32,
    )
    m = jnp.max(s, axis=0, keepdims=True)
    e = jnp.exp(s - m)
    p = e / jnp.sum(e, axis=0, keepdims=True)
    block = p.shape[1]
    p_ref[...] = jnp.concatenate(
        [p[:, j * sc_tok:(j + 1) * sc_tok].reshape(-1, 128)
         for j in range(block // sc_tok)], axis=0)


def _gate_softmax(x, w_gate, tok_base, n_tok, block=1024):
    n, d = x.shape
    n_e = w_gate.shape[0]
    rows_per_block = n_e * block // 128
    base_blocks = tok_base // block
    return pl.pallas_call(
        functools.partial(_gate_softmax_body, sc_tok=_SC_SUB),
        grid=(n_tok // block,),
        in_specs=[
            pl.BlockSpec((block, d), lambda i: (i + base_blocks, 0)),
            pl.BlockSpec((n_e, d), lambda i: (0, 0)),
        ],
        out_specs=pl.BlockSpec((rows_per_block, 128), lambda i: (i, 0)),
        out_shape=jax.ShapeDtypeStruct((n_e * n_tok // 128, 128),
                                       jnp.float32),
    )(x, w_gate)


def _lex_gt(av, ai, bv, bi):
    return (av > bv) | ((av == bv) & (ai < bi))


def _ce(vals, idxs, a, b, lex=True):
    if lex:
        c = _lex_gt(vals[a], idxs[a], vals[b], idxs[b])
    else:
        c = vals[a] > vals[b]
    va = jnp.where(c, vals[a], vals[b])
    vb = jnp.where(c, vals[b], vals[a])
    ia = jnp.where(c, idxs[a], idxs[b])
    ib = jnp.where(c, idxs[b], idxs[a])
    vals[a], vals[b], idxs[a], idxs[b] = va, vb, ia, ib


def _route_sc(p3, n, n_e):
    info = plsc.get_sparse_core_info()
    nw = info.num_cores * info.num_subcores
    tok_w = n // nw
    n_chunks = tok_w // _LANES
    mesh = plsc.VectorSubcoreMesh(core_axis_name="c", subcore_axis_name="s")
    p_flat = p3.reshape(n * n_e)

    @functools.partial(
        pl.kernel,
        mesh=mesh,
        compiler_params=pltpu.CompilerParams(needs_layout_passes=False),
        out_type=[
            jax.ShapeDtypeStruct((n * _TOP_K,), jnp.float32),
            jax.ShapeDtypeStruct((n * _TOP_K,), jnp.int32),
            jax.ShapeDtypeStruct((nw, n_e), jnp.float32),
        ],
        scratch_types=[
            pltpu.VMEM((n_e * tok_w,), jnp.float32),
            pltpu.VMEM((tok_w * _TOP_K,), jnp.float32),
            pltpu.VMEM((tok_w * _TOP_K,), jnp.int32),
            pltpu.VMEM((n_e,), jnp.float32),
            pltpu.SemaphoreType.DMA,
            pltpu.SemaphoreType.DMA,
            pltpu.SemaphoreType.DMA,
            pltpu.SemaphoreType.DMA,
            pltpu.SemaphoreType.DMA,
        ],
    )
    def body(pt_hbm, w_hbm, idx_hbm, cnt_hbm, p_v, wout_v, iout_v, cnt_v,
             s0, s1, s2, s3, so):
        n_sub = tok_w // _SC_SUB
        sub_sz = n_e * _SC_SUB
        in_sems = [s0, s1, s2, s3]
        cid = lax.axis_index("c")
        sid = lax.axis_index("s")
        wid = sid * info.num_cores + cid
        base = wid * tok_w
        in_copies = []
        for q in range(n_sub):
            in_copies.append(pltpu.async_copy(
                pt_hbm.at[pl.ds((wid * n_sub + q) * sub_sz, sub_sz)],
                p_v.at[pl.ds(q * sub_sz, sub_sz)],
                in_sems[q]))
        zeros = jnp.zeros((_LANES,), jnp.float32)
        for j in range(n_e // _LANES):
            cnt_v[pl.ds(j * _LANES, _LANES)] = zeros
        lanes = lax.iota(jnp.int32, _LANES)
        ones = jnp.ones((_LANES,), jnp.float32)
        out_copies = []

        def make_chunk(q):
            sub_base = q * sub_sz

            def chunk(c, carry):
                col = c * _LANES
                rows = col + lanes
                g = []
                for j in range(_N_GROUPS):
                    m = p_v[pl.ds(
                        sub_base + j * _GROUP_SIZE * _SC_SUB + col, _LANES)]
                    for o in range(1, _GROUP_SIZE):
                        m = jnp.maximum(
                            m,
                            p_v[pl.ds(
                                sub_base + (j * _GROUP_SIZE + o) * _SC_SUB
                                + col, _LANES)])
                    g.append(m)
                bv, bi = g[0], jnp.zeros((_LANES,), jnp.int32)
                for j in range(1, _N_GROUPS):
                    c1 = g[j] > bv
                    bv = jnp.where(c1, g[j], bv)
                    bi = jnp.where(c1, j, bi)
                sv = jnp.full((_LANES,), -jnp.inf, jnp.float32)
                si = jnp.zeros((_LANES,), jnp.int32)
                for j in range(_N_GROUPS):
                    c2 = (bi != j) & (g[j] > sv)
                    sv = jnp.where(c2, g[j], sv)
                    si = jnp.where(c2, j, si)
                a_v, a_i, b_v, b_i = [], [], [], []
                sub_rows = sub_base + rows
                for o in range(_GROUP_SIZE):
                    ia = bi * _GROUP_SIZE + o
                    ib = si * _GROUP_SIZE + o
                    a_i.append(ia)
                    b_i.append(ib)
                    a_v.append(
                        plsc.load_gather(p_v, [ia * _SC_SUB + sub_rows]))
                    b_v.append(
                        plsc.load_gather(p_v, [ib * _SC_SUB + sub_rows]))
                for aa, bb in _SORT8:
                    _ce(a_v, a_i, aa, bb, lex=False)
                    _ce(b_v, b_i, aa, bb, lex=False)
                l_v, l_i = [], []
                for k in range(_TOP_K):
                    c3 = _lex_gt(a_v[k], a_i[k], b_v[7 - k], b_i[7 - k])
                    l_v.append(jnp.where(c3, a_v[k], b_v[7 - k]))
                    l_i.append(jnp.where(c3, a_i[k], b_i[7 - k]))
                for aa, bb in _BMERGE8:
                    _ce(l_v, l_i, aa, bb)
                out_pos = (q * _SC_SUB + rows) * _TOP_K
                for k in range(_TOP_K):
                    plsc.store_scatter(wout_v, [out_pos + k], l_v[k])
                    plsc.store_scatter(iout_v, [out_pos + k], l_i[k])
                    plsc.addupdate_scatter(cnt_v, [l_i[k]], ones)
                return carry

            return chunk

        out_sz = _SC_SUB * _TOP_K
        for q in range(n_sub):
            in_copies[q].wait()
            lax.fori_loop(0, _SC_SUB // _LANES, make_chunk(q), 0)
            out_copies.append(pltpu.async_copy(
                wout_v.at[pl.ds(q * out_sz, out_sz)],
                w_hbm.at[pl.ds(base * _TOP_K + q * out_sz, out_sz)],
                so))
            out_copies.append(pltpu.async_copy(
                iout_v.at[pl.ds(q * out_sz, out_sz)],
                idx_hbm.at[pl.ds(base * _TOP_K + q * out_sz, out_sz)],
                so))
        pltpu.sync_copy(cnt_v, cnt_hbm.at[wid])
        for h in out_copies:
            h.wait()

    return body(p_flat)


def kernel(x, w_gate, halves=1):
    n = x.shape[0]
    n_e = w_gate.shape[0]
    nh = n // halves
    outs = []
    for h in range(halves):
        p = _gate_softmax(x, w_gate, h * nh, nh)
        outs.append(_route_sc(p, nh, n_e))
    w_flat = jnp.concatenate([o[0] for o in outs])
    idx_flat = jnp.concatenate([o[1] for o in outs])
    cnt_parts = jnp.concatenate([o[2] for o in outs], axis=0)
    weights = w_flat.reshape(n, _TOP_K).astype(x.dtype)
    topk_indices = idx_flat.reshape(n, _TOP_K)
    counts = jnp.sum(cnt_parts, axis=0)
    return (weights, topk_indices, counts)

# --- scband reference (transcript-rebuilt; emitter-appended) ---
"""Pipeline reference for scband-gate-15719580304361 (READ-ONLY COPY).

The authoritative reference and input builder live on the scoring server;
editing this copy changes nothing except your own understanding.
"""

import jax, jax.numpy as jnp
import numpy as np

TOP_K = 8
NUM_EXPERTS = 64
N_GROUPS = 8
N_LIMITED_GROUPS = 2
ROUTE_SCALE = 1.0
DIM = 4096
N_TOKENS = 32768


def setup_inputs(seed: int = 0) -> dict:
    key = jax.random.key(seed)
    k1, k2 = jax.random.split(key)
    x = jax.random.normal(k1, (N_TOKENS, DIM), dtype=jnp.float32)
    w_gate = jax.random.normal(k2, (NUM_EXPERTS, DIM), dtype=jnp.float32) * 0.02
    return {"x": x, "w_gate": w_gate}


def reference(x, w_gate):
    N = x.shape[0]
    # gate linear (no bias): [N, dim] @ [dim, num_experts]
    gate_scores = x @ w_gate.T
    # softmax score function in float32
    gate_scores = jax.nn.softmax(gate_scores.astype(jnp.float32), axis=-1)
    original_scores = gate_scores
    # expert_bias is None -> group scores are per-group max
    gs = gate_scores.reshape(N, N_GROUPS, NUM_EXPERTS // N_GROUPS)
    group_scores = jnp.max(gs, axis=-1)
    _, top_group_indices = jax.lax.top_k(group_scores, N_LIMITED_GROUPS)
    # mask: True for groups NOT selected
    mask = jnp.ones((N, N_GROUPS), dtype=bool)
    mask = mask.at[jnp.arange(N)[:, None], top_group_indices].set(False)
    gs_masked = jnp.where(mask[:, :, None], -jnp.inf, gs).reshape(N, NUM_EXPERTS)
    _, topk_indices = jax.lax.top_k(gs_masked, TOP_K)
    weights = jnp.take_along_axis(original_scores, topk_indices, axis=1)
    weights = weights * ROUTE_SCALE
    # torch.histc(topk, bins=num_experts, min=0, max=num_experts) on int indices == bincount
    num_tokens_per_expert = jnp.bincount(
        topk_indices.reshape(-1), length=NUM_EXPERTS
    ).astype(jnp.float32)
    return (weights.astype(x.dtype), topk_indices, num_tokens_per_expert)

if __name__ == "__main__":
    import jax
    _d = setup_inputs()
    print(jax.jit(kernel)(*tuple(_d.values())))

</pallas_src>

<mosaic_0001>
#map = affine_map<(d0, d1) -> (0)>
#map1 = affine_map<(d0, d1) -> (0, 0)>
module attributes {stable_mosaic.version = 14 : i64} {
  func.func @body(%arg0: i32, %arg1: i32, %arg2: memref<2097152xf32, #tpu.memory_space<hbm>>, %arg3: memref<262144xf32, #tpu.memory_space<hbm>>, %arg4: memref<262144xi32, #tpu.memory_space<hbm>>, %arg5: memref<32x64xf32, #tpu.memory_space<hbm>>, %arg6: memref<65536xf32, #tpu.memory_space<vmem>>, %arg7: memref<8192xf32, #tpu.memory_space<vmem>>, %arg8: memref<8192xi32, #tpu.memory_space<vmem>>, %arg9: memref<64xf32, #tpu.memory_space<vmem>>, %arg10: memref<!tpu.dma_semaphore, #tpu.memory_space<semaphore_mem>>, %arg11: memref<!tpu.dma_semaphore, #tpu.memory_space<semaphore_mem>>, %arg12: memref<!tpu.dma_semaphore, #tpu.memory_space<semaphore_mem>>, %arg13: memref<!tpu.dma_semaphore, #tpu.memory_space<semaphore_mem>>, %arg14: memref<!tpu.dma_semaphore, #tpu.memory_space<semaphore_mem>>) attributes {dimension_semantics = [#tpu.dimension_semantics<core_parallel>, #tpu.dimension_semantics<subcore_parallel>], iteration_bounds = array<i64: 2, 16>, scalar_prefetch = 0 : i64, scratch_operands = 9 : i64, tpu.core_type = #tpu.core_type<sc_vector_subcore>, window_params = [{transform_indices = #map}, {transform_indices = #map}, {transform_indices = #map}, {transform_indices = #map1}]} {
    %mul3A = arith.constant 2 : i32
    %mul3A_0 = arith.muli %arg1, %mul3A : i32
    %add3A = arith.addi %mul3A_0, %arg0 : i32
    %mul3A_1 = arith.constant 1024 : i32
    %mul3A_2 = arith.muli %add3A, %mul3A_1 : i32
    %mul3A_3 = arith.constant 4 : i32
    %mul3A_4 = arith.muli %add3A, %mul3A_3 : i32
    %add3A_5 = arith.constant 0 : i32
    %add3A_6 = arith.addi %mul3A_4, %add3A_5 : i32
    %mul3A_7 = arith.constant 16384 : i32
    %mul3A_8 = arith.muli %add3A_6, %mul3A_7 : i32
    %dma_start3A = arith.constant 0 : i32
    %dma_start3A_9 = tpu.memref_slice %arg6[%dma_start3A] : memref<65536xf32, #tpu.memory_space<vmem>> -> memref<16384xf32, #tpu.memory_space<vmem>>
    %dma_start3A_10 = tpu.memref_slice %arg2[%mul3A_8] : memref<2097152xf32, #tpu.memory_space<hbm>> -> memref<16384xf32, #tpu.memory_space<hbm>>
    %dma_start3A_11 = arith.constant 0 : i32
    %dma_start3A_12 = tpu.memref_slice %arg6[%dma_start3A_11] : memref<65536xf32, #tpu.memory_space<vmem>> -> memref<16384xf32, #tpu.memory_space<vmem>>
    %dma_start3A_13 = tpu.memref_slice %arg2[%mul3A_8] : memref<2097152xf32, #tpu.memory_space<hbm>> -> memref<16384xf32, #tpu.memory_space<hbm>>
    tpu.enqueue_dma source(%dma_start3A_13 : memref<16384xf32, #tpu.memory_space<hbm>>) target(%dma_start3A_12 : memref<16384xf32, #tpu.memory_space<vmem>>) target_semaphore(%arg10 : memref<!tpu.dma_semaphore, #tpu.memory_space<semaphore_mem>>)
    %mul3A_14 = arith.constant 4 : i32
    %mul3A_15 = arith.muli %add3A, %mul3A_14 : i32
    %add3A_16 = arith.constant 1 : i32
    %add3A_17 = arith.addi %mul3A_15, %add3A_16 : i32
    %mul3A_18 = arith.constant 16384 : i32
    %mul3A_19 = arith.muli %add3A_17, %mul3A_18 : i32
    %dma_start3A_20 = arith.constant 16384 : i32
    %dma_start3A_21 = tpu.memref_slice %arg6[%dma_start3A_20] : memref<65536xf32, #tpu.memory_space<vmem>> -> memref<16384xf32, #tpu.memory_space<vmem>>
    %dma_start3A_22 = tpu.memref_slice %arg2[%mul3A_19] : memref<2097152xf32, #tpu.memory_space<hbm>> -> memref<16384xf32, #tpu.memory_space<hbm>>
    %dma_start3A_23 = arith.constant 16384 : i32
    %dma_start3A_24 = tpu.memref_slice %arg6[%dma_start3A_23] : memref<65536xf32, #tpu.memory_space<vmem>> -> memref<16384xf32, #tpu.memory_space<vmem>>
    %dma_start3A_25 = tpu.memref_slice %arg2[%mul3A_19] : memref<2097152xf32, #tpu.memory_space<hbm>> -> memref<16384xf32, #tpu.memory_space<hbm>>
    tpu.enqueue_dma source(%dma_start3A_25 : memref<16384xf32, #tpu.memory_space<hbm>>) target(%dma_start3A_24 : memref<16384xf32, #tpu.memory_space<vmem>>) target_semaphore(%arg11 : memref<!tpu.dma_semaphore, #tpu.memory_space<semaphore_mem>>)
    %mul3A_26 = arith.constant 4 : i32
    %mul3A_27 = arith.muli %add3A, %mul3A_26 : i32
    %add3A_28 = arith.constant 2 : i32
    %add3A_29 = arith.addi %mul3A_27, %add3A_28 : i32
    %mul3A_30 = arith.constant 16384 : i32
    %mul3A_31 = arith.muli %add3A_29, %mul3A_30 : i32
    %dma_start3A_32 = arith.constant 32768 : i32
    %dma_start3A_33 = tpu.memref_slice %arg6[%dma_start3A_32] : memref<65536xf32, #tpu.memory_space<vmem>> -> memref<16384xf32, #tpu.memory_space<vmem>>
    %dma_start3A_34 = tpu.memref_slice %arg2[%mul3A_31] : memref<2097152xf32, #tpu.memory_space<hbm>> -> memref<16384xf32, #tpu.memory_space<hbm>>
    %dma_start3A_35 = arith.constant 32768 : i32
    %dma_start3A_36 = tpu.memref_slice %arg6[%dma_start3A_35] : memref<65536xf32, #tpu.memory_space<vmem>> -> memref<16384xf32, #tpu.memory_space<vmem>>
    %dma_start3A_37 = tpu.memref_slice %arg2[%mul3A_31] : memref<2097152xf32, #tpu.memory_space<hbm>> -> memref<16384xf32, #tpu.memory_space<hbm>>
    tpu.enqueue_dma source(%dma_start3A_37 : memref<16384xf32, #tpu.memory_space<hbm>>) target(%dma_start3A_36 : memref<16384xf32, #tpu.memory_space<vmem>>) target_semaphore(%arg12 : memref<!tpu.dma_semaphore, #tpu.memory_space<semaphore_mem>>)
    %mul3A_38 = arith.constant 4 : i32
    %mul3A_39 = arith.muli %add3A, %mul3A_38 : i32
    %add3A_40 = arith.constant 3 : i32
    %add3A_41 = arith.addi %mul3A_39, %add3A_40 : i32
    %mul3A_42 = arith.constant 16384 : i32
    %mul3A_43 = arith.muli %add3A_41, %mul3A_42 : i32
    %dma_start3A_44 = arith.constant 49152 : i32
    %dma_start3A_45 = tpu.memref_slice %arg6[%dma_start3A_44] : memref<65536xf32, #tpu.memory_space<vmem>> -> memref<16384xf32, #tpu.memory_space<vmem>>
    %dma_start3A_46 = tpu.memref_slice %arg2[%mul3A_43] : memref<2097152xf32, #tpu.memory_space<hbm>> -> memref<16384xf32, #tpu.memory_space<hbm>>
    %dma_start3A_47 = arith.constant 49152 : i32
    %dma_start3A_48 = tpu.memref_slice %arg6[%dma_start3A_47] : memref<65536xf32, #tpu.memory_space<vmem>> -> memref<16384xf32, #tpu.memory_space<vmem>>
    %dma_start3A_49 = tpu.memref_slice %arg2[%mul3A_43] : memref<2097152xf32, #tpu.memory_space<hbm>> -> memref<16384xf32, #tpu.memory_space<hbm>>
    tpu.enqueue_dma source(%dma_start3A_49 : memref<16384xf32, #tpu.memory_space<hbm>>) target(%dma_start3A_48 : memref<16384xf32, #tpu.memory_space<vmem>>) target_semaphore(%arg13 : memref<!tpu.dma_semaphore, #tpu.memory_space<semaphore_mem>>)
    %broadcast_in_dim3A = arith.constant 0.000000e+00 : f32
    %broadcast_in_dim3A_50 = vector.broadcast %broadcast_in_dim3A : f32 to vector<16xf32>
    %swap3A = arith.constant 0 : index
    %swap3A_51 = tpu.vector_load %arg9[%swap3A] {strides = array<i32>} : memref<64xf32, #tpu.memory_space<vmem>>, vector<16xf32>,
    tpu.vector_store %arg9[%swap3A], %broadcast_in_dim3A_50 {strides = array<i32>} : memref<64xf32, #tpu.memory_space<vmem>>, vector<16xf32>,
    %swap3A_52 = arith.constant 16 : index
    %swap3A_53 = tpu.vector_load %arg9[%swap3A_52] {strides = array<i32>} : memref<64xf32, #tpu.memory_space<vmem>>, vector<16xf32>,
    tpu.vector_store %arg9[%swap3A_52], %broadcast_in_dim3A_50 {strides = array<i32>} : memref<64xf32, #tpu.memory_space<vmem>>, vector<16xf32>,
    %swap3A_54 = arith.constant 32 : index
    %swap3A_55 = tpu.vector_load %arg9[%swap3A_54] {strides = array<i32>} : memref<64xf32, #tpu.memory_space<vmem>>, vector<16xf32>,
    tpu.vector_store %arg9[%swap3A_54], %broadcast_in_dim3A_50 {strides = array<i32>} : memref<64xf32, #tpu.memory_space<vmem>>, vector<16xf32>,
    %swap3A_56 = arith.constant 48 : index
    %swap3A_57 = tpu.vector_load %arg9[%swap3A_56] {strides = array<i32>} : memref<64xf32, #tpu.memory_space<vmem>>, vector<16xf32>,
    tpu.vector_store %arg9[%swap3A_56], %broadcast_in_dim3A_50 {strides = array<i32>} : memref<64xf32, #tpu.memory_space<vmem>>, vector<16xf32>,
    %iota3A = tpu.iota {dimensions = array<i32: 0>} : vector<16xi32>
    %broadcast_in_dim3A_58 = arith.constant 1.000000e+00 : f32
    %broadcast_in_dim3A_59 = vector.broadcast %broadcast_in_dim3A_58 : f32 to vector<16xf32>
    %dma_wait3A = arith.constant 0 : i32
    %dma_wait3A_60 = tpu.memref_slice %arg6[%dma_wait3A] : memref<65536xf32, #tpu.memory_space<vmem>> -> memref<16384xf32, #tpu.memory_space<vmem>>
    %dma_wait3A_61 = tpu.memref_slice %arg2[%mul3A_8] : memref<2097152xf32, #tpu.memory_space<hbm>> -> memref<16384xf32, #tpu.memory_space<hbm>>
    %dma_wait3A_62 = arith.constant 0 : i32
    %dma_wait3A_63 = tpu.memref_slice %arg6[%dma_wait3A_62] : memref<65536xf32, #tpu.memory_space<vmem>> -> memref<16384xf32, #tpu.memory_space<vmem>>
    %dma_wait3A_64 = tpu.memref_slice %arg2[%mul3A_8] : memref<2097152xf32, #tpu.memory_space<hbm>> -> memref<16384xf32, #tpu.memory_space<hbm>>
    tpu.wait_dma2 semaphore(%arg10 : memref<!tpu.dma_semaphore, #tpu.memory_space<semaphore_mem>>) src(%dma_wait3A_64 : memref<16384xf32, #tpu.memory_space<hbm>>) dst(%dma_wait3A_63 : memref<16384xf32, #tpu.memory_space<vmem>>)
    %scan3A = arith.constant 0 : i32
    %scan3A_65 = arith.constant 0 : i32
    %scan3A_66 = arith.constant 16 : i32
    %scan3A_67 = arith.addi %scan3A_65, %scan3A_66 : i32
    %scan3A_68 = arith.constant 1 : i32
    scf.for %scan3A_234 = %scan3A_65 to %scan3A_67 step %scan3A_68  : i32 {
      %mul3A_235 = arith.constant 16 : i32
      %mul3A_236 = arith.muli %scan3A_234, %mul3A_235 : i32
      %add3A_237 = vector.broadcast %mul3A_236 : i32 to vector<16xi32>
      %add3A_238 = arith.addi %add3A_237, %iota3A : vector<16xi32>
      %add3A_239 = arith.constant 0 : i32
      %add3A_240 = arith.addi %add3A_239, %mul3A_236 : i32
      %get3A = arith.index_cast %add3A_240 : i32 to index
      %get3A_241 = tpu.vector_load %arg6[%get3A] {strides = array<i32>} : memref<65536xf32, #tpu.memory_space<vmem>>, vector<16xf32>,
      %add3A_242 = arith.constant 256 : i32
      %add3A_243 = arith.addi %add3A_242, %mul3A_236 : i32
      %get3A_244 = arith.index_cast %add3A_243 : i32 to index
      %get3A_245 = tpu.vector_load %arg6[%get3A_244] {strides = array<i32>} : memref<65536xf32, #tpu.memory_space<vmem>>, vector<16xf32>,
      %max3A = arith.maximumf %get3A_241, %get3A_245 : vector<16xf32>
      %add3A_246 = arith.constant 512 : i32
      %add3A_247 = arith.addi %add3A_246, %mul3A_236 : i32
      %get3A_248 = arith.index_cast %add3A_247 : i32 to index
      %get3A_249 = tpu.vector_load %arg6[%get3A_248] {strides = array<i32>} : memref<65536xf32, #tpu.memory_space<vmem>>, vector<16xf32>,
      %max3A_250 = arith.maximumf %max3A, %get3A_249 : vector<16xf32>
      %add3A_251 = arith.constant 768 : i32
      %add3A_252 = arith.addi %add3A_251, %mul3A_236 : i32
      %get3A_253 = arith.index_cast %add3A_252 : i32 to index
      %get3A_254 = tpu.vector_load %arg6[%get3A_253] {strides = array<i32>} : memref<65536xf32, #tpu.memory_space<vmem>>, vector<16xf32>,
      %max3A_255 = arith.maximumf %max3A_250, %get3A_254 : vector<16xf32>
      %add3A_256 = arith.constant 1024 : i32
      %add3A_257 = arith.addi %add3A_256, %mul3A_236 : i32
      %get3A_258 = arith.index_cast %add3A_257 : i32 to index
      %get3A_259 = tpu.vector_load %arg6[%get3A_258] {strides = array<i32>} : memref<65536xf32, #tpu.memory_space<vmem>>, vector<16xf32>,
      %max3A_260 = arith.maximumf %max3A_255, %get3A_259 : vector<16xf32>
      %add3A_261 = arith.constant 1280 : i32
      %add3A_262 = arith.addi %add3A_261, %mul3A_236 : i32
      %get3A_263 = arith.index_cast %add3A_262 : i32 to index
      %get3A_264 = tpu.vector_load %arg6[%get3A_263] {strides = array<i32>} : memref<65536xf32, #tpu.memory_space<vmem>>, vector<16xf32>,
      %max3A_265 = arith.maximumf %max3A_260, %get3A_264 : vector<16xf32>
      %add3A_266 = arith.constant 1536 : i32
      %add3A_267 = arith.addi %add3A_266, %mul3A_236 : i32
      %get3A_268 = arith.index_cast %add3A_267 : i32 to index
      %get3A_269 = tpu.vector_load %arg6[%get3A_268] {strides = array<i32>} : memref<65536xf32, #tpu.memory_space<vmem>>, vector<16xf32>,
      %max3A_270 = arith.maximumf %max3A_265, %get3A_269 : vector<16xf32>
      %add3A_271 = arith.constant 1792 : i32
      %add3A_272 = arith.addi %add3A_271, %mul3A_236 : i32
      %get3A_273 = arith.index_cast %add3A_272 : i32 to index
      %get3A_274 = tpu.vector_load %arg6[%get3A_273] {strides = array<i32>} : memref<65536xf32, #tpu.memory_space<vmem>>, vector<16xf32>,
      %max3A_275 = arith.maximumf %max3A_270, %get3A_274 : vector<16xf32>
      %add3A_276 = arith.constant 2048 : i32
      %add3A_277 = arith.addi %add3A_276, %mul3A_236 : i32
      %get3A_278 = arith.index_cast %add3A_277 : i32 to index
      %get3A_279 = tpu.vector_load %arg6[%get3A_278] {strides = array<i32>} : memref<65536xf32, #tpu.memory_space<vmem>>, vector<16xf32>,
      %add3A_280 = arith.constant 2304 : i32
      %add3A_281 = arith.addi %add3A_280, %mul3A_236 : i32
      %get3A_282 = arith.index_cast %add3A_281 : i32 to index
      %get3A_283 = tpu.vector_load %arg6[%get3A_282] {strides = array<i32>} : memref<65536xf32, #tpu.memory_space<vmem>>, vector<16xf32>,
      %max3A_284 = arith.maximumf %get3A_279, %get3A_283 : vector<16xf32>
      %add3A_285 = arith.constant 2560 : i32
      %add3A_286 = arith.addi %add3A_285, %mul3A_236 : i32
      %get3A_287 = arith.index_cast %add3A_286 : i32 to index
      %get3A_288 = tpu.vector_load %arg6[%get3A_287] {strides = array<i32>} : memref<65536xf32, #tpu.memory_space<vmem>>, vector<16xf32>,
      %max3A_289 = arith.maximumf %max3A_284, %get3A_288 : vector<16xf32>
      %add3A_290 = arith.constant 2816 : i32
      %add3A_291 = arith.addi %add3A_290, %mul3A_236 : i32
      %get3A_292 = arith.index_cast %add3A_291 : i32 to index
      %get3A_293 = tpu.vector_load %arg6[%get3A_292] {strides = array<i32>} : memref<65536xf32, #tpu.memory_space<vmem>>, vector<16xf32>,
      %max3A_294 = arith.maximumf %max3A_289, %get3A_293 : vector<16xf32>
      %add3A_295 = arith.constant 3072 : i32
      %add3A_296 = arith.addi %add3A_295, %mul3A_236 : i32
      %get3A_297 = arith.index_cast %add3A_296 : i32 to index
      %get3A_298 = tpu.vector_load %arg6[%get3A_297] {strides = array<i32>} : memref<65536xf32, #tpu.memory_space<vmem>>, vector<16xf32>,
      %max3A_299 = arith.maximumf %max3A_294, %get3A_298 : vector<16xf32>
      %add3A_300 = arith.constant 3328 : i32
      %add3A_301 = arith.addi %add3A_300, %mul3A_236 : i32
      %get3A_302 = arith.index_cast %add3A_301 : i32 to index
      %get3A_303 = tpu.vector_load %arg6[%get3A_302] {strides = array<i32>} : memref<65536xf32, #tpu.memory_space<vmem>>, vector<16xf32>,
      %max3A_304 = arith.maximumf %max3A_299, %get3A_303 : vector<16xf32>
      %add3A_305 = arith.constant 3584 : i32
      %add3A_306 = arith.addi %add3A_305, %mul3A_236 : i32
      %get3A_307 = arith.index_cast %add3A_306 : i32 to index
      %get3A_308 = tpu.vector_load %arg6[%get3A_307] {strides = array<i32>} : memref<65536xf32, #tpu.memory_space<vmem>>, vector<16xf32>,
      %max3A_309 = arith.maximumf %max3A_304, %get3A_308 : vector<16xf32>
      %add3A_310 = arith.constant 3840 : i32
      %add3A_311 = arith.addi %add3A_310, %mul3A_236 : i32
      %get3A_312 = arith.index_cast %add3A_311 : i32 to index
      %get3A_313 = tpu.vector_load %arg6[%get3A_312] {strides = array<i32>} : memref<65536xf32, #tpu.memory_space<vmem>>, vector<16xf32>,
      %max3A_314 = arith.maximumf %max3A_309, %get3A_313 : vector<16xf32>
      %add3A_315 = arith.constant 4096 : i32
      %add3A_316 = arith.addi %add3A_315, %mul3A_236 : i32
      %get3A_317 = arith.index_cast %add3A_316 : i32 to index
      %get3A_318 = tpu.vector_load %arg6[%get3A_317] {strides = array<i32>} : memref<65536xf32, #tpu.memory_space<vmem>>, vector<16xf32>,
      %add3A_319 = arith.constant 4352 : i32
      %add3A_320 = arith.addi %add3A_319, %mul3A_236 : i32
      %get3A_321 = arith.index_cast %add3A_320 : i32 to index
      %get3A_322 = tpu.vector_load %arg6[%get3A_321] {strides = array<i32>} : memref<65536xf32, #tpu.memory_space<vmem>>, vector<16xf32>,
      %max3A_323 = arith.maximumf %get3A_318, %get3A_322 : vector<16xf32>
      %add3A_324 = arith.constant 4608 : i32
      %add3A_325 = arith.addi %add3A_324, %mul3A_236 : i32
      %get3A_326 = arith.index_cast %add3A_325 : i32 to index
      %get3A_327 = tpu.vector_load %arg6[%get3A_326] {strides = array<i32>} : memref<65536xf32, #tpu.memory_space<vmem>>, vector<16xf32>,
      %max3A_328 = arith.maximumf %max3A_323, %get3A_327 : vector<16xf32>
      %add3A_329 = arith.constant 4864 : i32
      %add3A_330 = arith.addi %add3A_329, %mul3A_236 : i32
      %get3A_331 = arith.index_cast %add3A_330 : i32 to index
      %get3A_332 = tpu.vector_load %arg6[%get3A_331] {strides = array<i32>} : memref<65536xf32, #tpu.memory_space<vmem>>, vector<16xf32>,
      %max3A_333 = arith.maximumf %max3A_328, %get3A_332 : vector<16xf32>
      %add3A_334 = arith.constant 5120 : i32
      %add3A_335 = arith.addi %add3A_334, %mul3A_236 : i32
      %get3A_336 = arith.index_cast %add3A_335 : i32 to index
      %get3A_337 = tpu.vector_load %arg6[%get3A_336] {strides = array<i32>} : memref<65536xf32, #tpu.memory_space<vmem>>, vector<16xf32>,
      %max3A_338 = arith.maximumf %max3A_333, %get3A_337 : vector<16xf32>
      %add3A_339 = arith.constant 5376 : i32
      %add3A_340 = arith.addi %add3A_339, %mul3A_236 : i32
      %get3A_341 = arith.index_cast %add3A_340 : i32 to index
      %get3A_342 = tpu.vector_load %arg6[%get3A_341] {strides = array<i32>} : memref<65536xf32, #tpu.memory_space<vmem>>, vector<16xf32>,
      %max3A_343 = arith.maximumf %max3A_338, %get3A_342 : vector<16xf32>
      %add3A_344 = arith.constant 5632 : i32
      %add3A_345 = arith.addi %add3A_344, %mul3A_236 : i32
      %get3A_346 = arith.index_cast %add3A_345 : i32 to index
      %get3A_347 = tpu.vector_load %arg6[%get3A_346] {strides = array<i32>} : memref<65536xf32, #tpu.memory_space<vmem>>, vector<16xf32>,
      %max3A_348 = arith.maximumf %max3A_343, %get3A_347 : vector<16xf32>
      %add3A_349 = arith.constant 5888 : i32
      %add3A_350 = arith.addi %add3A_349, %mul3A_236 : i32
      %get3A_351 = arith.index_cast %add3A_350 : i32 to index
      %get3A_352 = tpu.vector_load %arg6[%get3A_351] {strides = array<i32>} : memref<65536xf32, #tpu.memory_space<vmem>>, vector<16xf32>,
      %max3A_353 = arith.maximumf %max3A_348, %get3A_352 : vector<16xf32>
      %add3A_354 = arith.constant 6144 : i32
      %add3A_355 = arith.addi %add3A_354, %mul3A_236 : i32
      %get3A_356 = arith.index_cast %add3A_355 : i32 to index
      %get3A_357 = tpu.vector_load %arg6[%get3A_356] {strides = array<i32>} : memref<65536xf32, #tpu.memory_space<vmem>>, vector<16xf32>,
      %add3A_358 = arith.constant 6400 : i32
      %add3A_359 = arith.addi %add3A_358, %mul3A_236 : i32
      %get3A_360 = arith.index_cast %add3A_359 : i32 to index
      %get3A_361 = tpu.vector_load %arg6[%get3A_360] {strides = array<i32>} : memref<65536xf32, #tpu.memory_space<vmem>>, vector<16xf32>,
      %max3A_362 = arith.maximumf %get3A_357, %get3A_361 : vector<16xf32>
      %add3A_363 = arith.constant 6656 : i32
      %add3A_364 = arith.addi %add3A_363, %mul3A_236 : i32
      %get3A_365 = arith.index_cast %add3A_364 : i32 to index
      %get3A_366 = tpu.vector_load %arg6[%get3A_365] {strides = array<i32>} : memref<65536xf32, #tpu.memory_space<vmem>>, vector<16xf32>,
      %max3A_367 = arith.maximumf %max3A_362, %get3A_366 : vector<16xf32>
      %add3A_368 = arith.constant 6912 : i32
      %add3A_369 = arith.addi %add3A_368, %mul3A_236 : i32
      %get3A_370 = arith.index_cast %add3A_369 : i32 to index
      %get3A_371 = tpu.vector_load %arg6[%get3A_370] {strides = array<i32>} : memref<65536xf32, #tpu.memory_space<vmem>>, vector<16xf32>,
      %max3A_372 = arith.maximumf %max3A_367, %get3A_371 : vector<16xf32>
      %add3A_373 = arith.constant 7168 : i32
      %add3A_374 = arith.addi %add3A_373, %mul3A_236 : i32
      %get3A_375 = arith.index_cast %add3A_374 : i32 to index
      %get3A_376 = tpu.vector_load %arg6[%get3A_375] {strides = array<i32>} : memref<65536xf32, #tpu.memory_space<vmem>>, vector<16xf32>,
      %max3A_377 = arith.maximumf %max3A_372, %get3A_376 : vector<16xf32>
      %add3A_378 = arith.constant 7424 : i32
      %add3A_379 = arith.addi %add3A_378, %mul3A_236 : i32
      %get3A_380 = arith.index_cast %add3A_379 : i32 to index
      %get3A_381 = tpu.vector_load %arg6[%get3A_380] {strides = array<i32>} : memref<65536xf32, #tpu.memory_space<vmem>>, vector<16xf32>,
      %max3A_382 = arith.maximumf %max3A_377, %get3A_381 : vector<16xf32>
      %add3A_383 = arith.constant 7680 : i32
      %add3A_384 = arith.addi %add3A_383, %mul3A_236 : i32
      %get3A_385 = arith.index_cast %add3A_384 : i32 to index
      %get3A_386 = tpu.vector_load %arg6[%get3A_385] {strides = array<i32>} : memref<65536xf32, #tpu.memory_space<vmem>>, vector<16xf32>,
      %max3A_387 = arith.maximumf %max3A_382, %get3A_386 : vector<16xf32>
      %add3A_388 = arith.constant 7936 : i32
      %add3A_389 = arith.addi %add3A_388, %mul3A_236 : i32
      %get3A_390 = arith.index_cast %add3A_389 : i32 to index
      %get3A_391 = tpu.vector_load %arg6[%get3A_390] {strides = array<i32>} : memref<65536xf32, #tpu.memory_space<vmem>>, vector<16xf32>,
      %max3A_392 = arith.maximumf %max3A_387, %get3A_391 : vector<16xf32>
      %add3A_393 = arith.constant 8192 : i32
      %add3A_394 = arith.addi %add3A_393, %mul3A_236 : i32
      %get3A_395 = arith.index_cast %add3A_394 : i32 to index
      %get3A_396 = tpu.vector_load %arg6[%get3A_395] {strides = array<i32>} : memref<65536xf32, #tpu.memory_space<vmem>>, vector<16xf32>,
      %add3A_397 = arith.constant 8448 : i32
      %add3A_398 = arith.addi %add3A_397, %mul3A_236 : i32
      %get3A_399 = arith.index_cast %add3A_398 : i32 to index
      %get3A_400 = tpu.vector_load %arg6[%get3A_399] {strides = array<i32>} : memref<65536xf32, #tpu.memory_space<vmem>>, vector<16xf32>,
      %max3A_401 = arith.maximumf %get3A_396, %get3A_400 : vector<16xf32>
      %add3A_402 = arith.constant 8704 : i32
      %add3A_403 = arith.addi %add3A_402, %mul3A_236 : i32
      %get3A_404 = arith.index_cast %add3A_403 : i32 to index
      %get3A_405 = tpu.vector_load %arg6[%get3A_404] {strides = array<i32>} : memref<65536xf32, #tpu.memory_space<vmem>>, vector<16xf32>,
      %max3A_406 = arith.maximumf %max3A_401, %get3A_405 : vector<16xf32>
      %add3A_407 = arith.constant 8960 : i32
      %add3A_408 = arith.addi %add3A_407, %mul3A_236 : i32
      %get3A_409 = arith.index_cast %add3A_408 : i32 to index
      %get3A_410 = tpu.vector_load %arg6[%get3A_409] {strides = array<i32>} : memref<65536xf32, #tpu.memory_space<vmem>>, vector<16xf32>,
      %max3A_411 = arith.maximumf %max3A_406, %get3A_410 : vector<16xf32>
      %add3A_412 = arith.constant 9216 : i32
      %add3A_413 = arith.addi %add3A_412, %mul3A_236 : i32
      %get3A_414 = arith.index_cast %add3A_413 : i32 to index
      %get3A_415 = tpu.vector_load %arg6[%get3A_414] {strides = array<i32>} : memref<65536xf32, #tpu.memory_space<vmem>>, vector<16xf32>,
      %max3A_416 = arith.maximumf %max3A_411, %get3A_415 : vector<16xf32>
      %add3A_417 = arith.constant 9472 : i32
      %add3A_418 = arith.addi %add3A_417, %mul3A_236 : i32
      %get3A_419 = arith.index_cast %add3A_418 : i32 to index
      %get3A_420 = tpu.vector_load %arg6[%get3A_419] {strides = array<i32>} : memref<65536xf32, #tpu.memory_space<vmem>>, vector<16xf32>,
      %max3A_421 = arith.maximumf %max3A_416, %get3A_420 : vector<16xf32>
      %add3A_422 = arith.constant 9728 : i32
      %add3A_423 = arith.addi %add3A_422, %mul3A_236 : i32
      %get3A_424 = arith.index_cast %add3A_423 : i32 to index
      %get3A_425 = tpu.vector_load %arg6[%get3A_424] {strides = array<i32>} : memref<65536xf32, #tpu.memory_space<vmem>>, vector<16xf32>,
      %max3A_426 = arith.maximumf %max3A_421, %get3A_425 : vector<16xf32>
      %add3A_427 = arith.constant 9984 : i32
      %add3A_428 = arith.addi %add3A_427, %mul3A_236 : i32
      %get3A_429 = arith.index_cast %add3A_428 : i32 to index
      %get3A_430 = tpu.vector_load %arg6[%get3A_429] {strides = array<i32>} : memref<65536xf32, #tpu.memory_space<vmem>>, vector<16xf32>,
      %max3A_431 = arith.maximumf %max3A_426, %get3A_430 : vector<16xf32>
      %add3A_432 = arith.constant 10240 : i32
      %add3A_433 = arith.addi %add3A_432, %mul3A_236 : i32
      %get3A_434 = arith.index_cast %add3A_433 : i32 to index
      %get3A_435 = tpu.vector_load %arg6[%get3A_434] {strides = array<i32>} : memref<65536xf32, #tpu.memory_space<vmem>>, vector<16xf32>,
      %add3A_436 = arith.constant 10496 : i32
      %add3A_437 = arith.addi %add3A_436, %mul3A_236 : i32
      %get3A_438 = arith.index_cast %add3A_437 : i32 to index
      %get3A_439 = tpu.vector_load %arg6[%get3A_438] {strides = array<i32>} : memref<65536xf32, #tpu.memory_space<vmem>>, vector<16xf32>,
      %max3A_440 = arith.maximumf %get3A_435, %get3A_439 : vector<16xf32>
      %add3A_441 = arith.constant 10752 : i32
      %add3A_442 = arith.addi %add3A_441, %mul3A_236 : i32
      %get3A_443 = arith.index_cast %add3A_442 : i32 to index
      %get3A_444 = tpu.vector_load %arg6[%get3A_443] {strides = array<i32>} : memref<65536xf32, #tpu.memory_space<vmem>>, vector<16xf32>,
      %max3A_445 = arith.maximumf %max3A_440, %get3A_444 : vector<16xf32>
      %add3A_446 = arith.constant 11008 : i32
      %add3A_447 = arith.addi %add3A_446, %mul3A_236 : i32
      %get3A_448 = arith.index_cast %add3A_447 : i32 to index
      %get3A_449 = tpu.vector_load %arg6[%get3A_448] {strides = array<i32>} : memref<65536xf32, #tpu.memory_space<vmem>>, vector<16xf32>,
      %max3A_450 = arith.maximumf %max3A_445, %get3A_449 : vector<16xf32>
      %add3A_451 = arith.constant 11264 : i32
      %add3A_452 = arith.addi %add3A_451, %mul3A_236 : i32
      %get3A_453 = arith.index_cast %add3A_452 : i32 to index
      %get3A_454 = tpu.vector_load %arg6[%get3A_453] {strides = array<i32>} : memref<65536xf32, #tpu.memory_space<vmem>>, vector<16xf32>,
      %max3A_455 = arith.maximumf %max3A_450, %get3A_454 : vector<16xf32>
      %add3A_456 = arith.constant 11520 : i32
      %add3A_457 = arith.addi %add3A_456, %mul3A_236 : i32
      %get3A_458 = arith.index_cast %add3A_457 : i32 to index
      %get3A_459 = tpu.vector_load %arg6[%get3A_458] {strides = array<i32>} : memref<65536xf32, #tpu.memory_space<vmem>>, vector<16xf32>,
      %max3A_460 = arith.maximumf %max3A_455, %get3A_459 : vector<16xf32>
      %add3A_461 = arith.constant 11776 : i32
      %add3A_462 = arith.addi %add3A_461, %mul3A_236 : i32
      %get3A_463 = arith.index_cast %add3A_462 : i32 to index
      %get3A_464 = tpu.vector_load %arg6[%get3A_463] {strides = array<i32>} : memref<65536xf32, #tpu.memory_space<vmem>>, vector<16xf32>,
      %max3A_465 = arith.maximumf %max3A_460, %get3A_464 : vector<16xf32>
      %add3A_466 = arith.constant 12032 : i32
      %add3A_467 = arith.addi %add3A_466, %mul3A_236 : i32
      %get3A_468 = arith.index_cast %add3A_467 : i32 to index
      %get3A_469 = tpu.vector_load %arg6[%get3A_468] {strides = array<i32>} : memref<65536xf32, #tpu.memory_space<vmem>>, vector<16xf32>,
      %max3A_470 = arith.maximumf %max3A_465, %get3A_469 : vector<16xf32>
      %add3A_471 = arith.constant 12288 : i32
      %add3A_472 = arith.addi %add3A_471, %mul3A_236 : i32
      %get3A_473 = arith.index_cast %add3A_472 : i32 to index
      %get3A_474 = tpu.vector_load %arg6[%get3A_473] {strides = array<i32>} : memref<65536xf32, #tpu.memory_space<vmem>>, vector<16xf32>,
      %add3A_475 = arith.constant 12544 : i32
      %add3A_476 = arith.addi %add3A_475, %mul3A_236 : i32
      %get3A_477 = arith.index_cast %add3A_476 : i32 to index
      %get3A_478 = tpu.vector_load %arg6[%get3A_477] {strides = array<i32>} : memref<65536xf32, #tpu.memory_space<vmem>>, vector<16xf32>,
      %max3A_479 = arith.maximumf %get3A_474, %get3A_478 : vector<16xf32>
      %add3A_480 = arith.constant 12800 : i32
      %add3A_481 = arith.addi %add3A_480, %mul3A_236 : i32
      %get3A_482 = arith.index_cast %add3A_481 : i32 to index
      %get3A_483 = tpu.vector_load %arg6[%get3A_482] {strides = array<i32>} : memref<65536xf32, #tpu.memory_space<vmem>>, vector<16xf32>,
      %max3A_484 = arith.maximumf %max3A_479, %get3A_483 : vector<16xf32>
      %add3A_485 = arith.constant 13056 : i32
      %add3A_486 = arith.addi %add3A_485, %mul3A_236 : i32
      %get3A_487 = arith.index_cast %add3A_486 : i32 to index
      %get3A_488 = tpu.vector_load %arg6[%get3A_487] {strides = array<i32>} : memref<65536xf32, #tpu.memory_space<vmem>>, vector<16xf32>,
      %max3A_489 = arith.maximumf %max3A_484, %get3A_488 : vector<16xf32>
      %add3A_490 = arith.constant 13312 : i32
      %add3A_491 = arith.addi %add3A_490, %mul3A_236 : i32
      %get3A_492 = arith.index_cast %add3A_491 : i32 to index
      %get3A_493 = tpu.vector_load %arg6[%get3A_492] {strides = array<i32>} : memref<65536xf32, #tpu.memory_space<vmem>>, vector<16xf32>,
      %max3A_494 = arith.maximumf %max3A_489, %get3A_493 : vector<16xf32>
      %add3A_495 = arith.constant 13568 : i32
      %add3A_496 = arith.addi %add3A_495, %mul3A_236 : i32
      %get3A_497 = arith.index_cast %add3A_496 : i32 to index
      %get3A_498 = tpu.vector_load %arg6[%get3A_497] {strides = array<i32>} : memref<65536xf32, #tpu.memory_space<vmem>>, vector<16xf32>,
      %max3A_499 = arith.maximumf %max3A_494, %get3A_498 : vector<16xf32>
      %add3A_500 = arith.constant 13824 : i32
      %add3A_501 = arith.addi %add3A_500, %mul3A_236 : i32
      %get3A_502 = arith.index_cast %add3A_501 : i32 to index
      %get3A_503 = tpu.vector_load %arg6[%get3A_502] {strides = array<i32>} : memref<65536xf32, #tpu.memory_space<vmem>>, vector<16xf32>,
      %max3A_504 = arith.maximumf %max3A_499, %get3A_503 : vector<16xf32>
      %add3A_505 = arith.constant 14080 : i32
      %add3A_506 = arith.addi %add3A_505, %mul3A_236 : i32
      %get3A_507 = arith.index_cast %add3A_506 : i32 to index
      %get3A_508 = tpu.vector_load %arg6[%get3A_507] {strides = array<i32>} : memref<65536xf32, #tpu.memory_space<vmem>>, vector<16xf32>,
      %max3A_509 = arith.maximumf %max3A_504, %get3A_508 : vector<16xf32>
      %add3A_510 = arith.constant 14336 : i32
      %add3A_511 = arith.addi %add3A_510, %mul3A_236 : i32
      %get3A_512 = arith.index_cast %add3A_511 : i32 to index
      %get3A_513 = tpu.vector_load %arg6[%get3A_512] {strides = array<i32>} : memref<65536xf32, #tpu.memory_space<vmem>>, vector<16xf32>,
      %add3A_514 = arith.constant 14592 : i32
      %add3A_515 = arith.addi %add3A_514, %mul3A_236 : i32
      %get3A_516 = arith.index_cast %add3A_515 : i32 to index
      %get3A_517 = tpu.vector_load %arg6[%get3A_516] {strides = array<i32>} : memref<65536xf32, #tpu.memory_space<vmem>>, vector<16xf32>,
      %max3A_518 = arith.maximumf %get3A_513, %get3A_517 : vector<16xf32>
      %add3A_519 = arith.constant 14848 : i32
      %add3A_520 = arith.addi %add3A_519, %mul3A_236 : i32
      %get3A_521 = arith.index_cast %add3A_520 : i32 to index
      %get3A_522 = tpu.vector_load %arg6[%get3A_521] {strides = array<i32>} : memref<65536xf32, #tpu.memory_space<vmem>>, vector<16xf32>,
      %max3A_523 = arith.maximumf %max3A_518, %get3A_522 : vector<16xf32>
      %add3A_524 = arith.constant 15104 : i32
      %add3A_525 = arith.addi %add3A_524, %mul3A_236 : i32
      %get3A_526 = arith.index_cast %add3A_525 : i32 to index
      %get3A_527 = tpu.vector_load %arg6[%get3A_526] {strides = array<i32>} : memref<65536xf32, #tpu.memory_space<vmem>>, vector<16xf32>,
      %max3A_528 = arith.maximumf %max3A_523, %get3A_527 : vector<16xf32>
      %add3A_529 = arith.constant 15360 : i32
      %add3A_530 = arith.addi %add3A_529, %mul3A_236 : i32
      %get3A_531 = arith.index_cast %add3A_530 : i32 to index
      %get3A_532 = tpu.vector_load %arg6[%get3A_531] {strides = array<i32>} : memref<65536xf32, #tpu.memory_space<vmem>>, vector<16xf32>,
      %max3A_533 = arith.maximumf %max3A_528, %get3A_532 : vector<16xf32>
      %add3A_534 = arith.constant 15616 : i32
      %add3A_535 = arith.addi %add3A_534, %mul3A_236 : i32
      %get3A_536 = arith.index_cast %add3A_535 : i32 to index
      %get3A_537 = tpu.vector_load %arg6[%get3A_536] {strides = array<i32>} : memref<65536xf32, #tpu.memory_space<vmem>>, vector<16xf32>,
      %max3A_538 = arith.maximumf %max3A_533, %get3A_537 : vector<16xf32>
      %add3A_539 = arith.constant 15872 : i32
      %add3A_540 = arith.addi %add3A_539, %mul3A_236 : i32
      %get3A_541 = arith.index_cast %add3A_540 : i32 to index
      %get3A_542 = tpu.vector_load %arg6[%get3A_541] {strides = array<i32>} : memref<65536xf32, #tpu.memory_space<vmem>>, vector<16xf32>,
      %max3A_543 = arith.maximumf %max3A_538, %get3A_542 : vector<16xf32>
      %add3A_544 = arith.constant 16128 : i32
      %add3A_545 = arith.addi %add3A_544, %mul3A_236 : i32
      %get3A_546 = arith.index_cast %add3A_545 : i32 to index
      %get3A_547 = tpu.vector_load %arg6[%get3A_546] {strides = array<i32>} : memref<65536xf32, #tpu.memory_space<vmem>>, vector<16xf32>,
      %max3A_548 = arith.maximumf %max3A_543, %get3A_547 : vector<16xf32>
      %broadcast_in_dim3A_549 = arith.constant 0 : i32
      %broadcast_in_dim3A_550 = vector.broadcast %broadcast_in_dim3A_549 : i32 to vector<16xi32>
      %gt3A = arith.cmpf ogt, %max3A_314, %max3A_275 : vector<16xf32>
      %select_n3A = arith.select %gt3A, %max3A_314, %max3A_275 : vector<16xi1>, vector<16xf32>
      %jit3A = arith.constant 1 : i32
      %broadcast_in_dim3A_551 = vector.broadcast %jit3A : i32 to vector<16xi32>
      %select_n3A_552 = arith.select %gt3A, %broadcast_in_dim3A_551, %broadcast_in_dim3A_550 : vector<16xi1>, vector<16xi32>
      %gt3A_553 = arith.cmpf ogt, %max3A_353, %select_n3A : vector<16xf32>
      %select_n3A_554 = arith.select %gt3A_553, %max3A_353, %select_n3A : vector<16xi1>, vector<16xf32>
      %jit3A_555 = arith.constant 2 : i32
      %broadcast_in_dim3A_556 = vector.broadcast %jit3A_555 : i32 to vector<16xi32>
      %select_n3A_557 = arith.select %gt3A_553, %broadcast_in_dim3A_556, %select_n3A_552 : vector<16xi1>, vector<16xi32>
      %gt3A_558 = arith.cmpf ogt, %max3A_392, %select_n3A_554 : vector<16xf32>
      %select_n3A_559 = arith.select %gt3A_558, %max3A_392, %select_n3A_554 : vector<16xi1>, vector<16xf32>
      %jit3A_560 = arith.constant 3 : i32
      %broadcast_in_dim3A_561 = vector.broadcast %jit3A_560 : i32 to vector<16xi32>
      %select_n3A_562 = arith.select %gt3A_558, %broadcast_in_dim3A_561, %select_n3A_557 : vector<16xi1>, vector<16xi32>
      %gt3A_563 = arith.cmpf ogt, %max3A_431, %select_n3A_559 : vector<16xf32>
      %select_n3A_564 = arith.select %gt3A_563, %max3A_431, %select_n3A_559 : vector<16xi1>, vector<16xf32>
      %jit3A_565 = arith.constant 4 : i32
      %broadcast_in_dim3A_566 = vector.broadcast %jit3A_565 : i32 to vector<16xi32>
      %select_n3A_567 = arith.select %gt3A_563, %broadcast_in_dim3A_566, %select_n3A_562 : vector<16xi1>, vector<16xi32>
      %gt3A_568 = arith.cmpf ogt, %max3A_470, %select_n3A_564 : vector<16xf32>
      %select_n3A_569 = arith.select %gt3A_568, %max3A_470, %select_n3A_564 : vector<16xi1>, vector<16xf32>
      %jit3A_570 = arith.constant 5 : i32
      %broadcast_in_dim3A_571 = vector.broadcast %jit3A_570 : i32 to vector<16xi32>
      %select_n3A_572 = arith.select %gt3A_568, %broadcast_in_dim3A_571, %select_n3A_567 : vector<16xi1>, vector<16xi32>
      %gt3A_573 = arith.cmpf ogt, %max3A_509, %select_n3A_569 : vector<16xf32>
      %select_n3A_574 = arith.select %gt3A_573, %max3A_509, %select_n3A_569 : vector<16xi1>, vector<16xf32>
      %jit3A_575 = arith.constant 6 : i32
      %broadcast_in_dim3A_576 = vector.broadcast %jit3A_575 : i32 to vector<16xi32>
      %select_n3A_577 = arith.select %gt3A_573, %broadcast_in_dim3A_576, %select_n3A_572 : vector<16xi1>, vector<16xi32>
      %gt3A_578 = arith.cmpf ogt, %max3A_548, %select_n3A_574 : vector<16xf32>
      %select_n3A_579 = arith.select %gt3A_578, %max3A_548, %select_n3A_574 : vector<16xi1>, vector<16xf32>
      %jit3A_580 = arith.constant 7 : i32
      %broadcast_in_dim3A_581 = vector.broadcast %jit3A_580 : i32 to vector<16xi32>
      %select_n3A_582 = arith.select %gt3A_578, %broadcast_in_dim3A_581, %select_n3A_577 : vector<16xi1>, vector<16xi32>
      %broadcast_in_dim3A_583 = arith.constant 0xFF800000 : f32
      %broadcast_in_dim3A_584 = vector.broadcast %broadcast_in_dim3A_583 : f32 to vector<16xf32>
      %broadcast_in_dim3A_585 = arith.constant 0 : i32
      %broadcast_in_dim3A_586 = vector.broadcast %broadcast_in_dim3A_585 : i32 to vector<16xi32>
      %ne3A = arith.constant 0 : i32
      %ne3A_587 = vector.broadcast %ne3A : i32 to vector<16xi32>
      %ne3A_588 = arith.cmpi ne, %select_n3A_582, %ne3A_587 : vector<16xi32>
      %gt3A_589 = arith.cmpf ogt, %max3A_275, %broadcast_in_dim3A_584 : vector<16xf32>
      %and3A = arith.andi %ne3A_588, %gt3A_589 : vector<16xi1>
      %select_n3A_590 = arith.select %and3A, %max3A_275, %broadcast_in_dim3A_584 : vector<16xi1>, vector<16xf32>
      %jit3A_591 = arith.constant 0 : i32
      %broadcast_in_dim3A_592 = vector.broadcast %jit3A_591 : i32 to vector<16xi32>
      %select_n3A_593 = arith.select %and3A, %broadcast_in_dim3A_592, %broadcast_in_dim3A_586 : vector<16xi1>, vector<16xi32>
      %ne3A_594 = arith.constant 1 : i32
      %ne3A_595 = vector.broadcast %ne3A_594 : i32 to vector<16xi32>
      %ne3A_596 = arith.cmpi ne, %select_n3A_582, %ne3A_595 : vector<16xi32>
      %gt3A_597 = arith.cmpf ogt, %max3A_314, %select_n3A_590 : vector<16xf32>
      %and3A_598 = arith.andi %ne3A_596, %gt3A_597 : vector<16xi1>
      %select_n3A_599 = arith.select %and3A_598, %max3A_314, %select_n3A_590 : vector<16xi1>, vector<16xf32>
      %jit3A_600 = arith.constant 1 : i32
      %broadcast_in_dim3A_601 = vector.broadcast %jit3A_600 : i32 to vector<16xi32>
      %select_n3A_602 = arith.select %and3A_598, %broadcast_in_dim3A_601, %select_n3A_593 : vector<16xi1>, vector<16xi32>
      %ne3A_603 = arith.constant 2 : i32
      %ne3A_604 = vector.broadcast %ne3A_603 : i32 to vector<16xi32>
      %ne3A_605 = arith.cmpi ne, %select_n3A_582, %ne3A_604 : vector<16xi32>
      %gt3A_606 = arith.cmpf ogt, %max3A_353, %select_n3A_599 : vector<16xf32>
      %and3A_607 = arith.andi %ne3A_605, %gt3A_606 : vector<16xi1>
      %select_n3A_608 = arith.select %and3A_607, %max3A_353, %select_n3A_599 : vector<16xi1>, vector<16xf32>
      %jit3A_609 = arith.constant 2 : i32
      %broadcast_in_dim3A_610 = vector.broadcast %jit3A_609 : i32 to vector<16xi32>
      %select_n3A_611 = arith.select %and3A_607, %broadcast_in_dim3A_610, %select_n3A_602 : vector<16xi1>, vector<16xi32>
      %ne3A_612 = arith.constant 3 : i32
      %ne3A_613 = vector.broadcast %ne3A_612 : i32 to vector<16xi32>
      %ne3A_614 = arith.cmpi ne, %select_n3A_582, %ne3A_613 : vector<16xi32>
      %gt3A_615 = arith.cmpf ogt, %max3A_392, %select_n3A_608 : vector<16xf32>
      %and3A_616 = arith.andi %ne3A_614, %gt3A_615 : vector<16xi1>
      %select_n3A_617 = arith.select %and3A_616, %max3A_392, %select_n3A_608 : vector<16xi1>, vector<16xf32>
      %jit3A_618 = arith.constant 3 : i32
      %broadcast_in_dim3A_619 = vector.broadcast %jit3A_618 : i32 to vector<16xi32>
      %select_n3A_620 = arith.select %and3A_616, %broadcast_in_dim3A_619, %select_n3A_611 : vector<16xi1>, vector<16xi32>
      %ne3A_621 = arith.constant 4 : i32
      %ne3A_622 = vector.broadcast %ne3A_621 : i32 to vector<16xi32>
      %ne3A_623 = arith.cmpi ne, %select_n3A_582, %ne3A_622 : vector<16xi32>
      %gt3A_624 = arith.cmpf ogt, %max3A_431, %select_n3A_617 : vector<16xf32>
      %and3A_625 = arith.andi %ne3A_623, %gt3A_624 : vector<16xi1>
      %select_n3A_626 = arith.select %and3A_625, %max3A_431, %select_n3A_617 : vector<16xi1>, vector<16xf32>
      %jit3A_627 = arith.constant 4 : i32
      %broadcast_in_dim3A_628 = vector.broadcast %jit3A_627 : i32 to vector<16xi32>
      %select_n3A_629 = arith.select %and3A_625, %broadcast_in_dim3A_628, %select_n3A_620 : vector<16xi1>, vector<16xi32>
      %ne3A_630 = arith.constant 5 : i32
      %ne3A_631 = vector.broadcast %ne3A_630 : i32 to vector<16xi32>
      %ne3A_632 = arith.cmpi ne, %select_n3A_582, %ne3A_631 : vector<16xi32>
      %gt3A_633 = arith.cmpf ogt, %max3A_470, %select_n3A_626 : vector<16xf32>
      %and3A_634 = arith.andi %ne3A_632, %gt3A_633 : vector<16xi1>
      %select_n3A_635 = arith.select %and3A_634, %max3A_470, %select_n3A_626 : vector<16xi1>, vector<16xf32>
      %jit3A_636 = arith.constant 5 : i32
      %broadcast_in_dim3A_637 = vector.broadcast %jit3A_636 : i32 to vector<16xi32>
      %select_n3A_638 = arith.select %and3A_634, %broadcast_in_dim3A_637, %select_n3A_629 : vector<16xi1>, vector<16xi32>
      %ne3A_639 = arith.constant 6 : i32
      %ne3A_640 = vector.broadcast %ne3A_639 : i32 to vector<16xi32>
      %ne3A_641 = arith.cmpi ne, %select_n3A_582, %ne3A_640 : vector<16xi32>
      %gt3A_642 = arith.cmpf ogt, %max3A_509, %select_n3A_635 : vector<16xf32>
      %and3A_643 = arith.andi %ne3A_641, %gt3A_642 : vector<16xi1>
      %select_n3A_644 = arith.select %and3A_643, %max3A_509, %select_n3A_635 : vector<16xi1>, vector<16xf32>
      %jit3A_645 = arith.constant 6 : i32
      %broadcast_in_dim3A_646 = vector.broadcast %jit3A_645 : i32 to vector<16xi32>
      %select_n3A_647 = arith.select %and3A_643, %broadcast_in_dim3A_646, %select_n3A_638 : vector<16xi1>, vector<16xi32>
      %ne3A_648 = arith.constant 7 : i32
      %ne3A_649 = vector.broadcast %ne3A_648 : i32 to vector<16xi32>
      %ne3A_650 = arith.cmpi ne, %select_n3A_582, %ne3A_649 : vector<16xi32>
      %gt3A_651 = arith.cmpf ogt, %max3A_548, %select_n3A_644 : vector<16xf32>
      %and3A_652 = arith.andi %ne3A_650, %gt3A_651 : vector<16xi1>
      %select_n3A_653 = arith.select %and3A_652, %max3A_548, %select_n3A_644 : vector<16xi1>, vector<16xf32>
      %jit3A_654 = arith.constant 7 : i32
      %broadcast_in_dim3A_655 = vector.broadcast %jit3A_654 : i32 to vector<16xi32>
      %select_n3A_656 = arith.select %and3A_652, %broadcast_in_dim3A_655, %select_n3A_647 : vector<16xi1>, vector<16xi32>
      %add3A_657 = arith.constant 0 : i32
      %add3A_658 = vector.broadcast %add3A_657 : i32 to vector<16xi32>
      %add3A_659 = arith.addi %add3A_658, %add3A_238 : vector<16xi32>
      %mul3A_660 = arith.constant 8 : i32
      %mul3A_661 = vector.broadcast %mul3A_660 : i32 to vector<16xi32>
      %mul3A_662 = arith.muli %select_n3A_582, %mul3A_661 : vector<16xi32>
      %add3A_663 = arith.constant 0 : i32
      %add3A_664 = vector.broadcast %add3A_663 : i32 to vector<16xi32>
      %add3A_665 = arith.addi %mul3A_662, %add3A_664 : vector<16xi32>
      %mul3A_666 = arith.constant 8 : i32
      %mul3A_667 = vector.broadcast %mul3A_666 : i32 to vector<16xi32>
      %mul3A_668 = arith.muli %select_n3A_656, %mul3A_667 : vector<16xi32>
      %add3A_669 = arith.constant 0 : i32
      %add3A_670 = vector.broadcast %add3A_669 : i32 to vector<16xi32>
      %add3A_671 = arith.addi %mul3A_668, %add3A_670 : vector<16xi32>
      %mul3A_672 = arith.constant 256 : i32
      %mul3A_673 = vector.broadcast %mul3A_672 : i32 to vector<16xi32>
      %mul3A_674 = arith.muli %add3A_665, %mul3A_673 : vector<16xi32>
      %add3A_675 = arith.addi %mul3A_674, %add3A_659 : vector<16xi32>
      %gather3A = tpu.vector_load_idx %arg6[%add3A_675] : memref<65536xf32, #tpu.memory_space<vmem>>[vector<16xi32>], vector<16xf32>,
      %mul3A_676 = arith.constant 256 : i32
      %mul3A_677 = vector.broadcast %mul3A_676 : i32 to vector<16xi32>
      %mul3A_678 = arith.muli %add3A_671, %mul3A_677 : vector<16xi32>
      %add3A_679 = arith.addi %mul3A_678, %add3A_659 : vector<16xi32>
      %gather3A_680 = tpu.vector_load_idx %arg6[%add3A_679] : memref<65536xf32, #tpu.memory_space<vmem>>[vector<16xi32>], vector<16xf32>,
      %mul3A_681 = arith.constant 8 : i32
      %mul3A_682 = vector.broadcast %mul3A_681 : i32 to vector<16xi32>
      %mul3A_683 = arith.muli %select_n3A_582, %mul3A_682 : vector<16xi32>
      %add3A_684 = arith.constant 1 : i32
      %add3A_685 = vector.broadcast %add3A_684 : i32 to vector<16xi32>
      %add3A_686 = arith.addi %mul3A_683, %add3A_685 : vector<16xi32>
      %mul3A_687 = arith.constant 8 : i32
      %mul3A_688 = vector.broadcast %mul3A_687 : i32 to vector<16xi32>
      %mul3A_689 = arith.muli %select_n3A_656, %mul3A_688 : vector<16xi32>
      %add3A_690 = arith.constant 1 : i32
      %add3A_691 = vector.broadcast %add3A_690 : i32 to vector<16xi32>
      %add3A_692 = arith.addi %mul3A_689, %add3A_691 : vector<16xi32>
      %mul3A_693 = arith.constant 256 : i32
      %mul3A_694 = vector.broadcast %mul3A_693 : i32 to vector<16xi32>
      %mul3A_695 = arith.muli %add3A_686, %mul3A_694 : vector<16xi32>
      %add3A_696 = arith.addi %mul3A_695, %add3A_659 : vector<16xi32>
      %gather3A_697 = tpu.vector_load_idx %arg6[%add3A_696] : memref<65536xf32, #tpu.memory_space<vmem>>[vector<16xi32>], vector<16xf32>,
      %mul3A_698 = arith.constant 256 : i32
      %mul3A_699 = vector.broadcast %mul3A_698 : i32 to vector<16xi32>
      %mul3A_700 = arith.muli %add3A_692, %mul3A_699 : vector<16xi32>
      %add3A_701 = arith.addi %mul3A_700, %add3A_659 : vector<16xi32>
      %gather3A_702 = tpu.vector_load_idx %arg6[%add3A_701] : memref<65536xf32, #tpu.memory_space<vmem>>[vector<16xi32>], vector<16xf32>,
      %mul3A_703 = arith.constant 8 : i32
      %mul3A_704 = vector.broadcast %mul3A_703 : i32 to vector<16xi32>
      %mul3A_705 = arith.muli %select_n3A_582, %mul3A_704 : vector<16xi32>
      %add3A_706 = arith.constant 2 : i32
      %add3A_707 = vector.broadcast %add3A_706 : i32 to vector<16xi32>
      %add3A_708 = arith.addi %mul3A_705, %add3A_707 : vector<16xi32>
      %mul3A_709 = arith.constant 8 : i32
      %mul3A_710 = vector.broadcast %mul3A_709 : i32 to vector<16xi32>
      %mul3A_711 = arith.muli %select_n3A_656, %mul3A_710 : vector<16xi32>
      %add3A_712 = arith.constant 2 : i32
      %add3A_713 = vector.broadcast %add3A_712 : i32 to vector<16xi32>
      %add3A_714 = arith.addi %mul3A_711, %add3A_713 : vector<16xi32>
      %mul3A_715 = arith.constant 256 : i32
      %mul3A_716 = vector.broadcast %mul3A_715 : i32 to vector<16xi32>
      %mul3A_717 = arith.muli %add3A_708, %mul3A_716 : vector<16xi32>
      %add3A_718 = arith.addi %mul3A_717, %add3A_659 : vector<16xi32>
      %gather3A_719 = tpu.vector_load_idx %arg6[%add3A_718] : memref<65536xf32, #tpu.memory_space<vmem>>[vector<16xi32>], vector<16xf32>,
      %mul3A_720 = arith.constant 256 : i32
      %mul3A_721 = vector.broadcast %mul3A_720 : i32 to vector<16xi32>
      %mul3A_722 = arith.muli %add3A_714, %mul3A_721 : vector<16xi32>
      %add3A_723 = arith.addi %mul3A_722, %add3A_659 : vector<16xi32>
      %gather3A_724 = tpu.vector_load_idx %arg6[%add3A_723] : memref<65536xf32, #tpu.memory_space<vmem>>[vector<16xi32>], vector<16xf32>,
      %mul3A_725 = arith.constant 8 : i32
      %mul3A_726 = vector.broadcast %mul3A_725 : i32 to vector<16xi32>
      %mul3A_727 = arith.muli %select_n3A_582, %mul3A_726 : vector<16xi32>
      %add3A_728 = arith.constant 3 : i32
      %add3A_729 = vector.broadcast %add3A_728 : i32 to vector<16xi32>
      %add3A_730 = arith.addi %mul3A_727, %add3A_729 : vector<16xi32>
      %mul3A_731 = arith.constant 8 : i32
      %mul3A_732 = vector.broadcast %mul3A_731 : i32 to vector<16xi32>
      %mul3A_733 = arith.muli %select_n3A_656, %mul3A_732 : vector<16xi32>
      %add3A_734 = arith.constant 3 : i32
      %add3A_735 = vector.broadcast %add3A_734 : i32 to vector<16xi32>
      %add3A_736 = arith.addi %mul3A_733, %add3A_735 : vector<16xi32>
      %mul3A_737 = arith.constant 256 : i32
      %mul3A_738 = vector.broadcast %mul3A_737 : i32 to vector<16xi32>
      %mul3A_739 = arith.muli %add3A_730, %mul3A_738 : vector<16xi32>
      %add3A_740 = arith.addi %mul3A_739, %add3A_659 : vector<16xi32>
      %gather3A_741 = tpu.vector_load_idx %arg6[%add3A_740] : memref<65536xf32, #tpu.memory_space<vmem>>[vector<16xi32>], vector<16xf32>,
      %mul3A_742 = arith.constant 256 : i32
      %mul3A_743 = vector.broadcast %mul3A_742 : i32 to vector<16xi32>
      %mul3A_744 = arith.muli %add3A_736, %mul3A_743 : vector<16xi32>
      %add3A_745 = arith.addi %mul3A_744, %add3A_659 : vector<16xi32>
      %gather3A_746 = tpu.vector_load_idx %arg6[%add3A_745] : memref<65536xf32, #tpu.memory_space<vmem>>[vector<16xi32>], vector<16xf32>,
      %mul3A_747 = arith.constant 8 : i32
      %mul3A_748 = vector.broadcast %mul3A_747 : i32 to vector<16xi32>
      %mul3A_749 = arith.muli %select_n3A_582, %mul3A_748 : vector<16xi32>
      %add3A_750 = arith.constant 4 : i32
      %add3A_751 = vector.broadcast %add3A_750 : i32 to vector<16xi32>
      %add3A_752 = arith.addi %mul3A_749, %add3A_751 : vector<16xi32>
      %mul3A_753 = arith.constant 8 : i32
      %mul3A_754 = vector.broadcast %mul3A_753 : i32 to vector<16xi32>
      %mul3A_755 = arith.muli %select_n3A_656, %mul3A_754 : vector<16xi32>
      %add3A_756 = arith.constant 4 : i32
      %add3A_757 = vector.broadcast %add3A_756 : i32 to vector<16xi32>
      %add3A_758 = arith.addi %mul3A_755, %add3A_757 : vector<16xi32>
      %mul3A_759 = arith.constant 256 : i32
      %mul3A_760 = vector.broadcast %mul3A_759 : i32 to vector<16xi32>
      %mul3A_761 = arith.muli %add3A_752, %mul3A_760 : vector<16xi32>
      %add3A_762 = arith.addi %mul3A_761, %add3A_659 : vector<16xi32>
      %gather3A_763 = tpu.vector_load_idx %arg6[%add3A_762] : memref<65536xf32, #tpu.memory_space<vmem>>[vector<16xi32>], vector<16xf32>,
      %mul3A_764 = arith.constant 256 : i32
      %mul3A_765 = vector.broadcast %mul3A_764 : i32 to vector<16xi32>
      %mul3A_766 = arith.muli %add3A_758, %mul3A_765 : vector<16xi32>
      %add3A_767 = arith.addi %mul3A_766, %add3A_659 : vector<16xi32>
      %gather3A_768 = tpu.vector_load_idx %arg6[%add3A_767] : memref<65536xf32, #tpu.memory_space<vmem>>[vector<16xi32>], vector<16xf32>,
      %mul3A_769 = arith.constant 8 : i32
      %mul3A_770 = vector.broadcast %mul3A_769 : i32 to vector<16xi32>
      %mul3A_771 = arith.muli %select_n3A_582, %mul3A_770 : vector<16xi32>
      %add3A_772 = arith.constant 5 : i32
      %add3A_773 = vector.broadcast %add3A_772 : i32 to vector<16xi32>
      %add3A_774 = arith.addi %mul3A_771, %add3A_773 : vector<16xi32>
      %mul3A_775 = arith.constant 8 : i32
      %mul3A_776 = vector.broadcast %mul3A_775 : i32 to vector<16xi32>
      %mul3A_777 = arith.muli %select_n3A_656, %mul3A_776 : vector<16xi32>
      %add3A_778 = arith.constant 5 : i32
      %add3A_779 = vector.broadcast %add3A_778 : i32 to vector<16xi32>
      %add3A_780 = arith.addi %mul3A_777, %add3A_779 : vector<16xi32>
      %mul3A_781 = arith.constant 256 : i32
      %mul3A_782 = vector.broadcast %mul3A_781 : i32 to vector<16xi32>
      %mul3A_783 = arith.muli %add3A_774, %mul3A_782 : vector<16xi32>
      %add3A_784 = arith.addi %mul3A_783, %add3A_659 : vector<16xi32>
      %gather3A_785 = tpu.vector_load_idx %arg6[%add3A_784] : memref<65536xf32, #tpu.memory_space<vmem>>[vector<16xi32>], vector<16xf32>,
      %mul3A_786 = arith.constant 256 : i32
      %mul3A_787 = vector.broadcast %mul3A_786 : i32 to vector<16xi32>
      %mul3A_788 = arith.muli %add3A_780, %mul3A_787 : vector<16xi32>
      %add3A_789 = arith.addi %mul3A_788, %add3A_659 : vector<16xi32>
      %gather3A_790 = tpu.vector_load_idx %arg6[%add3A_789] : memref<65536xf32, #tpu.memory_space<vmem>>[vector<16xi32>], vector<16xf32>,
      %mul3A_791 = arith.constant 8 : i32
      %mul3A_792 = vector.broadcast %mul3A_791 : i32 to vector<16xi32>
      %mul3A_793 = arith.muli %select_n3A_582, %mul3A_792 : vector<16xi32>
      %add3A_794 = arith.constant 6 : i32
      %add3A_795 = vector.broadcast %add3A_794 : i32 to vector<16xi32>
      %add3A_796 = arith.addi %mul3A_793, %add3A_795 : vector<16xi32>
      %mul3A_797 = arith.constant 8 : i32
      %mul3A_798 = vector.broadcast %mul3A_797 : i32 to vector<16xi32>
      %mul3A_799 = arith.muli %select_n3A_656, %mul3A_798 : vector<16xi32>
      %add3A_800 = arith.constant 6 : i32
      %add3A_801 = vector.broadcast %add3A_800 : i32 to vector<16xi32>
      %add3A_802 = arith.addi %mul3A_799, %add3A_801 : vector<16xi32>
      %mul3A_803 = arith.constant 256 : i32
      %mul3A_804 = vector.broadcast %mul3A_803 : i32 to vector<16xi32>
      %mul3A_805 = arith.muli %add3A_796, %mul3A_804 : vector<16xi32>
      %add3A_806 = arith.addi %mul3A_805, %add3A_659 : vector<16xi32>
      %gather3A_807 = tpu.vector_load_idx %arg6[%add3A_806] : memref<65536xf32, #tpu.memory_space<vmem>>[vector<16xi32>], vector<16xf32>,
      %mul3A_808 = arith.constant 256 : i32
      %mul3A_809 = vector.broadcast %mul3A_808 : i32 to vector<16xi32>
      %mul3A_810 = arith.muli %add3A_802, %mul3A_809 : vector<16xi32>
      %add3A_811 = arith.addi %mul3A_810, %add3A_659 : vector<16xi32>
      %gather3A_812 = tpu.vector_load_idx %arg6[%add3A_811] : memref<65536xf32, #tpu.memory_space<vmem>>[vector<16xi32>], vector<16xf32>,
      %mul3A_813 = arith.constant 8 : i32
      %mul3A_814 = vector.broadcast %mul3A_813 : i32 to vector<16xi32>
      %mul3A_815 = arith.muli %select_n3A_582, %mul3A_814 : vector<16xi32>
      %add3A_816 = arith.constant 7 : i32
      %add3A_817 = vector.broadcast %add3A_816 : i32 to vector<16xi32>
      %add3A_818 = arith.addi %mul3A_815, %add3A_817 : vector<16xi32>
      %mul3A_819 = arith.constant 8 : i32
      %mul3A_820 = vector.broadcast %mul3A_819 : i32 to vector<16xi32>
      %mul3A_821 = arith.muli %select_n3A_656, %mul3A_820 : vector<16xi32>
      %add3A_822 = arith.constant 7 : i32
      %add3A_823 = vector.broadcast %add3A_822 : i32 to vector<16xi32>
      %add3A_824 = arith.addi %mul3A_821, %add3A_823 : vector<16xi32>
      %mul3A_825 = arith.constant 256 : i32
      %mul3A_826 = vector.broadcast %mul3A_825 : i32 to vector<16xi32>
      %mul3A_827 = arith.muli %add3A_818, %mul3A_826 : vector<16xi32>
      %add3A_828 = arith.addi %mul3A_827, %add3A_659 : vector<16xi32>
      %gather3A_829 = tpu.vector_load_idx %arg6[%add3A_828] : memref<65536xf32, #tpu.memory_space<vmem>>[vector<16xi32>], vector<16xf32>,
      %mul3A_830 = arith.constant 256 : i32
      %mul3A_831 = vector.broadcast %mul3A_830 : i32 to vector<16xi32>
      %mul3A_832 = arith.muli %add3A_824, %mul3A_831 : vector<16xi32>
      %add3A_833 = arith.addi %mul3A_832, %add3A_659 : vector<16xi32>
      %gather3A_834 = tpu.vector_load_idx %arg6[%add3A_833] : memref<65536xf32, #tpu.memory_space<vmem>>[vector<16xi32>], vector<16xf32>,
      %gt3A_835 = arith.cmpf ogt, %gather3A, %gather3A_697 : vector<16xf32>
      %select_n3A_836 = arith.select %gt3A_835, %gather3A, %gather3A_697 : vector<16xi1>, vector<16xf32>
      %select_n3A_837 = arith.select %gt3A_835, %gather3A_697, %gather3A : vector<16xi1>, vector<16xf32>
      %select_n3A_838 = arith.select %gt3A_835, %add3A_665, %add3A_686 : vector<16xi1>, vector<16xi32>
      %select_n3A_839 = arith.select %gt3A_835, %add3A_686, %add3A_665 : vector<16xi1>, vector<16xi32>
      %gt3A_840 = arith.cmpf ogt, %gather3A_680, %gather3A_702 : vector<16xf32>
      %select_n3A_841 = arith.select %gt3A_840, %gather3A_680, %gather3A_702 : vector<16xi1>, vector<16xf32>
      %select_n3A_842 = arith.select %gt3A_840, %gather3A_702, %gather3A_680 : vector<16xi1>, vector<16xf32>
      %select_n3A_843 = arith.select %gt3A_840, %add3A_671, %add3A_692 : vector<16xi1>, vector<16xi32>
      %select_n3A_844 = arith.select %gt3A_840, %add3A_692, %add3A_671 : vector<16xi1>, vector<16xi32>
      %gt3A_845 = arith.cmpf ogt, %gather3A_719, %gather3A_741 : vector<16xf32>
      %select_n3A_846 = arith.select %gt3A_845, %gather3A_719, %gather3A_741 : vector<16xi1>, vector<16xf32>
      %select_n3A_847 = arith.select %gt3A_845, %gather3A_741, %gather3A_719 : vector<16xi1>, vector<16xf32>
      %select_n3A_848 = arith.select %gt3A_845, %add3A_708, %add3A_730 : vector<16xi1>, vector<16xi32>
      %select_n3A_849 = arith.select %gt3A_845, %add3A_730, %add3A_708 : vector<16xi1>, vector<16xi32>
      %gt3A_850 = arith.cmpf ogt, %gather3A_724, %gather3A_746 : vector<16xf32>
      %select_n3A_851 = arith.select %gt3A_850, %gather3A_724, %gather3A_746 : vector<16xi1>, vector<16xf32>
      %select_n3A_852 = arith.select %gt3A_850, %gather3A_746, %gather3A_724 : vector<16xi1>, vector<16xf32>
      %select_n3A_853 = arith.select %gt3A_850, %add3A_714, %add3A_736 : vector<16xi1>, vector<16xi32>
      %select_n3A_854 = arith.select %gt3A_850, %add3A_736, %add3A_714 : vector<16xi1>, vector<16xi32>
      %gt3A_855 = arith.cmpf ogt, %gather3A_763, %gather3A_785 : vector<16xf32>
      %select_n3A_856 = arith.select %gt3A_855, %gather3A_763, %gather3A_785 : vector<16xi1>, vector<16xf32>
      %select_n3A_857 = arith.select %gt3A_855, %gather3A_785, %gather3A_763 : vector<16xi1>, vector<16xf32>
      %select_n3A_858 = arith.select %gt3A_855, %add3A_752, %add3A_774 : vector<16xi1>, vector<16xi32>
      %select_n3A_859 = arith.select %gt3A_855, %add3A_774, %add3A_752 : vector<16xi1>, vector<16xi32>
      %gt3A_860 = arith.cmpf ogt, %gather3A_768, %gather3A_790 : vector<16xf32>
      %select_n3A_861 = arith.select %gt3A_860, %gather3A_768, %gather3A_790 : vector<16xi1>, vector<16xf32>
      %select_n3A_862 = arith.select %gt3A_860, %gather3A_790, %gather3A_768 : vector<16xi1>, vector<16xf32>
      %select_n3A_863 = arith.select %gt3A_860, %add3A_758, %add3A_780 : vector<16xi1>, vector<16xi32>
      %select_n3A_864 = arith.select %gt3A_860, %add3A_780, %add3A_758 : vector<16xi1>, vector<16xi32>
      %gt3A_865 = arith.cmpf ogt, %gather3A_807, %gather3A_829 : vector<16xf32>
      %select_n3A_866 = arith.select %gt3A_865, %gather3A_807, %gather3A_829 : vector<16xi1>, vector<16xf32>
      %select_n3A_867 = arith.select %gt3A_865, %gather3A_829, %gather3A_807 : vector<16xi1>, vector<16xf32>
      %select_n3A_868 = arith.select %gt3A_865, %add3A_796, %add3A_818 : vector<16xi1>, vector<16xi32>
      %select_n3A_869 = arith.select %gt3A_865, %add3A_818, %add3A_796 : vector<16xi1>, vector<16xi32>
      %gt3A_870 = arith.cmpf ogt, %gather3A_812, %gather3A_834 : vector<16xf32>
      %select_n3A_871 = arith.select %gt3A_870, %gather3A_812, %gather3A_834 : vector<16xi1>, vector<16xf32>
      %select_n3A_872 = arith.select %gt3A_870, %gather3A_834, %gather3A_812 : vector<16xi1>, vector<16xf32>
      %select_n3A_873 = arith.select %gt3A_870, %add3A_802, %add3A_824 : vector<16xi1>, vector<16xi32>
      %select_n3A_874 = arith.select %gt3A_870, %add3A_824, %add3A_802 : vector<16xi1>, vector<16xi32>
      %gt3A_875 = arith.cmpf ogt, %select_n3A_836, %select_n3A_846 : vector<16xf32>
      %select_n3A_876 = arith.select %gt3A_875, %select_n3A_836, %select_n3A_846 : vector<16xi1>, vector<16xf32>
      %select_n3A_877 = arith.select %gt3A_875, %select_n3A_846, %select_n3A_836 : vector<16xi1>, vector<16xf32>
      %select_n3A_878 = arith.select %gt3A_875, %select_n3A_838, %select_n3A_848 : vector<16xi1>, vector<16xi32>
      %select_n3A_879 = arith.select %gt3A_875, %select_n3A_848, %select_n3A_838 : vector<16xi1>, vector<16xi32>
      %gt3A_880 = arith.cmpf ogt, %select_n3A_841, %select_n3A_851 : vector<16xf32>
      %select_n3A_881 = arith.select %gt3A_880, %select_n3A_841, %select_n3A_851 : vector<16xi1>, vector<16xf32>
      %select_n3A_882 = arith.select %gt3A_880, %select_n3A_851, %select_n3A_841 : vector<16xi1>, vector<16xf32>
      %select_n3A_883 = arith.select %gt3A_880, %select_n3A_843, %select_n3A_853 : vector<16xi1>, vector<16xi32>
      %select_n3A_884 = arith.select %gt3A_880, %select_n3A_853, %select_n3A_843 : vector<16xi1>, vector<16xi32>
      %gt3A_885 = arith.cmpf ogt, %select_n3A_837, %select_n3A_847 : vector<16xf32>
      %select_n3A_886 = arith.select %gt3A_885, %select_n3A_837, %select_n3A_847 : vector<16xi1>, vector<16xf32>
      %select_n3A_887 = arith.select %gt3A_885, %select_n3A_847, %select_n3A_837 : vector<16xi1>, vector<16xf32>
      %select_n3A_888 = arith.select %gt3A_885, %select_n3A_839, %select_n3A_849 : vector<16xi1>, vector<16xi32>
      %select_n3A_889 = arith.select %gt3A_885, %select_n3A_849, %select_n3A_839 : vector<16xi1>, vector<16xi32>
      %gt3A_890 = arith.cmpf ogt, %select_n3A_842, %select_n3A_852 : vector<16xf32>
      %select_n3A_891 = arith.select %gt3A_890, %select_n3A_842, %select_n3A_852 : vector<16xi1>, vector<16xf32>
      %select_n3A_892 = arith.select %gt3A_890, %select_n3A_852, %select_n3A_842 : vector<16xi1>, vector<16xf32>
      %select_n3A_893 = arith.select %gt3A_890, %select_n3A_844, %select_n3A_854 : vector<16xi1>, vector<16xi32>
      %select_n3A_894 = arith.select %gt3A_890, %select_n3A_854, %select_n3A_844 : vector<16xi1>, vector<16xi32>
      %gt3A_895 = arith.cmpf ogt, %select_n3A_856, %select_n3A_866 : vector<16xf32>
      %select_n3A_896 = arith.select %gt3A_895, %select_n3A_856, %select_n3A_866 : vector<16xi1>, vector<16xf32>
      %select_n3A_897 = arith.select %gt3A_895, %select_n3A_866, %select_n3A_856 : vector<16xi1>, vector<16xf32>
      %select_n3A_898 = arith.select %gt3A_895, %select_n3A_858, %select_n3A_868 : vector<16xi1>, vector<16xi32>
      %select_n3A_899 = arith.select %gt3A_895, %select_n3A_868, %select_n3A_858 : vector<16xi1>, vector<16xi32>
      %gt3A_900 = arith.cmpf ogt, %select_n3A_861, %select_n3A_871 : vector<16xf32>
      %select_n3A_901 = arith.select %gt3A_900, %select_n3A_861, %select_n3A_871 : vector<16xi1>, vector<16xf32>
      %select_n3A_902 = arith.select %gt3A_900, %select_n3A_871, %select_n3A_861 : vector<16xi1>, vector<16xf32>
      %select_n3A_903 = arith.select %gt3A_900, %select_n3A_863, %select_n3A_873 : vector<16xi1>, vector<16xi32>
      %select_n3A_904 = arith.select %gt3A_900, %select_n3A_873, %select_n3A_863 : vector<16xi1>, vector<16xi32>
      %gt3A_905 = arith.cmpf ogt, %select_n3A_857, %select_n3A_867 : vector<16xf32>
      %select_n3A_906 = arith.select %gt3A_905, %select_n3A_857, %select_n3A_867 : vector<16xi1>, vector<16xf32>
      %select_n3A_907 = arith.select %gt3A_905, %select_n3A_867, %select_n3A_857 : vector<16xi1>, vector<16xf32>
      %select_n3A_908 = arith.select %gt3A_905, %select_n3A_859, %select_n3A_869 : vector<16xi1>, vector<16xi32>
      %select_n3A_909 = arith.select %gt3A_905, %select_n3A_869, %select_n3A_859 : vector<16xi1>, vector<16xi32>
      %gt3A_910 = arith.cmpf ogt, %select_n3A_862, %select_n3A_872 : vector<16xf32>
      %select_n3A_911 = arith.select %gt3A_910, %select_n3A_862, %select_n3A_872 : vector<16xi1>, vector<16xf32>
      %select_n3A_912 = arith.select %gt3A_910, %select_n3A_872, %select_n3A_862 : vector<16xi1>, vector<16xf32>
      %select_n3A_913 = arith.select %gt3A_910, %select_n3A_864, %select_n3A_874 : vector<16xi1>, vector<16xi32>
      %select_n3A_914 = arith.select %gt3A_910, %select_n3A_874, %select_n3A_864 : vector<16xi1>, vector<16xi32>
      %gt3A_915 = arith.cmpf ogt, %select_n3A_886, %select_n3A_877 : vector<16xf32>
      %select_n3A_916 = arith.select %gt3A_915, %select_n3A_886, %select_n3A_877 : vector<16xi1>, vector<16xf32>
      %select_n3A_917 = arith.select %gt3A_915, %select_n3A_877, %select_n3A_886 : vector<16xi1>, vector<16xf32>
      %select_n3A_918 = arith.select %gt3A_915, %select_n3A_888, %select_n3A_879 : vector<16xi1>, vector<16xi32>
      %select_n3A_919 = arith.select %gt3A_915, %select_n3A_879, %select_n3A_888 : vector<16xi1>, vector<16xi32>
      %gt3A_920 = arith.cmpf ogt, %select_n3A_891, %select_n3A_882 : vector<16xf32>
      %select_n3A_921 = arith.select %gt3A_920, %select_n3A_891, %select_n3A_882 : vector<16xi1>, vector<16xf32>
      %select_n3A_922 = arith.select %gt3A_920, %select_n3A_882, %select_n3A_891 : vector<16xi1>, vector<16xf32>
      %select_n3A_923 = arith.select %gt3A_920, %select_n3A_893, %select_n3A_884 : vector<16xi1>, vector<16xi32>
      %select_n3A_924 = arith.select %gt3A_920, %select_n3A_884, %select_n3A_893 : vector<16xi1>, vector<16xi32>
      %gt3A_925 = arith.cmpf ogt, %select_n3A_906, %select_n3A_897 : vector<16xf32>
      %select_n3A_926 = arith.select %gt3A_925, %select_n3A_906, %select_n3A_897 : vector<16xi1>, vector<16xf32>
      %select_n3A_927 = arith.select %gt3A_925, %select_n3A_897, %select_n3A_906 : vector<16xi1>, vector<16xf32>
      %select_n3A_928 = arith.select %gt3A_925, %select_n3A_908, %select_n3A_899 : vector<16xi1>, vector<16xi32>
      %select_n3A_929 = arith.select %gt3A_925, %select_n3A_899, %select_n3A_908 : vector<16xi1>, vector<16xi32>
      %gt3A_930 = arith.cmpf ogt, %select_n3A_911, %select_n3A_902 : vector<16xf32>
      %select_n3A_931 = arith.select %gt3A_930, %select_n3A_911, %select_n3A_902 : vector<16xi1>, vector<16xf32>
      %select_n3A_932 = arith.select %gt3A_930, %select_n3A_902, %select_n3A_911 : vector<16xi1>, vector<16xf32>
      %select_n3A_933 = arith.select %gt3A_930, %select_n3A_913, %select_n3A_904 : vector<16xi1>, vector<16xi32>
      %select_n3A_934 = arith.select %gt3A_930, %select_n3A_904, %select_n3A_913 : vector<16xi1>, vector<16xi32>
      %gt3A_935 = arith.cmpf ogt, %select_n3A_876, %select_n3A_896 : vector<16xf32>
      %select_n3A_936 = arith.select %gt3A_935, %select_n3A_876, %select_n3A_896 : vector<16xi1>, vector<16xf32>
      %select_n3A_937 = arith.select %gt3A_935, %select_n3A_896, %select_n3A_876 : vector<16xi1>, vector<16xf32>
      %select_n3A_938 = arith.select %gt3A_935, %select_n3A_878, %select_n3A_898 : vector<16xi1>, vector<16xi32>
      %select_n3A_939 = arith.select %gt3A_935, %select_n3A_898, %select_n3A_878 : vector<16xi1>, vector<16xi32>
      %gt3A_940 = arith.cmpf ogt, %select_n3A_881, %select_n3A_901 : vector<16xf32>
      %select_n3A_941 = arith.select %gt3A_940, %select_n3A_881, %select_n3A_901 : vector<16xi1>, vector<16xf32>
      %select_n3A_942 = arith.select %gt3A_940, %select_n3A_901, %select_n3A_881 : vector<16xi1>, vector<16xf32>
      %select_n3A_943 = arith.select %gt3A_940, %select_n3A_883, %select_n3A_903 : vector<16xi1>, vector<16xi32>
      %select_n3A_944 = arith.select %gt3A_940, %select_n3A_903, %select_n3A_883 : vector<16xi1>, vector<16xi32>
      %gt3A_945 = arith.cmpf ogt, %select_n3A_887, %select_n3A_907 : vector<16xf32>
      %select_n3A_946 = arith.select %gt3A_945, %select_n3A_887, %select_n3A_907 : vector<16xi1>, vector<16xf32>
      %select_n3A_947 = arith.select %gt3A_945, %select_n3A_907, %select_n3A_887 : vector<16xi1>, vector<16xf32>
      %select_n3A_948 = arith.select %gt3A_945, %select_n3A_889, %select_n3A_909 : vector<16xi1>, vector<16xi32>
      %select_n3A_949 = arith.select %gt3A_945, %select_n3A_909, %select_n3A_889 : vector<16xi1>, vector<16xi32>
      %gt3A_950 = arith.cmpf ogt, %select_n3A_892, %select_n3A_912 : vector<16xf32>
      %select_n3A_951 = arith.select %gt3A_950, %select_n3A_892, %select_n3A_912 : vector<16xi1>, vector<16xf32>
      %select_n3A_952 = arith.select %gt3A_950, %select_n3A_912, %select_n3A_892 : vector<16xi1>, vector<16xf32>
      %select_n3A_953 = arith.select %gt3A_950, %select_n3A_894, %select_n3A_914 : vector<16xi1>, vector<16xi32>
      %select_n3A_954 = arith.select %gt3A_950, %select_n3A_914, %select_n3A_894 : vector<16xi1>, vector<16xi32>
      %gt3A_955 = arith.cmpf ogt, %select_n3A_916, %select_n3A_926 : vector<16xf32>
      %select_n3A_956 = arith.select %gt3A_955, %select_n3A_916, %select_n3A_926 : vector<16xi1>, vector<16xf32>
      %select_n3A_957 = arith.select %gt3A_955, %select_n3A_926, %select_n3A_916 : vector<16xi1>, vector<16xf32>
      %select_n3A_958 = arith.select %gt3A_955, %select_n3A_918, %select_n3A_928 : vector<16xi1>, vector<16xi32>
      %select_n3A_959 = arith.select %gt3A_955, %select_n3A_928, %select_n3A_918 : vector<16xi1>, vector<16xi32>
      %gt3A_960 = arith.cmpf ogt, %select_n3A_921, %select_n3A_931 : vector<16xf32>
      %select_n3A_961 = arith.select %gt3A_960, %select_n3A_921, %select_n3A_931 : vector<16xi1>, vector<16xf32>
      %select_n3A_962 = arith.select %gt3A_960, %select_n3A_931, %select_n3A_921 : vector<16xi1>, vector<16xf32>
      %select_n3A_963 = arith.select %gt3A_960, %select_n3A_923, %select_n3A_933 : vector<16xi1>, vector<16xi32>
      %select_n3A_964 = arith.select %gt3A_960, %select_n3A_933, %select_n3A_923 : vector<16xi1>, vector<16xi32>
      %gt3A_965 = arith.cmpf ogt, %select_n3A_917, %select_n3A_927 : vector<16xf32>
      %select_n3A_966 = arith.select %gt3A_965, %select_n3A_917, %select_n3A_927 : vector<16xi1>, vector<16xf32>
      %select_n3A_967 = arith.select %gt3A_965, %select_n3A_927, %select_n3A_917 : vector<16xi1>, vector<16xf32>
      %select_n3A_968 = arith.select %gt3A_965, %select_n3A_919, %select_n3A_929 : vector<16xi1>, vector<16xi32>
      %select_n3A_969 = arith.select %gt3A_965, %select_n3A_929, %select_n3A_919 : vector<16xi1>, vector<16xi32>
      %gt3A_970 = arith.cmpf ogt, %select_n3A_922, %select_n3A_932 : vector<16xf32>
      %select_n3A_971 = arith.select %gt3A_970, %select_n3A_922, %select_n3A_932 : vector<16xi1>, vector<16xf32>
      %select_n3A_972 = arith.select %gt3A_970, %select_n3A_932, %select_n3A_922 : vector<16xi1>, vector<16xf32>
      %select_n3A_973 = arith.select %gt3A_970, %select_n3A_924, %select_n3A_934 : vector<16xi1>, vector<16xi32>
      %select_n3A_974 = arith.select %gt3A_970, %select_n3A_934, %select_n3A_924 : vector<16xi1>, vector<16xi32>
      %gt3A_975 = arith.cmpf ogt, %select_n3A_956, %select_n3A_937 : vector<16xf32>
      %select_n3A_976 = arith.select %gt3A_975, %select_n3A_956, %select_n3A_937 : vector<16xi1>, vector<16xf32>
      %select_n3A_977 = arith.select %gt3A_975, %select_n3A_937, %select_n3A_956 : vector<16xi1>, vector<16xf32>
      %select_n3A_978 = arith.select %gt3A_975, %select_n3A_958, %select_n3A_939 : vector<16xi1>, vector<16xi32>
      %select_n3A_979 = arith.select %gt3A_975, %select_n3A_939, %select_n3A_958 : vector<16xi1>, vector<16xi32>
      %gt3A_980 = arith.cmpf ogt, %select_n3A_961, %select_n3A_942 : vector<16xf32>
      %select_n3A_981 = arith.select %gt3A_980, %select_n3A_961, %select_n3A_942 : vector<16xi1>, vector<16xf32>
      %select_n3A_982 = arith.select %gt3A_980, %select_n3A_942, %select_n3A_961 : vector<16xi1>, vector<16xf32>
      %select_n3A_983 = arith.select %gt3A_980, %select_n3A_963, %select_n3A_944 : vector<16xi1>, vector<16xi32>
      %select_n3A_984 = arith.select %gt3A_980, %select_n3A_944, %select_n3A_963 : vector<16xi1>, vector<16xi32>
      %gt3A_985 = arith.cmpf ogt, %select_n3A_946, %select_n3A_967 : vector<16xf32>
      %select_n3A_986 = arith.select %gt3A_985, %select_n3A_946, %select_n3A_967 : vector<16xi1>, vector<16xf32>
      %select_n3A_987 = arith.select %gt3A_985, %select_n3A_967, %select_n3A_946 : vector<16xi1>, vector<16xf32>
      %select_n3A_988 = arith.select %gt3A_985, %select_n3A_948, %select_n3A_969 : vector<16xi1>, vector<16xi32>
      %select_n3A_989 = arith.select %gt3A_985, %select_n3A_969, %select_n3A_948 : vector<16xi1>, vector<16xi32>
      %gt3A_990 = arith.cmpf ogt, %select_n3A_951, %select_n3A_972 : vector<16xf32>
      %select_n3A_991 = arith.select %gt3A_990, %select_n3A_951, %select_n3A_972 : vector<16xi1>, vector<16xf32>
      %select_n3A_992 = arith.select %gt3A_990, %select_n3A_972, %select_n3A_951 : vector<16xi1>, vector<16xf32>
      %select_n3A_993 = arith.select %gt3A_990, %select_n3A_953, %select_n3A_974 : vector<16xi1>, vector<16xi32>
      %select_n3A_994 = arith.select %gt3A_990, %select_n3A_974, %select_n3A_953 : vector<16xi1>, vector<16xi32>
      %gt3A_995 = arith.cmpf ogt, %select_n3A_966, %select_n3A_977 : vector<16xf32>
      %select_n3A_996 = arith.select %gt3A_995, %select_n3A_966, %select_n3A_977 : vector<16xi1>, vector<16xf32>
      %select_n3A_997 = arith.select %gt3A_995, %select_n3A_977, %select_n3A_966 : vector<16xi1>, vector<16xf32>
      %select_n3A_998 = arith.select %gt3A_995, %select_n3A_968, %select_n3A_979 : vector<16xi1>, vector<16xi32>
      %select_n3A_999 = arith.select %gt3A_995, %select_n3A_979, %select_n3A_968 : vector<16xi1>, vector<16xi32>
      %gt3A_1000 = arith.cmpf ogt, %select_n3A_971, %select_n3A_982 : vector<16xf32>
      %select_n3A_1001 = arith.select %gt3A_1000, %select_n3A_971, %select_n3A_982 : vector<16xi1>, vector<16xf32>
      %select_n3A_1002 = arith.select %gt3A_1000, %select_n3A_982, %select_n3A_971 : vector<16xi1>, vector<16xf32>
      %select_n3A_1003 = arith.select %gt3A_1000, %select_n3A_973, %select_n3A_984 : vector<16xi1>, vector<16xi32>
      %select_n3A_1004 = arith.select %gt3A_1000, %select_n3A_984, %select_n3A_973 : vector<16xi1>, vector<16xi32>
      %gt3A_1005 = arith.cmpf ogt, %select_n3A_986, %select_n3A_957 : vector<16xf32>
      %select_n3A_1006 = arith.select %gt3A_1005, %select_n3A_986, %select_n3A_957 : vector<16xi1>, vector<16xf32>
      %select_n3A_1007 = arith.select %gt3A_1005, %select_n3A_957, %select_n3A_986 : vector<16xi1>, vector<16xf32>
      %select_n3A_1008 = arith.select %gt3A_1005, %select_n3A_988, %select_n3A_959 : vector<16xi1>, vector<16xi32>
      %select_n3A_1009 = arith.select %gt3A_1005, %select_n3A_959, %select_n3A_988 : vector<16xi1>, vector<16xi32>
      %gt3A_1010 = arith.cmpf ogt, %select_n3A_991, %select_n3A_962 : vector<16xf32>
      %select_n3A_1011 = arith.select %gt3A_1010, %select_n3A_991, %select_n3A_962 : vector<16xi1>, vector<16xf32>
      %select_n3A_1012 = arith.select %gt3A_1010, %select_n3A_962, %select_n3A_991 : vector<16xi1>, vector<16xf32>
      %select_n3A_1013 = arith.select %gt3A_1010, %select_n3A_993, %select_n3A_964 : vector<16xi1>, vector<16xi32>
      %select_n3A_1014 = arith.select %gt3A_1010, %select_n3A_964, %select_n3A_993 : vector<16xi1>, vector<16xi32>
      %gt3A_1015 = arith.cmpf ogt, %select_n3A_1006, %select_n3A_997 : vector<16xf32>
      %select_n3A_1016 = arith.select %gt3A_1015, %select_n3A_1006, %select_n3A_997 : vector<16xi1>, vector<16xf32>
      %select_n3A_1017 = arith.select %gt3A_1015, %select_n3A_997, %select_n3A_1006 : vector<16xi1>, vector<16xf32>
      %select_n3A_1018 = arith.select %gt3A_1015, %select_n3A_1008, %select_n3A_999 : vector<16xi1>, vector<16xi32>
      %select_n3A_1019 = arith.select %gt3A_1015, %select_n3A_999, %select_n3A_1008 : vector<16xi1>, vector<16xi32>
      %gt3A_1020 = arith.cmpf ogt, %select_n3A_1011, %select_n3A_1002 : vector<16xf32>
      %select_n3A_1021 = arith.select %gt3A_1020, %select_n3A_1011, %select_n3A_1002 : vector<16xi1>, vector<16xf32>
      %select_n3A_1022 = arith.select %gt3A_1020, %select_n3A_1002, %select_n3A_1011 : vector<16xi1>, vector<16xf32>
      %select_n3A_1023 = arith.select %gt3A_1020, %select_n3A_1013, %select_n3A_1004 : vector<16xi1>, vector<16xi32>
      %select_n3A_1024 = arith.select %gt3A_1020, %select_n3A_1004, %select_n3A_1013 : vector<16xi1>, vector<16xi32>
      %gt3A_1025 = arith.cmpf ogt, %select_n3A_936, %select_n3A_952 : vector<16xf32>
      %eq3A = arith.cmpf oeq, %select_n3A_936, %select_n3A_952 : vector<16xf32>
      %lt3A = arith.cmpi slt, %select_n3A_938, %select_n3A_954 : vector<16xi32>
      %and3A_1026 = arith.andi %eq3A, %lt3A : vector<16xi1>
      %or3A = arith.ori %gt3A_1025, %and3A_1026 : vector<16xi1>
      %select_n3A_1027 = arith.select %or3A, %select_n3A_936, %select_n3A_952 : vector<16xi1>, vector<16xf32>
      %select_n3A_1028 = arith.select %or3A, %select_n3A_938, %select_n3A_954 : vector<16xi1>, vector<16xi32>
      %gt3A_1029 = arith.cmpf ogt, %select_n3A_976, %select_n3A_992 : vector<16xf32>
      %eq3A_1030 = arith.cmpf oeq, %select_n3A_976, %select_n3A_992 : vector<16xf32>
      %lt3A_1031 = arith.cmpi slt, %select_n3A_978, %select_n3A_994 : vector<16xi32>
      %and3A_1032 = arith.andi %eq3A_1030, %lt3A_1031 : vector<16xi1>
      %or3A_1033 = arith.ori %gt3A_1029, %and3A_1032 : vector<16xi1>
      %select_n3A_1034 = arith.select %or3A_1033, %select_n3A_976, %select_n3A_992 : vector<16xi1>, vector<16xf32>
      %select_n3A_1035 = arith.select %or3A_1033, %select_n3A_978, %select_n3A_994 : vector<16xi1>, vector<16xi32>
      %gt3A_1036 = arith.cmpf ogt, %select_n3A_996, %select_n3A_1012 : vector<16xf32>
      %eq3A_1037 = arith.cmpf oeq, %select_n3A_996, %select_n3A_1012 : vector<16xf32>
      %lt3A_1038 = arith.cmpi slt, %select_n3A_998, %select_n3A_1014 : vector<16xi32>
      %and3A_1039 = arith.andi %eq3A_1037, %lt3A_1038 : vector<16xi1>
      %or3A_1040 = arith.ori %gt3A_1036, %and3A_1039 : vector<16xi1>
      %select_n3A_1041 = arith.select %or3A_1040, %select_n3A_996, %select_n3A_1012 : vector<16xi1>, vector<16xf32>
      %select_n3A_1042 = arith.select %or3A_1040, %select_n3A_998, %select_n3A_1014 : vector<16xi1>, vector<16xi32>
      %gt3A_1043 = arith.cmpf ogt, %select_n3A_1016, %select_n3A_1022 : vector<16xf32>
      %eq3A_1044 = arith.cmpf oeq, %select_n3A_1016, %select_n3A_1022 : vector<16xf32>
      %lt3A_1045 = arith.cmpi slt, %select_n3A_1018, %select_n3A_1024 : vector<16xi32>
      %and3A_1046 = arith.andi %eq3A_1044, %lt3A_1045 : vector<16xi1>
      %or3A_1047 = arith.ori %gt3A_1043, %and3A_1046 : vector<16xi1>
      %select_n3A_1048 = arith.select %or3A_1047, %select_n3A_1016, %select_n3A_1022 : vector<16xi1>, vector<16xf32>
      %select_n3A_1049 = arith.select %or3A_1047, %select_n3A_1018, %select_n3A_1024 : vector<16xi1>, vector<16xi32>
      %gt3A_1050 = arith.cmpf ogt, %select_n3A_1017, %select_n3A_1021 : vector<16xf32>
      %eq3A_1051 = arith.cmpf oeq, %select_n3A_1017, %select_n3A_1021 : vector<16xf32>
      %lt3A_1052 = arith.cmpi slt, %select_n3A_1019, %select_n3A_1023 : vector<16xi32>
      %and3A_1053 = arith.andi %eq3A_1051, %lt3A_1052 : vector<16xi1>
      %or3A_1054 = arith.ori %gt3A_1050, %and3A_1053 : vector<16xi1>
      %select_n3A_1055 = arith.select %or3A_1054, %select_n3A_1017, %select_n3A_1021 : vector<16xi1>, vector<16xf32>
      %select_n3A_1056 = arith.select %or3A_1054, %select_n3A_1019, %select_n3A_1023 : vector<16xi1>, vector<16xi32>
      %gt3A_1057 = arith.cmpf ogt, %select_n3A_1007, %select_n3A_1001 : vector<16xf32>
      %eq3A_1058 = arith.cmpf oeq, %select_n3A_1007, %select_n3A_1001 : vector<16xf32>
      %lt3A_1059 = arith.cmpi slt, %select_n3A_1009, %select_n3A_1003 : vector<16xi32>
      %and3A_1060 = arith.andi %eq3A_1058, %lt3A_1059 : vector<16xi1>
      %or3A_1061 = arith.ori %gt3A_1057, %and3A_1060 : vector<16xi1>
      %select_n3A_1062 = arith.select %or3A_1061, %select_n3A_1007, %select_n3A_1001 : vector<16xi1>, vector<16xf32>
      %select_n3A_1063 = arith.select %or3A_1061, %select_n3A_1009, %select_n3A_1003 : vector<16xi1>, vector<16xi32>
      %gt3A_1064 = arith.cmpf ogt, %select_n3A_987, %select_n3A_981 : vector<16xf32>
      %eq3A_1065 = arith.cmpf oeq, %select_n3A_987, %select_n3A_981 : vector<16xf32>
      %lt3A_1066 = arith.cmpi slt, %select_n3A_989, %select_n3A_983 : vector<16xi32>
      %and3A_1067 = arith.andi %eq3A_1065, %lt3A_1066 : vector<16xi1>
      %or3A_1068 = arith.ori %gt3A_1064, %and3A_1067 : vector<16xi1>
      %select_n3A_1069 = arith.select %or3A_1068, %select_n3A_987, %select_n3A_981 : vector<16xi1>, vector<16xf32>
      %select_n3A_1070 = arith.select %or3A_1068, %select_n3A_989, %select_n3A_983 : vector<16xi1>, vector<16xi32>
      %gt3A_1071 = arith.cmpf ogt, %select_n3A_947, %select_n3A_941 : vector<16xf32>
      %eq3A_1072 = arith.cmpf oeq, %select_n3A_947, %select_n3A_941 : vector<16xf32>
      %lt3A_1073 = arith.cmpi slt, %select_n3A_949, %select_n3A_943 : vector<16xi32>
      %and3A_1074 = arith.andi %eq3A_1072, %lt3A_1073 : vector<16xi1>
      %or3A_1075 = arith.ori %gt3A_1071, %and3A_1074 : vector<16xi1>
      %select_n3A_1076 = arith.select %or3A_1075, %select_n3A_947, %select_n3A_941 : vector<16xi1>, vector<16xf32>
      %select_n3A_1077 = arith.select %or3A_1075, %select_n3A_949, %select_n3A_943 : vector<16xi1>, vector<16xi32>
      %gt3A_1078 = arith.cmpf ogt, %select_n3A_1027, %select_n3A_1055 : vector<16xf32>
      %eq3A_1079 = arith.cmpf oeq, %select_n3A_1027, %select_n3A_1055 : vector<16xf32>
      %lt3A_1080 = arith.cmpi slt, %select_n3A_1028, %select_n3A_1056 : vector<16xi32>
      %and3A_1081 = arith.andi %eq3A_1079, %lt3A_1080 : vector<16xi1>
      %or3A_1082 = arith.ori %gt3A_1078, %and3A_1081 : vector<16xi1>
      %select_n3A_1083 = arith.select %or3A_1082, %select_n3A_1027, %select_n3A_1055 : vector<16xi1>, vector<16xf32>
      %select_n3A_1084 = arith.select %or3A_1082, %select_n3A_1055, %select_n3A_1027 : vector<16xi1>, vector<16xf32>
      %select_n3A_1085 = arith.select %or3A_1082, %select_n3A_1028, %select_n3A_1056 : vector<16xi1>, vector<16xi32>
      %select_n3A_1086 = arith.select %or3A_1082, %select_n3A_1056, %select_n3A_1028 : vector<16xi1>, vector<16xi32>
      %gt3A_1087 = arith.cmpf ogt, %select_n3A_1034, %select_n3A_1062 : vector<16xf32>
      %eq3A_1088 = arith.cmpf oeq, %select_n3A_1034, %select_n3A_1062 : vector<16xf32>
      %lt3A_1089 = arith.cmpi slt, %select_n3A_1035, %select_n3A_1063 : vector<16xi32>
      %and3A_1090 = arith.andi %eq3A_1088, %lt3A_1089 : vector<16xi1>
      %or3A_1091 = arith.ori %gt3A_1087, %and3A_1090 : vector<16xi1>
      %select_n3A_1092 = arith.select %or3A_1091, %select_n3A_1034, %select_n3A_1062 : vector<16xi1>, vector<16xf32>
      %select_n3A_1093 = arith.select %or3A_1091, %select_n3A_1062, %select_n3A_1034 : vector<16xi1>, vector<16xf32>
      %select_n3A_1094 = arith.select %or3A_1091, %select_n3A_1035, %select_n3A_1063 : vector<16xi1>, vector<16xi32>
      %select_n3A_1095 = arith.select %or3A_1091, %select_n3A_1063, %select_n3A_1035 : vector<16xi1>, vector<16xi32>
      %gt3A_1096 = arith.cmpf ogt, %select_n3A_1041, %select_n3A_1069 : vector<16xf32>
      %eq3A_1097 = arith.cmpf oeq, %select_n3A_1041, %select_n3A_1069 : vector<16xf32>
      %lt3A_1098 = arith.cmpi slt, %select_n3A_1042, %select_n3A_1070 : vector<16xi32>
      %and3A_1099 = arith.andi %eq3A_1097, %lt3A_1098 : vector<16xi1>
      %or3A_1100 = arith.ori %gt3A_1096, %and3A_1099 : vector<16xi1>
      %select_n3A_1101 = arith.select %or3A_1100, %select_n3A_1041, %select_n3A_1069 : vector<16xi1>, vector<16xf32>
      %select_n3A_1102 = arith.select %or3A_1100, %select_n3A_1069, %select_n3A_1041 : vector<16xi1>, vector<16xf32>
      %select_n3A_1103 = arith.select %or3A_1100, %select_n3A_1042, %select_n3A_1070 : vector<16xi1>, vector<16xi32>
      %select_n3A_1104 = arith.select %or3A_1100, %select_n3A_1070, %select_n3A_1042 : vector<16xi1>, vector<16xi32>
      %gt3A_1105 = arith.cmpf ogt, %select_n3A_1048, %select_n3A_1076 : vector<16xf32>
      %eq3A_1106 = arith.cmpf oeq, %select_n3A_1048, %select_n3A_1076 : vector<16xf32>
      %lt3A_1107 = arith.cmpi slt, %select_n3A_1049, %select_n3A_1077 : vector<16xi32>
      %and3A_1108 = arith.andi %eq3A_1106, %lt3A_1107 : vector<16xi1>
      %or3A_1109 = arith.ori %gt3A_1105, %and3A_1108 : vector<16xi1>
      %select_n3A_1110 = arith.select %or3A_1109, %select_n3A_1048, %select_n3A_1076 : vector<16xi1>, vector<16xf32>
      %select_n3A_1111 = arith.select %or3A_1109, %select_n3A_1076, %select_n3A_1048 : vector<16xi1>, vector<16xf32>
      %select_n3A_1112 = arith.select %or3A_1109, %select_n3A_1049, %select_n3A_1077 : vector<16xi1>, vector<16xi32>
      %select_n3A_1113 = arith.select %or3A_1109, %select_n3A_1077, %select_n3A_1049 : vector<16xi1>, vector<16xi32>
      %gt3A_1114 = arith.cmpf ogt, %select_n3A_1083, %select_n3A_1101 : vector<16xf32>
      %eq3A_1115 = arith.cmpf oeq, %select_n3A_1083, %select_n3A_1101 : vector<16xf32>
      %lt3A_1116 = arith.cmpi slt, %select_n3A_1085, %select_n3A_1103 : vector<16xi32>
      %and3A_1117 = arith.andi %eq3A_1115, %lt3A_1116 : vector<16xi1>
      %or3A_1118 = arith.ori %gt3A_1114, %and3A_1117 : vector<16xi1>
      %select_n3A_1119 = arith.select %or3A_1118, %select_n3A_1083, %select_n3A_1101 : vector<16xi1>, vector<16xf32>
      %select_n3A_1120 = arith.select %or3A_1118, %select_n3A_1101, %select_n3A_1083 : vector<16xi1>, vector<16xf32>
      %select_n3A_1121 = arith.select %or3A_1118, %select_n3A_1085, %select_n3A_1103 : vector<16xi1>, vector<16xi32>
      %select_n3A_1122 = arith.select %or3A_1118, %select_n3A_1103, %select_n3A_1085 : vector<16xi1>, vector<16xi32>
      %gt3A_1123 = arith.cmpf ogt, %select_n3A_1092, %select_n3A_1110 : vector<16xf32>
      %eq3A_1124 = arith.cmpf oeq, %select_n3A_1092, %select_n3A_1110 : vector<16xf32>
      %lt3A_1125 = arith.cmpi slt, %select_n3A_1094, %select_n3A_1112 : vector<16xi32>
      %and3A_1126 = arith.andi %eq3A_1124, %lt3A_1125 : vector<16xi1>
      %or3A_1127 = arith.ori %gt3A_1123, %and3A_1126 : vector<16xi1>
      %select_n3A_1128 = arith.select %or3A_1127, %select_n3A_1092, %select_n3A_1110 : vector<16xi1>, vector<16xf32>
      %select_n3A_1129 = arith.select %or3A_1127, %select_n3A_1110, %select_n3A_1092 : vector<16xi1>, vector<16xf32>
      %select_n3A_1130 = arith.select %or3A_1127, %select_n3A_1094, %select_n3A_1112 : vector<16xi1>, vector<16xi32>
      %select_n3A_1131 = arith.select %or3A_1127, %select_n3A_1112, %select_n3A_1094 : vector<16xi1>, vector<16xi32>
      %gt3A_1132 = arith.cmpf ogt, %select_n3A_1084, %select_n3A_1102 : vector<16xf32>
      %eq3A_1133 = arith.cmpf oeq, %select_n3A_1084, %select_n3A_1102 : vector<16xf32>
      %lt3A_1134 = arith.cmpi slt, %select_n3A_1086, %select_n3A_1104 : vector<16xi32>
      %and3A_1135 = arith.andi %eq3A_1133, %lt3A_1134 : vector<16xi1>
      %or3A_1136 = arith.ori %gt3A_1132, %and3A_1135 : vector<16xi1>
      %select_n3A_1137 = arith.select %or3A_1136, %select_n3A_1084, %select_n3A_1102 : vector<16xi1>, vector<16xf32>
      %select_n3A_1138 = arith.select %or3A_1136, %select_n3A_1102, %select_n3A_1084 : vector<16xi1>, vector<16xf32>
      %select_n3A_1139 = arith.select %or3A_1136, %select_n3A_1086, %select_n3A_1104 : vector<16xi1>, vector<16xi32>
      %select_n3A_1140 = arith.select %or3A_1136, %select_n3A_1104, %select_n3A_1086 : vector<16xi1>, vector<16xi32>
      %gt3A_1141 = arith.cmpf ogt, %select_n3A_1093, %select_n3A_1111 : vector<16xf32>
      %eq3A_1142 = arith.cmpf oeq, %select_n3A_1093, %select_n3A_1111 : vector<16xf32>
      %lt3A_1143 = arith.cmpi slt, %select_n3A_1095, %select_n3A_1113 : vector<16xi32>
      %and3A_1144 = arith.andi %eq3A_1142, %lt3A_1143 : vector<16xi1>
      %or3A_1145 = arith.ori %gt3A_1141, %and3A_1144 : vector<16xi1>
      %select_n3A_1146 = arith.select %or3A_1145, %select_n3A_1093, %select_n3A_1111 : vector<16xi1>, vector<16xf32>
      %select_n3A_1147 = arith.select %or3A_1145, %select_n3A_1111, %select_n3A_1093 : vector<16xi1>, vector<16xf32>
      %select_n3A_1148 = arith.select %or3A_1145, %select_n3A_1095, %select_n3A_1113 : vector<16xi1>, vector<16xi32>
      %select_n3A_1149 = arith.select %or3A_1145, %select_n3A_1113, %select_n3A_1095 : vector<16xi1>, vector<16xi32>
      %gt3A_1150 = arith.cmpf ogt, %select_n3A_1119, %select_n3A_1128 : vector<16xf32>
      %eq3A_1151 = arith.cmpf oeq, %select_n3A_1119, %select_n3A_1128 : vector<16xf32>
      %lt3A_1152 = arith.cmpi slt, %select_n3A_1121, %select_n3A_1130 : vector<16xi32>
      %and3A_1153 = arith.andi %eq3A_1151, %lt3A_1152 : vector<16xi1>
      %or3A_1154 = arith.ori %gt3A_1150, %and3A_1153 : vector<16xi1>
      %select_n3A_1155 = arith.select %or3A_1154, %select_n3A_1119, %select_n3A_1128 : vector<16xi1>, vector<16xf32>
      %select_n3A_1156 = arith.select %or3A_1154, %select_n3A_1128, %select_n3A_1119 : vector<16xi1>, vector<16xf32>
      %select_n3A_1157 = arith.select %or3A_1154, %select_n3A_1121, %select_n3A_1130 : vector<16xi1>, vector<16xi32>
      %select_n3A_1158 = arith.select %or3A_1154, %select_n3A_1130, %select_n3A_1121 : vector<16xi1>, vector<16xi32>
      %gt3A_1159 = arith.cmpf ogt, %select_n3A_1120, %select_n3A_1129 : vector<16xf32>
      %eq3A_1160 = arith.cmpf oeq, %select_n3A_1120, %select_n3A_1129 : vector<16xf32>
      %lt3A_1161 = arith.cmpi slt, %select_n3A_1122, %select_n3A_1131 : vector<16xi32>
      %and3A_1162 = arith.andi %eq3A_1160, %lt3A_1161 : vector<16xi1>
      %or3A_1163 = arith.ori %gt3A_1159, %and3A_1162 : vector<16xi1>
      %select_n3A_1164 = arith.select %or3A_1163, %select_n3A_1120, %select_n3A_1129 : vector<16xi1>, vector<16xf32>
      %select_n3A_1165 = arith.select %or3A_1163, %select_n3A_1129, %select_n3A_1120 : vector<16xi1>, vector<16xf32>
      %select_n3A_1166 = arith.select %or3A_1163, %select_n3A_1122, %select_n3A_1131 : vector<16xi1>, vector<16xi32>
      %select_n3A_1167 = arith.select %or3A_1163, %select_n3A_1131, %select_n3A_1122 : vector<16xi1>, vector<16xi32>
      %gt3A_1168 = arith.cmpf ogt, %select_n3A_1137, %select_n3A_1146 : vector<16xf32>
      %eq3A_1169 = arith.cmpf oeq, %select_n3A_1137, %select_n3A_1146 : vector<16xf32>
      %lt3A_1170 = arith.cmpi slt, %select_n3A_1139, %select_n3A_1148 : vector<16xi32>
      %and3A_1171 = arith.andi %eq3A_1169, %lt3A_1170 : vector<16xi1>
      %or3A_1172 = arith.ori %gt3A_1168, %and3A_1171 : vector<16xi1>
      %select_n3A_1173 = arith.select %or3A_1172, %select_n3A_1137, %select_n3A_1146 : vector<16xi1>, vector<16xf32>
      %select_n3A_1174 = arith.select %or3A_1172, %select_n3A_1146, %select_n3A_1137 : vector<16xi1>, vector<16xf32>
      %select_n3A_1175 = arith.select %or3A_1172, %select_n3A_1139, %select_n3A_1148 : vector<16xi1>, vector<16xi32>
      %select_n3A_1176 = arith.select %or3A_1172, %select_n3A_1148, %select_n3A_1139 : vector<16xi1>, vector<16xi32>
      %gt3A_1177 = arith.cmpf ogt, %select_n3A_1138, %select_n3A_1147 : vector<16xf32>
      %eq3A_1178 = arith.cmpf oeq, %select_n3A_1138, %select_n3A_1147 : vector<16xf32>
      %lt3A_1179 = arith.cmpi slt, %select_n3A_1140, %select_n3A_1149 : vector<16xi32>
      %and3A_1180 = arith.andi %eq3A_1178, %lt3A_1179 : vector<16xi1>
      %or3A_1181 = arith.ori %gt3A_1177, %and3A_1180 : vector<16xi1>
      %select_n3A_1182 = arith.select %or3A_1181, %select_n3A_1138, %select_n3A_1147 : vector<16xi1>, vector<16xf32>
      %select_n3A_1183 = arith.select %or3A_1181, %select_n3A_1147, %select_n3A_1138 : vector<16xi1>, vector<16xf32>
      %select_n3A_1184 = arith.select %or3A_1181, %select_n3A_1140, %select_n3A_1149 : vector<16xi1>, vector<16xi32>
      %select_n3A_1185 = arith.select %or3A_1181, %select_n3A_1149, %select_n3A_1140 : vector<16xi1>, vector<16xi32>
      %add3A_1186 = arith.constant 0 : i32
      %add3A_1187 = vector.broadcast %add3A_1186 : i32 to vector<16xi32>
      %add3A_1188 = arith.addi %add3A_1187, %add3A_238 : vector<16xi32>
      %mul3A_1189 = arith.constant 8 : i32
      %mul3A_1190 = vector.broadcast %mul3A_1189 : i32 to vector<16xi32>
      %mul3A_1191 = arith.muli %add3A_1188, %mul3A_1190 : vector<16xi32>
      %add3A_1192 = arith.constant 0 : i32
      %add3A_1193 = vector.broadcast %add3A_1192 : i32 to vector<16xi32>
      %add3A_1194 = arith.addi %mul3A_1191, %add3A_1193 : vector<16xi32>
      tpu.vector_store_idx %arg7[%add3A_1194], %select_n3A_1155 : memref<8192xf32, #tpu.memory_space<vmem>>[vector<16xi32>], vector<16xf32>,
      %add3A_1195 = arith.constant 0 : i32
      %add3A_1196 = vector.broadcast %add3A_1195 : i32 to vector<16xi32>
      %add3A_1197 = arith.addi %mul3A_1191, %add3A_1196 : vector<16xi32>
      tpu.vector_store_idx %arg8[%add3A_1197], %select_n3A_1157 : memref<8192xi32, #tpu.memory_space<vmem>>[vector<16xi32>], vector<16xi32>,
      tpu.vector_store_idx %arg9[%select_n3A_1157], %broadcast_in_dim3A_59 {add = true} : memref<64xf32, #tpu.memory_space<vmem>>[vector<16xi32>], vector<16xf32>,
      %add3A_1198 = arith.constant 1 : i32
      %add3A_1199 = vector.broadcast %add3A_1198 : i32 to vector<16xi32>
      %add3A_1200 = arith.addi %mul3A_1191, %add3A_1199 : vector<16xi32>
      tpu.vector_store_idx %arg7[%add3A_1200], %select_n3A_1156 : memref<8192xf32, #tpu.memory_space<vmem>>[vector<16xi32>], vector<16xf32>,
      %add3A_1201 = arith.constant 1 : i32
      %add3A_1202 = vector.broadcast %add3A_1201 : i32 to vector<16xi32>
      %add3A_1203 = arith.addi %mul3A_1191, %add3A_1202 : vector<16xi32>
      tpu.vector_store_idx %arg8[%add3A_1203], %select_n3A_1158 : memref<8192xi32, #tpu.memory_space<vmem>>[vector<16xi32>], vector<16xi32>,
      tpu.vector_store_idx %arg9[%select_n3A_1158], %broadcast_in_dim3A_59 {add = true} : memref<64xf32, #tpu.memory_space<vmem>>[vector<16xi32>], vector<16xf32>,
      %add3A_1204 = arith.constant 2 : i32
      %add3A_1205 = vector.broadcast %add3A_1204 : i32 to vector<16xi32>
      %add3A_1206 = arith.addi %mul3A_1191, %add3A_1205 : vector<16xi32>
      tpu.vector_store_idx %arg7[%add3A_1206], %select_n3A_1164 : memref<8192xf32, #tpu.memory_space<vmem>>[vector<16xi32>], vector<16xf32>,
      %add3A_1207 = arith.constant 2 : i32
      %add3A_1208 = vector.broadcast %add3A_1207 : i32 to vector<16xi32>
      %add3A_1209 = arith.addi %mul3A_1191, %add3A_1208 : vector<16xi32>
      tpu.vector_store_idx %arg8[%add3A_1209], %select_n3A_1166 : memref<8192xi32, #tpu.memory_space<vmem>>[vector<16xi32>], vector<16xi32>,
      tpu.vector_store_idx %arg9[%select_n3A_1166], %broadcast_in_dim3A_59 {add = true} : memref<64xf32, #tpu.memory_space<vmem>>[vector<16xi32>], vector<16xf32>,
      %add3A_1210 = arith.constant 3 : i32
      %add3A_1211 = vector.broadcast %add3A_1210 : i32 to vector<16xi32>
      %add3A_1212 = arith.addi %mul3A_1191, %add3A_1211 : vector<16xi32>
      tpu.vector_store_idx %arg7[%add3A_1212], %select_n3A_1165 : memref<8192xf32, #tpu.memory_space<vmem>>[vector<16xi32>], vector<16xf32>,
      %add3A_1213 = arith.constant 3 : i32
      %add3A_1214 = vector.broadcast %add3A_1213 : i32 to vector<16xi32>
      %add3A_1215 = arith.addi %mul3A_1191, %add3A_1214 : vector<16xi32>
      tpu.vector_store_idx %arg8[%add3A_1215], %select_n3A_1167 : memref<8192xi32, #tpu.memory_space<vmem>>[vector<16xi32>], vector<16xi32>,
      tpu.vector_store_idx %arg9[%select_n3A_1167], %broadcast_in_dim3A_59 {add = true} : memref<64xf32, #tpu.memory_space<vmem>>[vector<16xi32>], vector<16xf32>,
      %add3A_1216 = arith.constant 4 : i32
      %add3A_1217 = vector.broadcast %add3A_1216 : i32 to vector<16xi32>
      %add3A_1218 = arith.addi %mul3A_1191, %add3A_1217 : vector<16xi32>
      tpu.vector_store_idx %arg7[%add3A_1218], %select_n3A_1173 : memref<8192xf32, #tpu.memory_space<vmem>>[vector<16xi32>], vector<16xf32>,
      %add3A_1219 = arith.constant 4 : i32
      %add3A_1220 = vector.broadcast %add3A_1219 : i32 to vector<16xi32>
      %add3A_1221 = arith.addi %mul3A_1191, %add3A_1220 : vector<16xi32>
      tpu.vector_store_idx %arg8[%add3A_1221], %select_n3A_1175 : memref<8192xi32, #tpu.memory_space<vmem>>[vector<16xi32>], vector<16xi32>,
      tpu.vector_store_idx %arg9[%select_n3A_1175], %broadcast_in_dim3A_59 {add = true} : memref<64xf32, #tpu.memory_space<vmem>>[vector<16xi32>], vector<16xf32>,
      %add3A_1222 = arith.constant 5 : i32
      %add3A_1223 = vector.broadcast %add3A_1222 : i32 to vector<16xi32>
      %add3A_1224 = arith.addi %mul3A_1191, %add3A_1223 : vector<16xi32>
      tpu.vector_store_idx %arg7[%add3A_1224], %select_n3A_1174 : memref<8192xf32, #tpu.memory_space<vmem>>[vector<16xi32>], vector<16xf32>,
      %add3A_1225 = arith.constant 5 : i32
      %add3A_1226 = vector.broadcast %add3A_1225 : i32 to vector<16xi32>
      %add3A_1227 = arith.addi %mul3A_1191, %add3A_1226 : vector<16xi32>
      tpu.vector_store_idx %arg8[%add3A_1227], %select_n3A_1176 : memref<8192xi32, #tpu.memory_space<vmem>>[vector<16xi32>], vector<16xi32>,
      tpu.vector_store_idx %arg9[%select_n3A_1176], %broadcast_in_dim3A_59 {add = true} : memref<64xf32, #tpu.memory_space<vmem>>[vector<16xi32>], vector<16xf32>,
      %add3A_1228 = arith.constant 6 : i32
      %add3A_1229 = vector.broadcast %add3A_1228 : i32 to vector<16xi32>
      %add3A_1230 = arith.addi %mul3A_1191, %add3A_1229 : vector<16xi32>
      tpu.vector_store_idx %arg7[%add3A_1230], %select_n3A_1182 : memref<8192xf32, #tpu.memory_space<vmem>>[vector<16xi32>], vector<16xf32>,
      %add3A_1231 = arith.constant 6 : i32
      %add3A_1232 = vector.broadcast %add3A_1231 : i32 to vector<16xi32>
      %add3A_1233 = arith.addi %mul3A_1191, %add3A_1232 : vector<16xi32>
      tpu.vector_store_idx %arg8[%add3A_1233], %select_n3A_1184 : memref<8192xi32, #tpu.memory_space<vmem>>[vector<16xi32>], vector<16xi32>,
      tpu.vector_store_idx %arg9[%select_n3A_1184], %broadcast_in_dim3A_59 {add = true} : memref<64xf32, #tpu.memory_space<vmem>>[vector<16xi32>], vector<16xf32>,
      %add3A_1234 = arith.constant 7 : i32
      %add3A_1235 = vector.broadcast %add3A_1234 : i32 to vector<16xi32>
      %add3A_1236 = arith.addi %mul3A_1191, %add3A_1235 : vector<16xi32>
      tpu.vector_store_idx %arg7[%add3A_1236], %select_n3A_1183 : memref<8192xf32, #tpu.memory_space<vmem>>[vector<16xi32>], vector<16xf32>,
      %add3A_1237 = arith.constant 7 : i32
      %add3A_1238 = vector.broadcast %add3A_1237 : i32 to vector<16xi32>
      %add3A_1239 = arith.addi %mul3A_1191, %add3A_1238 : vector<16xi32>
      tpu.vector_store_idx %arg8[%add3A_1239], %select_n3A_1185 : memref<8192xi32, #tpu.memory_space<vmem>>[vector<16xi32>], vector<16xi32>,
      tpu.vector_store_idx %arg9[%select_n3A_1185], %broadcast_in_dim3A_59 {add = true} : memref<64xf32, #tpu.memory_space<vmem>>[vector<16xi32>], vector<16xf32>,
    }
    %scan3A_69 = arith.constant 16 : i32
    %mul3A_70 = arith.constant 8 : i32
    %mul3A_71 = arith.muli %mul3A_2, %mul3A_70 : i32
    %add3A_72 = arith.constant 0 : i32
    %add3A_73 = arith.addi %mul3A_71, %add3A_72 : i32
    %dma_start3A_74 = arith.constant 0 : i32
    %dma_start3A_75 = tpu.memref_slice %arg7[%dma_start3A_74] : memref<8192xf32, #tpu.memory_space<vmem>> -> memref<2048xf32, #tpu.memory_space<vmem>>
    %dma_start3A_76 = tpu.memref_slice %arg3[%add3A_73] : memref<262144xf32, #tpu.memory_space<hbm>> -> memref<2048xf32, #tpu.memory_space<hbm>>
    %dma_start3A_77 = tpu.memref_slice %arg3[%add3A_73] : memref<262144xf32, #tpu.memory_space<hbm>> -> memref<2048xf32, #tpu.memory_space<hbm>>
    %dma_start3A_78 = arith.constant 0 : i32
    %dma_start3A_79 = tpu.memref_slice %arg7[%dma_start3A_78] : memref<8192xf32, #tpu.memory_space<vmem>> -> memref<2048xf32, #tpu.memory_space<vmem>>
    tpu.enqueue_dma source(%dma_start3A_79 : memref<2048xf32, #tpu.memory_space<vmem>>) target(%dma_start3A_77 : memref<2048xf32, #tpu.memory_space<hbm>>) target_semaphore(%arg14 : memref<!tpu.dma_semaphore, #tpu.memory_space<semaphore_mem>>)
    %mul3A_80 = arith.constant 8 : i32
    %mul3A_81 = arith.muli %mul3A_2, %mul3A_80 : i32
    %add3A_82 = arith.constant 0 : i32
    %add3A_83 = arith.addi %mul3A_81, %add3A_82 : i32
    %dma_start3A_84 = arith.constant 0 : i32
    %dma_start3A_85 = tpu.memref_slice %arg8[%dma_start3A_84] : memref<8192xi32, #tpu.memory_space<vmem>> -> memref<2048xi32, #tpu.memory_space<vmem>>
    %dma_start3A_86 = tpu.memref_slice %arg4[%add3A_83] : memref<262144xi32, #tpu.memory_space<hbm>> -> memref<2048xi32, #tpu.memory_space<hbm>>
    %dma_start3A_87 = tpu.memref_slice %arg4[%add3A_83] : memref<262144xi32, #tpu.memory_space<hbm>> -> memref<2048xi32, #tpu.memory_space<hbm>>
    %dma_start3A_88 = arith.constant 0 : i32
    %dma_start3A_89 = tpu.memref_slice %arg8[%dma_start3A_88] : memref<8192xi32, #tpu.memory_space<vmem>> -> memref<2048xi32, #tpu.memory_space<vmem>>
    tpu.enqueue_dma source(%dma_start3A_89 : memref<2048xi32, #tpu.memory_space<vmem>>) target(%dma_start3A_87 : memref<2048xi32, #tpu.memory_space<hbm>>) target_semaphore(%arg14 : memref<!tpu.dma_semaphore, #tpu.memory_space<semaphore_mem>>)
    %dma_wait3A_90 = arith.constant 16384 : i32
    %dma_wait3A_91 = tpu.memref_slice %arg6[%dma_wait3A_90] : memref<65536xf32, #tpu.memory_space<vmem>> -> memref<16384xf32, #tpu.memory_space<vmem>>
    %dma_wait3A_92 = tpu.memref_slice %arg2[%mul3A_19] : memref<2097152xf32, #tpu.memory_space<hbm>> -> memref<16384xf32, #tpu.memory_space<hbm>>
    %dma_wait3A_93 = arith.constant 16384 : i32
    %dma_wait3A_94 = tpu.memref_slice %arg6[%dma_wait3A_93] : memref<65536xf32, #tpu.memory_space<vmem>> -> memref<16384xf32, #tpu.memory_space<vmem>>
    %dma_wait3A_95 = tpu.memref_slice %arg2[%mul3A_19] : memref<2097152xf32, #tpu.memory_space<hbm>> -> memref<16384xf32, #tpu.memory_space<hbm>>
    tpu.wait_dma2 semaphore(%arg11 : memref<!tpu.dma_semaphore, #tpu.memory_space<semaphore_mem>>) src(%dma_wait3A_95 : memref<16384xf32, #tpu.memory_space<hbm>>) dst(%dma_wait3A_94 : memref<16384xf32, #tpu.memory_space<vmem>>)
    %scan3A_96 = arith.constant 0 : i32
    %scan3A_97 = arith.constant 0 : i32
    %scan3A_98 = arith.constant 16 : i32
    %scan3A_99 = arith.addi %scan3A_97, %scan3A_98 : i32
    %scan3A_100 = arith.constant 1 : i32
    scf.for %scan3A_234 = %scan3A_97 to %scan3A_99 step %scan3A_100  : i32 {
      %mul3A_235 = arith.constant 16 : i32
      %mul3A_236 = arith.muli %scan3A_234, %mul3A_235 : i32
      %add3A_237 = vector.broadcast %mul3A_236 : i32 to vector<16xi32>
      %add3A_238 = arith.addi %add3A_237, %iota3A : vector<16xi32>
      %add3A_239 = arith.constant 16384 : i32
      %add3A_240 = arith.addi %add3A_239, %mul3A_236 : i32
      %get3A = arith.index_cast %add3A_240 : i32 to index
      %get3A_241 = tpu.vector_load %arg6[%get3A] {strides = array<i32>} : memref<65536xf32, #tpu.memory_space<vmem>>, vector<16xf32>,
      %add3A_242 = arith.constant 16640 : i32
      %add3A_243 = arith.addi %add3A_242, %mul3A_236 : i32
      %get3A_244 = arith.index_cast %add3A_243 : i32 to index
      %get3A_245 = tpu.vector_load %arg6[%get3A_244] {strides = array<i32>} : memref<65536xf32, #tpu.memory_space<vmem>>, vector<16xf32>,
      %max3A = arith.maximumf %get3A_241, %get3A_245 : vector<16xf32>
      %add3A_246 = arith.constant 16896 : i32
      %add3A_247 = arith.addi %add3A_246, %mul3A_236 : i32
      %get3A_248 = arith.index_cast %add3A_247 : i32 to index
      %get3A_249 = tpu.vector_load %arg6[%get3A_248] {strides = array<i32>} : memref<65536xf32, #tpu.memory_space<vmem>>, vector<16xf32>,
      %max3A_250 = arith.maximumf %max3A, %get3A_249 : vector<16xf32>
      %add3A_251 = arith.constant 17152 : i32
      %add3A_252 = arith.addi %add3A_251, %mul3A_236 : i32
      %get3A_253 = arith.index_cast %add3A_252 : i32 to index
      %get3A_254 = tpu.vector_load %arg6[%get3A_253] {strides = array<i32>} : memref<65536xf32, #tpu.memory_space<vmem>>, vector<16xf32>,
      %max3A_255 = arith.maximumf %max3A_250, %get3A_254 : vector<16xf32>
      %add3A_256 = arith.constant 17408 : i32
      %add3A_257 = arith.addi %add3A_256, %mul3A_236 : i32
      %get3A_258 = arith.index_cast %add3A_257 : i32 to index
      %get3A_259 = tpu.vector_load %arg6[%get3A_258] {strides = array<i32>} : memref<65536xf32, #tpu.memory_space<vmem>>, vector<16xf32>,
      %max3A_260 = arith.maximumf %max3A_255, %get3A_259 : vector<16xf32>
      %add3A_261 = arith.constant 17664 : i32
      %add3A_262 = arith.addi %add3A_261, %mul3A_236 : i32
      %get3A_263 = arith.index_cast %add3A_262 : i32 to index
      %get3A_264 = tpu.vector_load %arg6[%get3A_263] {strides = array<i32>} : memref<65536xf32, #tpu.memory_space<vmem>>, vector<16xf32>,
      %max3A_265 = arith.maximumf %max3A_260, %get3A_264 : vector<16xf32>
      %add3A_266 = arith.constant 17920 : i32
      %add3A_267 = arith.addi %add3A_266, %mul3A_236 : i32
      %get3A_268 = arith.index_cast %add3A_267 : i32 to index
      %get3A_269 = tpu.vector_load %arg6[%get3A_268] {strides = array<i32>} : memref<65536xf32, #tpu.memory_space<vmem>>, vector<16xf32>,
      %max3A_270 = arith.maximumf %max3A_265, %get3A_269 : vector<16xf32>
      %add3A_271 = arith.constant 18176 : i32
      %add3A_272 = arith.addi %add3A_271, %mul3A_236 : i32
      %get3A_273 = arith.index_cast %add3A_272 : i32 to index
      %get3A_274 = tpu.vector_load %arg6[%get3A_273] {strides = array<i32>} : memref<65536xf32, #tpu.memory_space<vmem>>, vector<16xf32>,
      %max3A_275 = arith.maximumf %max3A_270, %get3A_274 : vector<16xf32>
      %add3A_276 = arith.constant 18432 : i32
      %add3A_277 = arith.addi %add3A_276, %mul3A_236 : i32
      %get3A_278 = arith.index_cast %add3A_277 : i32 to index
      %get3A_279 = tpu.vector_load %arg6[%get3A_278] {strides = array<i32>} : memref<65536xf32, #tpu.memory_space<vmem>>, vector<16xf32>,
      %add3A_280 = arith.constant 18688 : i32
      %add3A_281 = arith.addi %add3A_280, %mul3A_236 : i32
      %get3A_282 = arith.index_cast %add3A_281 : i32 to index
      %get3A_283 = tpu.vector_load %arg6[%get3A_282] {strides = array<i32>} : memref<65536xf32, #tpu.memory_space<vmem>>, vector<16xf32>,
      %max3A_284 = arith.maximumf %get3A_279, %get3A_283 : vector<16xf32>
      %add3A_285 = arith.constant 18944 : i32
      %add3A_286 = arith.addi %add3A_285, %mul3A_236 : i32
      %get3A_287 = arith.index_cast %add3A_286 : i32 to index
      %get3A_288 = tpu.vector_load %arg6[%get3A_287] {strides = array<i32>} : memref<65536xf32, #tpu.memory_space<vmem>>, vector<16xf32>,
      %max3A_289 = arith.maximumf %max3A_284, %get3A_288 : vector<16xf32>
      %add3A_290 = arith.constant 19200 : i32
      %add3A_291 = arith.addi %add3A_290, %mul3A_236 : i32
      %get3A_292 = arith.index_cast %add3A_291 : i32 to index
      %get3A_293 = tpu.vector_load %arg6[%get3A_292] {strides = array<i32>} : memref<65536xf32, #tpu.memory_space<vmem>>, vector<16xf32>,
      %max3A_294 = arith.maximumf %max3A_289, %get3A_293 : vector<16xf32>
      %add3A_295 = arith.constant 19456 : i32
      %add3A_296 = arith.addi %add3A_295, %mul3A_236 : i32
      %get3A_297 = arith.index_cast %add3A_296 : i32 to index
      %get3A_298 = tpu.vector_load %arg6[%get3A_297] {strides = array<i32>} : memref<65536xf32, #tpu.memory_space<vmem>>, vector<16xf32>,
      %max3A_299 = arith.maximumf %max3A_294, %get3A_298 : vector<16xf32>
      %add3A_300 = arith.constant 19712 : i32
      %add3A_301 = arith.addi %add3A_300, %mul3A_236 : i32
      %get3A_302 = arith.index_cast %add3A_301 : i32 to index
      %get3A_303 = tpu.vector_load %arg6[%get3A_302] {strides = array<i32>} : memref<65536xf32, #tpu.memory_space<vmem>>, vector<16xf32>,
      %max3A_304 = arith.maximumf %max3A_299, %get3A_303 : vector<16xf32>
      %add3A_305 = arith.constant 19968 : i32
      %add3A_306 = arith.addi %add3A_305, %mul3A_236 : i32
      %get3A_307 = arith.index_cast %add3A_306 : i32 to index
      %get3A_308 = tpu.vector_load %arg6[%get3A_307] {strides = array<i32>} : memref<65536xf32, #tpu.memory_space<vmem>>, vector<16xf32>,
      %max3A_309 = arith.maximumf %max3A_304, %get3A_308 : vector<16xf32>
      %add3A_310 = arith.constant 20224 : i32
      %add3A_311 = arith.addi %add3A_310, %mul3A_236 : i32
      %get3A_312 = arith.index_cast %add3A_311 : i32 to index
      %get3A_313 = tpu.vector_load %arg6[%get3A_312] {strides = array<i32>} : memref<65536xf32, #tpu.memory_space<vmem>>, vector<16xf32>,
      %max3A_314 = arith.maximumf %max3A_309, %get3A_313 : vector<16xf32>
      %add3A_315 = arith.constant 20480 : i32
      %add3A_316 = arith.addi %add3A_315, %mul3A_236 : i32
      %get3A_317 = arith.index_cast %add3A_316 : i32 to index
      %get3A_318 = tpu.vector_load %arg6[%get3A_317] {strides = array<i32>} : memref<65536xf32, #tpu.memory_space<vmem>>, vector<16xf32>,
      %add3A_319 = arith.constant 20736 : i32
      %add3A_320 = arith.addi %add3A_319, %mul3A_236 : i32
      %get3A_321 = arith.index_cast %add3A_320 : i32 to index
      %get3A_322 = tpu.vector_load %arg6[%get3A_321] {strides = array<i32>} : memref<65536xf32, #tpu.memory_space<vmem>>, vector<16xf32>,
      %max3A_323 = arith.maximumf %get3A_318, %get3A_322 : vector<16xf32>
      %add3A_324 = arith.constant 20992 : i32
      %add3A_325 = arith.addi %add3A_324, %mul3A_236 : i32
      %get3A_326 = arith.index_cast %add3A_325 : i32 to index
      %get3A_327 = tpu.vector_load %arg6[%get3A_326] {strides = array<i32>} : memref<65536xf32, #tpu.memory_space<vmem>>, vector<16xf32>,
      %max3A_328 = arith.maximumf %max3A_323, %get3A_327 : vector<16xf32>
      %add3A_329 = arith.constant 21248 : i32
      %add3A_330 = arith.addi %add3A_329, %mul3A_236 : i32
      %get3A_331 = arith.index_cast %add3A_330 : i32 to index
      %get3A_332 = tpu.vector_load %arg6[%get3A_331] {strides = array<i32>} : memref<65536xf32, #tpu.memory_space<vmem>>, vector<16xf32>,
      %max3A_333 = arith.maximumf %max3A_328, %get3A_332 : vector<16xf32>
      %add3A_334 = arith.constant 21504 : i32
      %add3A_335 = arith.addi %add3A_334, %mul3A_236 : i32
      %get3A_336 = arith.index_cast %add3A_335 : i32 to index
      %get3A_337 = tpu.vector_load %arg6[%get3A_336] {strides = array<i32>} : memref<65536xf32, #tpu.memory_space<vmem>>, vector<16xf32>,
      %max3A_338 = arith.maximumf %max3A_333, %get3A_337 : vector<16xf32>
      %add3A_339 = arith.constant 21760 : i32
      %add3A_340 = arith.addi %add3A_339, %mul3A_236 : i32
      %get3A_341 = arith.index_cast %add3A_340 : i32 to index
      %get3A_342 = tpu.vector_load %arg6[%get3A_341] {strides = array<i32>} : memref<65536xf32, #tpu.memory_space<vmem>>, vector<16xf32>,
      %max3A_343 = arith.maximumf %max3A_338, %get3A_342 : vector<16xf32>
      %add3A_344 = arith.constant 22016 : i32
      %add3A_345 = arith.addi %add3A_344, %mul3A_236 : i32
      %get3A_346 = arith.index_cast %add3A_345 : i32 to index
      %get3A_347 = tpu.vector_load %arg6[%get3A_346] {strides = array<i32>} : memref<65536xf32, #tpu.memory_space<vmem>>, vector<16xf32>,
      %max3A_348 = arith.maximumf %max3A_343, %get3A_347 : vector<16xf32>
      %add3A_349 = arith.constant 22272 : i32
      %add3A_350 = arith.addi %add3A_349, %mul3A_236 : i32
      %get3A_351 = arith.index_cast %add3A_350 : i32 to index
      %get3A_352 = tpu.vector_load %arg6[%get3A_351] {strides = array<i32>} : memref<65536xf32, #tpu.memory_space<vmem>>, vector<16xf32>,
      %max3A_353 = arith.maximumf %max3A_348, %get3A_352 : vector<16xf32>
      %add3A_354 = arith.constant 22528 : i32
      %add3A_355 = arith.addi %add3A_354, %mul3A_236 : i32
      %get3A_356 = arith.index_cast %add3A_355 : i32 to index
      %get3A_357 = tpu.vector_load %arg6[%get3A_356] {strides = array<i32>} : memref<65536xf32, #tpu.memory_space<vmem>>, vector<16xf32>,
      %add3A_358 = arith.constant 22784 : i32
      %add3A_359 = arith.addi %add3A_358, %mul3A_236 : i32
      %get3A_360 = arith.index_cast %add3A_359 : i32 to index
      %get3A_361 = tpu.vector_load %arg6[%get3A_360] {strides = array<i32>} : memref<65536xf32, #tpu.memory_space<vmem>>, vector<16xf32>,
      %max3A_362 = arith.maximumf %get3A_357, %get3A_361 : vector<16xf32>
      %add3A_363 = arith.constant 23040 : i32
      %add3A_364 = arith.addi %add3A_363, %mul3A_236 : i32
      %get3A_365 = arith.index_cast %add3A_364 : i32 to index
      %get3A_366 = tpu.vector_load %arg6[%get3A_365] {strides = array<i32>} : memref<65536xf32, #tpu.memory_space<vmem>>, vector<16xf32>,
      %max3A_367 = arith.maximumf %max3A_362, %get3A_366 : vector<16xf32>
      %add3A_368 = arith.constant 23296 : i32
      %add3A_369 = arith.addi %add3A_368, %mul3A_236 : i32
      %get3A_370 = arith.index_cast %add3A_369 : i32 to index
      %get3A_371 = tpu.vector_load %arg6[%get3A_370] {strides = array<i32>} : memref<65536xf32, #tpu.memory_space<vmem>>, vector<16xf32>,
      %max3A_372 = arith.maximumf %max3A_367, %get3A_371 : vector<16xf32>
      %add3A_373 = arith.constant 23552 : i32
      %add3A_374 = arith.addi %add3A_373, %mul3A_236 : i32
      %get3A_375 = arith.index_cast %add3A_374 : i32 to index
      %get3A_376 = tpu.vector_load %arg6[%get3A_375] {strides = array<i32>} : memref<65536xf32, #tpu.memory_space<vmem>>, vector<16xf32>,
      %max3A_377 = arith.maximumf %max3A_372, %get3A_376 : vector<16xf32>
      %add3A_378 = arith.constant 23808 : i32
      %add3A_379 = arith.addi %add3A_378, %mul3A_236 : i32
      %get3A_380 = arith.index_cast %add3A_379 : i32 to index
      %get3A_381 = tpu.vector_load %arg6[%get3A_380] {strides = array<i32>} : memref<65536xf32, #tpu.memory_space<vmem>>, vector<16xf32>,
      %max3A_382 = arith.maximumf %max3A_377, %get3A_381 : vector<16xf32>
      %add3A_383 = arith.constant 24064 : i32
      %add3A_384 = arith.addi %add3A_383, %mul3A_236 : i32
      %get3A_385 = arith.index_cast %add3A_384 : i32 to index
      %get3A_386 = tpu.vector_load %arg6[%get3A_385] {strides = array<i32>} : memref<65536xf32, #tpu.memory_space<vmem>>, vector<16xf32>,
      %max3A_387 = arith.maximumf %max3A_382, %get3A_386 : vector<16xf32>
      %add3A_388 = arith.constant 24320 : i32
      %add3A_389 = arith.addi %add3A_388, %mul3A_236 : i32
      %get3A_390 = arith.index_cast %add3A_389 : i32 to index
      %get3A_391 = tpu.vector_load %arg6[%get3A_390] {strides = array<i32>} : memref<65536xf32, #tpu.memory_space<vmem>>, vector<16xf32>,
      %max3A_392 = arith.maximumf %max3A_387, %get3A_391 : vector<16xf32>
      %add3A_393 = arith.constant 24576 : i32
      %add3A_394 = arith.addi %add3A_393, %mul3A_236 : i32
      %get3A_395 = arith.index_cast %add3A_394 : i32 to index
      %get3A_396 = tpu.vector_load %arg6[%get3A_395] {strides = array<i32>} : memref<65536xf32, #tpu.memory_space<vmem>>, vector<16xf32>,
      %add3A_397 = arith.constant 24832 : i32
      %add3A_398 = arith.addi %add3A_397, %mul3A_236 : i32
      %get3A_399 = arith.index_cast %add3A_398 : i32 to index
      %get3A_400 = tpu.vector_load %arg6[%get3A_399] {strides = array<i32>} : memref<65536xf32, #tpu.memory_space<vmem>>, vector<16xf32>,
      %max3A_401 = arith.maximumf %get3A_396, %get3A_400 : vector<16xf32>
      %add3A_402 = arith.constant 25088 : i32
      %add3A_403 = arith.addi %add3A_402, %mul3A_236 : i32
      %get3A_404 = arith.index_cast %add3A_403 : i32 to index
      %get3A_405 = tpu.vector_load %arg6[%get3A_404] {strides = array<i32>} : memref<65536xf32, #tpu.memory_space<vmem>>, vector<16xf32>,
      %max3A_406 = arith.maximumf %max3A_401, %get3A_405 : vector<16xf32>
      %add3A_407 = arith.constant 25344 : i32
      %add3A_408 = arith.addi %add3A_407, %mul3A_236 : i32
      %get3A_409 = arith.index_cast %add3A_408 : i32 to index
      %get3A_410 = tpu.vector_load %arg6[%get3A_409] {strides = array<i32>} : memref<65536xf32, #tpu.memory_space<vmem>>, vector<16xf32>,
      %max3A_411 = arith.maximumf %max3A_406, %get3A_410 : vector<16xf32>
      %add3A_412 = arith.constant 25600 : i32
      %add3A_413 = arith.addi %add3A_412, %mul3A_236 : i32
      %get3A_414 = arith.index_cast %add3A_413 : i32 to index
      %get3A_415 = tpu.vector_load %arg6[%get3A_414] {strides = array<i32>} : memref<65536xf32, #tpu.memory_space<vmem>>, vector<16xf32>,
      %max3A_416 = arith.maximumf %max3A_411, %get3A_415 : vector<16xf32>
      %add3A_417 = arith.constant 25856 : i32
      %add3A_418 = arith.addi %add3A_417, %mul3A_236 : i32
      %get3A_419 = arith.index_cast %add3A_418 : i32 to index
      %get3A_420 = tpu.vector_load %arg6[%get3A_419] {strides = array<i32>} : memref<65536xf32, #tpu.memory_space<vmem>>, vector<16xf32>,
      %max3A_421 = arith.maximumf %max3A_416, %get3A_420 : vector<16xf32>
      %add3A_422 = arith.constant 26112 : i32
      %add3A_423 = arith.addi %add3A_422, %mul3A_236 : i32
      %get3A_424 = arith.index_cast %add3A_423 : i32 to index
      %get3A_425 = tpu.vector_load %arg6[%get3A_424] {strides = array<i32>} : memref<65536xf32, #tpu.memory_space<vmem>>, vector<16xf32>,
      %max3A_426 = arith.maximumf %max3A_421, %get3A_425 : vector<16xf32>
      %add3A_427 = arith.constant 26368 : i32
      %add3A_428 = arith.addi %add3A_427, %mul3A_236 : i32
      %get3A_429 = arith.index_cast %add3A_428 : i32 to index
      %get3A_430 = tpu.vector_load %arg6[%get3A_429] {strides = array<i32>} : memref<65536xf32, #tpu.memory_space<vmem>>, vector<16xf32>,
      %max3A_431 = arith.maximumf %max3A_426, %get3A_430 : vector<16xf32>
      %add3A_432 = arith.constant 26624 : i32
      %add3A_433 = arith.addi %add3A_432, %mul3A_236 : i32
      %get3A_434 = arith.index_cast %add3A_433 : i32 to index
      %get3A_435 = tpu.vector_load %arg6[%get3A_434] {strides = array<i32>} : memref<65536xf32, #tpu.memory_space<vmem>>, vector<16xf32>,
      %add3A_436 = arith.constant 26880 : i32
      %add3A_437 = arith.addi %add3A_436, %mul3A_236 : i32
      %get3A_438 = arith.index_cast %add3A_437 : i32 to index
      %get3A_439 = tpu.vector_load %arg6[%get3A_438] {strides = array<i32>} : memref<65536xf32, #tpu.memory_space<vmem>>, vector<16xf32>,
      %max3A_440 = arith.maximumf %get3A_435, %get3A_439 : vector<16xf32>
      %add3A_441 = arith.constant 27136 : i32
      %add3A_442 = arith.addi %add3A_441, %mul3A_236 : i32
      %get3A_443 = arith.index_cast %add3A_442 : i32 to index
      %get3A_444 = tpu.vector_load %arg6[%get3A_443] {strides = array<i32>} : memref<65536xf32, #tpu.memory_space<vmem>>, vector<16xf32>,
      %max3A_445 = arith.maximumf %max3A_440, %get3A_444 : vector<16xf32>
      %add3A_446 = arith.constant 27392 : i32
      %add3A_447 = arith.addi %add3A_446, %mul3A_236 : i32
      %get3A_448 = arith.index_cast %add3A_447 : i32 to index
      %get3A_449 = tpu.vector_load %arg6[%get3A_448] {strides = array<i32>} : memref<65536xf32, #tpu.memory_space<vmem>>, vector<16xf32>,
      %max3A_450 = arith.maximumf %max3A_445, %get3A_449 : vector<16xf32>
      %add3A_451 = arith.constant 27648 : i32
      %add3A_452 = arith.addi %add3A_451, %mul3A_236 : i32
      %get3A_453 = arith.index_cast %add3A_452 : i32 to index
      %get3A_454 = tpu.vector_load %arg6[%get3A_453] {strides = array<i32>} : memref<65536xf32, #tpu.memory_space<vmem>>, vector<16xf32>,
      %max3A_455 = arith.maximumf %max3A_450, %get3A_454 : vector<16xf32>
      %add3A_456 = arith.constant 27904 : i32
      %add3A_457 = arith.addi %add3A_456, %mul3A_236 : i32
      %get3A_458 = arith.index_cast %add3A_457 : i32 to index
      %get3A_459 = tpu.vector_load %arg6[%get3A_458] {strides = array<i32>} : memref<65536xf32, #tpu.memory_space<vmem>>, vector<16xf32>,
      %max3A_460 = arith.maximumf %max3A_455, %get3A_459 : vector<16xf32>
      %add3A_461 = arith.constant 28160 : i32
      %add3A_462 = arith.addi %add3A_461, %mul3A_236 : i32
      %get3A_463 = arith.index_cast %add3A_462 : i32 to index
      %get3A_464 = tpu.vector_load %arg6[%get3A_463] {strides = array<i32>} : memref<65536xf32, #tpu.memory_space<vmem>>, vector<16xf32>,
      %max3A_465 = arith.maximumf %max3A_460, %get3A_464 : vector<16xf32>
      %add3A_466 = arith.constant 28416 : i32
      %add3A_467 = arith.addi %add3A_466, %mul3A_236 : i32
      %get3A_468 = arith.index_cast %add3A_467 : i32 to index
      %get3A_469 = tpu.vector_load %arg6[%get3A_468] {strides = array<i32>} : memref<65536xf32, #tpu.memory_space<vmem>>, vector<16xf32>,
      %max3A_470 = arith.maximumf %max3A_465, %get3A_469 : vector<16xf32>
      %add3A_471 = arith.constant 28672 : i32
      %add3A_472 = arith.addi %add3A_471, %mul3A_236 : i32
      %get3A_473 = arith.index_cast %add3A_472 : i32 to index
      %get3A_474 = tpu.vector_load %arg6[%get3A_473] {strides = array<i32>} : memref<65536xf32, #tpu.memory_space<vmem>>, vector<16xf32>,
      %add3A_475 = arith.constant 28928 : i32
      %add3A_476 = arith.addi %add3A_475, %mul3A_236 : i32
      %get3A_477 = arith.index_cast %add3A_476 : i32 to index
      %get3A_478 = tpu.vector_load %arg6[%get3A_477] {strides = array<i32>} : memref<65536xf32, #tpu.memory_space<vmem>>, vector<16xf32>,
      %max3A_479 = arith.maximumf %get3A_474, %get3A_478 : vector<16xf32>
      %add3A_480 = arith.constant 29184 : i32
      %add3A_481 = arith.addi %add3A_480, %mul3A_236 : i32
      %get3A_482 = arith.index_cast %add3A_481 : i32 to index
      %get3A_483 = tpu.vector_load %arg6[%get3A_482] {strides = array<i32>} : memref<65536xf32, #tpu.memory_space<vmem>>, vector<16xf32>,
      %max3A_484 = arith.maximumf %max3A_479, %get3A_483 : vector<16xf32>
      %add3A_485 = arith.constant 29440 : i32
      %add3A_486 = arith.addi %add3A_485, %mul3A_236 : i32
      %get3A_487 = arith.index_cast %add3A_486 : i32 to index
      %get3A_488 = tpu.vector_load %arg6[%get3A_487] {strides = array<i32>} : memref<65536xf32, #tpu.memory_space<vmem>>, vector<16xf32>,
      %max3A_489 = arith.maximumf %max3A_484, %get3A_488 : vector<16xf32>
      %add3A_490 = arith.constant 29696 : i32
      %add3A_491 = arith.addi %add3A_490, %mul3A_236 : i32
      %get3A_492 = arith.index_cast %add3A_491 : i32 to index
      %get3A_493 = tpu.vector_load %arg6[%get3A_492] {strides = array<i32>} : memref<65536xf32, #tpu.memory_space<vmem>>, vector<16xf32>,
      %max3A_494 = arith.maximumf %max3A_489, %get3A_493 : vector<16xf32>
      %add3A_495 = arith.constant 29952 : i32
      %add3A_496 = arith.addi %add3A_495, %mul3A_236 : i32
      %get3A_497 = arith.index_cast %add3A_496 : i32 to index
      %get3A_498 = tpu.vector_load %arg6[%get3A_497] {strides = array<i32>} : memref<65536xf32, #tpu.memory_space<vmem>>, vector<16xf32>,
      %max3A_499 = arith.maximumf %max3A_494, %get3A_498 : vector<16xf32>
      %add3A_500 = arith.constant 30208 : i32
      %add3A_501 = arith.addi %add3A_500, %mul3A_236 : i32
      %get3A_502 = arith.index_cast %add3A_501 : i32 to index
      %get3A_503 = tpu.vector_load %arg6[%get3A_502] {strides = array<i32>} : memref<65536xf32, #tpu.memory_space<vmem>>, vector<16xf32>,
      %max3A_504 = arith.maximumf %max3A_499, %get3A_503 : vector<16xf32>
      %add3A_505 = arith.constant 30464 : i32
      %add3A_506 = arith.addi %add3A_505, %mul3A_236 : i32
      %get3A_507 = arith.index_cast %add3A_506 : i32 to index
      %get3A_508 = tpu.vector_load %arg6[%get3A_507] {strides = array<i32>} : memref<65536xf32, #tpu.memory_space<vmem>>, vector<16xf32>,
      %max3A_509 = arith.maximumf %max3A_504, %get3A_508 : vector<16xf32>
      %add3A_510 = arith.constant 30720 : i32
      %add3A_511 = arith.addi %add3A_510, %mul3A_236 : i32
      %get3A_512 = arith.index_cast %add3A_511 : i32 to index
      %get3A_513 = tpu.vector_load %arg6[%get3A_512] {strides = array<i32>} : memref<65536xf32, #tpu.memory_space<vmem>>, vector<16xf32>,
      %add3A_514 = arith.constant 30976 : i32
      %add3A_515 = arith.addi %add3A_514, %mul3A_236 : i32
      %get3A_516 = arith.index_cast %add3A_515 : i32 to index
      %get3A_517 = tpu.vector_load %arg6[%get3A_516] {strides = array<i32>} : memref<65536xf32, #tpu.memory_space<vmem>>, vector<16xf32>,
      %max3A_518 = arith.maximumf %get3A_513, %get3A_517 : vector<16xf32>
      %add3A_519 = arith.constant 31232 : i32
      %add3A_520 = arith.addi %add3A_519, %mul3A_236 : i32
      %get3A_521 = arith.index_cast %add3A_520 : i32 to index
      %get3A_522 = tpu.vector_load %arg6[%get3A_521] {strides = array<i32>} : memref<65536xf32, #tpu.memory_space<vmem>>, vector<16xf32>,
      %max3A_523 = arith.maximumf %max3A_518, %get3A_522 : vector<16xf32>
      %add3A_524 = arith.constant 31488 : i32
      %add3A_525 = arith.addi %add3A_524, %mul3A_236 : i32
      %get3A_526 = arith.index_cast %add3A_525 : i32 to index
      %get3A_527 = tpu.vector_load %arg6[%get3A_526] {strides = array<i32>} : memref<65536xf32, #tpu.memory_space<vmem>>, vector<16xf32>,
      %max3A_528 = arith.maximumf %max3A_523, %get3A_527 : vector<16xf32>
      %add3A_529 = arith.constant 31744 : i32
      %add3A_530 = arith.addi %add3A_529, %mul3A_236 : i32
      %get3A_531 = arith.index_cast %add3A_530 : i32 to index
      %get3A_532 = tpu.vector_load %arg6[%get3A_531] {strides = array<i32>} : memref<65536xf32, #tpu.memory_space<vmem>>, vector<16xf32>,
      %max3A_533 = arith.maximumf %max3A_528, %get3A_532 : vector<16xf32>
      %add3A_534 = arith.constant 32000 : i32
      %add3A_535 = arith.addi %add3A_534, %mul3A_236 : i32
      %get3A_536 = arith.index_cast %add3A_535 : i32 to index
      %get3A_537 = tpu.vector_load %arg6[%get3A_536] {strides = array<i32>} : memref<65536xf32, #tpu.memory_space<vmem>>, vector<16xf32>,
      %max3A_538 = arith.maximumf %max3A_533, %get3A_537 : vector<16xf32>
      %add3A_539 = arith.constant 32256 : i32
      %add3A_540 = arith.addi %add3A_539, %mul3A_236 : i32
      %get3A_541 = arith.index_cast %add3A_540 : i32 to index
      %get3A_542 = tpu.vector_load %arg6[%get3A_541] {strides = array<i32>} : memref<65536xf32, #tpu.memory_space<vmem>>, vector<16xf32>,
      %max3A_543 = arith.maximumf %max3A_538, %get3A_542 : vector<16xf32>
      %add3A_544 = arith.constant 32512 : i32
      %add3A_545 = arith.addi %add3A_544, %mul3A_236 : i32
      %get3A_546 = arith.index_cast %add3A_545 : i32 to index
      %get3A_547 = tpu.vector_load %arg6[%get3A_546] {strides = array<i32>} : memref<65536xf32, #tpu.memory_space<vmem>>, vector<16xf32>,
      %max3A_548 = arith.maximumf %max3A_543, %get3A_547 : vector<16xf32>
      %broadcast_in_dim3A_549 = arith.constant 0 : i32
      %broadcast_in_dim3A_550 = vector.broadcast %broadcast_in_dim3A_549 : i32 to vector<16xi32>
      %gt3A = arith.cmpf ogt, %max3A_314, %max3A_275 : vector<16xf32>
      %select_n3A = arith.select %gt3A, %max3A_314, %max3A_275 : vector<16xi1>, vector<16xf32>
      %jit3A = arith.constant 1 : i32
      %broadcast_in_dim3A_551 = vector.broadcast %jit3A : i32 to vector<16xi32>
      %select_n3A_552 = arith.select %gt3A, %broadcast_in_dim3A_551, %broadcast_in_dim3A_550 : vector<16xi1>, vector<16xi32>
      %gt3A_553 = arith.cmpf ogt, %max3A_353, %select_n3A : vector<16xf32>
      %select_n3A_554 = arith.select %gt3A_553, %max3A_353, %select_n3A : vector<16xi1>, vector<16xf32>
      %jit3A_555 = arith.constant 2 : i32
      %broadcast_in_dim3A_556 = vector.broadcast %jit3A_555 : i32 to vector<16xi32>
      %select_n3A_557 = arith.select %gt3A_553, %broadcast_in_dim3A_556, %select_n3A_552 : vector<16xi1>, vector<16xi32>
      %gt3A_558 = arith.cmpf ogt, %max3A_392, %select_n3A_554 : vector<16xf32>
      %select_n3A_559 = arith.select %gt3A_558, %max3A_392, %select_n3A_554 : vector<16xi1>, vector<16xf32>
      %jit3A_560 = arith.constant 3 : i32
      %broadcast_in_dim3A_561 = vector.broadcast %jit3A_560 : i32 to vector<16xi32>
      %select_n3A_562 = arith.select %gt3A_558, %broadcast_in_dim3A_561, %select_n3A_557 : vector<16xi1>, vector<16xi32>
      %gt3A_563 = arith.cmpf ogt, %max3A_431, %select_n3A_559 : vector<16xf32>
      %select_n3A_564 = arith.select %gt3A_563, %max3A_431, %select_n3A_559 : vector<16xi1>, vector<16xf32>
      %jit3A_565 = arith.constant 4 : i32
      %broadcast_in_dim3A_566 = vector.broadcast %jit3A_565 : i32 to vector<16xi32>
      %select_n3A_567 = arith.select %gt3A_563, %broadcast_in_dim3A_566, %select_n3A_562 : vector<16xi1>, vector<16xi32>
      %gt3A_568 = arith.cmpf ogt, %max3A_470, %select_n3A_564 : vector<16xf32>
      %select_n3A_569 = arith.select %gt3A_568, %max3A_470, %select_n3A_564 : vector<16xi1>, vector<16xf32>
      %jit3A_570 = arith.constant 5 : i32
      %broadcast_in_dim3A_571 = vector.broadcast %jit3A_570 : i32 to vector<16xi32>
      %select_n3A_572 = arith.select %gt3A_568, %broadcast_in_dim3A_571, %select_n3A_567 : vector<16xi1>, vector<16xi32>
      %gt3A_573 = arith.cmpf ogt, %max3A_509, %select_n3A_569 : vector<16xf32>
      %select_n3A_574 = arith.select %gt3A_573, %max3A_509, %select_n3A_569 : vector<16xi1>, vector<16xf32>
      %jit3A_575 = arith.constant 6 : i32
      %broadcast_in_dim3A_576 = vector.broadcast %jit3A_575 : i32 to vector<16xi32>
      %select_n3A_577 = arith.select %gt3A_573, %broadcast_in_dim3A_576, %select_n3A_572 : vector<16xi1>, vector<16xi32>
      %gt3A_578 = arith.cmpf ogt, %max3A_548, %select_n3A_574 : vector<16xf32>
      %select_n3A_579 = arith.select %gt3A_578, %max3A_548, %select_n3A_574 : vector<16xi1>, vector<16xf32>
      %jit3A_580 = arith.constant 7 : i32
      %broadcast_in_dim3A_581 = vector.broadcast %jit3A_580 : i32 to vector<16xi32>
      %select_n3A_582 = arith.select %gt3A_578, %broadcast_in_dim3A_581, %select_n3A_577 : vector<16xi1>, vector<16xi32>
      %broadcast_in_dim3A_583 = arith.constant 0xFF800000 : f32
      %broadcast_in_dim3A_584 = vector.broadcast %broadcast_in_dim3A_583 : f32 to vector<16xf32>
      %broadcast_in_dim3A_585 = arith.constant 0 : i32
      %broadcast_in_dim3A_586 = vector.broadcast %broadcast_in_dim3A_585 : i32 to vector<16xi32>
      %ne3A = arith.constant 0 : i32
      %ne3A_587 = vector.broadcast %ne3A : i32 to vector<16xi32>
      %ne3A_588 = arith.cmpi ne, %select_n3A_582, %ne3A_587 : vector<16xi32>
      %gt3A_589 = arith.cmpf ogt, %max3A_275, %broadcast_in_dim3A_584 : vector<16xf32>
      %and3A = arith.andi %ne3A_588, %gt3A_589 : vector<16xi1>
      %select_n3A_590 = arith.select %and3A, %max3A_275, %broadcast_in_dim3A_584 : vector<16xi1>, vector<16xf32>
      %jit3A_591 = arith.constant 0 : i32
      %broadcast_in_dim3A_592 = vector.broadcast %jit3A_591 : i32 to vector<16xi32>
      %select_n3A_593 = arith.select %and3A, %broadcast_in_dim3A_592, %broadcast_in_dim3A_586 : vector<16xi1>, vector<16xi32>
      %ne3A_594 = arith.constant 1 : i32
      %ne3A_595 = vector.broadcast %ne3A_594 : i32 to vector<16xi32>
      %ne3A_596 = arith.cmpi ne, %select_n3A_582, %ne3A_595 : vector<16xi32>
      %gt3A_597 = arith.cmpf ogt, %max3A_314, %select_n3A_590 : vector<16xf32>
      %and3A_598 = arith.andi %ne3A_596, %gt3A_597 : vector<16xi1>
      %select_n3A_599 = arith.select %and3A_598, %max3A_314, %select_n3A_590 : vector<16xi1>, vector<16xf32>
      %jit3A_600 = arith.constant 1 : i32
      %broadcast_in_dim3A_601 = vector.broadcast %jit3A_600 : i32 to vector<16xi32>
      %select_n3A_602 = arith.select %and3A_598, %broadcast_in_dim3A_601, %select_n3A_593 : vector<16xi1>, vector<16xi32>
      %ne3A_603 = arith.constant 2 : i32
      %ne3A_604 = vector.broadcast %ne3A_603 : i32 to vector<16xi32>
      %ne3A_605 = arith.cmpi ne, %select_n3A_582, %ne3A_604 : vector<16xi32>
      %gt3A_606 = arith.cmpf ogt, %max3A_353, %select_n3A_599 : vector<16xf32>
      %and3A_607 = arith.andi %ne3A_605, %gt3A_606 : vector<16xi1>
      %select_n3A_608 = arith.select %and3A_607, %max3A_353, %select_n3A_599 : vector<16xi1>, vector<16xf32>
      %jit3A_609 = arith.constant 2 : i32
      %broadcast_in_dim3A_610 = vector.broadcast %jit3A_609 : i32 to vector<16xi32>
      %select_n3A_611 = arith.select %and3A_607, %broadcast_in_dim3A_610, %select_n3A_602 : vector<16xi1>, vector<16xi32>
      %ne3A_612 = arith.constant 3 : i32
      %ne3A_613 = vector.broadcast %ne3A_612 : i32 to vector<16xi32>
      %ne3A_614 = arith.cmpi ne, %select_n3A_582, %ne3A_613 : vector<16xi32>
      %gt3A_615 = arith.cmpf ogt, %max3A_392, %select_n3A_608 : vector<16xf32>
      %and3A_616 = arith.andi %ne3A_614, %gt3A_615 : vector<16xi1>
      %select_n3A_617 = arith.select %and3A_616, %max3A_392, %select_n3A_608 : vector<16xi1>, vector<16xf32>
      %jit3A_618 = arith.constant 3 : i32
      %broadcast_in_dim3A_619 = vector.broadcast %jit3A_618 : i32 to vector<16xi32>
      %select_n3A_620 = arith.select %and3A_616, %broadcast_in_dim3A_619, %select_n3A_611 : vector<16xi1>, vector<16xi32>
      %ne3A_621 = arith.constant 4 : i32
      %ne3A_622 = vector.broadcast %ne3A_621 : i32 to vector<16xi32>
      %ne3A_623 = arith.cmpi ne, %select_n3A_582, %ne3A_622 : vector<16xi32>
      %gt3A_624 = arith.cmpf ogt, %max3A_431, %select_n3A_617 : vector<16xf32>
      %and3A_625 = arith.andi %ne3A_623, %gt3A_624 : vector<16xi1>
      %select_n3A_626 = arith.select %and3A_625, %max3A_431, %select_n3A_617 : vector<16xi1>, vector<16xf32>
      %jit3A_627 = arith.constant 4 : i32
      %broadcast_in_dim3A_628 = vector.broadcast %jit3A_627 : i32 to vector<16xi32>
      %select_n3A_629 = arith.select %and3A_625, %broadcast_in_dim3A_628, %select_n3A_620 : vector<16xi1>, vector<16xi32>
      %ne3A_630 = arith.constant 5 : i32
      %ne3A_631 = vector.broadcast %ne3A_630 : i32 to vector<16xi32>
      %ne3A_632 = arith.cmpi ne, %select_n3A_582, %ne3A_631 : vector<16xi32>
      %gt3A_633 = arith.cmpf ogt, %max3A_470, %select_n3A_626 : vector<16xf32>
      %and3A_634 = arith.andi %ne3A_632, %gt3A_633 : vector<16xi1>
      %select_n3A_635 = arith.select %and3A_634, %max3A_470, %select_n3A_626 : vector<16xi1>, vector<16xf32>
      %jit3A_636 = arith.constant 5 : i32
      %broadcast_in_dim3A_637 = vector.broadcast %jit3A_636 : i32 to vector<16xi32>
      %select_n3A_638 = arith.select %and3A_634, %broadcast_in_dim3A_637, %select_n3A_629 : vector<16xi1>, vector<16xi32>
      %ne3A_639 = arith.constant 6 : i32
      %ne3A_640 = vector.broadcast %ne3A_639 : i32 to vector<16xi32>
      %ne3A_641 = arith.cmpi ne, %select_n3A_582, %ne3A_640 : vector<16xi32>
      %gt3A_642 = arith.cmpf ogt, %max3A_509, %select_n3A_635 : vector<16xf32>
      %and3A_643 = arith.andi %ne3A_641, %gt3A_642 : vector<16xi1>
      %select_n3A_644 = arith.select %and3A_643, %max3A_509, %select_n3A_635 : vector<16xi1>, vector<16xf32>
      %jit3A_645 = arith.constant 6 : i32
      %broadcast_in_dim3A_646 = vector.broadcast %jit3A_645 : i32 to vector<16xi32>
      %select_n3A_647 = arith.select %and3A_643, %broadcast_in_dim3A_646, %select_n3A_638 : vector<16xi1>, vector<16xi32>
      %ne3A_648 = arith.constant 7 : i32
      %ne3A_649 = vector.broadcast %ne3A_648 : i32 to vector<16xi32>
      %ne3A_650 = arith.cmpi ne, %select_n3A_582, %ne3A_649 : vector<16xi32>
      %gt3A_651 = arith.cmpf ogt, %max3A_548, %select_n3A_644 : vector<16xf32>
      %and3A_652 = arith.andi %ne3A_650, %gt3A_651 : vector<16xi1>
      %select_n3A_653 = arith.select %and3A_652, %max3A_548, %select_n3A_644 : vector<16xi1>, vector<16xf32>
      %jit3A_654 = arith.constant 7 : i32
      %broadcast_in_dim3A_655 = vector.broadcast %jit3A_654 : i32 to vector<16xi32>
      %select_n3A_656 = arith.select %and3A_652, %broadcast_in_dim3A_655, %select_n3A_647 : vector<16xi1>, vector<16xi32>
      %add3A_657 = arith.constant 16384 : i32
      %add3A_658 = vector.broadcast %add3A_657 : i32 to vector<16xi32>
      %add3A_659 = arith.addi %add3A_658, %add3A_238 : vector<16xi32>
      %mul3A_660 = arith.constant 8 : i32
      %mul3A_661 = vector.broadcast %mul3A_660 : i32 to vector<16xi32>
      %mul3A_662 = arith.muli %select_n3A_582, %mul3A_661 : vector<16xi32>
      %add3A_663 = arith.constant 0 : i32
      %add3A_664 = vector.broadcast %add3A_663 : i32 to vector<16xi32>
      %add3A_665 = arith.addi %mul3A_662, %add3A_664 : vector<16xi32>
      %mul3A_666 = arith.constant 8 : i32
      %mul3A_667 = vector.broadcast %mul3A_666 : i32 to vector<16xi32>
      %mul3A_668 = arith.muli %select_n3A_656, %mul3A_667 : vector<16xi32>
      %add3A_669 = arith.constant 0 : i32
      %add3A_670 = vector.broadcast %add3A_669 : i32 to vector<16xi32>
      %add3A_671 = arith.addi %mul3A_668, %add3A_670 : vector<16xi32>
      %mul3A_672 = arith.constant 256 : i32
      %mul3A_673 = vector.broadcast %mul3A_672 : i32 to vector<16xi32>
      %mul3A_674 = arith.muli %add3A_665, %mul3A_673 : vector<16xi32>
      %add3A_675 = arith.addi %mul3A_674, %add3A_659 : vector<16xi32>
      %gather3A = tpu.vector_load_idx %arg6[%add3A_675] : memref<65536xf32, #tpu.memory_space<vmem>>[vector<16xi32>], vector<16xf32>,
      %mul3A_676 = arith.constant 256 : i32
      %mul3A_677 = vector.broadcast %mul3A_676 : i32 to vector<16xi32>
      %mul3A_678 = arith.muli %add3A_671, %mul3A_677 : vector<16xi32>
      %add3A_679 = arith.addi %mul3A_678, %add3A_659 : vector<16xi32>
      %gather3A_680 = tpu.vector_load_idx %arg6[%add3A_679] : memref<65536xf32, #tpu.memory_space<vmem>>[vector<16xi32>], vector<16xf32>,
      %mul3A_681 = arith.constant 8 : i32
      %mul3A_682 = vector.broadcast %mul3A_681 : i32 to vector<16xi32>
      %mul3A_683 = arith.muli %select_n3A_582, %mul3A_682 : vector<16xi32>
      %add3A_684 = arith.constant 1 : i32
      %add3A_685 = vector.broadcast %add3A_684 : i32 to vector<16xi32>
      %add3A_686 = arith.addi %mul3A_683, %add3A_685 : vector<16xi32>
      %mul3A_687 = arith.constant 8 : i32
      %mul3A_688 = vector.broadcast %mul3A_687 : i32 to vector<16xi32>
      %mul3A_689 = arith.muli %select_n3A_656, %mul3A_688 : vector<16xi32>
      %add3A_690 = arith.constant 1 : i32
      %add3A_691 = vector.broadcast %add3A_690 : i32 to vector<16xi32>
      %add3A_692 = arith.addi %mul3A_689, %add3A_691 : vector<16xi32>
      %mul3A_693 = arith.constant 256 : i32
      %mul3A_694 = vector.broadcast %mul3A_693 : i32 to vector<16xi32>
      %mul3A_695 = arith.muli %add3A_686, %mul3A_694 : vector<16xi32>
      %add3A_696 = arith.addi %mul3A_695, %add3A_659 : vector<16xi32>
      %gather3A_697 = tpu.vector_load_idx %arg6[%add3A_696] : memref<65536xf32, #tpu.memory_space<vmem>>[vector<16xi32>], vector<16xf32>,
      %mul3A_698 = arith.constant 256 : i32
      %mul3A_699 = vector.broadcast %mul3A_698 : i32 to vector<16xi32>
      %mul3A_700 = arith.muli %add3A_692, %mul3A_699 : vector<16xi32>
      %add3A_701 = arith.addi %mul3A_700, %add3A_659 : vector<16xi32>
      %gather3A_702 = tpu.vector_load_idx %arg6[%add3A_701] : memref<65536xf32, #tpu.memory_space<vmem>>[vector<16xi32>], vector<16xf32>,
      %mul3A_703 = arith.constant 8 : i32
      %mul3A_704 = vector.broadcast %mul3A_703 : i32 to vector<16xi32>
      %mul3A_705 = arith.muli %select_n3A_582, %mul3A_704 : vector<16xi32>
      %add3A_706 = arith.constant 2 : i32
      %add3A_707 = vector.broadcast %add3A_706 : i32 to vector<16xi32>
      %add3A_708 = arith.addi %mul3A_705, %add3A_707 : vector<16xi32>
      %mul3A_709 = arith.constant 8 : i32
      %mul3A_710 = vector.broadcast %mul3A_709 : i32 to vector<16xi32>
      %mul3A_711 = arith.muli %select_n3A_656, %mul3A_710 : vector<16xi32>
      %add3A_712 = arith.constant 2 : i32
      %add3A_713 = vector.broadcast %add3A_712 : i32 to vector<16xi32>
      %add3A_714 = arith.addi %mul3A_711, %add3A_713 : vector<16xi32>
      %mul3A_715 = arith.constant 256 : i32
      %mul3A_716 = vector.broadcast %mul3A_715 : i32 to vector<16xi32>
      %mul3A_717 = arith.muli %add3A_708, %mul3A_716 : vector<16xi32>
      %add3A_718 = arith.addi %mul3A_717, %add3A_659 : vector<16xi32>
      %gather3A_719 = tpu.vector_load_idx %arg6[%add3A_718] : memref<65536xf32, #tpu.memory_space<vmem>>[vector<16xi32>], vector<16xf32>,
      %mul3A_720 = arith.constant 256 : i32
      %mul3A_721 = vector.broadcast %mul3A_720 : i32 to vector<16xi32>
      %mul3A_722 = arith.muli %add3A_714, %mul3A_721 : vector<16xi32>
      %add3A_723 = arith.addi %mul3A_722, %add3A_659 : vector<16xi32>
      %gather3A_724 = tpu.vector_load_idx %arg6[%add3A_723] : memref<65536xf32, #tpu.memory_space<vmem>>[vector<16xi32>], vector<16xf32>,
      %mul3A_725 = arith.constant 8 : i32
      %mul3A_726 = vector.broadcast %mul3A_725 : i32 to vector<16xi32>
      %mul3A_727 = arith.muli %select_n3A_582, %mul3A_726 : vector<16xi32>
      %add3A_728 = arith.constant 3 : i32
      %add3A_729 = vector.broadcast %add3A_728 : i32 to vector<16xi32>
      %add3A_730 = arith.addi %mul3A_727, %add3A_729 : vector<16xi32>
      %mul3A_731 = arith.constant 8 : i32
      %mul3A_732 = vector.broadcast %mul3A_731 : i32 to vector<16xi32>
      %mul3A_733 = arith.muli %select_n3A_656, %mul3A_732 : vector<16xi32>
      %add3A_734 = arith.constant 3 : i32
      %add3A_735 = vector.broadcast %add3A_734 : i32 to vector<16xi32>
      %add3A_736 = arith.addi %mul3A_733, %add3A_735 : vector<16xi32>
      %mul3A_737 = arith.constant 256 : i32
      %mul3A_738 = vector.broadcast %mul3A_737 : i32 to vector<16xi32>
      %mul3A_739 = arith.muli %add3A_730, %mul3A_738 : vector<16xi32>
      %add3A_740 = arith.addi %mul3A_739, %add3A_659 : vector<16xi32>
      %gather3A_741 = tpu.vector_load_idx %arg6[%add3A_740] : memref<65536xf32, #tpu.memory_space<vmem>>[vector<16xi32>], vector<16xf32>,
      %mul3A_742 = arith.constant 256 : i32
      %mul3A_743 = vector.broadcast %mul3A_742 : i32 to vector<16xi32>
      %mul3A_744 = arith.muli %add3A_736, %mul3A_743 : vector<16xi32>
      %add3A_745 = arith.addi %mul3A_744, %add3A_659 : vector<16xi32>
      %gather3A_746 = tpu.vector_load_idx %arg6[%add3A_745] : memref<65536xf32, #tpu.memory_space<vmem>>[vector<16xi32>], vector<16xf32>,
      %mul3A_747 = arith.constant 8 : i32
      %mul3A_748 = vector.broadcast %mul3A_747 : i32 to vector<16xi32>
      %mul3A_749 = arith.muli %select_n3A_582, %mul3A_748 : vector<16xi32>
      %add3A_750 = arith.constant 4 : i32
      %add3A_751 = vector.broadcast %add3A_750 : i32 to vector<16xi32>
      %add3A_752 = arith.addi %mul3A_749, %add3A_751 : vector<16xi32>
      %mul3A_753 = arith.constant 8 : i32
      %mul3A_754 = vector.broadcast %mul3A_753 : i32 to vector<16xi32>
      %mul3A_755 = arith.muli %select_n3A_656, %mul3A_754 : vector<16xi32>
      %add3A_756 = arith.constant 4 : i32
      %add3A_757 = vector.broadcast %add3A_756 : i32 to vector<16xi32>
      %add3A_758 = arith.addi %mul3A_755, %add3A_757 : vector<16xi32>
      %mul3A_759 = arith.constant 256 : i32
      %mul3A_760 = vector.broadcast %mul3A_759 : i32 to vector<16xi32>
      %mul3A_761 = arith.muli %add3A_752, %mul3A_760 : vector<16xi32>
      %add3A_762 = arith.addi %mul3A_761, %add3A_659 : vector<16xi32>
      %gather3A_763 = tpu.vector_load_idx %arg6[%add3A_762] : memref<65536xf32, #tpu.memory_space<vmem>>[vector<16xi32>], vector<16xf32>,
      %mul3A_764 = arith.constant 256 : i32
      %mul3A_765 = vector.broadcast %mul3A_764 : i32 to vector<16xi32>
      %mul3A_766 = arith.muli %add3A_758, %mul3A_765 : vector<16xi32>
      %add3A_767 = arith.addi %mul3A_766, %add3A_659 : vector<16xi32>
      %gather3A_768 = tpu.vector_load_idx %arg6[%add3A_767] : memref<65536xf32, #tpu.memory_space<vmem>>[vector<16xi32>], vector<16xf32>,
      %mul3A_769 = arith.constant 8 : i32
      %mul3A_770 = vector.broadcast %mul3A_769 : i32 to vector<16xi32>
      %mul3A_771 = arith.muli %select_n3A_582, %mul3A_770 : vector<16xi32>
      %add3A_772 = arith.constant 5 : i32
      %add3A_773 = vector.broadcast %add3A_772 : i32 to vector<16xi32>
      %add3A_774 = arith.addi %mul3A_771, %add3A_773 : vector<16xi32>
      %mul3A_775 = arith.constant 8 : i32
      %mul3A_776 = vector.broadcast %mul3A_775 : i32 to vector<16xi32>
      %mul3A_777 = arith.muli %select_n3A_656, %mul3A_776 : vector<16xi32>
      %add3A_778 = arith.constant 5 : i32
      %add3A_779 = vector.broadcast %add3A_778 : i32 to vector<16xi32>
      %add3A_780 = arith.addi %mul3A_777, %add3A_779 : vector<16xi32>
      %mul3A_781 = arith.constant 256 : i32
      %mul3A_782 = vector.broadcast %mul3A_781 : i32 to vector<16xi32>
      %mul3A_783 = arith.muli %add3A_774, %mul3A_782 : vector<16xi32>
      %add3A_784 = arith.addi %mul3A_783, %add3A_659 : vector<16xi32>
      %gather3A_785 = tpu.vector_load_idx %arg6[%add3A_784] : memref<65536xf32, #tpu.memory_space<vmem>>[vector<16xi32>], vector<16xf32>,
      %mul3A_786 = arith.constant 256 : i32
      %mul3A_787 = vector.broadcast %mul3A_786 : i32 to vector<16xi32>
      %mul3A_788 = arith.muli %add3A_780, %mul3A_787 : vector<16xi32>
      %add3A_789 = arith.addi %mul3A_788, %add3A_659 : vector<16xi32>
      %gather3A_790 = tpu.vector_load_idx %arg6[%add3A_789] : memref<65536xf32, #tpu.memory_space<vmem>>[vector<16xi32>], vector<16xf32>,
      %mul3A_791 = arith.constant 8 : i32
      %mul3A_792 = vector.broadcast %mul3A_791 : i32 to vector<16xi32>
      %mul3A_793 = arith.muli %select_n3A_582, %mul3A_792 : vector<16xi32>
      %add3A_794 = arith.constant 6 : i32
      %add3A_795 = vector.broadcast %add3A_794 : i32 to vector<16xi32>
      %add3A_796 = arith.addi %mul3A_793, %add3A_795 : vector<16xi32>
      %mul3A_797 = arith.constant 8 : i32
      %mul3A_798 = vector.broadcast %mul3A_797 : i32 to vector<16xi32>
      %mul3A_799 = arith.muli %select_n3A_656, %mul3A_798 : vector<16xi32>
      %add3A_800 = arith.constant 6 : i32
      %add3A_801 = vector.broadcast %add3A_800 : i32 to vector<16xi32>
      %add3A_802 = arith.addi %mul3A_799, %add3A_801 : vector<16xi32>
      %mul3A_803 = arith.constant 256 : i32
      %mul3A_804 = vector.broadcast %mul3A_803 : i32 to vector<16xi32>
      %mul3A_805 = arith.muli %add3A_796, %mul3A_804 : vector<16xi32>
      %add3A_806 = arith.addi %mul3A_805, %add3A_659 : vector<16xi32>
      %gather3A_807 = tpu.vector_load_idx %arg6[%add3A_806] : memref<65536xf32, #tpu.memory_space<vmem>>[vector<16xi32>], vector<16xf32>,
      %mul3A_808 = arith.constant 256 : i32
      %mul3A_809 = vector.broadcast %mul3A_808 : i32 to vector<16xi32>
      %mul3A_810 = arith.muli %add3A_802, %mul3A_809 : vector<16xi32>
      %add3A_811 = arith.addi %mul3A_810, %add3A_659 : vector<16xi32>
      %gather3A_812 = tpu.vector_load_idx %arg6[%add3A_811] : memref<65536xf32, #tpu.memory_space<vmem>>[vector<16xi32>], vector<16xf32>,
      %mul3A_813 = arith.constant 8 : i32
      %mul3A_814 = vector.broadcast %mul3A_813 : i32 to vector<16xi32>
      %mul3A_815 = arith.muli %select_n3A_582, %mul3A_814 : vector<16xi32>
      %add3A_816 = arith.constant 7 : i32
      %add3A_817 = vector.broadcast %add3A_816 : i32 to vector<16xi32>
      %add3A_818 = arith.addi %mul3A_815, %add3A_817 : vector<16xi32>
      %mul3A_819 = arith.constant 8 : i32
      %mul3A_820 = vector.broadcast %mul3A_819 : i32 to vector<16xi32>
      %mul3A_821 = arith.muli %select_n3A_656, %mul3A_820 : vector<16xi32>
      %add3A_822 = arith.constant 7 : i32
      %add3A_823 = vector.broadcast %add3A_822 : i32 to vector<16xi32>
      %add3A_824 = arith.addi %mul3A_821, %add3A_823 : vector<16xi32>
      %mul3A_825 = arith.constant 256 : i32
      %mul3A_826 = vector.broadcast %mul3A_825 : i32 to vector<16xi32>
      %mul3A_827 = arith.muli %add3A_818, %mul3A_826 : vector<16xi32>
      %add3A_828 = arith.addi %mul3A_827, %add3A_659 : vector<16xi32>
      %gather3A_829 = tpu.vector_load_idx %arg6[%add3A_828] : memref<65536xf32, #tpu.memory_space<vmem>>[vector<16xi32>], vector<16xf32>,
      %mul3A_830 = arith.constant 256 : i32
      %mul3A_831 = vector.broadcast %mul3A_830 : i32 to vector<16xi32>
      %mul3A_832 = arith.muli %add3A_824, %mul3A_831 : vector<16xi32>
      %add3A_833 = arith.addi %mul3A_832, %add3A_659 : vector<16xi32>
      %gather3A_834 = tpu.vector_load_idx %arg6[%add3A_833] : memref<65536xf32, #tpu.memory_space<vmem>>[vector<16xi32>], vector<16xf32>,
      %gt3A_835 = arith.cmpf ogt, %gather3A, %gather3A_697 : vector<16xf32>
      %select_n3A_836 = arith.select %gt3A_835, %gather3A, %gather3A_697 : vector<16xi1>, vector<16xf32>
      %select_n3A_837 = arith.select %gt3A_835, %gather3A_697, %gather3A : vector<16xi1>, vector<16xf32>
      %select_n3A_838 = arith.select %gt3A_835, %add3A_665, %add3A_686 : vector<16xi1>, vector<16xi32>
      %select_n3A_839 = arith.select %gt3A_835, %add3A_686, %add3A_665 : vector<16xi1>, vector<16xi32>
      %gt3A_840 = arith.cmpf ogt, %gather3A_680, %gather3A_702 : vector<16xf32>
      %select_n3A_841 = arith.select %gt3A_840, %gather3A_680, %gather3A_702 : vector<16xi1>, vector<16xf32>
      %select_n3A_842 = arith.select %gt3A_840, %gather3A_702, %gather3A_680 : vector<16xi1>, vector<16xf32>
      %select_n3A_843 = arith.select %gt3A_840, %add3A_671, %add3A_692 : vector<16xi1>, vector<16xi32>
      %select_n3A_844 = arith.select %gt3A_840, %add3A_692, %add3A_671 : vector<16xi1>, vector<16xi32>
      %gt3A_845 = arith.cmpf ogt, %gather3A_719, %gather3A_741 : vector<16xf32>
      %select_n3A_846 = arith.select %gt3A_845, %gather3A_719, %gather3A_741 : vector<16xi1>, vector<16xf32>
      %select_n3A_847 = arith.select %gt3A_845, %gather3A_741, %gather3A_719 : vector<16xi1>, vector<16xf32>
      %select_n3A_848 = arith.select %gt3A_845, %add3A_708, %add3A_730 : vector<16xi1>, vector<16xi32>
      %select_n3A_849 = arith.select %gt3A_845, %add3A_730, %add3A_708 : vector<16xi1>, vector<16xi32>
      %gt3A_850 = arith.cmpf ogt, %gather3A_724, %gather3A_746 : vector<16xf32>
      %select_n3A_851 = arith.select %gt3A_850, %gather3A_724, %gather3A_746 : vector<16xi1>, vector<16xf32>
      %select_n3A_852 = arith.select %gt3A_850, %gather3A_746, %gather3A_724 : vector<16xi1>, vector<16xf32>
      %select_n3A_853 = arith.select %gt3A_850, %add3A_714, %add3A_736 : vector<16xi1>, vector<16xi32>
      %select_n3A_854 = arith.select %gt3A_850, %add3A_736, %add3A_714 : vector<16xi1>, vector<16xi32>
      %gt3A_855 = arith.cmpf ogt, %gather3A_763, %gather3A_785 : vector<16xf32>
      %select_n3A_856 = arith.select %gt3A_855, %gather3A_763, %gather3A_785 : vector<16xi1>, vector<16xf32>
      %select_n3A_857 = arith.select %gt3A_855, %gather3A_785, %gather3A_763 : vector<16xi1>, vector<16xf32>
      %select_n3A_858 = arith.select %gt3A_855, %add3A_752, %add3A_774 : vector<16xi1>, vector<16xi32>
      %select_n3A_859 = arith.select %gt3A_855, %add3A_774, %add3A_752 : vector<16xi1>, vector<16xi32>
      %gt3A_860 = arith.cmpf ogt, %gather3A_768, %gather3A_790 : vector<16xf32>
      %select_n3A_861 = arith.select %gt3A_860, %gather3A_768, %gather3A_790 : vector<16xi1>, vector<16xf32>
      %select_n3A_862 = arith.select %gt3A_860, %gather3A_790, %gather3A_768 : vector<16xi1>, vector<16xf32>
      %select_n3A_863 = arith.select %gt3A_860, %add3A_758, %add3A_780 : vector<16xi1>, vector<16xi32>
      %select_n3A_864 = arith.select %gt3A_860, %add3A_780, %add3A_758 : vector<16xi1>, vector<16xi32>
      %gt3A_865 = arith.cmpf ogt, %gather3A_807, %gather3A_829 : vector<16xf32>
      %select_n3A_866 = arith.select %gt3A_865, %gather3A_807, %gather3A_829 : vector<16xi1>, vector<16xf32>
      %select_n3A_867 = arith.select %gt3A_865, %gather3A_829, %gather3A_807 : vector<16xi1>, vector<16xf32>
      %select_n3A_868 = arith.select %gt3A_865, %add3A_796, %add3A_818 : vector<16xi1>, vector<16xi32>
      %select_n3A_869 = arith.select %gt3A_865, %add3A_818, %add3A_796 : vector<16xi1>, vector<16xi32>
      %gt3A_870 = arith.cmpf ogt, %gather3A_812, %gather3A_834 : vector<16xf32>
      %select_n3A_871 = arith.select %gt3A_870, %gather3A_812, %gather3A_834 : vector<16xi1>, vector<16xf32>
      %select_n3A_872 = arith.select %gt3A_870, %gather3A_834, %gather3A_812 : vector<16xi1>, vector<16xf32>
      %select_n3A_873 = arith.select %gt3A_870, %add3A_802, %add3A_824 : vector<16xi1>, vector<16xi32>
      %select_n3A_874 = arith.select %gt3A_870, %add3A_824, %add3A_802 : vector<16xi1>, vector<16xi32>
      %gt3A_875 = arith.cmpf ogt, %select_n3A_836, %select_n3A_846 : vector<16xf32>
      %select_n3A_876 = arith.select %gt3A_875, %select_n3A_836, %select_n3A_846 : vector<16xi1>, vector<16xf32>
      %select_n3A_877 = arith.select %gt3A_875, %select_n3A_846, %select_n3A_836 : vector<16xi1>, vector<16xf32>
      %select_n3A_878 = arith.select %gt3A_875, %select_n3A_838, %select_n3A_848 : vector<16xi1>, vector<16xi32>
      %select_n3A_879 = arith.select %gt3A_875, %select_n3A_848, %select_n3A_838 : vector<16xi1>, vector<16xi32>
      %gt3A_880 = arith.cmpf ogt, %select_n3A_841, %select_n3A_851 : vector<16xf32>
      %select_n3A_881 = arith.select %gt3A_880, %select_n3A_841, %select_n3A_851 : vector<16xi1>, vector<16xf32>
      %select_n3A_882 = arith.select %gt3A_880, %select_n3A_851, %select_n3A_841 : vector<16xi1>, vector<16xf32>
      %select_n3A_883 = arith.select %gt3A_880, %select_n3A_843, %select_n3A_853 : vector<16xi1>, vector<16xi32>
      %select_n3A_884 = arith.select %gt3A_880, %select_n3A_853, %select_n3A_843 : vector<16xi1>, vector<16xi32>
      %gt3A_885 = arith.cmpf ogt, %select_n3A_837, %select_n3A_847 : vector<16xf32>
      %select_n3A_886 = arith.select %gt3A_885, %select_n3A_837, %select_n3A_847 : vector<16xi1>, vector<16xf32>
      %select_n3A_887 = arith.select %gt3A_885, %select_n3A_847, %select_n3A_837 : vector<16xi1>, vector<16xf32>
      %select_n3A_888 = arith.select %gt3A_885, %select_n3A_839, %select_n3A_849 : vector<16xi1>, vector<16xi32>
      %select_n3A_889 = arith.select %gt3A_885, %select_n3A_849, %select_n3A_839 : vector<16xi1>, vector<16xi32>
      %gt3A_890 = arith.cmpf ogt, %select_n3A_842, %select_n3A_852 : vector<16xf32>
      %select_n3A_891 = arith.select %gt3A_890, %select_n3A_842, %select_n3A_852 : vector<16xi1>, vector<16xf32>
      %select_n3A_892 = arith.select %gt3A_890, %select_n3A_852, %select_n3A_842 : vector<16xi1>, vector<16xf32>
      %select_n3A_893 = arith.select %gt3A_890, %select_n3A_844, %select_n3A_854 : vector<16xi1>, vector<16xi32>
      %select_n3A_894 = arith.select %gt3A_890, %select_n3A_854, %select_n3A_844 : vector<16xi1>, vector<16xi32>
      %gt3A_895 = arith.cmpf ogt, %select_n3A_856, %select_n3A_866 : vector<16xf32>
      %select_n3A_896 = arith.select %gt3A_895, %select_n3A_856, %select_n3A_866 : vector<16xi1>, vector<16xf32>
      %select_n3A_897 = arith.select %gt3A_895, %select_n3A_866, %select_n3A_856 : vector<16xi1>, vector<16xf32>
      %select_n3A_898 = arith.select %gt3A_895, %select_n3A_858, %select_n3A_868 : vector<16xi1>, vector<16xi32>
      %select_n3A_899 = arith.select %gt3A_895, %select_n3A_868, %select_n3A_858 : vector<16xi1>, vector<16xi32>
      %gt3A_900 = arith.cmpf ogt, %select_n3A_861, %select_n3A_871 : vector<16xf32>
      %select_n3A_901 = arith.select %gt3A_900, %select_n3A_861, %select_n3A_871 : vector<16xi1>, vector<16xf32>
      %select_n3A_902 = arith.select %gt3A_900, %select_n3A_871, %select_n3A_861 : vector<16xi1>, vector<16xf32>
      %select_n3A_903 = arith.select %gt3A_900, %select_n3A_863, %select_n3A_873 : vector<16xi1>, vector<16xi32>
      %select_n3A_904 = arith.select %gt3A_900, %select_n3A_873, %select_n3A_863 : vector<16xi1>, vector<16xi32>
      %gt3A_905 = arith.cmpf ogt, %select_n3A_857, %select_n3A_867 : vector<16xf32>
      %select_n3A_906 = arith.select %gt3A_905, %select_n3A_857, %select_n3A_867 : vector<16xi1>, vector<16xf32>
      %select_n3A_907 = arith.select %gt3A_905, %select_n3A_867, %select_n3A_857 : vector<16xi1>, vector<16xf32>
      %select_n3A_908 = arith.select %gt3A_905, %select_n3A_859, %select_n3A_869 : vector<16xi1>, vector<16xi32>
      %select_n3A_909 = arith.select %gt3A_905, %select_n3A_869, %select_n3A_859 : vector<16xi1>, vector<16xi32>
      %gt3A_910 = arith.cmpf ogt, %select_n3A_862, %select_n3A_872 : vector<16xf32>
      %select_n3A_911 = arith.select %gt3A_910, %select_n3A_862, %select_n3A_872 : vector<16xi1>, vector<16xf32>
      %select_n3A_912 = arith.select %gt3A_910, %select_n3A_872, %select_n3A_862 : vector<16xi1>, vector<16xf32>
      %select_n3A_913 = arith.select %gt3A_910, %select_n3A_864, %select_n3A_874 : vector<16xi1>, vector<16xi32>
      %select_n3A_914 = arith.select %gt3A_910, %select_n3A_874, %select_n3A_864 : vector<16xi1>, vector<16xi32>
      %gt3A_915 = arith.cmpf ogt, %select_n3A_886, %select_n3A_877 : vector<16xf32>
      %select_n3A_916 = arith.select %gt3A_915, %select_n3A_886, %select_n3A_877 : vector<16xi1>, vector<16xf32>
      %select_n3A_917 = arith.select %gt3A_915, %select_n3A_877, %select_n3A_886 : vector<16xi1>, vector<16xf32>
      %select_n3A_918 = arith.select %gt3A_915, %select_n3A_888, %select_n3A_879 : vector<16xi1>, vector<16xi32>
      %select_n3A_919 = arith.select %gt3A_915, %select_n3A_879, %select_n3A_888 : vector<16xi1>, vector<16xi32>
      %gt3A_920 = arith.cmpf ogt, %select_n3A_891, %select_n3A_882 : vector<16xf32>
      %select_n3A_921 = arith.select %gt3A_920, %select_n3A_891, %select_n3A_882 : vector<16xi1>, vector<16xf32>
      %select_n3A_922 = arith.select %gt3A_920, %select_n3A_882, %select_n3A_891 : vector<16xi1>, vector<16xf32>
      %select_n3A_923 = arith.select %gt3A_920, %select_n3A_893, %select_n3A_884 : vector<16xi1>, vector<16xi32>
      %select_n3A_924 = arith.select %gt3A_920, %select_n3A_884, %select_n3A_893 : vector<16xi1>, vector<16xi32>
      %gt3A_925 = arith.cmpf ogt, %select_n3A_906, %select_n3A_897 : vector<16xf32>
      %select_n3A_926 = arith.select %gt3A_925, %select_n3A_906, %select_n3A_897 : vector<16xi1>, vector<16xf32>
      %select_n3A_927 = arith.select %gt3A_925, %select_n3A_897, %select_n3A_906 : vector<16xi1>, vector<16xf32>
      %select_n3A_928 = arith.select %gt3A_925, %select_n3A_908, %select_n3A_899 : vector<16xi1>, vector<16xi32>
      %select_n3A_929 = arith.select %gt3A_925, %select_n3A_899, %select_n3A_908 : vector<16xi1>, vector<16xi32>
      %gt3A_930 = arith.cmpf ogt, %select_n3A_911, %select_n3A_902 : vector<16xf32>
      %select_n3A_931 = arith.select %gt3A_930, %select_n3A_911, %select_n3A_902 : vector<16xi1>, vector<16xf32>
      %select_n3A_932 = arith.select %gt3A_930, %select_n3A_902, %select_n3A_911 : vector<16xi1>, vector<16xf32>
      %select_n3A_933 = arith.select %gt3A_930, %select_n3A_913, %select_n3A_904 : vector<16xi1>, vector<16xi32>
      %select_n3A_934 = arith.select %gt3A_930, %select_n3A_904, %select_n3A_913 : vector<16xi1>, vector<16xi32>
      %gt3A_935 = arith.cmpf ogt, %select_n3A_876, %select_n3A_896 : vector<16xf32>
      %select_n3A_936 = arith.select %gt3A_935, %select_n3A_876, %select_n3A_896 : vector<16xi1>, vector<16xf32>
      %select_n3A_937 = arith.select %gt3A_935, %select_n3A_896, %select_n3A_876 : vector<16xi1>, vector<16xf32>
      %select_n3A_938 = arith.select %gt3A_935, %select_n3A_878, %select_n3A_898 : vector<16xi1>, vector<16xi32>
      %select_n3A_939 = arith.select %gt3A_935, %select_n3A_898, %select_n3A_878 : vector<16xi1>, vector<16xi32>
      %gt3A_940 = arith.cmpf ogt, %select_n3A_881, %select_n3A_901 : vector<16xf32>
      %select_n3A_941 = arith.select %gt3A_940, %select_n3A_881, %select_n3A_901 : vector<16xi1>, vector<16xf32>
      %select_n3A_942 = arith.select %gt3A_940, %select_n3A_901, %select_n3A_881 : vector<16xi1>, vector<16xf32>
      %select_n3A_943 = arith.select %gt3A_940, %select_n3A_883, %select_n3A_903 : vector<16xi1>, vector<16xi32>
      %select_n3A_944 = arith.select %gt3A_940, %select_n3A_903, %select_n3A_883 : vector<16xi1>, vector<16xi32>
      %gt3A_945 = arith.cmpf ogt, %select_n3A_887, %select_n3A_907 : vector<16xf32>
      %select_n3A_946 = arith.select %gt3A_945, %select_n3A_887, %select_n3A_907 : vector<16xi1>, vector<16xf32>
      %select_n3A_947 = arith.select %gt3A_945, %select_n3A_907, %select_n3A_887 : vector<16xi1>, vector<16xf32>
      %select_n3A_948 = arith.select %gt3A_945, %select_n3A_889, %select_n3A_909 : vector<16xi1>, vector<16xi32>
      %select_n3A_949 = arith.select %gt3A_945, %select_n3A_909, %select_n3A_889 : vector<16xi1>, vector<16xi32>
      %gt3A_950 = arith.cmpf ogt, %select_n3A_892, %select_n3A_912 : vector<16xf32>
      %select_n3A_951 = arith.select %gt3A_950, %select_n3A_892, %select_n3A_912 : vector<16xi1>, vector<16xf32>
      %select_n3A_952 = arith.select %gt3A_950, %select_n3A_912, %select_n3A_892 : vector<16xi1>, vector<16xf32>
      %select_n3A_953 = arith.select %gt3A_950, %select_n3A_894, %select_n3A_914 : vector<16xi1>, vector<16xi32>
      %select_n3A_954 = arith.select %gt3A_950, %select_n3A_914, %select_n3A_894 : vector<16xi1>, vector<16xi32>
      %gt3A_955 = arith.cmpf ogt, %select_n3A_916, %select_n3A_926 : vector<16xf32>
      %select_n3A_956 = arith.select %gt3A_955, %select_n3A_916, %select_n3A_926 : vector<16xi1>, vector<16xf32>
      %select_n3A_957 = arith.select %gt3A_955, %select_n3A_926, %select_n3A_916 : vector<16xi1>, vector<16xf32>
      %select_n3A_958 = arith.select %gt3A_955, %select_n3A_918, %select_n3A_928 : vector<16xi1>, vector<16xi32>
      %select_n3A_959 = arith.select %gt3A_955, %select_n3A_928, %select_n3A_918 : vector<16xi1>, vector<16xi32>
      %gt3A_960 = arith.cmpf ogt, %select_n3A_921, %select_n3A_931 : vector<16xf32>
      %select_n3A_961 = arith.select %gt3A_960, %select_n3A_921, %select_n3A_931 : vector<16xi1>, vector<16xf32>
      %select_n3A_962 = arith.select %gt3A_960, %select_n3A_931, %select_n3A_921 : vector<16xi1>, vector<16xf32>
      %select_n3A_963 = arith.select %gt3A_960, %select_n3A_923, %select_n3A_933 : vector<16xi1>, vector<16xi32>
      %select_n3A_964 = arith.select %gt3A_960, %select_n3A_933, %select_n3A_923 : vector<16xi1>, vector<16xi32>
      %gt3A_965 = arith.cmpf ogt, %select_n3A_917, %select_n3A_927 : vector<16xf32>
      %select_n3A_966 = arith.select %gt3A_965, %select_n3A_917, %select_n3A_927 : vector<16xi1>, vector<16xf32>
      %select_n3A_967 = arith.select %gt3A_965, %select_n3A_927, %select_n3A_917 : vector<16xi1>, vector<16xf32>
      %select_n3A_968 = arith.select %gt3A_965, %select_n3A_919, %select_n3A_929 : vector<16xi1>, vector<16xi32>
      %select_n3A_969 = arith.select %gt3A_965, %select_n3A_929, %select_n3A_919 : vector<16xi1>, vector<16xi32>
      %gt3A_970 = arith.cmpf ogt, %select_n3A_922, %select_n3A_932 : vector<16xf32>
      %select_n3A_971 = arith.select %gt3A_970, %select_n3A_922, %select_n3A_932 : vector<16xi1>, vector<16xf32>
      %select_n3A_972 = arith.select %gt3A_970, %select_n3A_932, %select_n3A_922 : vector<16xi1>, vector<16xf32>
      %select_n3A_973 = arith.select %gt3A_970, %select_n3A_924, %select_n3A_934 : vector<16xi1>, vector<16xi32>
      %select_n3A_974 = arith.select %gt3A_970, %select_n3A_934, %select_n3A_924 : vector<16xi1>, vector<16xi32>
      %gt3A_975 = arith.cmpf ogt, %select_n3A_956, %select_n3A_937 : vector<16xf32>
      %select_n3A_976 = arith.select %gt3A_975, %select_n3A_956, %select_n3A_937 : vector<16xi1>, vector<16xf32>
      %select_n3A_977 = arith.select %gt3A_975, %select_n3A_937, %select_n3A_956 : vector<16xi1>, vector<16xf32>
      %select_n3A_978 = arith.select %gt3A_975, %select_n3A_958, %select_n3A_939 : vector<16xi1>, vector<16xi32>
      %select_n3A_979 = arith.select %gt3A_975, %select_n3A_939, %select_n3A_958 : vector<16xi1>, vector<16xi32>
      %gt3A_980 = arith.cmpf ogt, %select_n3A_961, %select_n3A_942 : vector<16xf32>
      %select_n3A_981 = arith.select %gt3A_980, %select_n3A_961, %select_n3A_942 : vector<16xi1>, vector<16xf32>
      %select_n3A_982 = arith.select %gt3A_980, %select_n3A_942, %select_n3A_961 : vector<16xi1>, vector<16xf32>
      %select_n3A_983 = arith.select %gt3A_980, %select_n3A_963, %select_n3A_944 : vector<16xi1>, vector<16xi32>
      %select_n3A_984 = arith.select %gt3A_980, %select_n3A_944, %select_n3A_963 : vector<16xi1>, vector<16xi32>
      %gt3A_985 = arith.cmpf ogt, %select_n3A_946, %select_n3A_967 : vector<16xf32>
      %select_n3A_986 = arith.select %gt3A_985, %select_n3A_946, %select_n3A_967 : vector<16xi1>, vector<16xf32>
      %select_n3A_987 = arith.select %gt3A_985, %select_n3A_967, %select_n3A_946 : vector<16xi1>, vector<16xf32>
      %select_n3A_988 = arith.select %gt3A_985, %select_n3A_948, %select_n3A_969 : vector<16xi1>, vector<16xi32>
      %select_n3A_989 = arith.select %gt3A_985, %select_n3A_969, %select_n3A_948 : vector<16xi1>, vector<16xi32>
      %gt3A_990 = arith.cmpf ogt, %select_n3A_951, %select_n3A_972 : vector<16xf32>
      %select_n3A_991 = arith.select %gt3A_990, %select_n3A_951, %select_n3A_972 : vector<16xi1>, vector<16xf32>
      %select_n3A_992 = arith.select %gt3A_990, %select_n3A_972, %select_n3A_951 : vector<16xi1>, vector<16xf32>
      %select_n3A_993 = arith.select %gt3A_990, %select_n3A_953, %select_n3A_974 : vector<16xi1>, vector<16xi32>
      %select_n3A_994 = arith.select %gt3A_990, %select_n3A_974, %select_n3A_953 : vector<16xi1>, vector<16xi32>
      %gt3A_995 = arith.cmpf ogt, %select_n3A_966, %select_n3A_977 : vector<16xf32>
      %select_n3A_996 = arith.select %gt3A_995, %select_n3A_966, %select_n3A_977 : vector<16xi1>, vector<16xf32>
      %select_n3A_997 = arith.select %gt3A_995, %select_n3A_977, %select_n3A_966 : vector<16xi1>, vector<16xf32>
      %select_n3A_998 = arith.select %gt3A_995, %select_n3A_968, %select_n3A_979 : vector<16xi1>, vector<16xi32>
      %select_n3A_999 = arith.select %gt3A_995, %select_n3A_979, %select_n3A_968 : vector<16xi1>, vector<16xi32>
      %gt3A_1000 = arith.cmpf ogt, %select_n3A_971, %select_n3A_982 : vector<16xf32>
      %select_n3A_1001 = arith.select %gt3A_1000, %select_n3A_971, %select_n3A_982 : vector<16xi1>, vector<16xf32>
      %select_n3A_1002 = arith.select %gt3A_1000, %select_n3A_982, %select_n3A_971 : vector<16xi1>, vector<16xf32>
      %select_n3A_1003 = arith.select %gt3A_1000, %select_n3A_973, %select_n3A_984 : vector<16xi1>, vector<16xi32>
      %select_n3A_1004 = arith.select %gt3A_1000, %select_n3A_984, %select_n3A_973 : vector<16xi1>, vector<16xi32>
      %gt3A_1005 = arith.cmpf ogt, %select_n3A_986, %select_n3A_957 : vector<16xf32>
      %select_n3A_1006 = arith.select %gt3A_1005, %select_n3A_986, %select_n3A_957 : vector<16xi1>, vector<16xf32>
      %select_n3A_1007 = arith.select %gt3A_1005, %select_n3A_957, %select_n3A_986 : vector<16xi1>, vector<16xf32>
      %select_n3A_1008 = arith.select %gt3A_1005, %select_n3A_988, %select_n3A_959 : vector<16xi1>, vector<16xi32>
      %select_n3A_1009 = arith.select %gt3A_1005, %select_n3A_959, %select_n3A_988 : vector<16xi1>, vector<16xi32>
      %gt3A_1010 = arith.cmpf ogt, %select_n3A_991, %select_n3A_962 : vector<16xf32>
      %select_n3A_1011 = arith.select %gt3A_1010, %select_n3A_991, %select_n3A_962 : vector<16xi1>, vector<16xf32>
      %select_n3A_1012 = arith.select %gt3A_1010, %select_n3A_962, %select_n3A_991 : vector<16xi1>, vector<16xf32>
      %select_n3A_1013 = arith.select %gt3A_1010, %select_n3A_993, %select_n3A_964 : vector<16xi1>, vector<16xi32>
      %select_n3A_1014 = arith.select %gt3A_1010, %select_n3A_964, %select_n3A_993 : vector<16xi1>, vector<16xi32>
      %gt3A_1015 = arith.cmpf ogt, %select_n3A_1006, %select_n3A_997 : vector<16xf32>
      %select_n3A_1016 = arith.select %gt3A_1015, %select_n3A_1006, %select_n3A_997 : vector<16xi1>, vector<16xf32>
      %select_n3A_1017 = arith.select %gt3A_1015, %select_n3A_997, %select_n3A_1006 : vector<16xi1>, vector<16xf32>
      %select_n3A_1018 = arith.select %gt3A_1015, %select_n3A_1008, %select_n3A_999 : vector<16xi1>, vector<16xi32>
      %select_n3A_1019 = arith.select %gt3A_1015, %select_n3A_999, %select_n3A_1008 : vector<16xi1>, vector<16xi32>
      %gt3A_1020 = arith.cmpf ogt, %select_n3A_1011, %select_n3A_1002 : vector<16xf32>
      %select_n3A_1021 = arith.select %gt3A_1020, %select_n3A_1011, %select_n3A_1002 : vector<16xi1>, vector<16xf32>
      %select_n3A_1022 = arith.select %gt3A_1020, %select_n3A_1002, %select_n3A_1011 : vector<16xi1>, vector<16xf32>
      %select_n3A_1023 = arith.select %gt3A_1020, %select_n3A_1013, %select_n3A_1004 : vector<16xi1>, vector<16xi32>
      %select_n3A_1024 = arith.select %gt3A_1020, %select_n3A_1004, %select_n3A_1013 : vector<16xi1>, vector<16xi32>
      %gt3A_1025 = arith.cmpf ogt, %select_n3A_936, %select_n3A_952 : vector<16xf32>
      %eq3A = arith.cmpf oeq, %select_n3A_936, %select_n3A_952 : vector<16xf32>
      %lt3A = arith.cmpi slt, %select_n3A_938, %select_n3A_954 : vector<16xi32>
      %and3A_1026 = arith.andi %eq3A, %lt3A : vector<16xi1>
      %or3A = arith.ori %gt3A_1025, %and3A_1026 : vector<16xi1>
      %select_n3A_1027 = arith.select %or3A, %select_n3A_936, %select_n3A_952 : vector<16xi1>, vector<16xf32>
      %select_n3A_1028 = arith.select %or3A, %select_n3A_938, %select_n3A_954 : vector<16xi1>, vector<16xi32>
      %gt3A_1029 = arith.cmpf ogt, %select_n3A_976, %select_n3A_992 : vector<16xf32>
      %eq3A_1030 = arith.cmpf oeq, %select_n3A_976, %select_n3A_992 : vector<16xf32>
      %lt3A_1031 = arith.cmpi slt, %select_n3A_978, %select_n3A_994 : vector<16xi32>
      %and3A_1032 = arith.andi %eq3A_1030, %lt3A_1031 : vector<16xi1>
      %or3A_1033 = arith.ori %gt3A_1029, %and3A_1032 : vector<16xi1>
      %select_n3A_1034 = arith.select %or3A_1033, %select_n3A_976, %select_n3A_992 : vector<16xi1>, vector<16xf32>
      %select_n3A_1035 = arith.select %or3A_1033, %select_n3A_978, %select_n3A_994 : vector<16xi1>, vector<16xi32>
      %gt3A_1036 = arith.cmpf ogt, %select_n3A_996, %select_n3A_1012 : vector<16xf32>
      %eq3A_1037 = arith.cmpf oeq, %select_n3A_996, %select_n3A_1012 : vector<16xf32>
      %lt3A_1038 = arith.cmpi slt, %select_n3A_998, %select_n3A_1014 : vector<16xi32>
      %and3A_1039 = arith.andi %eq3A_1037, %lt3A_1038 : vector<16xi1>
      %or3A_1040 = arith.ori %gt3A_1036, %and3A_1039 : vector<16xi1>
      %select_n3A_1041 = arith.select %or3A_1040, %select_n3A_996, %select_n3A_1012 : vector<16xi1>, vector<16xf32>
      %select_n3A_1042 = arith.select %or3A_1040, %select_n3A_998, %select_n3A_1014 : vector<16xi1>, vector<16xi32>
      %gt3A_1043 = arith.cmpf ogt, %select_n3A_1016, %select_n3A_1022 : vector<16xf32>
      %eq3A_1044 = arith.cmpf oeq, %select_n3A_1016, %select_n3A_1022 : vector<16xf32>
      %lt3A_1045 = arith.cmpi slt, %select_n3A_1018, %select_n3A_1024 : vector<16xi32>
      %and3A_1046 = arith.andi %eq3A_1044, %lt3A_1045 : vector<16xi1>
      %or3A_1047 = arith.ori %gt3A_1043, %and3A_1046 : vector<16xi1>
      %select_n3A_1048 = arith.select %or3A_1047, %select_n3A_1016, %select_n3A_1022 : vector<16xi1>, vector<16xf32>
      %select_n3A_1049 = arith.select %or3A_1047, %select_n3A_1018, %select_n3A_1024 : vector<16xi1>, vector<16xi32>
      %gt3A_1050 = arith.cmpf ogt, %select_n3A_1017, %select_n3A_1021 : vector<16xf32>
      %eq3A_1051 = arith.cmpf oeq, %select_n3A_1017, %select_n3A_1021 : vector<16xf32>
      %lt3A_1052 = arith.cmpi slt, %select_n3A_1019, %select_n3A_1023 : vector<16xi32>
      %and3A_1053 = arith.andi %eq3A_1051, %lt3A_1052 : vector<16xi1>
      %or3A_1054 = arith.ori %gt3A_1050, %and3A_1053 : vector<16xi1>
      %select_n3A_1055 = arith.select %or3A_1054, %select_n3A_1017, %select_n3A_1021 : vector<16xi1>, vector<16xf32>
      %select_n3A_1056 = arith.select %or3A_1054, %select_n3A_1019, %select_n3A_1023 : vector<16xi1>, vector<16xi32>
      %gt3A_1057 = arith.cmpf ogt, %select_n3A_1007, %select_n3A_1001 : vector<16xf32>
      %eq3A_1058 = arith.cmpf oeq, %select_n3A_1007, %select_n3A_1001 : vector<16xf32>
      %lt3A_1059 = arith.cmpi slt, %select_n3A_1009, %select_n3A_1003 : vector<16xi32>
      %and3A_1060 = arith.andi %eq3A_1058, %lt3A_1059 : vector<16xi1>
      %or3A_1061 = arith.ori %gt3A_1057, %and3A_1060 : vector<16xi1>
      %select_n3A_1062 = arith.select %or3A_1061, %select_n3A_1007, %select_n3A_1001 : vector<16xi1>, vector<16xf32>
      %select_n3A_1063 = arith.select %or3A_1061, %select_n3A_1009, %select_n3A_1003 : vector<16xi1>, vector<16xi32>
      %gt3A_1064 = arith.cmpf ogt, %select_n3A_987, %select_n3A_981 : vector<16xf32>
      %eq3A_1065 = arith.cmpf oeq, %select_n3A_987, %select_n3A_981 : vector<16xf32>
      %lt3A_1066 = arith.cmpi slt, %select_n3A_989, %select_n3A_983 : vector<16xi32>
      %and3A_1067 = arith.andi %eq3A_1065, %lt3A_1066 : vector<16xi1>
      %or3A_1068 = arith.ori %gt3A_1064, %and3A_1067 : vector<16xi1>
      %select_n3A_1069 = arith.select %or3A_1068, %select_n3A_987, %select_n3A_981 : vector<16xi1>, vector<16xf32>
      %select_n3A_1070 = arith.select %or3A_1068, %select_n3A_989, %select_n3A_983 : vector<16xi1>, vector<16xi32>
      %gt3A_1071 = arith.cmpf ogt, %select_n3A_947, %select_n3A_941 : vector<16xf32>
      %eq3A_1072 = arith.cmpf oeq, %select_n3A_947, %select_n3A_941 : vector<16xf32>
      %lt3A_1073 = arith.cmpi slt, %select_n3A_949, %select_n3A_943 : vector<16xi32>
      %and3A_1074 = arith.andi %eq3A_1072, %lt3A_1073 : vector<16xi1>
      %or3A_1075 = arith.ori %gt3A_1071, %and3A_1074 : vector<16xi1>
      %select_n3A_1076 = arith.select %or3A_1075, %select_n3A_947, %select_n3A_941 : vector<16xi1>, vector<16xf32>
      %select_n3A_1077 = arith.select %or3A_1075, %select_n3A_949, %select_n3A_943 : vector<16xi1>, vector<16xi32>
      %gt3A_1078 = arith.cmpf ogt, %select_n3A_1027, %select_n3A_1055 : vector<16xf32>
      %eq3A_1079 = arith.cmpf oeq, %select_n3A_1027, %select_n3A_1055 : vector<16xf32>
      %lt3A_1080 = arith.cmpi slt, %select_n3A_1028, %select_n3A_1056 : vector<16xi32>
      %and3A_1081 = arith.andi %eq3A_1079, %lt3A_1080 : vector<16xi1>
      %or3A_1082 = arith.ori %gt3A_1078, %and3A_1081 : vector<16xi1>
      %select_n3A_1083 = arith.select %or3A_1082, %select_n3A_1027, %select_n3A_1055 : vector<16xi1>, vector<16xf32>
      %select_n3A_1084 = arith.select %or3A_1082, %select_n3A_1055, %select_n3A_1027 : vector<16xi1>, vector<16xf32>
      %select_n3A_1085 = arith.select %or3A_1082, %select_n3A_1028, %select_n3A_1056 : vector<16xi1>, vector<16xi32>
      %select_n3A_1086 = arith.select %or3A_1082, %select_n3A_1056, %select_n3A_1028 : vector<16xi1>, vector<16xi32>
      %gt3A_1087 = arith.cmpf ogt, %select_n3A_1034, %select_n3A_1062 : vector<16xf32>
      %eq3A_1088 = arith.cmpf oeq, %select_n3A_1034, %select_n3A_1062 : vector<16xf32>
      %lt3A_1089 = arith.cmpi slt, %select_n3A_1035, %select_n3A_1063 : vector<16xi32>
      %and3A_1090 = arith.andi %eq3A_1088, %lt3A_1089 : vector<16xi1>
      %or3A_1091 = arith.ori %gt3A_1087, %and3A_1090 : vector<16xi1>
      %select_n3A_1092 = arith.select %or3A_1091, %select_n3A_1034, %select_n3A_1062 : vector<16xi1>, vector<16xf32>
      %select_n3A_1093 = arith.select %or3A_1091, %select_n3A_1062, %select_n3A_1034 : vector<16xi1>, vector<16xf32>
      %select_n3A_1094 = arith.select %or3A_1091, %select_n3A_1035, %select_n3A_1063 : vector<16xi1>, vector<16xi32>
      %select_n3A_1095 = arith.select %or3A_1091, %select_n3A_1063, %select_n3A_1035 : vector<16xi1>, vector<16xi32>
      %gt3A_1096 = arith.cmpf ogt, %select_n3A_1041, %select_n3A_1069 : vector<16xf32>
      %eq3A_1097 = arith.cmpf oeq, %select_n3A_1041, %select_n3A_1069 : vector<16xf32>
      %lt3A_1098 = arith.cmpi slt, %select_n3A_1042, %select_n3A_1070 : vector<16xi32>
      %and3A_1099 = arith.andi %eq3A_1097, %lt3A_1098 : vector<16xi1>
      %or3A_1100 = arith.ori %gt3A_1096, %and3A_1099 : vector<16xi1>
      %select_n3A_1101 = arith.select %or3A_1100, %select_n3A_1041, %select_n3A_1069 : vector<16xi1>, vector<16xf32>
      %select_n3A_1102 = arith.select %or3A_1100, %select_n3A_1069, %select_n3A_1041 : vector<16xi1>, vector<16xf32>
      %select_n3A_1103 = arith.select %or3A_1100, %select_n3A_1042, %select_n3A_1070 : vector<16xi1>, vector<16xi32>
      %select_n3A_1104 = arith.select %or3A_1100, %select_n3A_1070, %select_n3A_1042 : vector<16xi1>, vector<16xi32>
      %gt3A_1105 = arith.cmpf ogt, %select_n3A_1048, %select_n3A_1076 : vector<16xf32>
      %eq3A_1106 = arith.cmpf oeq, %select_n3A_1048, %select_n3A_1076 : vector<16xf32>
      %lt3A_1107 = arith.cmpi slt, %select_n3A_1049, %select_n3A_1077 : vector<16xi32>
      %and3A_1108 = arith.andi %eq3A_1106, %lt3A_1107 : vector<16xi1>
      %or3A_1109 = arith.ori %gt3A_1105, %and3A_1108 : vector<16xi1>
      %select_n3A_1110 = arith.select %or3A_1109, %select_n3A_1048, %select_n3A_1076 : vector<16xi1>, vector<16xf32>
      %select_n3A_1111 = arith.select %or3A_1109, %select_n3A_1076, %select_n3A_1048 : vector<16xi1>, vector<16xf32>
      %select_n3A_1112 = arith.select %or3A_1109, %select_n3A_1049, %select_n3A_1077 : vector<16xi1>, vector<16xi32>
      %select_n3A_1113 = arith.select %or3A_1109, %select_n3A_1077, %select_n3A_1049 : vector<16xi1>, vector<16xi32>
      %gt3A_1114 = arith.cmpf ogt, %select_n3A_1083, %select_n3A_1101 : vector<16xf32>
      %eq3A_1115 = arith.cmpf oeq, %select_n3A_1083, %select_n3A_1101 : vector<16xf32>
      %lt3A_1116 = arith.cmpi slt, %select_n3A_1085, %select_n3A_1103 : vector<16xi32>
      %and3A_1117 = arith.andi %eq3A_1115, %lt3A_1116 : vector<16xi1>
      %or3A_1118 = arith.ori %gt3A_1114, %and3A_1117 : vector<16xi1>
      %select_n3A_1119 = arith.select %or3A_1118, %select_n3A_1083, %select_n3A_1101 : vector<16xi1>, vector<16xf32>
      %select_n3A_1120 = arith.select %or3A_1118, %select_n3A_1101, %select_n3A_1083 : vector<16xi1>, vector<16xf32>
      %select_n3A_1121 = arith.select %or3A_1118, %select_n3A_1085, %select_n3A_1103 : vector<16xi1>, vector<16xi32>
      %select_n3A_1122 = arith.select %or3A_1118, %select_n3A_1103, %select_n3A_1085 : vector<16xi1>, vector<16xi32>
      %gt3A_1123 = arith.cmpf ogt, %select_n3A_1092, %select_n3A_1110 : vector<16xf32>
      %eq3A_1124 = arith.cmpf oeq, %select_n3A_1092, %select_n3A_1110 : vector<16xf32>
      %lt3A_1125 = arith.cmpi slt, %select_n3A_1094, %select_n3A_1112 : vector<16xi32>
      %and3A_1126 = arith.andi %eq3A_1124, %lt3A_1125 : vector<16xi1>
      %or3A_1127 = arith.ori %gt3A_1123, %and3A_1126 : vector<16xi1>
      %select_n3A_1128 = arith.select %or3A_1127, %select_n3A_1092, %select_n3A_1110 : vector<16xi1>, vector<16xf32>
      %select_n3A_1129 = arith.select %or3A_1127, %select_n3A_1110, %select_n3A_1092 : vector<16xi1>, vector<16xf32>
      %select_n3A_1130 = arith.select %or3A_1127, %select_n3A_1094, %select_n3A_1112 : vector<16xi1>, vector<16xi32>
      %select_n3A_1131 = arith.select %or3A_1127, %select_n3A_1112, %select_n3A_1094 : vector<16xi1>, vector<16xi32>
      %gt3A_1132 = arith.cmpf ogt, %select_n3A_1084, %select_n3A_1102 : vector<16xf32>
      %eq3A_1133 = arith.cmpf oeq, %select_n3A_1084, %select_n3A_1102 : vector<16xf32>
      %lt3A_1134 = arith.cmpi slt, %select_n3A_1086, %select_n3A_1104 : vector<16xi32>
      %and3A_1135 = arith.andi %eq3A_1133, %lt3A_1134 : vector<16xi1>
      %or3A_1136 = arith.ori %gt3A_1132, %and3A_1135 : vector<16xi1>
      %select_n3A_1137 = arith.select %or3A_1136, %select_n3A_1084, %select_n3A_1102 : vector<16xi1>, vector<16xf32>
      %select_n3A_1138 = arith.select %or3A_1136, %select_n3A_1102, %select_n3A_1084 : vector<16xi1>, vector<16xf32>
      %select_n3A_1139 = arith.select %or3A_1136, %select_n3A_1086, %select_n3A_1104 : vector<16xi1>, vector<16xi32>
      %select_n3A_1140 = arith.select %or3A_1136, %select_n3A_1104, %select_n3A_1086 : vector<16xi1>, vector<16xi32>
      %gt3A_1141 = arith.cmpf ogt, %select_n3A_1093, %select_n3A_1111 : vector<16xf32>
      %eq3A_1142 = arith.cmpf oeq, %select_n3A_1093, %select_n3A_1111 : vector<16xf32>
      %lt3A_1143 = arith.cmpi slt, %select_n3A_1095, %select_n3A_1113 : vector<16xi32>
      %and3A_1144 = arith.andi %eq3A_1142, %lt3A_1143 : vector<16xi1>
      %or3A_1145 = arith.ori %gt3A_1141, %and3A_1144 : vector<16xi1>
      %select_n3A_1146 = arith.select %or3A_1145, %select_n3A_1093, %select_n3A_1111 : vector<16xi1>, vector<16xf32>
      %select_n3A_1147 = arith.select %or3A_1145, %select_n3A_1111, %select_n3A_1093 : vector<16xi1>, vector<16xf32>
      %select_n3A_1148 = arith.select %or3A_1145, %select_n3A_1095, %select_n3A_1113 : vector<16xi1>, vector<16xi32>
      %select_n3A_1149 = arith.select %or3A_1145, %select_n3A_1113, %select_n3A_1095 : vector<16xi1>, vector<16xi32>
      %gt3A_1150 = arith.cmpf ogt, %select_n3A_1119, %select_n3A_1128 : vector<16xf32>
      %eq3A_1151 = arith.cmpf oeq, %select_n3A_1119, %select_n3A_1128 : vector<16xf32>
      %lt3A_1152 = arith.cmpi slt, %select_n3A_1121, %select_n3A_1130 : vector<16xi32>
      %and3A_1153 = arith.andi %eq3A_1151, %lt3A_1152 : vector<16xi1>
      %or3A_1154 = arith.ori %gt3A_1150, %and3A_1153 : vector<16xi1>
      %select_n3A_1155 = arith.select %or3A_1154, %select_n3A_1119, %select_n3A_1128 : vector<16xi1>, vector<16xf32>
      %select_n3A_1156 = arith.select %or3A_1154, %select_n3A_1128, %select_n3A_1119 : vector<16xi1>, vector<16xf32>
      %select_n3A_1157 = arith.select %or3A_1154, %select_n3A_1121, %select_n3A_1130 : vector<16xi1>, vector<16xi32>
      %select_n3A_1158 = arith.select %or3A_1154, %select_n3A_1130, %select_n3A_1121 : vector<16xi1>, vector<16xi32>
      %gt3A_1159 = arith.cmpf ogt, %select_n3A_1120, %select_n3A_1129 : vector<16xf32>
      %eq3A_1160 = arith.cmpf oeq, %select_n3A_1120, %select_n3A_1129 : vector<16xf32>
      %lt3A_1161 = arith.cmpi slt, %select_n3A_1122, %select_n3A_1131 : vector<16xi32>
      %and3A_1162 = arith.andi %eq3A_1160, %lt3A_1161 : vector<16xi1>
      %or3A_1163 = arith.ori %gt3A_1159, %and3A_1162 : vector<16xi1>
      %select_n3A_1164 = arith.select %or3A_1163, %select_n3A_1120, %select_n3A_1129 : vector<16xi1>, vector<16xf32>
      %select_n3A_1165 = arith.select %or3A_1163, %select_n3A_1129, %select_n3A_1120 : vector<16xi1>, vector<16xf32>
      %select_n3A_1166 = arith.select %or3A_1163, %select_n3A_1122, %select_n3A_1131 : vector<16xi1>, vector<16xi32>
      %select_n3A_1167 = arith.select %or3A_1163, %select_n3A_1131, %select_n3A_1122 : vector<16xi1>, vector<16xi32>
      %gt3A_1168 = arith.cmpf ogt, %select_n3A_1137, %select_n3A_1146 : vector<16xf32>
      %eq3A_1169 = arith.cmpf oeq, %select_n3A_1137, %select_n3A_1146 : vector<16xf32>
      %lt3A_1170 = arith.cmpi slt, %select_n3A_1139, %select_n3A_1148 : vector<16xi32>
      %and3A_1171 = arith.andi %eq3A_1169, %lt3A_1170 : vector<16xi1>
      %or3A_1172 = arith.ori %gt3A_1168, %and3A_1171 : vector<16xi1>
      %select_n3A_1173 = arith.select %or3A_1172, %select_n3A_1137, %select_n3A_1146 : vector<16xi1>, vector<16xf32>
      %select_n3A_1174 = arith.select %or3A_1172, %select_n3A_1146, %select_n3A_1137 : vector<16xi1>, vector<16xf32>
      %select_n3A_1175 = arith.select %or3A_1172, %select_n3A_1139, %select_n3A_1148 : vector<16xi1>, vector<16xi32>
      %select_n3A_1176 = arith.select %or3A_1172, %select_n3A_1148, %select_n3A_1139 : vector<16xi1>, vector<16xi32>
      %gt3A_1177 = arith.cmpf ogt, %select_n3A_1138, %select_n3A_1147 : vector<16xf32>
      %eq3A_1178 = arith.cmpf oeq, %select_n3A_1138, %select_n3A_1147 : vector<16xf32>
      %lt3A_1179 = arith.cmpi slt, %select_n3A_1140, %select_n3A_1149 : vector<16xi32>
      %and3A_1180 = arith.andi %eq3A_1178, %lt3A_1179 : vector<16xi1>
      %or3A_1181 = arith.ori %gt3A_1177, %and3A_1180 : vector<16xi1>
      %select_n3A_1182 = arith.select %or3A_1181, %select_n3A_1138, %select_n3A_1147 : vector<16xi1>, vector<16xf32>
      %select_n3A_1183 = arith.select %or3A_1181, %select_n3A_1147, %select_n3A_1138 : vector<16xi1>, vector<16xf32>
      %select_n3A_1184 = arith.select %or3A_1181, %select_n3A_1140, %select_n3A_1149 : vector<16xi1>, vector<16xi32>
      %select_n3A_1185 = arith.select %or3A_1181, %select_n3A_1149, %select_n3A_1140 : vector<16xi1>, vector<16xi32>
      %add3A_1186 = arith.constant 256 : i32
      %add3A_1187 = vector.broadcast %add3A_1186 : i32 to vector<16xi32>
      %add3A_1188 = arith.addi %add3A_1187, %add3A_238 : vector<16xi32>
      %mul3A_1189 = arith.constant 8 : i32
      %mul3A_1190 = vector.broadcast %mul3A_1189 : i32 to vector<16xi32>
      %mul3A_1191 = arith.muli %add3A_1188, %mul3A_1190 : vector<16xi32>
      %add3A_1192 = arith.constant 0 : i32
      %add3A_1193 = vector.broadcast %add3A_1192 : i32 to vector<16xi32>
      %add3A_1194 = arith.addi %mul3A_1191, %add3A_1193 : vector<16xi32>
      tpu.vector_store_idx %arg7[%add3A_1194], %select_n3A_1155 : memref<8192xf32, #tpu.memory_space<vmem>>[vector<16xi32>], vector<16xf32>,
      %add3A_1195 = arith.constant 0 : i32
      %add3A_1196 = vector.broadcast %add3A_1195 : i32 to vector<16xi32>
      %add3A_1197 = arith.addi %mul3A_1191, %add3A_1196 : vector<16xi32>
      tpu.vector_store_idx %arg8[%add3A_1197], %select_n3A_1157 : memref<8192xi32, #tpu.memory_space<vmem>>[vector<16xi32>], vector<16xi32>,
      tpu.vector_store_idx %arg9[%select_n3A_1157], %broadcast_in_dim3A_59 {add = true} : memref<64xf32, #tpu.memory_space<vmem>>[vector<16xi32>], vector<16xf32>,
      %add3A_1198 = arith.constant 1 : i32
      %add3A_1199 = vector.broadcast %add3A_1198 : i32 to vector<16xi32>
      %add3A_1200 = arith.addi %mul3A_1191, %add3A_1199 : vector<16xi32>
      tpu.vector_store_idx %arg7[%add3A_1200], %select_n3A_1156 : memref<8192xf32, #tpu.memory_space<vmem>>[vector<16xi32>], vector<16xf32>,
      %add3A_1201 = arith.constant 1 : i32
      %add3A_1202 = vector.broadcast %add3A_1201 : i32 to vector<16xi32>
      %add3A_1203 = arith.addi %mul3A_1191, %add3A_1202 : vector<16xi32>
      tpu.vector_store_idx %arg8[%add3A_1203], %select_n3A_1158 : memref<8192xi32, #tpu.memory_space<vmem>>[vector<16xi32>], vector<16xi32>,
      tpu.vector_store_idx %arg9[%select_n3A_1158], %broadcast_in_dim3A_59 {add = true} : memref<64xf32, #tpu.memory_space<vmem>>[vector<16xi32>], vector<16xf32>,
      %add3A_1204 = arith.constant 2 : i32
      %add3A_1205 = vector.broadcast %add3A_1204 : i32 to vector<16xi32>
      %add3A_1206 = arith.addi %mul3A_1191, %add3A_1205 : vector<16xi32>
      tpu.vector_store_idx %arg7[%add3A_1206], %select_n3A_1164 : memref<8192xf32, #tpu.memory_space<vmem>>[vector<16xi32>], vector<16xf32>,
      %add3A_1207 = arith.constant 2 : i32
      %add3A_1208 = vector.broadcast %add3A_1207 : i32 to vector<16xi32>
      %add3A_1209 = arith.addi %mul3A_1191, %add3A_1208 : vector<16xi32>
      tpu.vector_store_idx %arg8[%add3A_1209], %select_n3A_1166 : memref<8192xi32, #tpu.memory_space<vmem>>[vector<16xi32>], vector<16xi32>,
      tpu.vector_store_idx %arg9[%select_n3A_1166], %broadcast_in_dim3A_59 {add = true} : memref<64xf32, #tpu.memory_space<vmem>>[vector<16xi32>], vector<16xf32>,
      %add3A_1210 = arith.constant 3 : i32
      %add3A_1211 = vector.broadcast %add3A_1210 : i32 to vector<16xi32>
      %add3A_1212 = arith.addi %mul3A_1191, %add3A_1211 : vector<16xi32>
      tpu.vector_store_idx %arg7[%add3A_1212], %select_n3A_1165 : memref<8192xf32, #tpu.memory_space<vmem>>[vector<16xi32>], vector<16xf32>,
      %add3A_1213 = arith.constant 3 : i32
      %add3A_1214 = vector.broadcast %add3A_1213 : i32 to vector<16xi32>
      %add3A_1215 = arith.addi %mul3A_1191, %add3A_1214 : vector<16xi32>
      tpu.vector_store_idx %arg8[%add3A_1215], %select_n3A_1167 : memref<8192xi32, #tpu.memory_space<vmem>>[vector<16xi32>], vector<16xi32>,
      tpu.vector_store_idx %arg9[%select_n3A_1167], %broadcast_in_dim3A_59 {add = true} : memref<64xf32, #tpu.memory_space<vmem>>[vector<16xi32>], vector<16xf32>,
      %add3A_1216 = arith.constant 4 : i32
      %add3A_1217 = vector.broadcast %add3A_1216 : i32 to vector<16xi32>
      %add3A_1218 = arith.addi %mul3A_1191, %add3A_1217 : vector<16xi32>
      tpu.vector_store_idx %arg7[%add3A_1218], %select_n3A_1173 : memref<8192xf32, #tpu.memory_space<vmem>>[vector<16xi32>], vector<16xf32>,
      %add3A_1219 = arith.constant 4 : i32
      %add3A_1220 = vector.broadcast %add3A_1219 : i32 to vector<16xi32>
      %add3A_1221 = arith.addi %mul3A_1191, %add3A_1220 : vector<16xi32>
      tpu.vector_store_idx %arg8[%add3A_1221], %select_n3A_1175 : memref<8192xi32, #tpu.memory_space<vmem>>[vector<16xi32>], vector<16xi32>,
      tpu.vector_store_idx %arg9[%select_n3A_1175], %broadcast_in_dim3A_59 {add = true} : memref<64xf32, #tpu.memory_space<vmem>>[vector<16xi32>], vector<16xf32>,
      %add3A_1222 = arith.constant 5 : i32
      %add3A_1223 = vector.broadcast %add3A_1222 : i32 to vector<16xi32>
      %add3A_1224 = arith.addi %mul3A_1191, %add3A_1223 : vector<16xi32>
      tpu.vector_store_idx %arg7[%add3A_1224], %select_n3A_1174 : memref<8192xf32, #tpu.memory_space<vmem>>[vector<16xi32>], vector<16xf32>,
      %add3A_1225 = arith.constant 5 : i32
      %add3A_1226 = vector.broadcast %add3A_1225 : i32 to vector<16xi32>
      %add3A_1227 = arith.addi %mul3A_1191, %add3A_1226 : vector<16xi32>
      tpu.vector_store_idx %arg8[%add3A_1227], %select_n3A_1176 : memref<8192xi32, #tpu.memory_space<vmem>>[vector<16xi32>], vector<16xi32>,
      tpu.vector_store_idx %arg9[%select_n3A_1176], %broadcast_in_dim3A_59 {add = true} : memref<64xf32, #tpu.memory_space<vmem>>[vector<16xi32>], vector<16xf32>,
      %add3A_1228 = arith.constant 6 : i32
      %add3A_1229 = vector.broadcast %add3A_1228 : i32 to vector<16xi32>
      %add3A_1230 = arith.addi %mul3A_1191, %add3A_1229 : vector<16xi32>
      tpu.vector_store_idx %arg7[%add3A_1230], %select_n3A_1182 : memref<8192xf32, #tpu.memory_space<vmem>>[vector<16xi32>], vector<16xf32>,
      %add3A_1231 = arith.constant 6 : i32
      %add3A_1232 = vector.broadcast %add3A_1231 : i32 to vector<16xi32>
      %add3A_1233 = arith.addi %mul3A_1191, %add3A_1232 : vector<16xi32>
      tpu.vector_store_idx %arg8[%add3A_1233], %select_n3A_1184 : memref<8192xi32, #tpu.memory_space<vmem>>[vector<16xi32>], vector<16xi32>,
      tpu.vector_store_idx %arg9[%select_n3A_1184], %broadcast_in_dim3A_59 {add = true} : memref<64xf32, #tpu.memory_space<vmem>>[vector<16xi32>], vector<16xf32>,
      %add3A_1234 = arith.constant 7 : i32
      %add3A_1235 = vector.broadcast %add3A_1234 : i32 to vector<16xi32>
      %add3A_1236 = arith.addi %mul3A_1191, %add3A_1235 : vector<16xi32>
      tpu.vector_store_idx %arg7[%add3A_1236], %select_n3A_1183 : memref<8192xf32, #tpu.memory_space<vmem>>[vector<16xi32>], vector<16xf32>,
      %add3A_1237 = arith.constant 7 : i32
      %add3A_1238 = vector.broadcast %add3A_1237 : i32 to vector<16xi32>
      %add3A_1239 = arith.addi %mul3A_1191, %add3A_1238 : vector<16xi32>
      tpu.vector_store_idx %arg8[%add3A_1239], %select_n3A_1185 : memref<8192xi32, #tpu.memory_space<vmem>>[vector<16xi32>], vector<16xi32>,
      tpu.vector_store_idx %arg9[%select_n3A_1185], %broadcast_in_dim3A_59 {add = true} : memref<64xf32, #tpu.memory_space<vmem>>[vector<16xi32>], vector<16xf32>,
    }
    %scan3A_101 = arith.constant 16 : i32
    %mul3A_102 = arith.constant 8 : i32
    %mul3A_103 = arith.muli %mul3A_2, %mul3A_102 : i32
    %add3A_104 = arith.constant 2048 : i32
    %add3A_105 = arith.addi %mul3A_103, %add3A_104 : i32
    %dma_start3A_106 = arith.constant 2048 : i32
    %dma_start3A_107 = tpu.memref_slice %arg7[%dma_start3A_106] : memref<8192xf32, #tpu.memory_space<vmem>> -> memref<2048xf32, #tpu.memory_space<vmem>>
    %dma_start3A_108 = tpu.memref_slice %arg3[%add3A_105] : memref<262144xf32, #tpu.memory_space<hbm>> -> memref<2048xf32, #tpu.memory_space<hbm>>
    %dma_start3A_109 = tpu.memref_slice %arg3[%add3A_105] : memref<262144xf32, #tpu.memory_space<hbm>> -> memref<2048xf32, #tpu.memory_space<hbm>>
    %dma_start3A_110 = arith.constant 2048 : i32
    %dma_start3A_111 = tpu.memref_slice %arg7[%dma_start3A_110] : memref<8192xf32, #tpu.memory_space<vmem>> -> memref<2048xf32, #tpu.memory_space<vmem>>
    tpu.enqueue_dma source(%dma_start3A_111 : memref<2048xf32, #tpu.memory_space<vmem>>) target(%dma_start3A_109 : memref<2048xf32, #tpu.memory_space<hbm>>) target_semaphore(%arg14 : memref<!tpu.dma_semaphore, #tpu.memory_space<semaphore_mem>>)
    %mul3A_112 = arith.constant 8 : i32
    %mul3A_113 = arith.muli %mul3A_2, %mul3A_112 : i32
    %add3A_114 = arith.constant 2048 : i32
    %add3A_115 = arith.addi %mul3A_113, %add3A_114 : i32
    %dma_start3A_116 = arith.constant 2048 : i32
    %dma_start3A_117 = tpu.memref_slice %arg8[%dma_start3A_116] : memref<8192xi32, #tpu.memory_space<vmem>> -> memref<2048xi32, #tpu.memory_space<vmem>>
    %dma_start3A_118 = tpu.memref_slice %arg4[%add3A_115] : memref<262144xi32, #tpu.memory_space<hbm>> -> memref<2048xi32, #tpu.memory_space<hbm>>
    %dma_start3A_119 = tpu.memref_slice %arg4[%add3A_115] : memref<262144xi32, #tpu.memory_space<hbm>> -> memref<2048xi32, #tpu.memory_space<hbm>>
    %dma_start3A_120 = arith.constant 2048 : i32
    %dma_start3A_121 = tpu.memref_slice %arg8[%dma_start3A_120] : memref<8192xi32, #tpu.memory_space<vmem>> -> memref<2048xi32, #tpu.memory_space<vmem>>
    tpu.enqueue_dma source(%dma_start3A_121 : memref<2048xi32, #tpu.memory_space<vmem>>) target(%dma_start3A_119 : memref<2048xi32, #tpu.memory_space<hbm>>) target_semaphore(%arg14 : memref<!tpu.dma_semaphore, #tpu.memory_space<semaphore_mem>>)
    %dma_wait3A_122 = arith.constant 32768 : i32
    %dma_wait3A_123 = tpu.memref_slice %arg6[%dma_wait3A_122] : memref<65536xf32, #tpu.memory_space<vmem>> -> memref<16384xf32, #tpu.memory_space<vmem>>
    %dma_wait3A_124 = tpu.memref_slice %arg2[%mul3A_31] : memref<2097152xf32, #tpu.memory_space<hbm>> -> memref<16384xf32, #tpu.memory_space<hbm>>
    %dma_wait3A_125 = arith.constant 32768 : i32
    %dma_wait3A_126 = tpu.memref_slice %arg6[%dma_wait3A_125] : memref<65536xf32, #tpu.memory_space<vmem>> -> memref<16384xf32, #tpu.memory_space<vmem>>
    %dma_wait3A_127 = tpu.memref_slice %arg2[%mul3A_31] : memref<2097152xf32, #tpu.memory_space<hbm>> -> memref<16384xf32, #tpu.memory_space<hbm>>
    tpu.wait_dma2 semaphore(%arg12 : memref<!tpu.dma_semaphore, #tpu.memory_space<semaphore_mem>>) src(%dma_wait3A_127 : memref<16384xf32, #tpu.memory_space<hbm>>) dst(%dma_wait3A_126 : memref<16384xf32, #tpu.memory_space<vmem>>)
    %scan3A_128 = arith.constant 0 : i32
    %scan3A_129 = arith.constant 0 : i32
    %scan3A_130 = arith.constant 16 : i32
    %scan3A_131 = arith.addi %scan3A_129, %scan3A_130 : i32
    %scan3A_132 = arith.constant 1 : i32
    scf.for %scan3A_234 = %scan3A_129 to %scan3A_131 step %scan3A_132  : i32 {
      %mul3A_235 = arith.constant 16 : i32
      %mul3A_236 = arith.muli %scan3A_234, %mul3A_235 : i32
      %add3A_237 = vector.broadcast %mul3A_236 : i32 to vector<16xi32>
      %add3A_238 = arith.addi %add3A_237, %iota3A : vector<16xi32>
      %add3A_239 = arith.constant 32768 : i32
      %add3A_240 = arith.addi %add3A_239, %mul3A_236 : i32
      %get3A = arith.index_cast %add3A_240 : i32 to index
      %get3A_241 = tpu.vector_load %arg6[%get3A] {strides = array<i32>} : memref<65536xf32, #tpu.memory_space<vmem>>, vector<16xf32>,
      %add3A_242 = arith.constant 33024 : i32
      %add3A_243 = arith.addi %add3A_242, %mul3A_236 : i32
      %get3A_244 = arith.index_cast %add3A_243 : i32 to index
      %get3A_245 = tpu.vector_load %arg6[%get3A_244] {strides = array<i32>} : memref<65536xf32, #tpu.memory_space<vmem>>, vector<16xf32>,
      %max3A = arith.maximumf %get3A_241, %get3A_245 : vector<16xf32>
      %add3A_246 = arith.constant 33280 : i32
      %add3A_247 = arith.addi %add3A_246, %mul3A_236 : i32
      %get3A_248 = arith.index_cast %add3A_247 : i32 to index
      %get3A_249 = tpu.vector_load %arg6[%get3A_248] {strides = array<i32>} : memref<65536xf32, #tpu.memory_space<vmem>>, vector<16xf32>,
      %max3A_250 = arith.maximumf %max3A, %get3A_249 : vector<16xf32>
      %add3A_251 = arith.constant 33536 : i32
      %add3A_252 = arith.addi %add3A_251, %mul3A_236 : i32
      %get3A_253 = arith.index_cast %add3A_252 : i32 to index
      %get3A_254 = tpu.vector_load %arg6[%get3A_253] {strides = array<i32>} : memref<65536xf32, #tpu.memory_space<vmem>>, vector<16xf32>,
      %max3A_255 = arith.maximumf %max3A_250, %get3A_254 : vector<16xf32>
      %add3A_256 = arith.constant 33792 : i32
      %add3A_257 = arith.addi %add3A_256, %mul3A_236 : i32
      %get3A_258 = arith.index_cast %add3A_257 : i32 to index
      %get3A_259 = tpu.vector_load %arg6[%get3A_258] {strides = array<i32>} : memref<65536xf32, #tpu.memory_space<vmem>>, vector<16xf32>,
      %max3A_260 = arith.maximumf %max3A_255, %get3A_259 : vector<16xf32>
      %add3A_261 = arith.constant 34048 : i32
      %add3A_262 = arith.addi %add3A_261, %mul3A_236 : i32
      %get3A_263 = arith.index_cast %add3A_262 : i32 to index
      %get3A_264 = tpu.vector_load %arg6[%get3A_263] {strides = array<i32>} : memref<65536xf32, #tpu.memory_space<vmem>>, vector<16xf32>,
      %max3A_265 = arith.maximumf %max3A_260, %get3A_264 : vector<16xf32>
      %add3A_266 = arith.constant 34304 : i32
      %add3A_267 = arith.addi %add3A_266, %mul3A_236 : i32
      %get3A_268 = arith.index_cast %add3A_267 : i32 to index
      %get3A_269 = tpu.vector_load %arg6[%get3A_268] {strides = array<i32>} : memref<65536xf32, #tpu.memory_space<vmem>>, vector<16xf32>,
      %max3A_270 = arith.maximumf %max3A_265, %get3A_269 : vector<16xf32>
      %add3A_271 = arith.constant 34560 : i32
      %add3A_272 = arith.addi %add3A_271, %mul3A_236 : i32
      %get3A_273 = arith.index_cast %add3A_272 : i32 to index
      %get3A_274 = tpu.vector_load %arg6[%get3A_273] {strides = array<i32>} : memref<65536xf32, #tpu.memory_space<vmem>>, vector<16xf32>,
      %max3A_275 = arith.maximumf %max3A_270, %get3A_274 : vector<16xf32>
      %add3A_276 = arith.constant 34816 : i32
      %add3A_277 = arith.addi %add3A_276, %mul3A_236 : i32
      %get3A_278 = arith.index_cast %add3A_277 : i32 to index
      %get3A_279 = tpu.vector_load %arg6[%get3A_278] {strides = array<i32>} : memref<65536xf32, #tpu.memory_space<vmem>>, vector<16xf32>,
      %add3A_280 = arith.constant 35072 : i32
      %add3A_281 = arith.addi %add3A_280, %mul3A_236 : i32
      %get3A_282 = arith.index_cast %add3A_281 : i32 to index
      %get3A_283 = tpu.vector_load %arg6[%get3A_282] {strides = array<i32>} : memref<65536xf32, #tpu.memory_space<vmem>>, vector<16xf32>,
      %max3A_284 = arith.maximumf %get3A_279, %get3A_283 : vector<16xf32>
      %add3A_285 = arith.constant 35328 : i32
      %add3A_286 = arith.addi %add3A_285, %mul3A_236 : i32
      %get3A_287 = arith.index_cast %add3A_286 : i32 to index
      %get3A_288 = tpu.vector_load %arg6[%get3A_287] {strides = array<i32>} : memref<65536xf32, #tpu.memory_space<vmem>>, vector<16xf32>,
      %max3A_289 = arith.maximumf %max3A_284, %get3A_288 : vector<16xf32>
      %add3A_290 = arith.constant 35584 : i32
      %add3A_291 = arith.addi %add3A_290, %mul3A_236 : i32
      %get3A_292 = arith.index_cast %add3A_291 : i32 to index
      %get3A_293 = tpu.vector_load %arg6[%get3A_292] {strides = array<i32>} : memref<65536xf32, #tpu.memory_space<vmem>>, vector<16xf32>,
      %max3A_294 = arith.maximumf %max3A_289, %get3A_293 : vector<16xf32>
      %add3A_295 = arith.constant 35840 : i32
      %add3A_296 = arith.addi %add3A_295, %mul3A_236 : i32
      %get3A_297 = arith.index_cast %add3A_296 : i32 to index
      %get3A_298 = tpu.vector_load %arg6[%get3A_297] {strides = array<i32>} : memref<65536xf32, #tpu.memory_space<vmem>>, vector<16xf32>,
      %max3A_299 = arith.maximumf %max3A_294, %get3A_298 : vector<16xf32>
      %add3A_300 = arith.constant 36096 : i32
      %add3A_301 = arith.addi %add3A_300, %mul3A_236 : i32
      %get3A_302 = arith.index_cast %add3A_301 : i32 to index
      %get3A_303 = tpu.vector_load %arg6[%get3A_302] {strides = array<i32>} : memref<65536xf32, #tpu.memory_space<vmem>>, vector<16xf32>,
      %max3A_304 = arith.maximumf %max3A_299, %get3A_303 : vector<16xf32>
      %add3A_305 = arith.constant 36352 : i32
      %add3A_306 = arith.addi %add3A_305, %mul3A_236 : i32
      %get3A_307 = arith.index_cast %add3A_306 : i32 to index
      %get3A_308 = tpu.vector_load %arg6[%get3A_307] {strides = array<i32>} : memref<65536xf32, #tpu.memory_space<vmem>>, vector<16xf32>,
      %max3A_309 = arith.maximumf %max3A_304, %get3A_308 : vector<16xf32>
      %add3A_310 = arith.constant 36608 : i32
      %add3A_311 = arith.addi %add3A_310, %mul3A_236 : i32
      %get3A_312 = arith.index_cast %add3A_311 : i32 to index
      %get3A_313 = tpu.vector_load %arg6[%get3A_312] {strides = array<i32>} : memref<65536xf32, #tpu.memory_space<vmem>>, vector<16xf32>,
      %max3A_314 = arith.maximumf %max3A_309, %get3A_313 : vector<16xf32>
      %add3A_315 = arith.constant 36864 : i32
      %add3A_316 = arith.addi %add3A_315, %mul3A_236 : i32
      %get3A_317 = arith.index_cast %add3A_316 : i32 to index
      %get3A_318 = tpu.vector_load %arg6[%get3A_317] {strides = array<i32>} : memref<65536xf32, #tpu.memory_space<vmem>>, vector<16xf32>,
      %add3A_319 = arith.constant 37120 : i32
      %add3A_320 = arith.addi %add3A_319, %mul3A_236 : i32
      %get3A_321 = arith.index_cast %add3A_320 : i32 to index
      %get3A_322 = tpu.vector_load %arg6[%get3A_321] {strides = array<i32>} : memref<65536xf32, #tpu.memory_space<vmem>>, vector<16xf32>,
      %max3A_323 = arith.maximumf %get3A_318, %get3A_322 : vector<16xf32>
      %add3A_324 = arith.constant 37376 : i32
      %add3A_325 = arith.addi %add3A_324, %mul3A_236 : i32
      %get3A_326 = arith.index_cast %add3A_325 : i32 to index
      %get3A_327 = tpu.vector_load %arg6[%get3A_326] {strides = array<i32>} : memref<65536xf32, #tpu.memory_space<vmem>>, vector<16xf32>,
      %max3A_328 = arith.maximumf %max3A_323, %get3A_327 : vector<16xf32>
      %add3A_329 = arith.constant 37632 : i32
      %add3A_330 = arith.addi %add3A_329, %mul3A_236 : i32
      %get3A_331 = arith.index_cast %add3A_330 : i32 to index
      %get3A_332 = tpu.vector_load %arg6[%get3A_331] {strides = array<i32>} : memref<65536xf32, #tpu.memory_space<vmem>>, vector<16xf32>,
      %max3A_333 = arith.maximumf %max3A_328, %get3A_332 : vector<16xf32>
      %add3A_334 = arith.constant 37888 : i32
      %add3A_335 = arith.addi %add3A_334, %mul3A_236 : i32
      %get3A_336 = arith.index_cast %add3A_335 : i32 to index
      %get3A_337 = tpu.vector_load %arg6[%get3A_336] {strides = array<i32>} : memref<65536xf32, #tpu.memory_space<vmem>>, vector<16xf32>,
      %max3A_338 = arith.maximumf %max3A_333, %get3A_337 : vector<16xf32>
      %add3A_339 = arith.constant 38144 : i32
      %add3A_340 = arith.addi %add3A_339, %mul3A_236 : i32
      %get3A_341 = arith.index_cast %add3A_340 : i32 to index
      %get3A_342 = tpu.vector_load %arg6[%get3A_341] {strides = array<i32>} : memref<65536xf32, #tpu.memory_space<vmem>>, vector<16xf32>,
      %max3A_343 = arith.maximumf %max3A_338, %get3A_342 : vector<16xf32>
      %add3A_344 = arith.constant 38400 : i32
      %add3A_345 = arith.addi %add3A_344, %mul3A_236 : i32
      %get3A_346 = arith.index_cast %add3A_345 : i32 to index
      %get3A_347 = tpu.vector_load %arg6[%get3A_346] {strides = array<i32>} : memref<65536xf32, #tpu.memory_space<vmem>>, vector<16xf32>,
      %max3A_348 = arith.maximumf %max3A_343, %get3A_347 : vector<16xf32>
      %add3A_349 = arith.constant 38656 : i32
      %add3A_350 = arith.addi %add3A_349, %mul3A_236 : i32
      %get3A_351 = arith.index_cast %add3A_350 : i32 to index
      %get3A_352 = tpu.vector_load %arg6[%get3A_351] {strides = array<i32>} : memref<65536xf32, #tpu.memory_space<vmem>>, vector<16xf32>,
      %max3A_353 = arith.maximumf %max3A_348, %get3A_352 : vector<16xf32>
      %add3A_354 = arith.constant 38912 : i32
      %add3A_355 = arith.addi %add3A_354, %mul3A_236 : i32
      %get3A_356 = arith.index_cast %add3A_355 : i32 to index
      %get3A_357 = tpu.vector_load %arg6[%get3A_356] {strides = array<i32>} : memref<65536xf32, #tpu.memory_space<vmem>>, vector<16xf32>,
      %add3A_358 = arith.constant 39168 : i32
      %add3A_359 = arith.addi %add3A_358, %mul3A_236 : i32
      %get3A_360 = arith.index_cast %add3A_359 : i32 to index
      %get3A_361 = tpu.vector_load %arg6[%get3A_360] {strides = array<i32>} : memref<65536xf32, #tpu.memory_space<vmem>>, vector<16xf32>,
      %max3A_362 = arith.maximumf %get3A_357, %get3A_361 : vector<16xf32>
      %add3A_363 = arith.constant 39424 : i32
      %add3A_364 = arith.addi %add3A_363, %mul3A_236 : i32
      %get3A_365 = arith.index_cast %add3A_364 : i32 to index
      %get3A_366 = tpu.vector_load %arg6[%get3A_365] {strides = array<i32>} : memref<65536xf32, #tpu.memory_space<vmem>>, vector<16xf32>,
      %max3A_367 = arith.maximumf %max3A_362, %get3A_366 : vector<16xf32>
      %add3A_368 = arith.constant 39680 : i32
      %add3A_369 = arith.addi %add3A_368, %mul3A_236 : i32
      %get3A_370 = arith.index_cast %add3A_369 : i32 to index
      %get3A_371 = tpu.vector_load %arg6[%get3A_370] {strides = array<i32>} : memref<65536xf32, #tpu.memory_space<vmem>>, vector<16xf32>,
      %max3A_372 = arith.maximumf %max3A_367, %get3A_371 : vector<16xf32>
      %add3A_373 = arith.constant 39936 : i32
      %add3A_374 = arith.addi %add3A_373, %mul3A_236 : i32
      %get3A_375 = arith.index_cast %add3A_374 : i32 to index
      %get3A_376 = tpu.vector_load %arg6[%get3A_375] {strides = array<i32>} : memref<65536xf32, #tpu.memory_space<vmem>>, vector<16xf32>,
      %max3A_377 = arith.maximumf %max3A_372, %get3A_376 : vector<16xf32>
      %add3A_378 = arith.constant 40192 : i32
      %add3A_379 = arith.addi %add3A_378, %mul3A_236 : i32
      %get3A_380 = arith.index_cast %add3A_379 : i32 to index
      %get3A_381 = tpu.vector_load %arg6[%get3A_380] {strides = array<i32>} : memref<65536xf32, #tpu.memory_space<vmem>>, vector<16xf32>,
      %max3A_382 = arith.maximumf %max3A_377, %get3A_381 : vector<16xf32>
      %add3A_383 = arith.constant 40448 : i32
      %add3A_384 = arith.addi %add3A_383, %mul3A_236 : i32
      %get3A_385 = arith.index_cast %add3A_384 : i32 to index
      %get3A_386 = tpu.vector_load %arg6[%get3A_385] {strides = array<i32>} : memref<65536xf32, #tpu.memory_space<vmem>>, vector<16xf32>,
      %max3A_387 = arith.maximumf %max3A_382, %get3A_386 : vector<16xf32>
      %add3A_388 = arith.constant 40704 : i32
      %add3A_389 = arith.addi %add3A_388, %mul3A_236 : i32
      %get3A_390 = arith.index_cast %add3A_389 : i32 to index
      %get3A_391 = tpu.vector_load %arg6[%get3A_390] {strides = array<i32>} : memref<65536xf32, #tpu.memory_space<vmem>>, vector<16xf32>,
      %max3A_392 = arith.maximumf %max3A_387, %get3A_391 : vector<16xf32>
      %add3A_393 = arith.constant 40960 : i32
      %add3A_394 = arith.addi %add3A_393, %mul3A_236 : i32
      %get3A_395 = arith.index_cast %add3A_394 : i32 to index
      %get3A_396 = tpu.vector_load %arg6[%get3A_395] {strides = array<i32>} : memref<65536xf32, #tpu.memory_space<vmem>>, vector<16xf32>,
      %add3A_397 = arith.constant 41216 : i32
      %add3A_398 = arith.addi %add3A_397, %mul3A_236 : i32
      %get3A_399 = arith.index_cast %add3A_398 : i32 to index
      %get3A_400 = tpu.vector_load %arg6[%get3A_399] {strides = array<i32>} : memref<65536xf32, #tpu.memory_space<vmem>>, vector<16xf32>,
      %max3A_401 = arith.maximumf %get3A_396, %get3A_400 : vector<16xf32>
      %add3A_402 = arith.constant 41472 : i32
      %add3A_403 = arith.addi %add3A_402, %mul3A_236 : i32
      %get3A_404 = arith.index_cast %add3A_403 : i32 to index
      %get3A_405 = tpu.vector_load %arg6[%get3A_404] {strides = array<i32>} : memref<65536xf32, #tpu.memory_space<vmem>>, vector<16xf32>,
      %max3A_406 = arith.maximumf %max3A_401, %get3A_405 : vector<16xf32>
      %add3A_407 = arith.constant 41728 : i32
      %add3A_408 = arith.addi %add3A_407, %mul3A_236 : i32
      %get3A_409 = arith.index_cast %add3A_408 : i32 to index
      %get3A_410 = tpu.vector_load %arg6[%get3A_409] {strides = array<i32>} : memref<65536xf32, #tpu.memory_space<vmem>>, vector<16xf32>,
      %max3A_411 = arith.maximumf %max3A_406, %get3A_410 : vector<16xf32>
      %add3A_412 = arith.constant 41984 : i32
      %add3A_413 = arith.addi %add3A_412, %mul3A_236 : i32
      %get3A_414 = arith.index_cast %add3A_413 : i32 to index
      %get3A_415 = tpu.vector_load %arg6[%get3A_414] {strides = array<i32>} : memref<65536xf32, #tpu.memory_space<vmem>>, vector<16xf32>,
      %max3A_416 = arith.maximumf %max3A_411, %get3A_415 : vector<16xf32>
      %add3A_417 = arith.constant 42240 : i32
      %add3A_418 = arith.addi %add3A_417, %mul3A_236 : i32
      %get3A_419 = arith.index_cast %add3A_418 : i32 to index
      %get3A_420 = tpu.vector_load %arg6[%get3A_419] {strides = array<i32>} : memref<65536xf32, #tpu.memory_space<vmem>>, vector<16xf32>,
      %max3A_421 = arith.maximumf %max3A_416, %get3A_420 : vector<16xf32>
      %add3A_422 = arith.constant 42496 : i32
      %add3A_423 = arith.addi %add3A_422, %mul3A_236 : i32
      %get3A_424 = arith.index_cast %add3A_423 : i32 to index
      %get3A_425 = tpu.vector_load %arg6[%get3A_424] {strides = array<i32>} : memref<65536xf32, #tpu.memory_space<vmem>>, vector<16xf32>,
      %max3A_426 = arith.maximumf %max3A_421, %get3A_425 : vector<16xf32>
      %add3A_427 = arith.constant 42752 : i32
      %add3A_428 = arith.addi %add3A_427, %mul3A_236 : i32
      %get3A_429 = arith.index_cast %add3A_428 : i32 to index
      %get3A_430 = tpu.vector_load %arg6[%get3A_429] {strides = array<i32>} : memref<65536xf32, #tpu.memory_space<vmem>>, vector<16xf32>,
      %max3A_431 = arith.maximumf %max3A_426, %get3A_430 : vector<16xf32>
      %add3A_432 = arith.constant 43008 : i32
      %add3A_433 = arith.addi %add3A_432, %mul3A_236 : i32
      %get3A_434 = arith.index_cast %add3A_433 : i32 to index
      %get3A_435 = tpu.vector_load %arg6[%get3A_434] {strides = array<i32>} : memref<65536xf32, #tpu.memory_space<vmem>>, vector<16xf32>,
      %add3A_436 = arith.constant 43264 : i32
      %add3A_437 = arith.addi %add3A_436, %mul3A_236 : i32
      %get3A_438 = arith.index_cast %add3A_437 : i32 to index
      %get3A_439 = tpu.vector_load %arg6[%get3A_438] {strides = array<i32>} : memref<65536xf32, #tpu.memory_space<vmem>>, vector<16xf32>,
      %max3A_440 = arith.maximumf %get3A_435, %get3A_439 : vector<16xf32>
      %add3A_441 = arith.constant 43520 : i32
      %add3A_442 = arith.addi %add3A_441, %mul3A_236 : i32
      %get3A_443 = arith.index_cast %add3A_442 : i32 to index
      %get3A_444 = tpu.vector_load %arg6[%get3A_443] {strides = array<i32>} : memref<65536xf32, #tpu.memory_space<vmem>>, vector<16xf32>,
      %max3A_445 = arith.maximumf %max3A_440, %get3A_444 : vector<16xf32>
      %add3A_446 = arith.constant 43776 : i32
      %add3A_447 = arith.addi %add3A_446, %mul3A_236 : i32
      %get3A_448 = arith.index_cast %add3A_447 : i32 to index
      %get3A_449 = tpu.vector_load %arg6[%get3A_448] {strides = array<i32>} : memref<65536xf32, #tpu.memory_space<vmem>>, vector<16xf32>,
      %max3A_450 = arith.maximumf %max3A_445, %get3A_449 : vector<16xf32>
      %add3A_451 = arith.constant 44032 : i32
      %add3A_452 = arith.addi %add3A_451, %mul3A_236 : i32
      %get3A_453 = arith.index_cast %add3A_452 : i32 to index
      %get3A_454 = tpu.vector_load %arg6[%get3A_453] {strides = array<i32>} : memref<65536xf32, #tpu.memory_space<vmem>>, vector<16xf32>,
      %max3A_455 = arith.maximumf %max3A_450, %get3A_454 : vector<16xf32>
      %add3A_456 = arith.constant 44288 : i32
      %add3A_457 = arith.addi %add3A_456, %mul3A_236 : i32
      %get3A_458 = arith.index_cast %add3A_457 : i32 to index
      %get3A_459 = tpu.vector_load %arg6[%get3A_458] {strides = array<i32>} : memref<65536xf32, #tpu.memory_space<vmem>>, vector<16xf32>,
      %max3A_460 = arith.maximumf %max3A_455, %get3A_459 : vector<16xf32>
      %add3A_461 = arith.constant 44544 : i32
      %add3A_462 = arith.addi %add3A_461, %mul3A_236 : i32
      %get3A_463 = arith.index_cast %add3A_462 : i32 to index
      %get3A_464 = tpu.vector_load %arg6[%get3A_463] {strides = array<i32>} : memref<65536xf32, #tpu.memory_space<vmem>>, vector<16xf32>,
      %max3A_465 = arith.maximumf %max3A_460, %get3A_464 : vector<16xf32>
      %add3A_466 = arith.constant 44800 : i32
      %add3A_467 = arith.addi %add3A_466, %mul3A_236 : i32
      %get3A_468 = arith.index_cast %add3A_467 : i32 to index
      %get3A_469 = tpu.vector_load %arg6[%get3A_468] {strides = array<i32>} : memref<65536xf32, #tpu.memory_space<vmem>>, vector<16xf32>,
      %max3A_470 = arith.maximumf %max3A_465, %get3A_469 : vector<16xf32>
      %add3A_471 = arith.constant 45056 : i32
      %add3A_472 = arith.addi %add3A_471, %mul3A_236 : i32
      %get3A_473 = arith.index_cast %add3A_472 : i32 to index
      %get3A_474 = tpu.vector_load %arg6[%get3A_473] {strides = array<i32>} : memref<65536xf32, #tpu.memory_space<vmem>>, vector<16xf32>,
      %add3A_475 = arith.constant 45312 : i32
      %add3A_476 = arith.addi %add3A_475, %mul3A_236 : i32
      %get3A_477 = arith.index_cast %add3A_476 : i32 to index
      %get3A_478 = tpu.vector_load %arg6[%get3A_477] {strides = array<i32>} : memref<65536xf32, #tpu.memory_space<vmem>>, vector<16xf32>,
      %max3A_479 = arith.maximumf %get3A_474, %get3A_478 : vector<16xf32>
      %add3A_480 = arith.constant 45568 : i32
      %add3A_481 = arith.addi %add3A_480, %mul3A_236 : i32
      %get3A_482 = arith.index_cast %add3A_481 : i32 to index
      %get3A_483 = tpu.vector_load %arg6[%get3A_482] {strides = array<i32>} : memref<65536xf32, #tpu.memory_space<vmem>>, vector<16xf32>,
      %max3A_484 = arith.maximumf %max3A_479, %get3A_483 : vector<16xf32>
      %add3A_485 = arith.constant 45824 : i32
      %add3A_486 = arith.addi %add3A_485, %mul3A_236 : i32
      %get3A_487 = arith.index_cast %add3A_486 : i32 to index
      %get3A_488 = tpu.vector_load %arg6[%get3A_487] {strides = array<i32>} : memref<65536xf32, #tpu.memory_space<vmem>>, vector<16xf32>,
      %max3A_489 = arith.maximumf %max3A_484, %get3A_488 : vector<16xf32>
      %add3A_490 = arith.constant 46080 : i32
      %add3A_491 = arith.addi %add3A_490, %mul3A_236 : i32
      %get3A_492 = arith.index_cast %add3A_491 : i32 to index
      %get3A_493 = tpu.vector_load %arg6[%get3A_492] {strides = array<i32>} : memref<65536xf32, #tpu.memory_space<vmem>>, vector<16xf32>,
      %max3A_494 = arith.maximumf %max3A_489, %get3A_493 : vector<16xf32>
      %add3A_495 = arith.constant 46336 : i32
      %add3A_496 = arith.addi %add3A_495, %mul3A_236 : i32
      %get3A_497 = arith.index_cast %add3A_496 : i32 to index
      %get3A_498 = tpu.vector_load %arg6[%get3A_497] {strides = array<i32>} : memref<65536xf32, #tpu.memory_space<vmem>>, vector<16xf32>,
      %max3A_499 = arith.maximumf %max3A_494, %get3A_498 : vector<16xf32>
      %add3A_500 = arith.constant 46592 : i32
      %add3A_501 = arith.addi %add3A_500, %mul3A_236 : i32
      %get3A_502 = arith.index_cast %add3A_501 : i32 to index
      %get3A_503 = tpu.vector_load %arg6[%get3A_502] {strides = array<i32>} : memref<65536xf32, #tpu.memory_space<vmem>>, vector<16xf32>,
      %max3A_504 = arith.maximumf %max3A_499, %get3A_503 : vector<16xf32>
      %add3A_505 = arith.constant 46848 : i32
      %add3A_506 = arith.addi %add3A_505, %mul3A_236 : i32
      %get3A_507 = arith.index_cast %add3A_506 : i32 to index
      %get3A_508 = tpu.vector_load %arg6[%get3A_507] {strides = array<i32>} : memref<65536xf32, #tpu.memory_space<vmem>>, vector<16xf32>,
      %max3A_509 = arith.maximumf %max3A_504, %get3A_508 : vector<16xf32>
      %add3A_510 = arith.constant 47104 : i32
      %add3A_511 = arith.addi %add3A_510, %mul3A_236 : i32
      %get3A_512 = arith.index_cast %add3A_511 : i32 to index
      %get3A_513 = tpu.vector_load %arg6[%get3A_512] {strides = array<i32>} : memref<65536xf32, #tpu.memory_space<vmem>>, vector<16xf32>,
      %add3A_514 = arith.constant 47360 : i32
      %add3A_515 = arith.addi %add3A_514, %mul3A_236 : i32
      %get3A_516 = arith.index_cast %add3A_515 : i32 to index
      %get3A_517 = tpu.vector_load %arg6[%get3A_516] {strides = array<i32>} : memref<65536xf32, #tpu.memory_space<vmem>>, vector<16xf32>,
      %max3A_518 = arith.maximumf %get3A_513, %get3A_517 : vector<16xf32>
      %add3A_519 = arith.constant 47616 : i32
      %add3A_520 = arith.addi %add3A_519, %mul3A_236 : i32
      %get3A_521 = arith.index_cast %add3A_520 : i32 to index
      %get3A_522 = tpu.vector_load %arg6[%get3A_521] {strides = array<i32>} : memref<65536xf32, #tpu.memory_space<vmem>>, vector<16xf32>,
      %max3A_523 = arith.maximumf %max3A_518, %get3A_522 : vector<16xf32>
      %add3A_524 = arith.constant 47872 : i32
      %add3A_525 = arith.addi %add3A_524, %mul3A_236 : i32
      %get3A_526 = arith.index_cast %add3A_525 : i32 to index
      %get3A_527 = tpu.vector_load %arg6[%get3A_526] {strides = array<i32>} : memref<65536xf32, #tpu.memory_space<vmem>>, vector<16xf32>,
      %max3A_528 = arith.maximumf %max3A_523, %get3A_527 : vector<16xf32>
      %add3A_529 = arith.constant 48128 : i32
      %add3A_530 = arith.addi %add3A_529, %mul3A_236 : i32
      %get3A_531 = arith.index_cast %add3A_530 : i32 to index
      %get3A_532 = tpu.vector_load %arg6[%get3A_531] {strides = array<i32>} : memref<65536xf32, #tpu.memory_space<vmem>>, vector<16xf32>,
      %max3A_533 = arith.maximumf %max3A_528, %get3A_532 : vector<16xf32>
      %add3A_534 = arith.constant 48384 : i32
      %add3A_535 = arith.addi %add3A_534, %mul3A_236 : i32
      %get3A_536 = arith.index_cast %add3A_535 : i32 to index
      %get3A_537 = tpu.vector_load %arg6[%get3A_536] {strides = array<i32>} : memref<65536xf32, #tpu.memory_space<vmem>>, vector<16xf32>,
      %max3A_538 = arith.maximumf %max3A_533, %get3A_537 : vector<16xf32>
      %add3A_539 = arith.constant 48640 : i32
      %add3A_540 = arith.addi %add3A_539, %mul3A_236 : i32
      %get3A_541 = arith.index_cast %add3A_540 : i32 to index
      %get3A_542 = tpu.vector_load %arg6[%get3A_541] {strides = array<i32>} : memref<65536xf32, #tpu.memory_space<vmem>>, vector<16xf32>,
      %max3A_543 = arith.maximumf %max3A_538, %get3A_542 : vector<16xf32>
      %add3A_544 = arith.constant 48896 : i32
      %add3A_545 = arith.addi %add3A_544, %mul3A_236 : i32
      %get3A_546 = arith.index_cast %add3A_545 : i32 to index
      %get3A_547 = tpu.vector_load %arg6[%get3A_546] {strides = array<i32>} : memref<65536xf32, #tpu.memory_space<vmem>>, vector<16xf32>,
      %max3A_548 = arith.maximumf %max3A_543, %get3A_547 : vector<16xf32>
      %broadcast_in_dim3A_549 = arith.constant 0 : i32
      %broadcast_in_dim3A_550 = vector.broadcast %broadcast_in_dim3A_549 : i32 to vector<16xi32>
      %gt3A = arith.cmpf ogt, %max3A_314, %max3A_275 : vector<16xf32>
      %select_n3A = arith.select %gt3A, %max3A_314, %max3A_275 : vector<16xi1>, vector<16xf32>
      %jit3A = arith.constant 1 : i32
      %broadcast_in_dim3A_551 = vector.broadcast %jit3A : i32 to vector<16xi32>
      %select_n3A_552 = arith.select %gt3A, %broadcast_in_dim3A_551, %broadcast_in_dim3A_550 : vector<16xi1>, vector<16xi32>
      %gt3A_553 = arith.cmpf ogt, %max3A_353, %select_n3A : vector<16xf32>
      %select_n3A_554 = arith.select %gt3A_553, %max3A_353, %select_n3A : vector<16xi1>, vector<16xf32>
      %jit3A_555 = arith.constant 2 : i32
      %broadcast_in_dim3A_556 = vector.broadcast %jit3A_555 : i32 to vector<16xi32>
      %select_n3A_557 = arith.select %gt3A_553, %broadcast_in_dim3A_556, %select_n3A_552 : vector<16xi1>, vector<16xi32>
      %gt3A_558 = arith.cmpf ogt, %max3A_392, %select_n3A_554 : vector<16xf32>
      %select_n3A_559 = arith.select %gt3A_558, %max3A_392, %select_n3A_554 : vector<16xi1>, vector<16xf32>
      %jit3A_560 = arith.constant 3 : i32
      %broadcast_in_dim3A_561 = vector.broadcast %jit3A_560 : i32 to vector<16xi32>
      %select_n3A_562 = arith.select %gt3A_558, %broadcast_in_dim3A_561, %select_n3A_557 : vector<16xi1>, vector<16xi32>
      %gt3A_563 = arith.cmpf ogt, %max3A_431, %select_n3A_559 : vector<16xf32>
      %select_n3A_564 = arith.select %gt3A_563, %max3A_431, %select_n3A_559 : vector<16xi1>, vector<16xf32>
      %jit3A_565 = arith.constant 4 : i32
      %broadcast_in_dim3A_566 = vector.broadcast %jit3A_565 : i32 to vector<16xi32>
      %select_n3A_567 = arith.select %gt3A_563, %broadcast_in_dim3A_566, %select_n3A_562 : vector<16xi1>, vector<16xi32>
      %gt3A_568 = arith.cmpf ogt, %max3A_470, %select_n3A_564 : vector<16xf32>
      %select_n3A_569 = arith.select %gt3A_568, %max3A_470, %select_n3A_564 : vector<16xi1>, vector<16xf32>
      %jit3A_570 = arith.constant 5 : i32
      %broadcast_in_dim3A_571 = vector.broadcast %jit3A_570 : i32 to vector<16xi32>
      %select_n3A_572 = arith.select %gt3A_568, %broadcast_in_dim3A_571, %select_n3A_567 : vector<16xi1>, vector<16xi32>
      %gt3A_573 = arith.cmpf ogt, %max3A_509, %select_n3A_569 : vector<16xf32>
      %select_n3A_574 = arith.select %gt3A_573, %max3A_509, %select_n3A_569 : vector<16xi1>, vector<16xf32>
      %jit3A_575 = arith.constant 6 : i32
      %broadcast_in_dim3A_576 = vector.broadcast %jit3A_575 : i32 to vector<16xi32>
      %select_n3A_577 = arith.select %gt3A_573, %broadcast_in_dim3A_576, %select_n3A_572 : vector<16xi1>, vector<16xi32>
      %gt3A_578 = arith.cmpf ogt, %max3A_548, %select_n3A_574 : vector<16xf32>
      %select_n3A_579 = arith.select %gt3A_578, %max3A_548, %select_n3A_574 : vector<16xi1>, vector<16xf32>
      %jit3A_580 = arith.constant 7 : i32
      %broadcast_in_dim3A_581 = vector.broadcast %jit3A_580 : i32 to vector<16xi32>
      %select_n3A_582 = arith.select %gt3A_578, %broadcast_in_dim3A_581, %select_n3A_577 : vector<16xi1>, vector<16xi32>
      %broadcast_in_dim3A_583 = arith.constant 0xFF800000 : f32
      %broadcast_in_dim3A_584 = vector.broadcast %broadcast_in_dim3A_583 : f32 to vector<16xf32>
      %broadcast_in_dim3A_585 = arith.constant 0 : i32
      %broadcast_in_dim3A_586 = vector.broadcast %broadcast_in_dim3A_585 : i32 to vector<16xi32>
      %ne3A = arith.constant 0 : i32
      %ne3A_587 = vector.broadcast %ne3A : i32 to vector<16xi32>
      %ne3A_588 = arith.cmpi ne, %select_n3A_582, %ne3A_587 : vector<16xi32>
      %gt3A_589 = arith.cmpf ogt, %max3A_275, %broadcast_in_dim3A_584 : vector<16xf32>
      %and3A = arith.andi %ne3A_588, %gt3A_589 : vector<16xi1>
      %select_n3A_590 = arith.select %and3A, %max3A_275, %broadcast_in_dim3A_584 : vector<16xi1>, vector<16xf32>
      %jit3A_591 = arith.constant 0 : i32
      %broadcast_in_dim3A_592 = vector.broadcast %jit3A_591 : i32 to vector<16xi32>
      %select_n3A_593 = arith.select %and3A, %broadcast_in_dim3A_592, %broadcast_in_dim3A_586 : vector<16xi1>, vector<16xi32>
      %ne3A_594 = arith.constant 1 : i32
      %ne3A_595 = vector.broadcast %ne3A_594 : i32 to vector<16xi32>
      %ne3A_596 = arith.cmpi ne, %select_n3A_582, %ne3A_595 : vector<16xi32>
      %gt3A_597 = arith.cmpf ogt, %max3A_314, %select_n3A_590 : vector<16xf32>
      %and3A_598 = arith.andi %ne3A_596, %gt3A_597 : vector<16xi1>
      %select_n3A_599 = arith.select %and3A_598, %max3A_314, %select_n3A_590 : vector<16xi1>, vector<16xf32>
      %jit3A_600 = arith.constant 1 : i32
      %broadcast_in_dim3A_601 = vector.broadcast %jit3A_600 : i32 to vector<16xi32>
      %select_n3A_602 = arith.select %and3A_598, %broadcast_in_dim3A_601, %select_n3A_593 : vector<16xi1>, vector<16xi32>
      %ne3A_603 = arith.constant 2 : i32
      %ne3A_604 = vector.broadcast %ne3A_603 : i32 to vector<16xi32>
      %ne3A_605 = arith.cmpi ne, %select_n3A_582, %ne3A_604 : vector<16xi32>
      %gt3A_606 = arith.cmpf ogt, %max3A_353, %select_n3A_599 : vector<16xf32>
      %and3A_607 = arith.andi %ne3A_605, %gt3A_606 : vector<16xi1>
      %select_n3A_608 = arith.select %and3A_607, %max3A_353, %select_n3A_599 : vector<16xi1>, vector<16xf32>
      %jit3A_609 = arith.constant 2 : i32
      %broadcast_in_dim3A_610 = vector.broadcast %jit3A_609 : i32 to vector<16xi32>
      %select_n3A_611 = arith.select %and3A_607, %broadcast_in_dim3A_610, %select_n3A_602 : vector<16xi1>, vector<16xi32>
      %ne3A_612 = arith.constant 3 : i32
      %ne3A_613 = vector.broadcast %ne3A_612 : i32 to vector<16xi32>
      %ne3A_614 = arith.cmpi ne, %select_n3A_582, %ne3A_613 : vector<16xi32>
      %gt3A_615 = arith.cmpf ogt, %max3A_392, %select_n3A_608 : vector<16xf32>
      %and3A_616 = arith.andi %ne3A_614, %gt3A_615 : vector<16xi1>
      %select_n3A_617 = arith.select %and3A_616, %max3A_392, %select_n3A_608 : vector<16xi1>, vector<16xf32>
      %jit3A_618 = arith.constant 3 : i32
      %broadcast_in_dim3A_619 = vector.broadcast %jit3A_618 : i32 to vector<16xi32>
      %select_n3A_620 = arith.select %and3A_616, %broadcast_in_dim3A_619, %select_n3A_611 : vector<16xi1>, vector<16xi32>
      %ne3A_621 = arith.constant 4 : i32
      %ne3A_622 = vector.broadcast %ne3A_621 : i32 to vector<16xi32>
      %ne3A_623 = arith.cmpi ne, %select_n3A_582, %ne3A_622 : vector<16xi32>
      %gt3A_624 = arith.cmpf ogt, %max3A_431, %select_n3A_617 : vector<16xf32>
      %and3A_625 = arith.andi %ne3A_623, %gt3A_624 : vector<16xi1>
      %select_n3A_626 = arith.select %and3A_625, %max3A_431, %select_n3A_617 : vector<16xi1>, vector<16xf32>
      %jit3A_627 = arith.constant 4 : i32
      %broadcast_in_dim3A_628 = vector.broadcast %jit3A_627 : i32 to vector<16xi32>
      %select_n3A_629 = arith.select %and3A_625, %broadcast_in_dim3A_628, %select_n3A_620 : vector<16xi1>, vector<16xi32>
      %ne3A_630 = arith.constant 5 : i32
      %ne3A_631 = vector.broadcast %ne3A_630 : i32 to vector<16xi32>
      %ne3A_632 = arith.cmpi ne, %select_n3A_582, %ne3A_631 : vector<16xi32>
      %gt3A_633 = arith.cmpf ogt, %max3A_470, %select_n3A_626 : vector<16xf32>
      %and3A_634 = arith.andi %ne3A_632, %gt3A_633 : vector<16xi1>
      %select_n3A_635 = arith.select %and3A_634, %max3A_470, %select_n3A_626 : vector<16xi1>, vector<16xf32>
      %jit3A_636 = arith.constant 5 : i32
      %broadcast_in_dim3A_637 = vector.broadcast %jit3A_636 : i32 to vector<16xi32>
      %select_n3A_638 = arith.select %and3A_634, %broadcast_in_dim3A_637, %select_n3A_629 : vector<16xi1>, vector<16xi32>
      %ne3A_639 = arith.constant 6 : i32
      %ne3A_640 = vector.broadcast %ne3A_639 : i32 to vector<16xi32>
      %ne3A_641 = arith.cmpi ne, %select_n3A_582, %ne3A_640 : vector<16xi32>
      %gt3A_642 = arith.cmpf ogt, %max3A_509, %select_n3A_635 : vector<16xf32>
      %and3A_643 = arith.andi %ne3A_641, %gt3A_642 : vector<16xi1>
      %select_n3A_644 = arith.select %and3A_643, %max3A_509, %select_n3A_635 : vector<16xi1>, vector<16xf32>
      %jit3A_645 = arith.constant 6 : i32
      %broadcast_in_dim3A_646 = vector.broadcast %jit3A_645 : i32 to vector<16xi32>
      %select_n3A_647 = arith.select %and3A_643, %broadcast_in_dim3A_646, %select_n3A_638 : vector<16xi1>, vector<16xi32>
      %ne3A_648 = arith.constant 7 : i32
      %ne3A_649 = vector.broadcast %ne3A_648 : i32 to vector<16xi32>
      %ne3A_650 = arith.cmpi ne, %select_n3A_582, %ne3A_649 : vector<16xi32>
      %gt3A_651 = arith.cmpf ogt, %max3A_548, %select_n3A_644 : vector<16xf32>
      %and3A_652 = arith.andi %ne3A_650, %gt3A_651 : vector<16xi1>
      %select_n3A_653 = arith.select %and3A_652, %max3A_548, %select_n3A_644 : vector<16xi1>, vector<16xf32>
      %jit3A_654 = arith.constant 7 : i32
      %broadcast_in_dim3A_655 = vector.broadcast %jit3A_654 : i32 to vector<16xi32>
      %select_n3A_656 = arith.select %and3A_652, %broadcast_in_dim3A_655, %select_n3A_647 : vector<16xi1>, vector<16xi32>
      %add3A_657 = arith.constant 32768 : i32
      %add3A_658 = vector.broadcast %add3A_657 : i32 to vector<16xi32>
      %add3A_659 = arith.addi %add3A_658, %add3A_238 : vector<16xi32>
      %mul3A_660 = arith.constant 8 : i32
      %mul3A_661 = vector.broadcast %mul3A_660 : i32 to vector<16xi32>
      %mul3A_662 = arith.muli %select_n3A_582, %mul3A_661 : vector<16xi32>
      %add3A_663 = arith.constant 0 : i32
      %add3A_664 = vector.broadcast %add3A_663 : i32 to vector<16xi32>
      %add3A_665 = arith.addi %mul3A_662, %add3A_664 : vector<16xi32>
      %mul3A_666 = arith.constant 8 : i32
      %mul3A_667 = vector.broadcast %mul3A_666 : i32 to vector<16xi32>
      %mul3A_668 = arith.muli %select_n3A_656, %mul3A_667 : vector<16xi32>
      %add3A_669 = arith.constant 0 : i32
      %add3A_670 = vector.broadcast %add3A_669 : i32 to vector<16xi32>
      %add3A_671 = arith.addi %mul3A_668, %add3A_670 : vector<16xi32>
      %mul3A_672 = arith.constant 256 : i32
      %mul3A_673 = vector.broadcast %mul3A_672 : i32 to vector<16xi32>
      %mul3A_674 = arith.muli %add3A_665, %mul3A_673 : vector<16xi32>
      %add3A_675 = arith.addi %mul3A_674, %add3A_659 : vector<16xi32>
      %gather3A = tpu.vector_load_idx %arg6[%add3A_675] : memref<65536xf32, #tpu.memory_space<vmem>>[vector<16xi32>], vector<16xf32>,
      %mul3A_676 = arith.constant 256 : i32
      %mul3A_677 = vector.broadcast %mul3A_676 : i32 to vector<16xi32>
      %mul3A_678 = arith.muli %add3A_671, %mul3A_677 : vector<16xi32>
      %add3A_679 = arith.addi %mul3A_678, %add3A_659 : vector<16xi32>
      %gather3A_680 = tpu.vector_load_idx %arg6[%add3A_679] : memref<65536xf32, #tpu.memory_space<vmem>>[vector<16xi32>], vector<16xf32>,
      %mul3A_681 = arith.constant 8 : i32
      %mul3A_682 = vector.broadcast %mul3A_681 : i32 to vector<16xi32>
      %mul3A_683 = arith.muli %select_n3A_582, %mul3A_682 : vector<16xi32>
      %add3A_684 = arith.constant 1 : i32
      %add3A_685 = vector.broadcast %add3A_684 : i32 to vector<16xi32>
      %add3A_686 = arith.addi %mul3A_683, %add3A_685 : vector<16xi32>
      %mul3A_687 = arith.constant 8 : i32
      %mul3A_688 = vector.broadcast %mul3A_687 : i32 to vector<16xi32>
      %mul3A_689 = arith.muli %select_n3A_656, %mul3A_688 : vector<16xi32>
      %add3A_690 = arith.constant 1 : i32
      %add3A_691 = vector.broadcast %add3A_690 : i32 to vector<16xi32>
      %add3A_692 = arith.addi %mul3A_689, %add3A_691 : vector<16xi32>
      %mul3A_693 = arith.constant 256 : i32
      %mul3A_694 = vector.broadcast %mul3A_693 : i32 to vector<16xi32>
      %mul3A_695 = arith.muli %add3A_686, %mul3A_694 : vector<16xi32>
      %add3A_696 = arith.addi %mul3A_695, %add3A_659 : vector<16xi32>
      %gather3A_697 = tpu.vector_load_idx %arg6[%add3A_696] : memref<65536xf32, #tpu.memory_space<vmem>>[vector<16xi32>], vector<16xf32>,
      %mul3A_698 = arith.constant 256 : i32
      %mul3A_699 = vector.broadcast %mul3A_698 : i32 to vector<16xi32>
      %mul3A_700 = arith.muli %add3A_692, %mul3A_699 : vector<16xi32>
      %add3A_701 = arith.addi %mul3A_700, %add3A_659 : vector<16xi32>
      %gather3A_702 = tpu.vector_load_idx %arg6[%add3A_701] : memref<65536xf32, #tpu.memory_space<vmem>>[vector<16xi32>], vector<16xf32>,
      %mul3A_703 = arith.constant 8 : i32
      %mul3A_704 = vector.broadcast %mul3A_703 : i32 to vector<16xi32>
      %mul3A_705 = arith.muli %select_n3A_582, %mul3A_704 : vector<16xi32>
      %add3A_706 = arith.constant 2 : i32
      %add3A_707 = vector.broadcast %add3A_706 : i32 to vector<16xi32>
      %add3A_708 = arith.addi %mul3A_705, %add3A_707 : vector<16xi32>
      %mul3A_709 = arith.constant 8 : i32
      %mul3A_710 = vector.broadcast %mul3A_709 : i32 to vector<16xi32>
      %mul3A_711 = arith.muli %select_n3A_656, %mul3A_710 : vector<16xi32>
      %add3A_712 = arith.constant 2 : i32
      %add3A_713 = vector.broadcast %add3A_712 : i32 to vector<16xi32>
      %add3A_714 = arith.addi %mul3A_711, %add3A_713 : vector<16xi32>
      %mul3A_715 = arith.constant 256 : i32
      %mul3A_716 = vector.broadcast %mul3A_715 : i32 to vector<16xi32>
      %mul3A_717 = arith.muli %add3A_708, %mul3A_716 : vector<16xi32>
      %add3A_718 = arith.addi %mul3A_717, %add3A_659 : vector<16xi32>
      %gather3A_719 = tpu.vector_load_idx %arg6[%add3A_718] : memref<65536xf32, #tpu.memory_space<vmem>>[vector<16xi32>], vector<16xf32>,
      %mul3A_720 = arith.constant 256 : i32
      %mul3A_721 = vector.broadcast %mul3A_720 : i32 to vector<16xi32>
      %mul3A_722 = arith.muli %add3A_714, %mul3A_721 : vector<16xi32>
      %add3A_723 = arith.addi %mul3A_722, %add3A_659 : vector<16xi32>
      %gather3A_724 = tpu.vector_load_idx %arg6[%add3A_723] : memref<65536xf32, #tpu.memory_space<vmem>>[vector<16xi32>], vector<16xf32>,
      %mul3A_725 = arith.constant 8 : i32
      %mul3A_726 = vector.broadcast %mul3A_725 : i32 to vector<16xi32>
      %mul3A_727 = arith.muli %select_n3A_582, %mul3A_726 : vector<16xi32>
      %add3A_728 = arith.constant 3 : i32
      %add3A_729 = vector.broadcast %add3A_728 : i32 to vector<16xi32>
      %add3A_730 = arith.addi %mul3A_727, %add3A_729 : vector<16xi32>
      %mul3A_731 = arith.constant 8 : i32
      %mul3A_732 = vector.broadcast %mul3A_731 : i32 to vector<16xi32>
      %mul3A_733 = arith.muli %select_n3A_656, %mul3A_732 : vector<16xi32>
      %add3A_734 = arith.constant 3 : i32
      %add3A_735 = vector.broadcast %add3A_734 : i32 to vector<16xi32>
      %add3A_736 = arith.addi %mul3A_733, %add3A_735 : vector<16xi32>
      %mul3A_737 = arith.constant 256 : i32
      %mul3A_738 = vector.broadcast %mul3A_737 : i32 to vector<16xi32>
      %mul3A_739 = arith.muli %add3A_730, %mul3A_738 : vector<16xi32>
      %add3A_740 = arith.addi %mul3A_739, %add3A_659 : vector<16xi32>
      %gather3A_741 = tpu.vector_load_idx %arg6[%add3A_740] : memref<65536xf32, #tpu.memory_space<vmem>>[vector<16xi32>], vector<16xf32>,
      %mul3A_742 = arith.constant 256 : i32
      %mul3A_743 = vector.broadcast %mul3A_742 : i32 to vector<16xi32>
      %mul3A_744 = arith.muli %add3A_736, %mul3A_743 : vector<16xi32>
      %add3A_745 = arith.addi %mul3A_744, %add3A_659 : vector<16xi32>
      %gather3A_746 = tpu.vector_load_idx %arg6[%add3A_745] : memref<65536xf32, #tpu.memory_space<vmem>>[vector<16xi32>], vector<16xf32>,
      %mul3A_747 = arith.constant 8 : i32
      %mul3A_748 = vector.broadcast %mul3A_747 : i32 to vector<16xi32>
      %mul3A_749 = arith.muli %select_n3A_582, %mul3A_748 : vector<16xi32>
      %add3A_750 = arith.constant 4 : i32
      %add3A_751 = vector.broadcast %add3A_750 : i32 to vector<16xi32>
      %add3A_752 = arith.addi %mul3A_749, %add3A_751 : vector<16xi32>
      %mul3A_753 = arith.constant 8 : i32
      %mul3A_754 = vector.broadcast %mul3A_753 : i32 to vector<16xi32>
      %mul3A_755 = arith.muli %select_n3A_656, %mul3A_754 : vector<16xi32>
      %add3A_756 = arith.constant 4 : i32
      %add3A_757 = vector.broadcast %add3A_756 : i32 to vector<16xi32>
      %add3A_758 = arith.addi %mul3A_755, %add3A_757 : vector<16xi32>
      %mul3A_759 = arith.constant 256 : i32
      %mul3A_760 = vector.broadcast %mul3A_759 : i32 to vector<16xi32>
      %mul3A_761 = arith.muli %add3A_752, %mul3A_760 : vector<16xi32>
      %add3A_762 = arith.addi %mul3A_761, %add3A_659 : vector<16xi32>
      %gather3A_763 = tpu.vector_load_idx %arg6[%add3A_762] : memref<65536xf32, #tpu.memory_space<vmem>>[vector<16xi32>], vector<16xf32>,
      %mul3A_764 = arith.constant 256 : i32
      %mul3A_765 = vector.broadcast %mul3A_764 : i32 to vector<16xi32>
      %mul3A_766 = arith.muli %add3A_758, %mul3A_765 : vector<16xi32>
      %add3A_767 = arith.addi %mul3A_766, %add3A_659 : vector<16xi32>
      %gather3A_768 = tpu.vector_load_idx %arg6[%add3A_767] : memref<65536xf32, #tpu.memory_space<vmem>>[vector<16xi32>], vector<16xf32>,
      %mul3A_769 = arith.constant 8 : i32
      %mul3A_770 = vector.broadcast %mul3A_769 : i32 to vector<16xi32>
      %mul3A_771 = arith.muli %select_n3A_582, %mul3A_770 : vector<16xi32>
      %add3A_772 = arith.constant 5 : i32
      %add3A_773 = vector.broadcast %add3A_772 : i32 to vector<16xi32>
      %add3A_774 = arith.addi %mul3A_771, %add3A_773 : vector<16xi32>
      %mul3A_775 = arith.constant 8 : i32
      %mul3A_776 = vector.broadcast %mul3A_775 : i32 to vector<16xi32>
      %mul3A_777 = arith.muli %select_n3A_656, %mul3A_776 : vector<16xi32>
      %add3A_778 = arith.constant 5 : i32
      %add3A_779 = vector.broadcast %add3A_778 : i32 to vector<16xi32>
      %add3A_780 = arith.addi %mul3A_777, %add3A_779 : vector<16xi32>
      %mul3A_781 = arith.constant 256 : i32
      %mul3A_782 = vector.broadcast %mul3A_781 : i32 to vector<16xi32>
      %mul3A_783 = arith.muli %add3A_774, %mul3A_782 : vector<16xi32>
      %add3A_784 = arith.addi %mul3A_783, %add3A_659 : vector<16xi32>
      %gather3A_785 = tpu.vector_load_idx %arg6[%add3A_784] : memref<65536xf32, #tpu.memory_space<vmem>>[vector<16xi32>], vector<16xf32>,
      %mul3A_786 = arith.constant 256 : i32
      %mul3A_787 = vector.broadcast %mul3A_786 : i32 to vector<16xi32>
      %mul3A_788 = arith.muli %add3A_780, %mul3A_787 : vector<16xi32>
      %add3A_789 = arith.addi %mul3A_788, %add3A_659 : vector<16xi32>
      %gather3A_790 = tpu.vector_load_idx %arg6[%add3A_789] : memref<65536xf32, #tpu.memory_space<vmem>>[vector<16xi32>], vector<16xf32>,
      %mul3A_791 = arith.constant 8 : i32
      %mul3A_792 = vector.broadcast %mul3A_791 : i32 to vector<16xi32>
      %mul3A_793 = arith.muli %select_n3A_582, %mul3A_792 : vector<16xi32>
      %add3A_794 = arith.constant 6 : i32
      %add3A_795 = vector.broadcast %add3A_794 : i32 to vector<16xi32>
      %add3A_796 = arith.addi %mul3A_793, %add3A_795 : vector<16xi32>
      %mul3A_797 = arith.constant 8 : i32
      %mul3A_798 = vector.broadcast %mul3A_797 : i32 to vector<16xi32>
      %mul3A_799 = arith.muli %select_n3A_656, %mul3A_798 : vector<16xi32>
      %add3A_800 = arith.constant 6 : i32
      %add3A_801 = vector.broadcast %add3A_800 : i32 to vector<16xi32>
      %add3A_802 = arith.addi %mul3A_799, %add3A_801 : vector<16xi32>
      %mul3A_803 = arith.constant 256 : i32
      %mul3A_804 = vector.broadcast %mul3A_803 : i32 to vector<16xi32>
      %mul3A_805 = arith.muli %add3A_796, %mul3A_804 : vector<16xi32>
      %add3A_806 = arith.addi %mul3A_805, %add3A_659 : vector<16xi32>
      %gather3A_807 = tpu.vector_load_idx %arg6[%add3A_806] : memref<65536xf32, #tpu.memory_space<vmem>>[vector<16xi32>], vector<16xf32>,
      %mul3A_808 = arith.constant 256 : i32
      %mul3A_809 = vector.broadcast %mul3A_808 : i32 to vector<16xi32>
      %mul3A_810 = arith.muli %add3A_802, %mul3A_809 : vector<16xi32>
      %add3A_811 = arith.addi %mul3A_810, %add3A_659 : vector<16xi32>
      %gather3A_812 = tpu.vector_load_idx %arg6[%add3A_811] : memref<65536xf32, #tpu.memory_space<vmem>>[vector<16xi32>], vector<16xf32>,
      %mul3A_813 = arith.constant 8 : i32
      %mul3A_814 = vector.broadcast %mul3A_813 : i32 to vector<16xi32>
      %mul3A_815 = arith.muli %select_n3A_582, %mul3A_814 : vector<16xi32>
      %add3A_816 = arith.constant 7 : i32
      %add3A_817 = vector.broadcast %add3A_816 : i32 to vector<16xi32>
      %add3A_818 = arith.addi %mul3A_815, %add3A_817 : vector<16xi32>
      %mul3A_819 = arith.constant 8 : i32
      %mul3A_820 = vector.broadcast %mul3A_819 : i32 to vector<16xi32>
      %mul3A_821 = arith.muli %select_n3A_656, %mul3A_820 : vector<16xi32>
      %add3A_822 = arith.constant 7 : i32
      %add3A_823 = vector.broadcast %add3A_822 : i32 to vector<16xi32>
      %add3A_824 = arith.addi %mul3A_821, %add3A_823 : vector<16xi32>
      %mul3A_825 = arith.constant 256 : i32
      %mul3A_826 = vector.broadcast %mul3A_825 : i32 to vector<16xi32>
      %mul3A_827 = arith.muli %add3A_818, %mul3A_826 : vector<16xi32>
      %add3A_828 = arith.addi %mul3A_827, %add3A_659 : vector<16xi32>
      %gather3A_829 = tpu.vector_load_idx %arg6[%add3A_828] : memref<65536xf32, #tpu.memory_space<vmem>>[vector<16xi32>], vector<16xf32>,
      %mul3A_830 = arith.constant 256 : i32
      %mul3A_831 = vector.broadcast %mul3A_830 : i32 to vector<16xi32>
      %mul3A_832 = arith.muli %add3A_824, %mul3A_831 : vector<16xi32>
      %add3A_833 = arith.addi %mul3A_832, %add3A_659 : vector<16xi32>
      %gather3A_834 = tpu.vector_load_idx %arg6[%add3A_833] : memref<65536xf32, #tpu.memory_space<vmem>>[vector<16xi32>], vector<16xf32>,
      %gt3A_835 = arith.cmpf ogt, %gather3A, %gather3A_697 : vector<16xf32>
      %select_n3A_836 = arith.select %gt3A_835, %gather3A, %gather3A_697 : vector<16xi1>, vector<16xf32>
      %select_n3A_837 = arith.select %gt3A_835, %gather3A_697, %gather3A : vector<16xi1>, vector<16xf32>
      %select_n3A_838 = arith.select %gt3A_835, %add3A_665, %add3A_686 : vector<16xi1>, vector<16xi32>
      %select_n3A_839 = arith.select %gt3A_835, %add3A_686, %add3A_665 : vector<16xi1>, vector<16xi32>
      %gt3A_840 = arith.cmpf ogt, %gather3A_680, %gather3A_702 : vector<16xf32>
      %select_n3A_841 = arith.select %gt3A_840, %gather3A_680, %gather3A_702 : vector<16xi1>, vector<16xf32>
      %select_n3A_842 = arith.select %gt3A_840, %gather3A_702, %gather3A_680 : vector<16xi1>, vector<16xf32>
      %select_n3A_843 = arith.select %gt3A_840, %add3A_671, %add3A_692 : vector<16xi1>, vector<16xi32>
      %select_n3A_844 = arith.select %gt3A_840, %add3A_692, %add3A_671 : vector<16xi1>, vector<16xi32>
      %gt3A_845 = arith.cmpf ogt, %gather3A_719, %gather3A_741 : vector<16xf32>
      %select_n3A_846 = arith.select %gt3A_845, %gather3A_719, %gather3A_741 : vector<16xi1>, vector<16xf32>
      %select_n3A_847 = arith.select %gt3A_845, %gather3A_741, %gather3A_719 : vector<16xi1>, vector<16xf32>
      %select_n3A_848 = arith.select %gt3A_845, %add3A_708, %add3A_730 : vector<16xi1>, vector<16xi32>
      %select_n3A_849 = arith.select %gt3A_845, %add3A_730, %add3A_708 : vector<16xi1>, vector<16xi32>
      %gt3A_850 = arith.cmpf ogt, %gather3A_724, %gather3A_746 : vector<16xf32>
      %select_n3A_851 = arith.select %gt3A_850, %gather3A_724, %gather3A_746 : vector<16xi1>, vector<16xf32>
      %select_n3A_852 = arith.select %gt3A_850, %gather3A_746, %gather3A_724 : vector<16xi1>, vector<16xf32>
      %select_n3A_853 = arith.select %gt3A_850, %add3A_714, %add3A_736 : vector<16xi1>, vector<16xi32>
      %select_n3A_854 = arith.select %gt3A_850, %add3A_736, %add3A_714 : vector<16xi1>, vector<16xi32>
      %gt3A_855 = arith.cmpf ogt, %gather3A_763, %gather3A_785 : vector<16xf32>
      %select_n3A_856 = arith.select %gt3A_855, %gather3A_763, %gather3A_785 : vector<16xi1>, vector<16xf32>
      %select_n3A_857 = arith.select %gt3A_855, %gather3A_785, %gather3A_763 : vector<16xi1>, vector<16xf32>
      %select_n3A_858 = arith.select %gt3A_855, %add3A_752, %add3A_774 : vector<16xi1>, vector<16xi32>
      %select_n3A_859 = arith.select %gt3A_855, %add3A_774, %add3A_752 : vector<16xi1>, vector<16xi32>
      %gt3A_860 = arith.cmpf ogt, %gather3A_768, %gather3A_790 : vector<16xf32>
      %select_n3A_861 = arith.select %gt3A_860, %gather3A_768, %gather3A_790 : vector<16xi1>, vector<16xf32>
      %select_n3A_862 = arith.select %gt3A_860, %gather3A_790, %gather3A_768 : vector<16xi1>, vector<16xf32>
      %select_n3A_863 = arith.select %gt3A_860, %add3A_758, %add3A_780 : vector<16xi1>, vector<16xi32>
      %select_n3A_864 = arith.select %gt3A_860, %add3A_780, %add3A_758 : vector<16xi1>, vector<16xi32>
      %gt3A_865 = arith.cmpf ogt, %gather3A_807, %gather3A_829 : vector<16xf32>
      %select_n3A_866 = arith.select %gt3A_865, %gather3A_807, %gather3A_829 : vector<16xi1>, vector<16xf32>
      %select_n3A_867 = arith.select %gt3A_865, %gather3A_829, %gather3A_807 : vector<16xi1>, vector<16xf32>
      %select_n3A_868 = arith.select %gt3A_865, %add3A_796, %add3A_818 : vector<16xi1>, vector<16xi32>
      %select_n3A_869 = arith.select %gt3A_865, %add3A_818, %add3A_796 : vector<16xi1>, vector<16xi32>
      %gt3A_870 = arith.cmpf ogt, %gather3A_812, %gather3A_834 : vector<16xf32>
      %select_n3A_871 = arith.select %gt3A_870, %gather3A_812, %gather3A_834 : vector<16xi1>, vector<16xf32>
      %select_n3A_872 = arith.select %gt3A_870, %gather3A_834, %gather3A_812 : vector<16xi1>, vector<16xf32>
      %select_n3A_873 = arith.select %gt3A_870, %add3A_802, %add3A_824 : vector<16xi1>, vector<16xi32>
      %select_n3A_874 = arith.select %gt3A_870, %add3A_824, %add3A_802 : vector<16xi1>, vector<16xi32>
      %gt3A_875 = arith.cmpf ogt, %select_n3A_836, %select_n3A_846 : vector<16xf32>
      %select_n3A_876 = arith.select %gt3A_875, %select_n3A_836, %select_n3A_846 : vector<16xi1>, vector<16xf32>
      %select_n3A_877 = arith.select %gt3A_875, %select_n3A_846, %select_n3A_836 : vector<16xi1>, vector<16xf32>
      %select_n3A_878 = arith.select %gt3A_875, %select_n3A_838, %select_n3A_848 : vector<16xi1>, vector<16xi32>
      %select_n3A_879 = arith.select %gt3A_875, %select_n3A_848, %select_n3A_838 : vector<16xi1>, vector<16xi32>
      %gt3A_880 = arith.cmpf ogt, %select_n3A_841, %select_n3A_851 : vector<16xf32>
      %select_n3A_881 = arith.select %gt3A_880, %select_n3A_841, %select_n3A_851 : vector<16xi1>, vector<16xf32>
      %select_n3A_882 = arith.select %gt3A_880, %select_n3A_851, %select_n3A_841 : vector<16xi1>, vector<16xf32>
      %select_n3A_883 = arith.select %gt3A_880, %select_n3A_843, %select_n3A_853 : vector<16xi1>, vector<16xi32>
      %select_n3A_884 = arith.select %gt3A_880, %select_n3A_853, %select_n3A_843 : vector<16xi1>, vector<16xi32>
      %gt3A_885 = arith.cmpf ogt, %select_n3A_837, %select_n3A_847 : vector<16xf32>
      %select_n3A_886 = arith.select %gt3A_885, %select_n3A_837, %select_n3A_847 : vector<16xi1>, vector<16xf32>
      %select_n3A_887 = arith.select %gt3A_885, %select_n3A_847, %select_n3A_837 : vector<16xi1>, vector<16xf32>
      %select_n3A_888 = arith.select %gt3A_885, %select_n3A_839, %select_n3A_849 : vector<16xi1>, vector<16xi32>
      %select_n3A_889 = arith.select %gt3A_885, %select_n3A_849, %select_n3A_839 : vector<16xi1>, vector<16xi32>
      %gt3A_890 = arith.cmpf ogt, %select_n3A_842, %select_n3A_852 : vector<16xf32>
      %select_n3A_891 = arith.select %gt3A_890, %select_n3A_842, %select_n3A_852 : vector<16xi1>, vector<16xf32>
      %select_n3A_892 = arith.select %gt3A_890, %select_n3A_852, %select_n3A_842 : vector<16xi1>, vector<16xf32>
      %select_n3A_893 = arith.select %gt3A_890, %select_n3A_844, %select_n3A_854 : vector<16xi1>, vector<16xi32>
      %select_n3A_894 = arith.select %gt3A_890, %select_n3A_854, %select_n3A_844 : vector<16xi1>, vector<16xi32>
      %gt3A_895 = arith.cmpf ogt, %select_n3A_856, %select_n3A_866 : vector<16xf32>
      %select_n3A_896 = arith.select %gt3A_895, %select_n3A_856, %select_n3A_866 : vector<16xi1>, vector<16xf32>
      %select_n3A_897 = arith.select %gt3A_895, %select_n3A_866, %select_n3A_856 : vector<16xi1>, vector<16xf32>
      %select_n3A_898 = arith.select %gt3A_895, %select_n3A_858, %select_n3A_868 : vector<16xi1>, vector<16xi32>
      %select_n3A_899 = arith.select %gt3A_895, %select_n3A_868, %select_n3A_858 : vector<16xi1>, vector<16xi32>
      %gt3A_900 = arith.cmpf ogt, %select_n3A_861, %select_n3A_871 : vector<16xf32>
      %select_n3A_901 = arith.select %gt3A_900, %select_n3A_861, %select_n3A_871 : vector<16xi1>, vector<16xf32>
      %select_n3A_902 = arith.select %gt3A_900, %select_n3A_871, %select_n3A_861 : vector<16xi1>, vector<16xf32>
      %select_n3A_903 = arith.select %gt3A_900, %select_n3A_863, %select_n3A_873 : vector<16xi1>, vector<16xi32>
      %select_n3A_904 = arith.select %gt3A_900, %select_n3A_873, %select_n3A_863 : vector<16xi1>, vector<16xi32>
      %gt3A_905 = arith.cmpf ogt, %select_n3A_857, %select_n3A_867 : vector<16xf32>
      %select_n3A_906 = arith.select %gt3A_905, %select_n3A_857, %select_n3A_867 : vector<16xi1>, vector<16xf32>
      %select_n3A_907 = arith.select %gt3A_905, %select_n3A_867, %select_n3A_857 : vector<16xi1>, vector<16xf32>
      %select_n3A_908 = arith.select %gt3A_905, %select_n3A_859, %select_n3A_869 : vector<16xi1>, vector<16xi32>
      %select_n3A_909 = arith.select %gt3A_905, %select_n3A_869, %select_n3A_859 : vector<16xi1>, vector<16xi32>
      %gt3A_910 = arith.cmpf ogt, %select_n3A_862, %select_n3A_872 : vector<16xf32>
      %select_n3A_911 = arith.select %gt3A_910, %select_n3A_862, %select_n3A_872 : vector<16xi1>, vector<16xf32>
      %select_n3A_912 = arith.select %gt3A_910, %select_n3A_872, %select_n3A_862 : vector<16xi1>, vector<16xf32>
      %select_n3A_913 = arith.select %gt3A_910, %select_n3A_864, %select_n3A_874 : vector<16xi1>, vector<16xi32>
      %select_n3A_914 = arith.select %gt3A_910, %select_n3A_874, %select_n3A_864 : vector<16xi1>, vector<16xi32>
      %gt3A_915 = arith.cmpf ogt, %select_n3A_886, %select_n3A_877 : vector<16xf32>
      %select_n3A_916 = arith.select %gt3A_915, %select_n3A_886, %select_n3A_877 : vector<16xi1>, vector<16xf32>
      %select_n3A_917 = arith.select %gt3A_915, %select_n3A_877, %select_n3A_886 : vector<16xi1>, vector<16xf32>
      %select_n3A_918 = arith.select %gt3A_915, %select_n3A_888, %select_n3A_879 : vector<16xi1>, vector<16xi32>
      %select_n3A_919 = arith.select %gt3A_915, %select_n3A_879, %select_n3A_888 : vector<16xi1>, vector<16xi32>
      %gt3A_920 = arith.cmpf ogt, %select_n3A_891, %select_n3A_882 : vector<16xf32>
      %select_n3A_921 = arith.select %gt3A_920, %select_n3A_891, %select_n3A_882 : vector<16xi1>, vector<16xf32>
      %select_n3A_922 = arith.select %gt3A_920, %select_n3A_882, %select_n3A_891 : vector<16xi1>, vector<16xf32>
      %select_n3A_923 = arith.select %gt3A_920, %select_n3A_893, %select_n3A_884 : vector<16xi1>, vector<16xi32>
      %select_n3A_924 = arith.select %gt3A_920, %select_n3A_884, %select_n3A_893 : vector<16xi1>, vector<16xi32>
      %gt3A_925 = arith.cmpf ogt, %select_n3A_906, %select_n3A_897 : vector<16xf32>
      %select_n3A_926 = arith.select %gt3A_925, %select_n3A_906, %select_n3A_897 : vector<16xi1>, vector<16xf32>
      %select_n3A_927 = arith.select %gt3A_925, %select_n3A_897, %select_n3A_906 : vector<16xi1>, vector<16xf32>
      %select_n3A_928 = arith.select %gt3A_925, %select_n3A_908, %select_n3A_899 : vector<16xi1>, vector<16xi32>
      %select_n3A_929 = arith.select %gt3A_925, %select_n3A_899, %select_n3A_908 : vector<16xi1>, vector<16xi32>
      %gt3A_930 = arith.cmpf ogt, %select_n3A_911, %select_n3A_902 : vector<16xf32>
      %select_n3A_931 = arith.select %gt3A_930, %select_n3A_911, %select_n3A_902 : vector<16xi1>, vector<16xf32>
      %select_n3A_932 = arith.select %gt3A_930, %select_n3A_902, %select_n3A_911 : vector<16xi1>, vector<16xf32>
      %select_n3A_933 = arith.select %gt3A_930, %select_n3A_913, %select_n3A_904 : vector<16xi1>, vector<16xi32>
      %select_n3A_934 = arith.select %gt3A_930, %select_n3A_904, %select_n3A_913 : vector<16xi1>, vector<16xi32>
      %gt3A_935 = arith.cmpf ogt, %select_n3A_876, %select_n3A_896 : vector<16xf32>
      %select_n3A_936 = arith.select %gt3A_935, %select_n3A_876, %select_n3A_896 : vector<16xi1>, vector<16xf32>
      %select_n3A_937 = arith.select %gt3A_935, %select_n3A_896, %select_n3A_876 : vector<16xi1>, vector<16xf32>
      %select_n3A_938 = arith.select %gt3A_935, %select_n3A_878, %select_n3A_898 : vector<16xi1>, vector<16xi32>
      %select_n3A_939 = arith.select %gt3A_935, %select_n3A_898, %select_n3A_878 : vector<16xi1>, vector<16xi32>
      %gt3A_940 = arith.cmpf ogt, %select_n3A_881, %select_n3A_901 : vector<16xf32>
      %select_n3A_941 = arith.select %gt3A_940, %select_n3A_881, %select_n3A_901 : vector<16xi1>, vector<16xf32>
      %select_n3A_942 = arith.select %gt3A_940, %select_n3A_901, %select_n3A_881 : vector<16xi1>, vector<16xf32>
      %select_n3A_943 = arith.select %gt3A_940, %select_n3A_883, %select_n3A_903 : vector<16xi1>, vector<16xi32>
      %select_n3A_944 = arith.select %gt3A_940, %select_n3A_903, %select_n3A_883 : vector<16xi1>, vector<16xi32>
      %gt3A_945 = arith.cmpf ogt, %select_n3A_887, %select_n3A_907 : vector<16xf32>
      %select_n3A_946 = arith.select %gt3A_945, %select_n3A_887, %select_n3A_907 : vector<16xi1>, vector<16xf32>
      %select_n3A_947 = arith.select %gt3A_945, %select_n3A_907, %select_n3A_887 : vector<16xi1>, vector<16xf32>
      %select_n3A_948 = arith.select %gt3A_945, %select_n3A_889, %select_n3A_909 : vector<16xi1>, vector<16xi32>
      %select_n3A_949 = arith.select %gt3A_945, %select_n3A_909, %select_n3A_889 : vector<16xi1>, vector<16xi32>
      %gt3A_950 = arith.cmpf ogt, %select_n3A_892, %select_n3A_912 : vector<16xf32>
      %select_n3A_951 = arith.select %gt3A_950, %select_n3A_892, %select_n3A_912 : vector<16xi1>, vector<16xf32>
      %select_n3A_952 = arith.select %gt3A_950, %select_n3A_912, %select_n3A_892 : vector<16xi1>, vector<16xf32>
      %select_n3A_953 = arith.select %gt3A_950, %select_n3A_894, %select_n3A_914 : vector<16xi1>, vector<16xi32>
      %select_n3A_954 = arith.select %gt3A_950, %select_n3A_914, %select_n3A_894 : vector<16xi1>, vector<16xi32>
      %gt3A_955 = arith.cmpf ogt, %select_n3A_916, %select_n3A_926 : vector<16xf32>
      %select_n3A_956 = arith.select %gt3A_955, %select_n3A_916, %select_n3A_926 : vector<16xi1>, vector<16xf32>
      %select_n3A_957 = arith.select %gt3A_955, %select_n3A_926, %select_n3A_916 : vector<16xi1>, vector<16xf32>
      %select_n3A_958 = arith.select %gt3A_955, %select_n3A_918, %select_n3A_928 : vector<16xi1>, vector<16xi32>
      %select_n3A_959 = arith.select %gt3A_955, %select_n3A_928, %select_n3A_918 : vector<16xi1>, vector<16xi32>
      %gt3A_960 = arith.cmpf ogt, %select_n3A_921, %select_n3A_931 : vector<16xf32>
      %select_n3A_961 = arith.select %gt3A_960, %select_n3A_921, %select_n3A_931 : vector<16xi1>, vector<16xf32>
      %select_n3A_962 = arith.select %gt3A_960, %select_n3A_931, %select_n3A_921 : vector<16xi1>, vector<16xf32>
      %select_n3A_963 = arith.select %gt3A_960, %select_n3A_923, %select_n3A_933 : vector<16xi1>, vector<16xi32>
      %select_n3A_964 = arith.select %gt3A_960, %select_n3A_933, %select_n3A_923 : vector<16xi1>, vector<16xi32>
      %gt3A_965 = arith.cmpf ogt, %select_n3A_917, %select_n3A_927 : vector<16xf32>
      %select_n3A_966 = arith.select %gt3A_965, %select_n3A_917, %select_n3A_927 : vector<16xi1>, vector<16xf32>
      %select_n3A_967 = arith.select %gt3A_965, %select_n3A_927, %select_n3A_917 : vector<16xi1>, vector<16xf32>
      %select_n3A_968 = arith.select %gt3A_965, %select_n3A_919, %select_n3A_929 : vector<16xi1>, vector<16xi32>
      %select_n3A_969 = arith.select %gt3A_965, %select_n3A_929, %select_n3A_919 : vector<16xi1>, vector<16xi32>
      %gt3A_970 = arith.cmpf ogt, %select_n3A_922, %select_n3A_932 : vector<16xf32>
      %select_n3A_971 = arith.select %gt3A_970, %select_n3A_922, %select_n3A_932 : vector<16xi1>, vector<16xf32>
      %select_n3A_972 = arith.select %gt3A_970, %select_n3A_932, %select_n3A_922 : vector<16xi1>, vector<16xf32>
      %select_n3A_973 = arith.select %gt3A_970, %select_n3A_924, %select_n3A_934 : vector<16xi1>, vector<16xi32>
      %select_n3A_974 = arith.select %gt3A_970, %select_n3A_934, %select_n3A_924 : vector<16xi1>, vector<16xi32>
      %gt3A_975 = arith.cmpf ogt, %select_n3A_956, %select_n3A_937 : vector<16xf32>
      %select_n3A_976 = arith.select %gt3A_975, %select_n3A_956, %select_n3A_937 : vector<16xi1>, vector<16xf32>
      %select_n3A_977 = arith.select %gt3A_975, %select_n3A_937, %select_n3A_956 : vector<16xi1>, vector<16xf32>
      %select_n3A_978 = arith.select %gt3A_975, %select_n3A_958, %select_n3A_939 : vector<16xi1>, vector<16xi32>
      %select_n3A_979 = arith.select %gt3A_975, %select_n3A_939, %select_n3A_958 : vector<16xi1>, vector<16xi32>
      %gt3A_980 = arith.cmpf ogt, %select_n3A_961, %select_n3A_942 : vector<16xf32>
      %select_n3A_981 = arith.select %gt3A_980, %select_n3A_961, %select_n3A_942 : vector<16xi1>, vector<16xf32>
      %select_n3A_982 = arith.select %gt3A_980, %select_n3A_942, %select_n3A_961 : vector<16xi1>, vector<16xf32>
      %select_n3A_983 = arith.select %gt3A_980, %select_n3A_963, %select_n3A_944 : vector<16xi1>, vector<16xi32>
      %select_n3A_984 = arith.select %gt3A_980, %select_n3A_944, %select_n3A_963 : vector<16xi1>, vector<16xi32>
      %gt3A_985 = arith.cmpf ogt, %select_n3A_946, %select_n3A_967 : vector<16xf32>
      %select_n3A_986 = arith.select %gt3A_985, %select_n3A_946, %select_n3A_967 : vector<16xi1>, vector<16xf32>
      %select_n3A_987 = arith.select %gt3A_985, %select_n3A_967, %select_n3A_946 : vector<16xi1>, vector<16xf32>
      %select_n3A_988 = arith.select %gt3A_985, %select_n3A_948, %select_n3A_969 : vector<16xi1>, vector<16xi32>
      %select_n3A_989 = arith.select %gt3A_985, %select_n3A_969, %select_n3A_948 : vector<16xi1>, vector<16xi32>
      %gt3A_990 = arith.cmpf ogt, %select_n3A_951, %select_n3A_972 : vector<16xf32>
      %select_n3A_991 = arith.select %gt3A_990, %select_n3A_951, %select_n3A_972 : vector<16xi1>, vector<16xf32>
      %select_n3A_992 = arith.select %gt3A_990, %select_n3A_972, %select_n3A_951 : vector<16xi1>, vector<16xf32>
      %select_n3A_993 = arith.select %gt3A_990, %select_n3A_953, %select_n3A_974 : vector<16xi1>, vector<16xi32>
      %select_n3A_994 = arith.select %gt3A_990, %select_n3A_974, %select_n3A_953 : vector<16xi1>, vector<16xi32>
      %gt3A_995 = arith.cmpf ogt, %select_n3A_966, %select_n3A_977 : vector<16xf32>
      %select_n3A_996 = arith.select %gt3A_995, %select_n3A_966, %select_n3A_977 : vector<16xi1>, vector<16xf32>
      %select_n3A_997 = arith.select %gt3A_995, %select_n3A_977, %select_n3A_966 : vector<16xi1>, vector<16xf32>
      %select_n3A_998 = arith.select %gt3A_995, %select_n3A_968, %select_n3A_979 : vector<16xi1>, vector<16xi32>
      %select_n3A_999 = arith.select %gt3A_995, %select_n3A_979, %select_n3A_968 : vector<16xi1>, vector<16xi32>
      %gt3A_1000 = arith.cmpf ogt, %select_n3A_971, %select_n3A_982 : vector<16xf32>
      %select_n3A_1001 = arith.select %gt3A_1000, %select_n3A_971, %select_n3A_982 : vector<16xi1>, vector<16xf32>
      %select_n3A_1002 = arith.select %gt3A_1000, %select_n3A_982, %select_n3A_971 : vector<16xi1>, vector<16xf32>
      %select_n3A_1003 = arith.select %gt3A_1000, %select_n3A_973, %select_n3A_984 : vector<16xi1>, vector<16xi32>
      %select_n3A_1004 = arith.select %gt3A_1000, %select_n3A_984, %select_n3A_973 : vector<16xi1>, vector<16xi32>
      %gt3A_1005 = arith.cmpf ogt, %select_n3A_986, %select_n3A_957 : vector<16xf32>
      %select_n3A_1006 = arith.select %gt3A_1005, %select_n3A_986, %select_n3A_957 : vector<16xi1>, vector<16xf32>
      %select_n3A_1007 = arith.select %gt3A_1005, %select_n3A_957, %select_n3A_986 : vector<16xi1>, vector<16xf32>
      %select_n3A_1008 = arith.select %gt3A_1005, %select_n3A_988, %select_n3A_959 : vector<16xi1>, vector<16xi32>
      %select_n3A_1009 = arith.select %gt3A_1005, %select_n3A_959, %select_n3A_988 : vector<16xi1>, vector<16xi32>
      %gt3A_1010 = arith.cmpf ogt, %select_n3A_991, %select_n3A_962 : vector<16xf32>
      %select_n3A_1011 = arith.select %gt3A_1010, %select_n3A_991, %select_n3A_962 : vector<16xi1>, vector<16xf32>
      %select_n3A_1012 = arith.select %gt3A_1010, %select_n3A_962, %select_n3A_991 : vector<16xi1>, vector<16xf32>
      %select_n3A_1013 = arith.select %gt3A_1010, %select_n3A_993, %select_n3A_964 : vector<16xi1>, vector<16xi32>
      %select_n3A_1014 = arith.select %gt3A_1010, %select_n3A_964, %select_n3A_993 : vector<16xi1>, vector<16xi32>
      %gt3A_1015 = arith.cmpf ogt, %select_n3A_1006, %select_n3A_997 : vector<16xf32>
      %select_n3A_1016 = arith.select %gt3A_1015, %select_n3A_1006, %select_n3A_997 : vector<16xi1>, vector<16xf32>
      %select_n3A_1017 = arith.select %gt3A_1015, %select_n3A_997, %select_n3A_1006 : vector<16xi1>, vector<16xf32>
      %select_n3A_1018 = arith.select %gt3A_1015, %select_n3A_1008, %select_n3A_999 : vector<16xi1>, vector<16xi32>
      %select_n3A_1019 = arith.select %gt3A_1015, %select_n3A_999, %select_n3A_1008 : vector<16xi1>, vector<16xi32>
      %gt3A_1020 = arith.cmpf ogt, %select_n3A_1011, %select_n3A_1002 : vector<16xf32>
      %select_n3A_1021 = arith.select %gt3A_1020, %select_n3A_1011, %select_n3A_1002 : vector<16xi1>, vector<16xf32>
      %select_n3A_1022 = arith.select %gt3A_1020, %select_n3A_1002, %select_n3A_1011 : vector<16xi1>, vector<16xf32>
      %select_n3A_1023 = arith.select %gt3A_1020, %select_n3A_1013, %select_n3A_1004 : vector<16xi1>, vector<16xi32>
      %select_n3A_1024 = arith.select %gt3A_1020, %select_n3A_1004, %select_n3A_1013 : vector<16xi1>, vector<16xi32>
      %gt3A_1025 = arith.cmpf ogt, %select_n3A_936, %select_n3A_952 : vector<16xf32>
      %eq3A = arith.cmpf oeq, %select_n3A_936, %select_n3A_952 : vector<16xf32>
      %lt3A = arith.cmpi slt, %select_n3A_938, %select_n3A_954 : vector<16xi32>
      %and3A_1026 = arith.andi %eq3A, %lt3A : vector<16xi1>
      %or3A = arith.ori %gt3A_1025, %and3A_1026 : vector<16xi1>
      %select_n3A_1027 = arith.select %or3A, %select_n3A_936, %select_n3A_952 : vector<16xi1>, vector<16xf32>
      %select_n3A_1028 = arith.select %or3A, %select_n3A_938, %select_n3A_954 : vector<16xi1>, vector<16xi32>
      %gt3A_1029 = arith.cmpf ogt, %select_n3A_976, %select_n3A_992 : vector<16xf32>
      %eq3A_1030 = arith.cmpf oeq, %select_n3A_976, %select_n3A_992 : vector<16xf32>
      %lt3A_1031 = arith.cmpi slt, %select_n3A_978, %select_n3A_994 : vector<16xi32>
      %and3A_1032 = arith.andi %eq3A_1030, %lt3A_1031 : vector<16xi1>
      %or3A_1033 = arith.ori %gt3A_1029, %and3A_1032 : vector<16xi1>
      %select_n3A_1034 = arith.select %or3A_1033, %select_n3A_976, %select_n3A_992 : vector<16xi1>, vector<16xf32>
      %select_n3A_1035 = arith.select %or3A_1033, %select_n3A_978, %select_n3A_994 : vector<16xi1>, vector<16xi32>
      %gt3A_1036 = arith.cmpf ogt, %select_n3A_996, %select_n3A_1012 : vector<16xf32>
      %eq3A_1037 = arith.cmpf oeq, %select_n3A_996, %select_n3A_1012 : vector<16xf32>
      %lt3A_1038 = arith.cmpi slt, %select_n3A_998, %select_n3A_1014 : vector<16xi32>
      %and3A_1039 = arith.andi %eq3A_1037, %lt3A_1038 : vector<16xi1>
      %or3A_1040 = arith.ori %gt3A_1036, %and3A_1039 : vector<16xi1>
      %select_n3A_1041 = arith.select %or3A_1040, %select_n3A_996, %select_n3A_1012 : vector<16xi1>, vector<16xf32>
      %select_n3A_1042 = arith.select %or3A_1040, %select_n3A_998, %select_n3A_1014 : vector<16xi1>, vector<16xi32>
      %gt3A_1043 = arith.cmpf ogt, %select_n3A_1016, %select_n3A_1022 : vector<16xf32>
      %eq3A_1044 = arith.cmpf oeq, %select_n3A_1016, %select_n3A_1022 : vector<16xf32>
      %lt3A_1045 = arith.cmpi slt, %select_n3A_1018, %select_n3A_1024 : vector<16xi32>
      %and3A_1046 = arith.andi %eq3A_1044, %lt3A_1045 : vector<16xi1>
      %or3A_1047 = arith.ori %gt3A_1043, %and3A_1046 : vector<16xi1>
      %select_n3A_1048 = arith.select %or3A_1047, %select_n3A_1016, %select_n3A_1022 : vector<16xi1>, vector<16xf32>
      %select_n3A_1049 = arith.select %or3A_1047, %select_n3A_1018, %select_n3A_1024 : vector<16xi1>, vector<16xi32>
      %gt3A_1050 = arith.cmpf ogt, %select_n3A_1017, %select_n3A_1021 : vector<16xf32>
      %eq3A_1051 = arith.cmpf oeq, %select_n3A_1017, %select_n3A_1021 : vector<16xf32>
      %lt3A_1052 = arith.cmpi slt, %select_n3A_1019, %select_n3A_1023 : vector<16xi32>
      %and3A_1053 = arith.andi %eq3A_1051, %lt3A_1052 : vector<16xi1>
      %or3A_1054 = arith.ori %gt3A_1050, %and3A_1053 : vector<16xi1>
      %select_n3A_1055 = arith.select %or3A_1054, %select_n3A_1017, %select_n3A_1021 : vector<16xi1>, vector<16xf32>
      %select_n3A_1056 = arith.select %or3A_1054, %select_n3A_1019, %select_n3A_1023 : vector<16xi1>, vector<16xi32>
      %gt3A_1057 = arith.cmpf ogt, %select_n3A_1007, %select_n3A_1001 : vector<16xf32>
      %eq3A_1058 = arith.cmpf oeq, %select_n3A_1007, %select_n3A_1001 : vector<16xf32>
      %lt3A_1059 = arith.cmpi slt, %select_n3A_1009, %select_n3A_1003 : vector<16xi32>
      %and3A_1060 = arith.andi %eq3A_1058, %lt3A_1059 : vector<16xi1>
      %or3A_1061 = arith.ori %gt3A_1057, %and3A_1060 : vector<16xi1>
      %select_n3A_1062 = arith.select %or3A_1061, %select_n3A_1007, %select_n3A_1001 : vector<16xi1>, vector<16xf32>
      %select_n3A_1063 = arith.select %or3A_1061, %select_n3A_1009, %select_n3A_1003 : vector<16xi1>, vector<16xi32>
      %gt3A_1064 = arith.cmpf ogt, %select_n3A_987, %select_n3A_981 : vector<16xf32>
      %eq3A_1065 = arith.cmpf oeq, %select_n3A_987, %select_n3A_981 : vector<16xf32>
      %lt3A_1066 = arith.cmpi slt, %select_n3A_989, %select_n3A_983 : vector<16xi32>
      %and3A_1067 = arith.andi %eq3A_1065, %lt3A_1066 : vector<16xi1>
      %or3A_1068 = arith.ori %gt3A_1064, %and3A_1067 : vector<16xi1>
      %select_n3A_1069 = arith.select %or3A_1068, %select_n3A_987, %select_n3A_981 : vector<16xi1>, vector<16xf32>
      %select_n3A_1070 = arith.select %or3A_1068, %select_n3A_989, %select_n3A_983 : vector<16xi1>, vector<16xi32>
      %gt3A_1071 = arith.cmpf ogt, %select_n3A_947, %select_n3A_941 : vector<16xf32>
      %eq3A_1072 = arith.cmpf oeq, %select_n3A_947, %select_n3A_941 : vector<16xf32>
      %lt3A_1073 = arith.cmpi slt, %select_n3A_949, %select_n3A_943 : vector<16xi32>
      %and3A_1074 = arith.andi %eq3A_1072, %lt3A_1073 : vector<16xi1>
      %or3A_1075 = arith.ori %gt3A_1071, %and3A_1074 : vector<16xi1>
      %select_n3A_1076 = arith.select %or3A_1075, %select_n3A_947, %select_n3A_941 : vector<16xi1>, vector<16xf32>
      %select_n3A_1077 = arith.select %or3A_1075, %select_n3A_949, %select_n3A_943 : vector<16xi1>, vector<16xi32>
      %gt3A_1078 = arith.cmpf ogt, %select_n3A_1027, %select_n3A_1055 : vector<16xf32>
      %eq3A_1079 = arith.cmpf oeq, %select_n3A_1027, %select_n3A_1055 : vector<16xf32>
      %lt3A_1080 = arith.cmpi slt, %select_n3A_1028, %select_n3A_1056 : vector<16xi32>
      %and3A_1081 = arith.andi %eq3A_1079, %lt3A_1080 : vector<16xi1>
      %or3A_1082 = arith.ori %gt3A_1078, %and3A_1081 : vector<16xi1>
      %select_n3A_1083 = arith.select %or3A_1082, %select_n3A_1027, %select_n3A_1055 : vector<16xi1>, vector<16xf32>
      %select_n3A_1084 = arith.select %or3A_1082, %select_n3A_1055, %select_n3A_1027 : vector<16xi1>, vector<16xf32>
      %select_n3A_1085 = arith.select %or3A_1082, %select_n3A_1028, %select_n3A_1056 : vector<16xi1>, vector<16xi32>
      %select_n3A_1086 = arith.select %or3A_1082, %select_n3A_1056, %select_n3A_1028 : vector<16xi1>, vector<16xi32>
      %gt3A_1087 = arith.cmpf ogt, %select_n3A_1034, %select_n3A_1062 : vector<16xf32>
      %eq3A_1088 = arith.cmpf oeq, %select_n3A_1034, %select_n3A_1062 : vector<16xf32>
      %lt3A_1089 = arith.cmpi slt, %select_n3A_1035, %select_n3A_1063 : vector<16xi32>
      %and3A_1090 = arith.andi %eq3A_1088, %lt3A_1089 : vector<16xi1>
      %or3A_1091 = arith.ori %gt3A_1087, %and3A_1090 : vector<16xi1>
      %select_n3A_1092 = arith.select %or3A_1091, %select_n3A_1034, %select_n3A_1062 : vector<16xi1>, vector<16xf32>
      %select_n3A_1093 = arith.select %or3A_1091, %select_n3A_1062, %select_n3A_1034 : vector<16xi1>, vector<16xf32>
      %select_n3A_1094 = arith.select %or3A_1091, %select_n3A_1035, %select_n3A_1063 : vector<16xi1>, vector<16xi32>
      %select_n3A_1095 = arith.select %or3A_1091, %select_n3A_1063, %select_n3A_1035 : vector<16xi1>, vector<16xi32>
      %gt3A_1096 = arith.cmpf ogt, %select_n3A_1041, %select_n3A_1069 : vector<16xf32>
      %eq3A_1097 = arith.cmpf oeq, %select_n3A_1041, %select_n3A_1069 : vector<16xf32>
      %lt3A_1098 = arith.cmpi slt, %select_n3A_1042, %select_n3A_1070 : vector<16xi32>
      %and3A_1099 = arith.andi %eq3A_1097, %lt3A_1098 : vector<16xi1>
      %or3A_1100 = arith.ori %gt3A_1096, %and3A_1099 : vector<16xi1>
      %select_n3A_1101 = arith.select %or3A_1100, %select_n3A_1041, %select_n3A_1069 : vector<16xi1>, vector<16xf32>
      %select_n3A_1102 = arith.select %or3A_1100, %select_n3A_1069, %select_n3A_1041 : vector<16xi1>, vector<16xf32>
      %select_n3A_1103 = arith.select %or3A_1100, %select_n3A_1042, %select_n3A_1070 : vector<16xi1>, vector<16xi32>
      %select_n3A_1104 = arith.select %or3A_1100, %select_n3A_1070, %select_n3A_1042 : vector<16xi1>, vector<16xi32>
      %gt3A_1105 = arith.cmpf ogt, %select_n3A_1048, %select_n3A_1076 : vector<16xf32>
      %eq3A_1106 = arith.cmpf oeq, %select_n3A_1048, %select_n3A_1076 : vector<16xf32>
      %lt3A_1107 = arith.cmpi slt, %select_n3A_1049, %select_n3A_1077 : vector<16xi32>
      %and3A_1108 = arith.andi %eq3A_1106, %lt3A_1107 : vector<16xi1>
      %or3A_1109 = arith.ori %gt3A_1105, %and3A_1108 : vector<16xi1>
      %select_n3A_1110 = arith.select %or3A_1109, %select_n3A_1048, %select_n3A_1076 : vector<16xi1>, vector<16xf32>
      %select_n3A_1111 = arith.select %or3A_1109, %select_n3A_1076, %select_n3A_1048 : vector<16xi1>, vector<16xf32>
      %select_n3A_1112 = arith.select %or3A_1109, %select_n3A_1049, %select_n3A_1077 : vector<16xi1>, vector<16xi32>
      %select_n3A_1113 = arith.select %or3A_1109, %select_n3A_1077, %select_n3A_1049 : vector<16xi1>, vector<16xi32>
      %gt3A_1114 = arith.cmpf ogt, %select_n3A_1083, %select_n3A_1101 : vector<16xf32>
      %eq3A_1115 = arith.cmpf oeq, %select_n3A_1083, %select_n3A_1101 : vector<16xf32>
      %lt3A_1116 = arith.cmpi slt, %select_n3A_1085, %select_n3A_1103 : vector<16xi32>
      %and3A_1117 = arith.andi %eq3A_1115, %lt3A_1116 : vector<16xi1>
      %or3A_1118 = arith.ori %gt3A_1114, %and3A_1117 : vector<16xi1>
      %select_n3A_1119 = arith.select %or3A_1118, %select_n3A_1083, %select_n3A_1101 : vector<16xi1>, vector<16xf32>
      %select_n3A_1120 = arith.select %or3A_1118, %select_n3A_1101, %select_n3A_1083 : vector<16xi1>, vector<16xf32>
      %select_n3A_1121 = arith.select %or3A_1118, %select_n3A_1085, %select_n3A_1103 : vector<16xi1>, vector<16xi32>
      %select_n3A_1122 = arith.select %or3A_1118, %select_n3A_1103, %select_n3A_1085 : vector<16xi1>, vector<16xi32>
      %gt3A_1123 = arith.cmpf ogt, %select_n3A_1092, %select_n3A_1110 : vector<16xf32>
      %eq3A_1124 = arith.cmpf oeq, %select_n3A_1092, %select_n3A_1110 : vector<16xf32>
      %lt3A_1125 = arith.cmpi slt, %select_n3A_1094, %select_n3A_1112 : vector<16xi32>
      %and3A_1126 = arith.andi %eq3A_1124, %lt3A_1125 : vector<16xi1>
      %or3A_1127 = arith.ori %gt3A_1123, %and3A_1126 : vector<16xi1>
      %select_n3A_1128 = arith.select %or3A_1127, %select_n3A_1092, %select_n3A_1110 : vector<16xi1>, vector<16xf32>
      %select_n3A_1129 = arith.select %or3A_1127, %select_n3A_1110, %select_n3A_1092 : vector<16xi1>, vector<16xf32>
      %select_n3A_1130 = arith.select %or3A_1127, %select_n3A_1094, %select_n3A_1112 : vector<16xi1>, vector<16xi32>
      %select_n3A_1131 = arith.select %or3A_1127, %select_n3A_1112, %select_n3A_1094 : vector<16xi1>, vector<16xi32>
      %gt3A_1132 = arith.cmpf ogt, %select_n3A_1084, %select_n3A_1102 : vector<16xf32>
      %eq3A_1133 = arith.cmpf oeq, %select_n3A_1084, %select_n3A_1102 : vector<16xf32>
      %lt3A_1134 = arith.cmpi slt, %select_n3A_1086, %select_n3A_1104 : vector<16xi32>
      %and3A_1135 = arith.andi %eq3A_1133, %lt3A_1134 : vector<16xi1>
      %or3A_1136 = arith.ori %gt3A_1132, %and3A_1135 : vector<16xi1>
      %select_n3A_1137 = arith.select %or3A_1136, %select_n3A_1084, %select_n3A_1102 : vector<16xi1>, vector<16xf32>
      %select_n3A_1138 = arith.select %or3A_1136, %select_n3A_1102, %select_n3A_1084 : vector<16xi1>, vector<16xf32>
      %select_n3A_1139 = arith.select %or3A_1136, %select_n3A_1086, %select_n3A_1104 : vector<16xi1>, vector<16xi32>
      %select_n3A_1140 = arith.select %or3A_1136, %select_n3A_1104, %select_n3A_1086 : vector<16xi1>, vector<16xi32>
      %gt3A_1141 = arith.cmpf ogt, %select_n3A_1093, %select_n3A_1111 : vector<16xf32>
      %eq3A_1142 = arith.cmpf oeq, %select_n3A_1093, %select_n3A_1111 : vector<16xf32>
      %lt3A_1143 = arith.cmpi slt, %select_n3A_1095, %select_n3A_1113 : vector<16xi32>
      %and3A_1144 = arith.andi %eq3A_1142, %lt3A_1143 : vector<16xi1>
      %or3A_1145 = arith.ori %gt3A_1141, %and3A_1144 : vector<16xi1>
      %select_n3A_1146 = arith.select %or3A_1145, %select_n3A_1093, %select_n3A_1111 : vector<16xi1>, vector<16xf32>
      %select_n3A_1147 = arith.select %or3A_1145, %select_n3A_1111, %select_n3A_1093 : vector<16xi1>, vector<16xf32>
      %select_n3A_1148 = arith.select %or3A_1145, %select_n3A_1095, %select_n3A_1113 : vector<16xi1>, vector<16xi32>
      %select_n3A_1149 = arith.select %or3A_1145, %select_n3A_1113, %select_n3A_1095 : vector<16xi1>, vector<16xi32>
      %gt3A_1150 = arith.cmpf ogt, %select_n3A_1119, %select_n3A_1128 : vector<16xf32>
      %eq3A_1151 = arith.cmpf oeq, %select_n3A_1119, %select_n3A_1128 : vector<16xf32>
      %lt3A_1152 = arith.cmpi slt, %select_n3A_1121, %select_n3A_1130 : vector<16xi32>
      %and3A_1153 = arith.andi %eq3A_1151, %lt3A_1152 : vector<16xi1>
      %or3A_1154 = arith.ori %gt3A_1150, %and3A_1153 : vector<16xi1>
      %select_n3A_1155 = arith.select %or3A_1154, %select_n3A_1119, %select_n3A_1128 : vector<16xi1>, vector<16xf32>
      %select_n3A_1156 = arith.select %or3A_1154, %select_n3A_1128, %select_n3A_1119 : vector<16xi1>, vector<16xf32>
      %select_n3A_1157 = arith.select %or3A_1154, %select_n3A_1121, %select_n3A_1130 : vector<16xi1>, vector<16xi32>
      %select_n3A_1158 = arith.select %or3A_1154, %select_n3A_1130, %select_n3A_1121 : vector<16xi1>, vector<16xi32>
      %gt3A_1159 = arith.cmpf ogt, %select_n3A_1120, %select_n3A_1129 : vector<16xf32>
      %eq3A_1160 = arith.cmpf oeq, %select_n3A_1120, %select_n3A_1129 : vector<16xf32>
      %lt3A_1161 = arith.cmpi slt, %select_n3A_1122, %select_n3A_1131 : vector<16xi32>
      %and3A_1162 = arith.andi %eq3A_1160, %lt3A_1161 : vector<16xi1>
      %or3A_1163 = arith.ori %gt3A_1159, %and3A_1162 : vector<16xi1>
      %select_n3A_1164 = arith.select %or3A_1163, %select_n3A_1120, %select_n3A_1129 : vector<16xi1>, vector<16xf32>
      %select_n3A_1165 = arith.select %or3A_1163, %select_n3A_1129, %select_n3A_1120 : vector<16xi1>, vector<16xf32>
      %select_n3A_1166 = arith.select %or3A_1163, %select_n3A_1122, %select_n3A_1131 : vector<16xi1>, vector<16xi32>
      %select_n3A_1167 = arith.select %or3A_1163, %select_n3A_1131, %select_n3A_1122 : vector<16xi1>, vector<16xi32>
      %gt3A_1168 = arith.cmpf ogt, %select_n3A_1137, %select_n3A_1146 : vector<16xf32>
      %eq3A_1169 = arith.cmpf oeq, %select_n3A_1137, %select_n3A_1146 : vector<16xf32>
      %lt3A_1170 = arith.cmpi slt, %select_n3A_1139, %select_n3A_1148 : vector<16xi32>
      %and3A_1171 = arith.andi %eq3A_1169, %lt3A_1170 : vector<16xi1>
      %or3A_1172 = arith.ori %gt3A_1168, %and3A_1171 : vector<16xi1>
      %select_n3A_1173 = arith.select %or3A_1172, %select_n3A_1137, %select_n3A_1146 : vector<16xi1>, vector<16xf32>
      %select_n3A_1174 = arith.select %or3A_1172, %select_n3A_1146, %select_n3A_1137 : vector<16xi1>, vector<16xf32>
      %select_n3A_1175 = arith.select %or3A_1172, %select_n3A_1139, %select_n3A_1148 : vector<16xi1>, vector<16xi32>
      %select_n3A_1176 = arith.select %or3A_1172, %select_n3A_1148, %select_n3A_1139 : vector<16xi1>, vector<16xi32>
      %gt3A_1177 = arith.cmpf ogt, %select_n3A_1138, %select_n3A_1147 : vector<16xf32>
      %eq3A_1178 = arith.cmpf oeq, %select_n3A_1138, %select_n3A_1147 : vector<16xf32>
      %lt3A_1179 = arith.cmpi slt, %select_n3A_1140, %select_n3A_1149 : vector<16xi32>
      %and3A_1180 = arith.andi %eq3A_1178, %lt3A_1179 : vector<16xi1>
      %or3A_1181 = arith.ori %gt3A_1177, %and3A_1180 : vector<16xi1>
      %select_n3A_1182 = arith.select %or3A_1181, %select_n3A_1138, %select_n3A_1147 : vector<16xi1>, vector<16xf32>
      %select_n3A_1183 = arith.select %or3A_1181, %select_n3A_1147, %select_n3A_1138 : vector<16xi1>, vector<16xf32>
      %select_n3A_1184 = arith.select %or3A_1181, %select_n3A_1140, %select_n3A_1149 : vector<16xi1>, vector<16xi32>
      %select_n3A_1185 = arith.select %or3A_1181, %select_n3A_1149, %select_n3A_1140 : vector<16xi1>, vector<16xi32>
      %add3A_1186 = arith.constant 512 : i32
      %add3A_1187 = vector.broadcast %add3A_1186 : i32 to vector<16xi32>
      %add3A_1188 = arith.addi %add3A_1187, %add3A_238 : vector<16xi32>
      %mul3A_1189 = arith.constant 8 : i32
      %mul3A_1190 = vector.broadcast %mul3A_1189 : i32 to vector<16xi32>
      %mul3A_1191 = arith.muli %add3A_1188, %mul3A_1190 : vector<16xi32>
      %add3A_1192 = arith.constant 0 : i32
      %add3A_1193 = vector.broadcast %add3A_1192 : i32 to vector<16xi32>
      %add3A_1194 = arith.addi %mul3A_1191, %add3A_1193 : vector<16xi32>
      tpu.vector_store_idx %arg7[%add3A_1194], %select_n3A_1155 : memref<8192xf32, #tpu.memory_space<vmem>>[vector<16xi32>], vector<16xf32>,
      %add3A_1195 = arith.constant 0 : i32
      %add3A_1196 = vector.broadcast %add3A_1195 : i32 to vector<16xi32>
      %add3A_1197 = arith.addi %mul3A_1191, %add3A_1196 : vector<16xi32>
      tpu.vector_store_idx %arg8[%add3A_1197], %select_n3A_1157 : memref<8192xi32, #tpu.memory_space<vmem>>[vector<16xi32>], vector<16xi32>,
      tpu.vector_store_idx %arg9[%select_n3A_1157], %broadcast_in_dim3A_59 {add = true} : memref<64xf32, #tpu.memory_space<vmem>>[vector<16xi32>], vector<16xf32>,
      %add3A_1198 = arith.constant 1 : i32
      %add3A_1199 = vector.broadcast %add3A_1198 : i32 to vector<16xi32>
      %add3A_1200 = arith.addi %mul3A_1191, %add3A_1199 : vector<16xi32>
      tpu.vector_store_idx %arg7[%add3A_1200], %select_n3A_1156 : memref<8192xf32, #tpu.memory_space<vmem>>[vector<16xi32>], vector<16xf32>,
      %add3A_1201 = arith.constant 1 : i32
      %add3A_1202 = vector.broadcast %add3A_1201 : i32 to vector<16xi32>
      %add3A_1203 = arith.addi %mul3A_1191, %add3A_1202 : vector<16xi32>
      tpu.vector_store_idx %arg8[%add3A_1203], %select_n3A_1158 : memref<8192xi32, #tpu.memory_space<vmem>>[vector<16xi32>], vector<16xi32>,
      tpu.vector_store_idx %arg9[%select_n3A_1158], %broadcast_in_dim3A_59 {add = true} : memref<64xf32, #tpu.memory_space<vmem>>[vector<16xi32>], vector<16xf32>,
      %add3A_1204 = arith.constant 2 : i32
      %add3A_1205 = vector.broadcast %add3A_1204 : i32 to vector<16xi32>
      %add3A_1206 = arith.addi %mul3A_1191, %add3A_1205 : vector<16xi32>
      tpu.vector_store_idx %arg7[%add3A_1206], %select_n3A_1164 : memref<8192xf32, #tpu.memory_space<vmem>>[vector<16xi32>], vector<16xf32>,
      %add3A_1207 = arith.constant 2 : i32
      %add3A_1208 = vector.broadcast %add3A_1207 : i32 to vector<16xi32>
      %add3A_1209 = arith.addi %mul3A_1191, %add3A_1208 : vector<16xi32>
      tpu.vector_store_idx %arg8[%add3A_1209], %select_n3A_1166 : memref<8192xi32, #tpu.memory_space<vmem>>[vector<16xi32>], vector<16xi32>,
      tpu.vector_store_idx %arg9[%select_n3A_1166], %broadcast_in_dim3A_59 {add = true} : memref<64xf32, #tpu.memory_space<vmem>>[vector<16xi32>], vector<16xf32>,
      %add3A_1210 = arith.constant 3 : i32
      %add3A_1211 = vector.broadcast %add3A_1210 : i32 to vector<16xi32>
      %add3A_1212 = arith.addi %mul3A_1191, %add3A_1211 : vector<16xi32>
      tpu.vector_store_idx %arg7[%add3A_1212], %select_n3A_1165 : memref<8192xf32, #tpu.memory_space<vmem>>[vector<16xi32>], vector<16xf32>,
      %add3A_1213 = arith.constant 3 : i32
      %add3A_1214 = vector.broadcast %add3A_1213 : i32 to vector<16xi32>
      %add3A_1215 = arith.addi %mul3A_1191, %add3A_1214 : vector<16xi32>
      tpu.vector_store_idx %arg8[%add3A_1215], %select_n3A_1167 : memref<8192xi32, #tpu.memory_space<vmem>>[vector<16xi32>], vector<16xi32>,
      tpu.vector_store_idx %arg9[%select_n3A_1167], %broadcast_in_dim3A_59 {add = true} : memref<64xf32, #tpu.memory_space<vmem>>[vector<16xi32>], vector<16xf32>,
      %add3A_1216 = arith.constant 4 : i32
      %add3A_1217 = vector.broadcast %add3A_1216 : i32 to vector<16xi32>
      %add3A_1218 = arith.addi %mul3A_1191, %add3A_1217 : vector<16xi32>
      tpu.vector_store_idx %arg7[%add3A_1218], %select_n3A_1173 : memref<8192xf32, #tpu.memory_space<vmem>>[vector<16xi32>], vector<16xf32>,
      %add3A_1219 = arith.constant 4 : i32
      %add3A_1220 = vector.broadcast %add3A_1219 : i32 to vector<16xi32>
      %add3A_1221 = arith.addi %mul3A_1191, %add3A_1220 : vector<16xi32>
      tpu.vector_store_idx %arg8[%add3A_1221], %select_n3A_1175 : memref<8192xi32, #tpu.memory_space<vmem>>[vector<16xi32>], vector<16xi32>,
      tpu.vector_store_idx %arg9[%select_n3A_1175], %broadcast_in_dim3A_59 {add = true} : memref<64xf32, #tpu.memory_space<vmem>>[vector<16xi32>], vector<16xf32>,
      %add3A_1222 = arith.constant 5 : i32
      %add3A_1223 = vector.broadcast %add3A_1222 : i32 to vector<16xi32>
      %add3A_1224 = arith.addi %mul3A_1191, %add3A_1223 : vector<16xi32>
      tpu.vector_store_idx %arg7[%add3A_1224], %select_n3A_1174 : memref<8192xf32, #tpu.memory_space<vmem>>[vector<16xi32>], vector<16xf32>,
      %add3A_1225 = arith.constant 5 : i32
      %add3A_1226 = vector.broadcast %add3A_1225 : i32 to vector<16xi32>
      %add3A_1227 = arith.addi %mul3A_1191, %add3A_1226 : vector<16xi32>
      tpu.vector_store_idx %arg8[%add3A_1227], %select_n3A_1176 : memref<8192xi32, #tpu.memory_space<vmem>>[vector<16xi32>], vector<16xi32>,
      tpu.vector_store_idx %arg9[%select_n3A_1176], %broadcast_in_dim3A_59 {add = true} : memref<64xf32, #tpu.memory_space<vmem>>[vector<16xi32>], vector<16xf32>,
      %add3A_1228 = arith.constant 6 : i32
      %add3A_1229 = vector.broadcast %add3A_1228 : i32 to vector<16xi32>
      %add3A_1230 = arith.addi %mul3A_1191, %add3A_1229 : vector<16xi32>
      tpu.vector_store_idx %arg7[%add3A_1230], %select_n3A_1182 : memref<8192xf32, #tpu.memory_space<vmem>>[vector<16xi32>], vector<16xf32>,
      %add3A_1231 = arith.constant 6 : i32
      %add3A_1232 = vector.broadcast %add3A_1231 : i32 to vector<16xi32>
      %add3A_1233 = arith.addi %mul3A_1191, %add3A_1232 : vector<16xi32>
      tpu.vector_store_idx %arg8[%add3A_1233], %select_n3A_1184 : memref<8192xi32, #tpu.memory_space<vmem>>[vector<16xi32>], vector<16xi32>,
      tpu.vector_store_idx %arg9[%select_n3A_1184], %broadcast_in_dim3A_59 {add = true} : memref<64xf32, #tpu.memory_space<vmem>>[vector<16xi32>], vector<16xf32>,
      %add3A_1234 = arith.constant 7 : i32
      %add3A_1235 = vector.broadcast %add3A_1234 : i32 to vector<16xi32>
      %add3A_1236 = arith.addi %mul3A_1191, %add3A_1235 : vector<16xi32>
      tpu.vector_store_idx %arg7[%add3A_1236], %select_n3A_1183 : memref<8192xf32, #tpu.memory_space<vmem>>[vector<16xi32>], vector<16xf32>,
      %add3A_1237 = arith.constant 7 : i32
      %add3A_1238 = vector.broadcast %add3A_1237 : i32 to vector<16xi32>
      %add3A_1239 = arith.addi %mul3A_1191, %add3A_1238 : vector<16xi32>
      tpu.vector_store_idx %arg8[%add3A_1239], %select_n3A_1185 : memref<8192xi32, #tpu.memory_space<vmem>>[vector<16xi32>], vector<16xi32>,
      tpu.vector_store_idx %arg9[%select_n3A_1185], %broadcast_in_dim3A_59 {add = true} : memref<64xf32, #tpu.memory_space<vmem>>[vector<16xi32>], vector<16xf32>,
    }
    %scan3A_133 = arith.constant 16 : i32
    %mul3A_134 = arith.constant 8 : i32
    %mul3A_135 = arith.muli %mul3A_2, %mul3A_134 : i32
    %add3A_136 = arith.constant 4096 : i32
    %add3A_137 = arith.addi %mul3A_135, %add3A_136 : i32
    %dma_start3A_138 = arith.constant 4096 : i32
    %dma_start3A_139 = tpu.memref_slice %arg7[%dma_start3A_138] : memref<8192xf32, #tpu.memory_space<vmem>> -> memref<2048xf32, #tpu.memory_space<vmem>>
    %dma_start3A_140 = tpu.memref_slice %arg3[%add3A_137] : memref<262144xf32, #tpu.memory_space<hbm>> -> memref<2048xf32, #tpu.memory_space<hbm>>
    %dma_start3A_141 = tpu.memref_slice %arg3[%add3A_137] : memref<262144xf32, #tpu.memory_space<hbm>> -> memref<2048xf32, #tpu.memory_space<hbm>>
    %dma_start3A_142 = arith.constant 4096 : i32
    %dma_start3A_143 = tpu.memref_slice %arg7[%dma_start3A_142] : memref<8192xf32, #tpu.memory_space<vmem>> -> memref<2048xf32, #tpu.memory_space<vmem>>
    tpu.enqueue_dma source(%dma_start3A_143 : memref<2048xf32, #tpu.memory_space<vmem>>) target(%dma_start3A_141 : memref<2048xf32, #tpu.memory_space<hbm>>) target_semaphore(%arg14 : memref<!tpu.dma_semaphore, #tpu.memory_space<semaphore_mem>>)
    %mul3A_144 = arith.constant 8 : i32
    %mul3A_145 = arith.muli %mul3A_2, %mul3A_144 : i32
    %add3A_146 = arith.constant 4096 : i32
    %add3A_147 = arith.addi %mul3A_145, %add3A_146 : i32
    %dma_start3A_148 = arith.constant 4096 : i32
    %dma_start3A_149 = tpu.memref_slice %arg8[%dma_start3A_148] : memref<8192xi32, #tpu.memory_space<vmem>> -> memref<2048xi32, #tpu.memory_space<vmem>>
    %dma_start3A_150 = tpu.memref_slice %arg4[%add3A_147] : memref<262144xi32, #tpu.memory_space<hbm>> -> memref<2048xi32, #tpu.memory_space<hbm>>
    %dma_start3A_151 = tpu.memref_slice %arg4[%add3A_147] : memref<262144xi32, #tpu.memory_space<hbm>> -> memref<2048xi32, #tpu.memory_space<hbm>>
    %dma_start3A_152 = arith.constant 4096 : i32
    %dma_start3A_153 = tpu.memref_slice %arg8[%dma_start3A_152] : memref<8192xi32, #tpu.memory_space<vmem>> -> memref<2048xi32, #tpu.memory_space<vmem>>
    tpu.enqueue_dma source(%dma_start3A_153 : memref<2048xi32, #tpu.memory_space<vmem>>) target(%dma_start3A_151 : memref<2048xi32, #tpu.memory_space<hbm>>) target_semaphore(%arg14 : memref<!tpu.dma_semaphore, #tpu.memory_space<semaphore_mem>>)
    %dma_wait3A_154 = arith.constant 49152 : i32
    %dma_wait3A_155 = tpu.memref_slice %arg6[%dma_wait3A_154] : memref<65536xf32, #tpu.memory_space<vmem>> -> memref<16384xf32, #tpu.memory_space<vmem>>
    %dma_wait3A_156 = tpu.memref_slice %arg2[%mul3A_43] : memref<2097152xf32, #tpu.memory_space<hbm>> -> memref<16384xf32, #tpu.memory_space<hbm>>
    %dma_wait3A_157 = arith.constant 49152 : i32
    %dma_wait3A_158 = tpu.memref_slice %arg6[%dma_wait3A_157] : memref<65536xf32, #tpu.memory_space<vmem>> -> memref<16384xf32, #tpu.memory_space<vmem>>
    %dma_wait3A_159 = tpu.memref_slice %arg2[%mul3A_43] : memref<2097152xf32, #tpu.memory_space<hbm>> -> memref<16384xf32, #tpu.memory_space<hbm>>
    tpu.wait_dma2 semaphore(%arg13 : memref<!tpu.dma_semaphore, #tpu.memory_space<semaphore_mem>>) src(%dma_wait3A_159 : memref<16384xf32, #tpu.memory_space<hbm>>) dst(%dma_wait3A_158 : memref<16384xf32, #tpu.memory_space<vmem>>)
    %scan3A_160 = arith.constant 0 : i32
    %scan3A_161 = arith.constant 0 : i32
    %scan3A_162 = arith.constant 16 : i32
    %scan3A_163 = arith.addi %scan3A_161, %scan3A_162 : i32
    %scan3A_164 = arith.constant 1 : i32
    scf.for %scan3A_234 = %scan3A_161 to %scan3A_163 step %scan3A_164  : i32 {
      %mul3A_235 = arith.constant 16 : i32
      %mul3A_236 = arith.muli %scan3A_234, %mul3A_235 : i32
      %add3A_237 = vector.broadcast %mul3A_236 : i32 to vector<16xi32>
      %add3A_238 = arith.addi %add3A_237, %iota3A : vector<16xi32>
      %add3A_239 = arith.constant 49152 : i32
      %add3A_240 = arith.addi %add3A_239, %mul3A_236 : i32
      %get3A = arith.index_cast %add3A_240 : i32 to index
      %get3A_241 = tpu.vector_load %arg6[%get3A] {strides = array<i32>} : memref<65536xf32, #tpu.memory_space<vmem>>, vector<16xf32>,
      %add3A_242 = arith.constant 49408 : i32
      %add3A_243 = arith.addi %add3A_242, %mul3A_236 : i32
      %get3A_244 = arith.index_cast %add3A_243 : i32 to index
      %get3A_245 = tpu.vector_load %arg6[%get3A_244] {strides = array<i32>} : memref<65536xf32, #tpu.memory_space<vmem>>, vector<16xf32>,
      %max3A = arith.maximumf %get3A_241, %get3A_245 : vector<16xf32>
      %add3A_246 = arith.constant 49664 : i32
      %add3A_247 = arith.addi %add3A_246, %mul3A_236 : i32
      %get3A_248 = arith.index_cast %add3A_247 : i32 to index
      %get3A_249 = tpu.vector_load %arg6[%get3A_248] {strides = array<i32>} : memref<65536xf32, #tpu.memory_space<vmem>>, vector<16xf32>,
      %max3A_250 = arith.maximumf %max3A, %get3A_249 : vector<16xf32>
      %add3A_251 = arith.constant 49920 : i32
      %add3A_252 = arith.addi %add3A_251, %mul3A_236 : i32
      %get3A_253 = arith.index_cast %add3A_252 : i32 to index
      %get3A_254 = tpu.vector_load %arg6[%get3A_253] {strides = array<i32>} : memref<65536xf32, #tpu.memory_space<vmem>>, vector<16xf32>,
      %max3A_255 = arith.maximumf %max3A_250, %get3A_254 : vector<16xf32>
      %add3A_256 = arith.constant 50176 : i32
      %add3A_257 = arith.addi %add3A_256, %mul3A_236 : i32
      %get3A_258 = arith.index_cast %add3A_257 : i32 to index
      %get3A_259 = tpu.vector_load %arg6[%get3A_258] {strides = array<i32>} : memref<65536xf32, #tpu.memory_space<vmem>>, vector<16xf32>,
      %max3A_260 = arith.maximumf %max3A_255, %get3A_259 : vector<16xf32>
      %add3A_261 = arith.constant 50432 : i32
      %add3A_262 = arith.addi %add3A_261, %mul3A_236 : i32
      %get3A_263 = arith.index_cast %add3A_262 : i32 to index
      %get3A_264 = tpu.vector_load %arg6[%get3A_263] {strides = array<i32>} : memref<65536xf32, #tpu.memory_space<vmem>>, vector<16xf32>,
      %max3A_265 = arith.maximumf %max3A_260, %get3A_264 : vector<16xf32>
      %add3A_266 = arith.constant 50688 : i32
      %add3A_267 = arith.addi %add3A_266, %mul3A_236 : i32
      %get3A_268 = arith.index_cast %add3A_267 : i32 to index
      %get3A_269 = tpu.vector_load %arg6[%get3A_268] {strides = array<i32>} : memref<65536xf32, #tpu.memory_space<vmem>>, vector<16xf32>,
      %max3A_270 = arith.maximumf %max3A_265, %get3A_269 : vector<16xf32>
      %add3A_271 = arith.constant 50944 : i32
      %add3A_272 = arith.addi %add3A_271, %mul3A_236 : i32
      %get3A_273 = arith.index_cast %add3A_272 : i32 to index
      %get3A_274 = tpu.vector_load %arg6[%get3A_273] {strides = array<i32>} : memref<65536xf32, #tpu.memory_space<vmem>>, vector<16xf32>,
      %max3A_275 = arith.maximumf %max3A_270, %get3A_274 : vector<16xf32>
      %add3A_276 = arith.constant 51200 : i32
      %add3A_277 = arith.addi %add3A_276, %mul3A_236 : i32
      %get3A_278 = arith.index_cast %add3A_277 : i32 to index
      %get3A_279 = tpu.vector_load %arg6[%get3A_278] {strides = array<i32>} : memref<65536xf32, #tpu.memory_space<vmem>>, vector<16xf32>,
      %add3A_280 = arith.constant 51456 : i32
      %add3A_281 = arith.addi %add3A_280, %mul3A_236 : i32
      %get3A_282 = arith.index_cast %add3A_281 : i32 to index
      %get3A_283 = tpu.vector_load %arg6[%get3A_282] {strides = array<i32>} : memref<65536xf32, #tpu.memory_space<vmem>>, vector<16xf32>,
      %max3A_284 = arith.maximumf %get3A_279, %get3A_283 : vector<16xf32>
      %add3A_285 = arith.constant 51712 : i32
      %add3A_286 = arith.addi %add3A_285, %mul3A_236 : i32
      %get3A_287 = arith.index_cast %add3A_286 : i32 to index
      %get3A_288 = tpu.vector_load %arg6[%get3A_287] {strides = array<i32>} : memref<65536xf32, #tpu.memory_space<vmem>>, vector<16xf32>,
      %max3A_289 = arith.maximumf %max3A_284, %get3A_288 : vector<16xf32>
      %add3A_290 = arith.constant 51968 : i32
      %add3A_291 = arith.addi %add3A_290, %mul3A_236 : i32
      %get3A_292 = arith.index_cast %add3A_291 : i32 to index
      %get3A_293 = tpu.vector_load %arg6[%get3A_292] {strides = array<i32>} : memref<65536xf32, #tpu.memory_space<vmem>>, vector<16xf32>,
      %max3A_294 = arith.maximumf %max3A_289, %get3A_293 : vector<16xf32>
      %add3A_295 = arith.constant 52224 : i32
      %add3A_296 = arith.addi %add3A_295, %mul3A_236 : i32
      %get3A_297 = arith.index_cast %add3A_296 : i32 to index
      %get3A_298 = tpu.vector_load %arg6[%get3A_297] {strides = array<i32>} : memref<65536xf32, #tpu.memory_space<vmem>>, vector<16xf32>,
      %max3A_299 = arith.maximumf %max3A_294, %get3A_298 : vector<16xf32>
      %add3A_300 = arith.constant 52480 : i32
      %add3A_301 = arith.addi %add3A_300, %mul3A_236 : i32
      %get3A_302 = arith.index_cast %add3A_301 : i32 to index
      %get3A_303 = tpu.vector_load %arg6[%get3A_302] {strides = array<i32>} : memref<65536xf32, #tpu.memory_space<vmem>>, vector<16xf32>,
      %max3A_304 = arith.maximumf %max3A_299, %get3A_303 : vector<16xf32>
      %add3A_305 = arith.constant 52736 : i32
      %add3A_306 = arith.addi %add3A_305, %mul3A_236 : i32
      %get3A_307 = arith.index_cast %add3A_306 : i32 to index
      %get3A_308 = tpu.vector_load %arg6[%get3A_307] {strides = array<i32>} : memref<65536xf32, #tpu.memory_space<vmem>>, vector<16xf32>,
      %max3A_309 = arith.maximumf %max3A_304, %get3A_308 : vector<16xf32>
      %add3A_310 = arith.constant 52992 : i32
      %add3A_311 = arith.addi %add3A_310, %mul3A_236 : i32
      %get3A_312 = arith.index_cast %add3A_311 : i32 to index
      %get3A_313 = tpu.vector_load %arg6[%get3A_312] {strides = array<i32>} : memref<65536xf32, #tpu.memory_space<vmem>>, vector<16xf32>,
      %max3A_314 = arith.maximumf %max3A_309, %get3A_313 : vector<16xf32>
      %add3A_315 = arith.constant 53248 : i32
      %add3A_316 = arith.addi %add3A_315, %mul3A_236 : i32
      %get3A_317 = arith.index_cast %add3A_316 : i32 to index
      %get3A_318 = tpu.vector_load %arg6[%get3A_317] {strides = array<i32>} : memref<65536xf32, #tpu.memory_space<vmem>>, vector<16xf32>,
      %add3A_319 = arith.constant 53504 : i32
      %add3A_320 = arith.addi %add3A_319, %mul3A_236 : i32
      %get3A_321 = arith.index_cast %add3A_320 : i32 to index
      %get3A_322 = tpu.vector_load %arg6[%get3A_321] {strides = array<i32>} : memref<65536xf32, #tpu.memory_space<vmem>>, vector<16xf32>,
      %max3A_323 = arith.maximumf %get3A_318, %get3A_322 : vector<16xf32>
      %add3A_324 = arith.constant 53760 : i32
      %add3A_325 = arith.addi %add3A_324, %mul3A_236 : i32
      %get3A_326 = arith.index_cast %add3A_325 : i32 to index
      %get3A_327 = tpu.vector_load %arg6[%get3A_326] {strides = array<i32>} : memref<65536xf32, #tpu.memory_space<vmem>>, vector<16xf32>,
      %max3A_328 = arith.maximumf %max3A_323, %get3A_327 : vector<16xf32>
      %add3A_329 = arith.constant 54016 : i32
      %add3A_330 = arith.addi %add3A_329, %mul3A_236 : i32
      %get3A_331 = arith.index_cast %add3A_330 : i32 to index
      %get3A_332 = tpu.vector_load %arg6[%get3A_331] {strides = array<i32>} : memref<65536xf32, #tpu.memory_space<vmem>>, vector<16xf32>,
      %max3A_333 = arith.maximumf %max3A_328, %get3A_332 : vector<16xf32>
      %add3A_334 = arith.constant 54272 : i32
      %add3A_335 = arith.addi %add3A_334, %mul3A_236 : i32
      %get3A_336 = arith.index_cast %add3A_335 : i32 to index
      %get3A_337 = tpu.vector_load %arg6[%get3A_336] {strides = array<i32>} : memref<65536xf32, #tpu.memory_space<vmem>>, vector<16xf32>,
      %max3A_338 = arith.maximumf %max3A_333, %get3A_337 : vector<16xf32>
      %add3A_339 = arith.constant 54528 : i32
      %add3A_340 = arith.addi %add3A_339, %mul3A_236 : i32
      %get3A_341 = arith.index_cast %add3A_340 : i32 to index
      %get3A_342 = tpu.vector_load %arg6[%get3A_341] {strides = array<i32>} : memref<65536xf32, #tpu.memory_space<vmem>>, vector<16xf32>,
      %max3A_343 = arith.maximumf %max3A_338, %get3A_342 : vector<16xf32>
      %add3A_344 = arith.constant 54784 : i32
      %add3A_345 = arith.addi %add3A_344, %mul3A_236 : i32
      %get3A_346 = arith.index_cast %add3A_345 : i32 to index
      %get3A_347 = tpu.vector_load %arg6[%get3A_346] {strides = array<i32>} : memref<65536xf32, #tpu.memory_space<vmem>>, vector<16xf32>,
      %max3A_348 = arith.maximumf %max3A_343, %get3A_347 : vector<16xf32>
      %add3A_349 = arith.constant 55040 : i32
      %add3A_350 = arith.addi %add3A_349, %mul3A_236 : i32
      %get3A_351 = arith.index_cast %add3A_350 : i32 to index
      %get3A_352 = tpu.vector_load %arg6[%get3A_351] {strides = array<i32>} : memref<65536xf32, #tpu.memory_space<vmem>>, vector<16xf32>,
      %max3A_353 = arith.maximumf %max3A_348, %get3A_352 : vector<16xf32>
      %add3A_354 = arith.constant 55296 : i32
      %add3A_355 = arith.addi %add3A_354, %mul3A_236 : i32
      %get3A_356 = arith.index_cast %add3A_355 : i32 to index
      %get3A_357 = tpu.vector_load %arg6[%get3A_356] {strides = array<i32>} : memref<65536xf32, #tpu.memory_space<vmem>>, vector<16xf32>,
      %add3A_358 = arith.constant 55552 : i32
      %add3A_359 = arith.addi %add3A_358, %mul3A_236 : i32
      %get3A_360 = arith.index_cast %add3A_359 : i32 to index
      %get3A_361 = tpu.vector_load %arg6[%get3A_360] {strides = array<i32>} : memref<65536xf32, #tpu.memory_space<vmem>>, vector<16xf32>,
      %max3A_362 = arith.maximumf %get3A_357, %get3A_361 : vector<16xf32>
      %add3A_363 = arith.constant 55808 : i32
      %add3A_364 = arith.addi %add3A_363, %mul3A_236 : i32
      %get3A_365 = arith.index_cast %add3A_364 : i32 to index
      %get3A_366 = tpu.vector_load %arg6[%get3A_365] {strides = array<i32>} : memref<65536xf32, #tpu.memory_space<vmem>>, vector<16xf32>,
      %max3A_367 = arith.maximumf %max3A_362, %get3A_366 : vector<16xf32>
      %add3A_368 = arith.constant 56064 : i32
      %add3A_369 = arith.addi %add3A_368, %mul3A_236 : i32
      %get3A_370 = arith.index_cast %add3A_369 : i32 to index
      %get3A_371 = tpu.vector_load %arg6[%get3A_370] {strides = array<i32>} : memref<65536xf32, #tpu.memory_space<vmem>>, vector<16xf32>,
      %max3A_372 = arith.maximumf %max3A_367, %get3A_371 : vector<16xf32>
      %add3A_373 = arith.constant 56320 : i32
      %add3A_374 = arith.addi %add3A_373, %mul3A_236 : i32
      %get3A_375 = arith.index_cast %add3A_374 : i32 to index
      %get3A_376 = tpu.vector_load %arg6[%get3A_375] {strides = array<i32>} : memref<65536xf32, #tpu.memory_space<vmem>>, vector<16xf32>,
      %max3A_377 = arith.maximumf %max3A_372, %get3A_376 : vector<16xf32>
      %add3A_378 = arith.constant 56576 : i32
      %add3A_379 = arith.addi %add3A_378, %mul3A_236 : i32
      %get3A_380 = arith.index_cast %add3A_379 : i32 to index
      %get3A_381 = tpu.vector_load %arg6[%get3A_380] {strides = array<i32>} : memref<65536xf32, #tpu.memory_space<vmem>>, vector<16xf32>,
      %max3A_382 = arith.maximumf %max3A_377, %get3A_381 : vector<16xf32>
      %add3A_383 = arith.constant 56832 : i32
      %add3A_384 = arith.addi %add3A_383, %mul3A_236 : i32
      %get3A_385 = arith.index_cast %add3A_384 : i32 to index
      %get3A_386 = tpu.vector_load %arg6[%get3A_385] {strides = array<i32>} : memref<65536xf32, #tpu.memory_space<vmem>>, vector<16xf32>,
      %max3A_387 = arith.maximumf %max3A_382, %get3A_386 : vector<16xf32>
      %add3A_388 = arith.constant 57088 : i32
      %add3A_389 = arith.addi %add3A_388, %mul3A_236 : i32
      %get3A_390 = arith.index_cast %add3A_389 : i32 to index
      %get3A_391 = tpu.vector_load %arg6[%get3A_390] {strides = array<i32>} : memref<65536xf32, #tpu.memory_space<vmem>>, vector<16xf32>,
      %max3A_392 = arith.maximumf %max3A_387, %get3A_391 : vector<16xf32>
      %add3A_393 = arith.constant 57344 : i32
      %add3A_394 = arith.addi %add3A_393, %mul3A_236 : i32
      %get3A_395 = arith.index_cast %add3A_394 : i32 to index
      %get3A_396 = tpu.vector_load %arg6[%get3A_395] {strides = array<i32>} : memref<65536xf32, #tpu.memory_space<vmem>>, vector<16xf32>,
      %add3A_397 = arith.constant 57600 : i32
      %add3A_398 = arith.addi %add3A_397, %mul3A_236 : i32
      %get3A_399 = arith.index_cast %add3A_398 : i32 to index
      %get3A_400 = tpu.vector_load %arg6[%get3A_399] {strides = array<i32>} : memref<65536xf32, #tpu.memory_space<vmem>>, vector<16xf32>,
      %max3A_401 = arith.maximumf %get3A_396, %get3A_400 : vector<16xf32>
      %add3A_402 = arith.constant 57856 : i32
      %add3A_403 = arith.addi %add3A_402, %mul3A_236 : i32
      %get3A_404 = arith.index_cast %add3A_403 : i32 to index
      %get3A_405 = tpu.vector_load %arg6[%get3A_404] {strides = array<i32>} : memref<65536xf32, #tpu.memory_space<vmem>>, vector<16xf32>,
      %max3A_406 = arith.maximumf %max3A_401, %get3A_405 : vector<16xf32>
      %add3A_407 = arith.constant 58112 : i32
      %add3A_408 = arith.addi %add3A_407, %mul3A_236 : i32
      %get3A_409 = arith.index_cast %add3A_408 : i32 to index
      %get3A_410 = tpu.vector_load %arg6[%get3A_409] {strides = array<i32>} : memref<65536xf32, #tpu.memory_space<vmem>>, vector<16xf32>,
      %max3A_411 = arith.maximumf %max3A_406, %get3A_410 : vector<16xf32>
      %add3A_412 = arith.constant 58368 : i32
      %add3A_413 = arith.addi %add3A_412, %mul3A_236 : i32
      %get3A_414 = arith.index_cast %add3A_413 : i32 to index
      %get3A_415 = tpu.vector_load %arg6[%get3A_414] {strides = array<i32>} : memref<65536xf32, #tpu.memory_space<vmem>>, vector<16xf32>,
      %max3A_416 = arith.maximumf %max3A_411, %get3A_415 : vector<16xf32>
      %add3A_417 = arith.constant 58624 : i32
      %add3A_418 = arith.addi %add3A_417, %mul3A_236 : i32
      %get3A_419 = arith.index_cast %add3A_418 : i32 to index
      %get3A_420 = tpu.vector_load %arg6[%get3A_419] {strides = array<i32>} : memref<65536xf32, #tpu.memory_space<vmem>>, vector<16xf32>,
      %max3A_421 = arith.maximumf %max3A_416, %get3A_420 : vector<16xf32>
      %add3A_422 = arith.constant 58880 : i32
      %add3A_423 = arith.addi %add3A_422, %mul3A_236 : i32
      %get3A_424 = arith.index_cast %add3A_423 : i32 to index
      %get3A_425 = tpu.vector_load %arg6[%get3A_424] {strides = array<i32>} : memref<65536xf32, #tpu.memory_space<vmem>>, vector<16xf32>,
      %max3A_426 = arith.maximumf %max3A_421, %get3A_425 : vector<16xf32>
      %add3A_427 = arith.constant 59136 : i32
      %add3A_428 = arith.addi %add3A_427, %mul3A_236 : i32
      %get3A_429 = arith.index_cast %add3A_428 : i32 to index
      %get3A_430 = tpu.vector_load %arg6[%get3A_429] {strides = array<i32>} : memref<65536xf32, #tpu.memory_space<vmem>>, vector<16xf32>,
      %max3A_431 = arith.maximumf %max3A_426, %get3A_430 : vector<16xf32>
      %add3A_432 = arith.constant 59392 : i32
      %add3A_433 = arith.addi %add3A_432, %mul3A_236 : i32
      %get3A_434 = arith.index_cast %add3A_433 : i32 to index
      %get3A_435 = tpu.vector_load %arg6[%get3A_434] {strides = array<i32>} : memref<65536xf32, #tpu.memory_space<vmem>>, vector<16xf32>,
      %add3A_436 = arith.constant 59648 : i32
      %add3A_437 = arith.addi %add3A_436, %mul3A_236 : i32
      %get3A_438 = arith.index_cast %add3A_437 : i32 to index
      %get3A_439 = tpu.vector_load %arg6[%get3A_438] {strides = array<i32>} : memref<65536xf32, #tpu.memory_space<vmem>>, vector<16xf32>,
      %max3A_440 = arith.maximumf %get3A_435, %get3A_439 : vector<16xf32>
      %add3A_441 = arith.constant 59904 : i32
      %add3A_442 = arith.addi %add3A_441, %mul3A_236 : i32
      %get3A_443 = arith.index_cast %add3A_442 : i32 to index
      %get3A_444 = tpu.vector_load %arg6[%get3A_443] {strides = array<i32>} : memref<65536xf32, #tpu.memory_space<vmem>>, vector<16xf32>,
      %max3A_445 = arith.maximumf %max3A_440, %get3A_444 : vector<16xf32>
      %add3A_446 = arith.constant 60160 : i32
      %add3A_447 = arith.addi %add3A_446, %mul3A_236 : i32
      %get3A_448 = arith.index_cast %add3A_447 : i32 to index
      %get3A_449 = tpu.vector_load %arg6[%get3A_448] {strides = array<i32>} : memref<65536xf32, #tpu.memory_space<vmem>>, vector<16xf32>,
      %max3A_450 = arith.maximumf %max3A_445, %get3A_449 : vector<16xf32>
      %add3A_451 = arith.constant 60416 : i32
      %add3A_452 = arith.addi %add3A_451, %mul3A_236 : i32
      %get3A_453 = arith.index_cast %add3A_452 : i32 to index
      %get3A_454 = tpu.vector_load %arg6[%get3A_453] {strides = array<i32>} : memref<65536xf32, #tpu.memory_space<vmem>>, vector<16xf32>,
      %max3A_455 = arith.maximumf %max3A_450, %get3A_454 : vector<16xf32>
      %add3A_456 = arith.constant 60672 : i32
      %add3A_457 = arith.addi %add3A_456, %mul3A_236 : i32
      %get3A_458 = arith.index_cast %add3A_457 : i32 to index
      %get3A_459 = tpu.vector_load %arg6[%get3A_458] {strides = array<i32>} : memref<65536xf32, #tpu.memory_space<vmem>>, vector<16xf32>,
      %max3A_460 = arith.maximumf %max3A_455, %get3A_459 : vector<16xf32>
      %add3A_461 = arith.constant 60928 : i32
      %add3A_462 = arith.addi %add3A_461, %mul3A_236 : i32
      %get3A_463 = arith.index_cast %add3A_462 : i32 to index
      %get3A_464 = tpu.vector_load %arg6[%get3A_463] {strides = array<i32>} : memref<65536xf32, #tpu.memory_space<vmem>>, vector<16xf32>,
      %max3A_465 = arith.maximumf %max3A_460, %get3A_464 : vector<16xf32>
      %add3A_466 = arith.constant 61184 : i32
      %add3A_467 = arith.addi %add3A_466, %mul3A_236 : i32
      %get3A_468 = arith.index_cast %add3A_467 : i32 to index
      %get3A_469 = tpu.vector_load %arg6[%get3A_468] {strides = array<i32>} : memref<65536xf32, #tpu.memory_space<vmem>>, vector<16xf32>,
      %max3A_470 = arith.maximumf %max3A_465, %get3A_469 : vector<16xf32>
      %add3A_471 = arith.constant 61440 : i32
      %add3A_472 = arith.addi %add3A_471, %mul3A_236 : i32
      %get3A_473 = arith.index_cast %add3A_472 : i32 to index
      %get3A_474 = tpu.vector_load %arg6[%get3A_473] {strides = array<i32>} : memref<65536xf32, #tpu.memory_space<vmem>>, vector<16xf32>,
      %add3A_475 = arith.constant 61696 : i32
      %add3A_476 = arith.addi %add3A_475, %mul3A_236 : i32
      %get3A_477 = arith.index_cast %add3A_476 : i32 to index
      %get3A_478 = tpu.vector_load %arg6[%get3A_477] {strides = array<i32>} : memref<65536xf32, #tpu.memory_space<vmem>>, vector<16xf32>,
      %max3A_479 = arith.maximumf %get3A_474, %get3A_478 : vector<16xf32>
      %add3A_480 = arith.constant 61952 : i32
      %add3A_481 = arith.addi %add3A_480, %mul3A_236 : i32
      %get3A_482 = arith.index_cast %add3A_481 : i32 to index
      %get3A_483 = tpu.vector_load %arg6[%get3A_482] {strides = array<i32>} : memref<65536xf32, #tpu.memory_space<vmem>>, vector<16xf32>,
      %max3A_484 = arith.maximumf %max3A_479, %get3A_483 : vector<16xf32>
      %add3A_485 = arith.constant 62208 : i32
      %add3A_486 = arith.addi %add3A_485, %mul3A_236 : i32
      %get3A_487 = arith.index_cast %add3A_486 : i32 to index
      %get3A_488 = tpu.vector_load %arg6[%get3A_487] {strides = array<i32>} : memref<65536xf32, #tpu.memory_space<vmem>>, vector<16xf32>,
      %max3A_489 = arith.maximumf %max3A_484, %get3A_488 : vector<16xf32>
      %add3A_490 = arith.constant 62464 : i32
      %add3A_491 = arith.addi %add3A_490, %mul3A_236 : i32
      %get3A_492 = arith.index_cast %add3A_491 : i32 to index
      %get3A_493 = tpu.vector_load %arg6[%get3A_492] {strides = array<i32>} : memref<65536xf32, #tpu.memory_space<vmem>>, vector<16xf32>,
      %max3A_494 = arith.maximumf %max3A_489, %get3A_493 : vector<16xf32>
      %add3A_495 = arith.constant 62720 : i32
      %add3A_496 = arith.addi %add3A_495, %mul3A_236 : i32
      %get3A_497 = arith.index_cast %add3A_496 : i32 to index
      %get3A_498 = tpu.vector_load %arg6[%get3A_497] {strides = array<i32>} : memref<65536xf32, #tpu.memory_space<vmem>>, vector<16xf32>,
      %max3A_499 = arith.maximumf %max3A_494, %get3A_498 : vector<16xf32>
      %add3A_500 = arith.constant 62976 : i32
      %add3A_501 = arith.addi %add3A_500, %mul3A_236 : i32
      %get3A_502 = arith.index_cast %add3A_501 : i32 to index
      %get3A_503 = tpu.vector_load %arg6[%get3A_502] {strides = array<i32>} : memref<65536xf32, #tpu.memory_space<vmem>>, vector<16xf32>,
      %max3A_504 = arith.maximumf %max3A_499, %get3A_503 : vector<16xf32>
      %add3A_505 = arith.constant 63232 : i32
      %add3A_506 = arith.addi %add3A_505, %mul3A_236 : i32
      %get3A_507 = arith.index_cast %add3A_506 : i32 to index
      %get3A_508 = tpu.vector_load %arg6[%get3A_507] {strides = array<i32>} : memref<65536xf32, #tpu.memory_space<vmem>>, vector<16xf32>,
      %max3A_509 = arith.maximumf %max3A_504, %get3A_508 : vector<16xf32>
      %add3A_510 = arith.constant 63488 : i32
      %add3A_511 = arith.addi %add3A_510, %mul3A_236 : i32
      %get3A_512 = arith.index_cast %add3A_511 : i32 to index
      %get3A_513 = tpu.vector_load %arg6[%get3A_512] {strides = array<i32>} : memref<65536xf32, #tpu.memory_space<vmem>>, vector<16xf32>,
      %add3A_514 = arith.constant 63744 : i32
      %add3A_515 = arith.addi %add3A_514, %mul3A_236 : i32
      %get3A_516 = arith.index_cast %add3A_515 : i32 to index
      %get3A_517 = tpu.vector_load %arg6[%get3A_516] {strides = array<i32>} : memref<65536xf32, #tpu.memory_space<vmem>>, vector<16xf32>,
      %max3A_518 = arith.maximumf %get3A_513, %get3A_517 : vector<16xf32>
      %add3A_519 = arith.constant 64000 : i32
      %add3A_520 = arith.addi %add3A_519, %mul3A_236 : i32
      %get3A_521 = arith.index_cast %add3A_520 : i32 to index
      %get3A_522 = tpu.vector_load %arg6[%get3A_521] {strides = array<i32>} : memref<65536xf32, #tpu.memory_space<vmem>>, vector<16xf32>,
      %max3A_523 = arith.maximumf %max3A_518, %get3A_522 : vector<16xf32>
      %add3A_524 = arith.constant 64256 : i32
      %add3A_525 = arith.addi %add3A_524, %mul3A_236 : i32
      %get3A_526 = arith.index_cast %add3A_525 : i32 to index
      %get3A_527 = tpu.vector_load %arg6[%get3A_526] {strides = array<i32>} : memref<65536xf32, #tpu.memory_space<vmem>>, vector<16xf32>,
      %max3A_528 = arith.maximumf %max3A_523, %get3A_527 : vector<16xf32>
      %add3A_529 = arith.constant 64512 : i32
      %add3A_530 = arith.addi %add3A_529, %mul3A_236 : i32
      %get3A_531 = arith.index_cast %add3A_530 : i32 to index
      %get3A_532 = tpu.vector_load %arg6[%get3A_531] {strides = array<i32>} : memref<65536xf32, #tpu.memory_space<vmem>>, vector<16xf32>,
      %max3A_533 = arith.maximumf %max3A_528, %get3A_532 : vector<16xf32>
      %add3A_534 = arith.constant 64768 : i32
      %add3A_535 = arith.addi %add3A_534, %mul3A_236 : i32
      %get3A_536 = arith.index_cast %add3A_535 : i32 to index
      %get3A_537 = tpu.vector_load %arg6[%get3A_536] {strides = array<i32>} : memref<65536xf32, #tpu.memory_space<vmem>>, vector<16xf32>,
      %max3A_538 = arith.maximumf %max3A_533, %get3A_537 : vector<16xf32>
      %add3A_539 = arith.constant 65024 : i32
      %add3A_540 = arith.addi %add3A_539, %mul3A_236 : i32
      %get3A_541 = arith.index_cast %add3A_540 : i32 to index
      %get3A_542 = tpu.vector_load %arg6[%get3A_541] {strides = array<i32>} : memref<65536xf32, #tpu.memory_space<vmem>>, vector<16xf32>,
      %max3A_543 = arith.maximumf %max3A_538, %get3A_542 : vector<16xf32>
      %add3A_544 = arith.constant 65280 : i32
      %add3A_545 = arith.addi %add3A_544, %mul3A_236 : i32
      %get3A_546 = arith.index_cast %add3A_545 : i32 to index
      %get3A_547 = tpu.vector_load %arg6[%get3A_546] {strides = array<i32>} : memref<65536xf32, #tpu.memory_space<vmem>>, vector<16xf32>,
      %max3A_548 = arith.maximumf %max3A_543, %get3A_547 : vector<16xf32>
      %broadcast_in_dim3A_549 = arith.constant 0 : i32
      %broadcast_in_dim3A_550 = vector.broadcast %broadcast_in_dim3A_549 : i32 to vector<16xi32>
      %gt3A = arith.cmpf ogt, %max3A_314, %max3A_275 : vector<16xf32>
      %select_n3A = arith.select %gt3A, %max3A_314, %max3A_275 : vector<16xi1>, vector<16xf32>
      %jit3A = arith.constant 1 : i32
      %broadcast_in_dim3A_551 = vector.broadcast %jit3A : i32 to vector<16xi32>
      %select_n3A_552 = arith.select %gt3A, %broadcast_in_dim3A_551, %broadcast_in_dim3A_550 : vector<16xi1>, vector<16xi32>
      %gt3A_553 = arith.cmpf ogt, %max3A_353, %select_n3A : vector<16xf32>
      %select_n3A_554 = arith.select %gt3A_553, %max3A_353, %select_n3A : vector<16xi1>, vector<16xf32>
      %jit3A_555 = arith.constant 2 : i32
      %broadcast_in_dim3A_556 = vector.broadcast %jit3A_555 : i32 to vector<16xi32>
      %select_n3A_557 = arith.select %gt3A_553, %broadcast_in_dim3A_556, %select_n3A_552 : vector<16xi1>, vector<16xi32>
      %gt3A_558 = arith.cmpf ogt, %max3A_392, %select_n3A_554 : vector<16xf32>
      %select_n3A_559 = arith.select %gt3A_558, %max3A_392, %select_n3A_554 : vector<16xi1>, vector<16xf32>
      %jit3A_560 = arith.constant 3 : i32
      %broadcast_in_dim3A_561 = vector.broadcast %jit3A_560 : i32 to vector<16xi32>
      %select_n3A_562 = arith.select %gt3A_558, %broadcast_in_dim3A_561, %select_n3A_557 : vector<16xi1>, vector<16xi32>
      %gt3A_563 = arith.cmpf ogt, %max3A_431, %select_n3A_559 : vector<16xf32>
      %select_n3A_564 = arith.select %gt3A_563, %max3A_431, %select_n3A_559 : vector<16xi1>, vector<16xf32>
      %jit3A_565 = arith.constant 4 : i32
      %broadcast_in_dim3A_566 = vector.broadcast %jit3A_565 : i32 to vector<16xi32>
      %select_n3A_567 = arith.select %gt3A_563, %broadcast_in_dim3A_566, %select_n3A_562 : vector<16xi1>, vector<16xi32>
      %gt3A_568 = arith.cmpf ogt, %max3A_470, %select_n3A_564 : vector<16xf32>
      %select_n3A_569 = arith.select %gt3A_568, %max3A_470, %select_n3A_564 : vector<16xi1>, vector<16xf32>
      %jit3A_570 = arith.constant 5 : i32
      %broadcast_in_dim3A_571 = vector.broadcast %jit3A_570 : i32 to vector<16xi32>
      %select_n3A_572 = arith.select %gt3A_568, %broadcast_in_dim3A_571, %select_n3A_567 : vector<16xi1>, vector<16xi32>
      %gt3A_573 = arith.cmpf ogt, %max3A_509, %select_n3A_569 : vector<16xf32>
      %select_n3A_574 = arith.select %gt3A_573, %max3A_509, %select_n3A_569 : vector<16xi1>, vector<16xf32>
      %jit3A_575 = arith.constant 6 : i32
      %broadcast_in_dim3A_576 = vector.broadcast %jit3A_575 : i32 to vector<16xi32>
      %select_n3A_577 = arith.select %gt3A_573, %broadcast_in_dim3A_576, %select_n3A_572 : vector<16xi1>, vector<16xi32>
      %gt3A_578 = arith.cmpf ogt, %max3A_548, %select_n3A_574 : vector<16xf32>
      %select_n3A_579 = arith.select %gt3A_578, %max3A_548, %select_n3A_574 : vector<16xi1>, vector<16xf32>
      %jit3A_580 = arith.constant 7 : i32
      %broadcast_in_dim3A_581 = vector.broadcast %jit3A_580 : i32 to vector<16xi32>
      %select_n3A_582 = arith.select %gt3A_578, %broadcast_in_dim3A_581, %select_n3A_577 : vector<16xi1>, vector<16xi32>
      %broadcast_in_dim3A_583 = arith.constant 0xFF800000 : f32
      %broadcast_in_dim3A_584 = vector.broadcast %broadcast_in_dim3A_583 : f32 to vector<16xf32>
      %broadcast_in_dim3A_585 = arith.constant 0 : i32
      %broadcast_in_dim3A_586 = vector.broadcast %broadcast_in_dim3A_585 : i32 to vector<16xi32>
      %ne3A = arith.constant 0 : i32
      %ne3A_587 = vector.broadcast %ne3A : i32 to vector<16xi32>
      %ne3A_588 = arith.cmpi ne, %select_n3A_582, %ne3A_587 : vector<16xi32>
      %gt3A_589 = arith.cmpf ogt, %max3A_275, %broadcast_in_dim3A_584 : vector<16xf32>
      %and3A = arith.andi %ne3A_588, %gt3A_589 : vector<16xi1>
      %select_n3A_590 = arith.select %and3A, %max3A_275, %broadcast_in_dim3A_584 : vector<16xi1>, vector<16xf32>
      %jit3A_591 = arith.constant 0 : i32
      %broadcast_in_dim3A_592 = vector.broadcast %jit3A_591 : i32 to vector<16xi32>
      %select_n3A_593 = arith.select %and3A, %broadcast_in_dim3A_592, %broadcast_in_dim3A_586 : vector<16xi1>, vector<16xi32>
      %ne3A_594 = arith.constant 1 : i32
      %ne3A_595 = vector.broadcast %ne3A_594 : i32 to vector<16xi32>
      %ne3A_596 = arith.cmpi ne, %select_n3A_582, %ne3A_595 : vector<16xi32>
      %gt3A_597 = arith.cmpf ogt, %max3A_314, %select_n3A_590 : vector<16xf32>
      %and3A_598 = arith.andi %ne3A_596, %gt3A_597 : vector<16xi1>
      %select_n3A_599 = arith.select %and3A_598, %max3A_314, %select_n3A_590 : vector<16xi1>, vector<16xf32>
      %jit3A_600 = arith.constant 1 : i32
      %broadcast_in_dim3A_601 = vector.broadcast %jit3A_600 : i32 to vector<16xi32>
      %select_n3A_602 = arith.select %and3A_598, %broadcast_in_dim3A_601, %select_n3A_593 : vector<16xi1>, vector<16xi32>
      %ne3A_603 = arith.constant 2 : i32
      %ne3A_604 = vector.broadcast %ne3A_603 : i32 to vector<16xi32>
      %ne3A_605 = arith.cmpi ne, %select_n3A_582, %ne3A_604 : vector<16xi32>
      %gt3A_606 = arith.cmpf ogt, %max3A_353, %select_n3A_599 : vector<16xf32>
      %and3A_607 = arith.andi %ne3A_605, %gt3A_606 : vector<16xi1>
      %select_n3A_608 = arith.select %and3A_607, %max3A_353, %select_n3A_599 : vector<16xi1>, vector<16xf32>
      %jit3A_609 = arith.constant 2 : i32
      %broadcast_in_dim3A_610 = vector.broadcast %jit3A_609 : i32 to vector<16xi32>
      %select_n3A_611 = arith.select %and3A_607, %broadcast_in_dim3A_610, %select_n3A_602 : vector<16xi1>, vector<16xi32>
      %ne3A_612 = arith.constant 3 : i32
      %ne3A_613 = vector.broadcast %ne3A_612 : i32 to vector<16xi32>
      %ne3A_614 = arith.cmpi ne, %select_n3A_582, %ne3A_613 : vector<16xi32>
      %gt3A_615 = arith.cmpf ogt, %max3A_392, %select_n3A_608 : vector<16xf32>
      %and3A_616 = arith.andi %ne3A_614, %gt3A_615 : vector<16xi1>
      %select_n3A_617 = arith.select %and3A_616, %max3A_392, %select_n3A_608 : vector<16xi1>, vector<16xf32>
      %jit3A_618 = arith.constant 3 : i32
      %broadcast_in_dim3A_619 = vector.broadcast %jit3A_618 : i32 to vector<16xi32>
      %select_n3A_620 = arith.select %and3A_616, %broadcast_in_dim3A_619, %select_n3A_611 : vector<16xi1>, vector<16xi32>
      %ne3A_621 = arith.constant 4 : i32
      %ne3A_622 = vector.broadcast %ne3A_621 : i32 to vector<16xi32>
      %ne3A_623 = arith.cmpi ne, %select_n3A_582, %ne3A_622 : vector<16xi32>
      %gt3A_624 = arith.cmpf ogt, %max3A_431, %select_n3A_617 : vector<16xf32>
      %and3A_625 = arith.andi %ne3A_623, %gt3A_624 : vector<16xi1>
      %select_n3A_626 = arith.select %and3A_625, %max3A_431, %select_n3A_617 : vector<16xi1>, vector<16xf32>
      %jit3A_627 = arith.constant 4 : i32
      %broadcast_in_dim3A_628 = vector.broadcast %jit3A_627 : i32 to vector<16xi32>
      %select_n3A_629 = arith.select %and3A_625, %broadcast_in_dim3A_628, %select_n3A_620 : vector<16xi1>, vector<16xi32>
      %ne3A_630 = arith.constant 5 : i32
      %ne3A_631 = vector.broadcast %ne3A_630 : i32 to vector<16xi32>
      %ne3A_632 = arith.cmpi ne, %select_n3A_582, %ne3A_631 : vector<16xi32>
      %gt3A_633 = arith.cmpf ogt, %max3A_470, %select_n3A_626 : vector<16xf32>
      %and3A_634 = arith.andi %ne3A_632, %gt3A_633 : vector<16xi1>
      %select_n3A_635 = arith.select %and3A_634, %max3A_470, %select_n3A_626 : vector<16xi1>, vector<16xf32>
      %jit3A_636 = arith.constant 5 : i32
      %broadcast_in_dim3A_637 = vector.broadcast %jit3A_636 : i32 to vector<16xi32>
      %select_n3A_638 = arith.select %and3A_634, %broadcast_in_dim3A_637, %select_n3A_629 : vector<16xi1>, vector<16xi32>
      %ne3A_639 = arith.constant 6 : i32
      %ne3A_640 = vector.broadcast %ne3A_639 : i32 to vector<16xi32>
      %ne3A_641 = arith.cmpi ne, %select_n3A_582, %ne3A_640 : vector<16xi32>
      %gt3A_642 = arith.cmpf ogt, %max3A_509, %select_n3A_635 : vector<16xf32>
      %and3A_643 = arith.andi %ne3A_641, %gt3A_642 : vector<16xi1>
      %select_n3A_644 = arith.select %and3A_643, %max3A_509, %select_n3A_635 : vector<16xi1>, vector<16xf32>
      %jit3A_645 = arith.constant 6 : i32
      %broadcast_in_dim3A_646 = vector.broadcast %jit3A_645 : i32 to vector<16xi32>
      %select_n3A_647 = arith.select %and3A_643, %broadcast_in_dim3A_646, %select_n3A_638 : vector<16xi1>, vector<16xi32>
      %ne3A_648 = arith.constant 7 : i32
      %ne3A_649 = vector.broadcast %ne3A_648 : i32 to vector<16xi32>
      %ne3A_650 = arith.cmpi ne, %select_n3A_582, %ne3A_649 : vector<16xi32>
      %gt3A_651 = arith.cmpf ogt, %max3A_548, %select_n3A_644 : vector<16xf32>
      %and3A_652 = arith.andi %ne3A_650, %gt3A_651 : vector<16xi1>
      %select_n3A_653 = arith.select %and3A_652, %max3A_548, %select_n3A_644 : vector<16xi1>, vector<16xf32>
      %jit3A_654 = arith.constant 7 : i32
      %broadcast_in_dim3A_655 = vector.broadcast %jit3A_654 : i32 to vector<16xi32>
      %select_n3A_656 = arith.select %and3A_652, %broadcast_in_dim3A_655, %select_n3A_647 : vector<16xi1>, vector<16xi32>
      %add3A_657 = arith.constant 49152 : i32
      %add3A_658 = vector.broadcast %add3A_657 : i32 to vector<16xi32>
      %add3A_659 = arith.addi %add3A_658, %add3A_238 : vector<16xi32>
      %mul3A_660 = arith.constant 8 : i32
      %mul3A_661 = vector.broadcast %mul3A_660 : i32 to vector<16xi32>
      %mul3A_662 = arith.muli %select_n3A_582, %mul3A_661 : vector<16xi32>
      %add3A_663 = arith.constant 0 : i32
      %add3A_664 = vector.broadcast %add3A_663 : i32 to vector<16xi32>
      %add3A_665 = arith.addi %mul3A_662, %add3A_664 : vector<16xi32>
      %mul3A_666 = arith.constant 8 : i32
      %mul3A_667 = vector.broadcast %mul3A_666 : i32 to vector<16xi32>
      %mul3A_668 = arith.muli %select_n3A_656, %mul3A_667 : vector<16xi32>
      %add3A_669 = arith.constant 0 : i32
      %add3A_670 = vector.broadcast %add3A_669 : i32 to vector<16xi32>
      %add3A_671 = arith.addi %mul3A_668, %add3A_670 : vector<16xi32>
      %mul3A_672 = arith.constant 256 : i32
      %mul3A_673 = vector.broadcast %mul3A_672 : i32 to vector<16xi32>
      %mul3A_674 = arith.muli %add3A_665, %mul3A_673 : vector<16xi32>
      %add3A_675 = arith.addi %mul3A_674, %add3A_659 : vector<16xi32>
      %gather3A = tpu.vector_load_idx %arg6[%add3A_675] : memref<65536xf32, #tpu.memory_space<vmem>>[vector<16xi32>], vector<16xf32>,
      %mul3A_676 = arith.constant 256 : i32
      %mul3A_677 = vector.broadcast %mul3A_676 : i32 to vector<16xi32>
      %mul3A_678 = arith.muli %add3A_671, %mul3A_677 : vector<16xi32>
      %add3A_679 = arith.addi %mul3A_678, %add3A_659 : vector<16xi32>
      %gather3A_680 = tpu.vector_load_idx %arg6[%add3A_679] : memref<65536xf32, #tpu.memory_space<vmem>>[vector<16xi32>], vector<16xf32>,
      %mul3A_681 = arith.constant 8 : i32
      %mul3A_682 = vector.broadcast %mul3A_681 : i32 to vector<16xi32>
      %mul3A_683 = arith.muli %select_n3A_582, %mul3A_682 : vector<16xi32>
      %add3A_684 = arith.constant 1 : i32
      %add3A_685 = vector.broadcast %add3A_684 : i32 to vector<16xi32>
      %add3A_686 = arith.addi %mul3A_683, %add3A_685 : vector<16xi32>
      %mul3A_687 = arith.constant 8 : i32
      %mul3A_688 = vector.broadcast %mul3A_687 : i32 to vector<16xi32>
      %mul3A_689 = arith.muli %select_n3A_656, %mul3A_688 : vector<16xi32>
      %add3A_690 = arith.constant 1 : i32
      %add3A_691 = vector.broadcast %add3A_690 : i32 to vector<16xi32>
      %add3A_692 = arith.addi %mul3A_689, %add3A_691 : vector<16xi32>
      %mul3A_693 = arith.constant 256 : i32
      %mul3A_694 = vector.broadcast %mul3A_693 : i32 to vector<16xi32>
      %mul3A_695 = arith.muli %add3A_686, %mul3A_694 : vector<16xi32>
      %add3A_696 = arith.addi %mul3A_695, %add3A_659 : vector<16xi32>
      %gather3A_697 = tpu.vector_load_idx %arg6[%add3A_696] : memref<65536xf32, #tpu.memory_space<vmem>>[vector<16xi32>], vector<16xf32>,
      %mul3A_698 = arith.constant 256 : i32
      %mul3A_699 = vector.broadcast %mul3A_698 : i32 to vector<16xi32>
      %mul3A_700 = arith.muli %add3A_692, %mul3A_699 : vector<16xi32>
      %add3A_701 = arith.addi %mul3A_700, %add3A_659 : vector<16xi32>
      %gather3A_702 = tpu.vector_load_idx %arg6[%add3A_701] : memref<65536xf32, #tpu.memory_space<vmem>>[vector<16xi32>], vector<16xf32>,
      %mul3A_703 = arith.constant 8 : i32
      %mul3A_704 = vector.broadcast %mul3A_703 : i32 to vector<16xi32>
      %mul3A_705 = arith.muli %select_n3A_582, %mul3A_704 : vector<16xi32>
      %add3A_706 = arith.constant 2 : i32
      %add3A_707 = vector.broadcast %add3A_706 : i32 to vector<16xi32>
      %add3A_708 = arith.addi %mul3A_705, %add3A_707 : vector<16xi32>
      %mul3A_709 = arith.constant 8 : i32
      %mul3A_710 = vector.broadcast %mul3A_709 : i32 to vector<16xi32>
      %mul3A_711 = arith.muli %select_n3A_656, %mul3A_710 : vector<16xi32>
      %add3A_712 = arith.constant 2 : i32
      %add3A_713 = vector.broadcast %add3A_712 : i32 to vector<16xi32>
      %add3A_714 = arith.addi %mul3A_711, %add3A_713 : vector<16xi32>
      %mul3A_715 = arith.constant 256 : i32
      %mul3A_716 = vector.broadcast %mul3A_715 : i32 to vector<16xi32>
      %mul3A_717 = arith.muli %add3A_708, %mul3A_716 : vector<16xi32>
      %add3A_718 = arith.addi %mul3A_717, %add3A_659 : vector<16xi32>
      %gather3A_719 = tpu.vector_load_idx %arg6[%add3A_718] : memref<65536xf32, #tpu.memory_space<vmem>>[vector<16xi32>], vector<16xf32>,
      %mul3A_720 = arith.constant 256 : i32
      %mul3A_721 = vector.broadcast %mul3A_720 : i32 to vector<16xi32>
      %mul3A_722 = arith.muli %add3A_714, %mul3A_721 : vector<16xi32>
      %add3A_723 = arith.addi %mul3A_722, %add3A_659 : vector<16xi32>
      %gather3A_724 = tpu.vector_load_idx %arg6[%add3A_723] : memref<65536xf32, #tpu.memory_space<vmem>>[vector<16xi32>], vector<16xf32>,
      %mul3A_725 = arith.constant 8 : i32
      %mul3A_726 = vector.broadcast %mul3A_725 : i32 to vector<16xi32>
      %mul3A_727 = arith.muli %select_n3A_582, %mul3A_726 : vector<16xi32>
      %add3A_728 = arith.constant 3 : i32
      %add3A_729 = vector.broadcast %add3A_728 : i32 to vector<16xi32>
      %add3A_730 = arith.addi %mul3A_727, %add3A_729 : vector<16xi32>
      %mul3A_731 = arith.constant 8 : i32
      %mul3A_732 = vector.broadcast %mul3A_731 : i32 to vector<16xi32>
      %mul3A_733 = arith.muli %select_n3A_656, %mul3A_732 : vector<16xi32>
      %add3A_734 = arith.constant 3 : i32
      %add3A_735 = vector.broadcast %add3A_734 : i32 to vector<16xi32>
      %add3A_736 = arith.addi %mul3A_733, %add3A_735 : vector<16xi32>
      %mul3A_737 = arith.constant 256 : i32
      %mul3A_738 = vector.broadcast %mul3A_737 : i32 to vector<16xi32>
      %mul3A_739 = arith.muli %add3A_730, %mul3A_738 : vector<16xi32>
      %add3A_740 = arith.addi %mul3A_739, %add3A_659 : vector<16xi32>
      %gather3A_741 = tpu.vector_load_idx %arg6[%add3A_740] : memref<65536xf32, #tpu.memory_space<vmem>>[vector<16xi32>], vector<16xf32>,
      %mul3A_742 = arith.constant 256 : i32
      %mul3A_743 = vector.broadcast %mul3A_742 : i32 to vector<16xi32>
      %mul3A_744 = arith.muli %add3A_736, %mul3A_743 : vector<16xi32>
      %add3A_745 = arith.addi %mul3A_744, %add3A_659 : vector<16xi32>
      %gather3A_746 = tpu.vector_load_idx %arg6[%add3A_745] : memref<65536xf32, #tpu.memory_space<vmem>>[vector<16xi32>], vector<16xf32>,
      %mul3A_747 = arith.constant 8 : i32
      %mul3A_748 = vector.broadcast %mul3A_747 : i32 to vector<16xi32>
      %mul3A_749 = arith.muli %select_n3A_582, %mul3A_748 : vector<16xi32>
      %add3A_750 = arith.constant 4 : i32
      %add3A_751 = vector.broadcast %add3A_750 : i32 to vector<16xi32>
      %add3A_752 = arith.addi %mul3A_749, %add3A_751 : vector<16xi32>
      %mul3A_753 = arith.constant 8 : i32
      %mul3A_754 = vector.broadcast %mul3A_753 : i32 to vector<16xi32>
      %mul3A_755 = arith.muli %select_n3A_656, %mul3A_754 : vector<16xi32>
      %add3A_756 = arith.constant 4 : i32
      %add3A_757 = vector.broadcast %add3A_756 : i32 to vector<16xi32>
      %add3A_758 = arith.addi %mul3A_755, %add3A_757 : vector<16xi32>
      %mul3A_759 = arith.constant 256 : i32
      %mul3A_760 = vector.broadcast %mul3A_759 : i32 to vector<16xi32>
      %mul3A_761 = arith.muli %add3A_752, %mul3A_760 : vector<16xi32>
      %add3A_762 = arith.addi %mul3A_761, %add3A_659 : vector<16xi32>
      %gather3A_763 = tpu.vector_load_idx %arg6[%add3A_762] : memref<65536xf32, #tpu.memory_space<vmem>>[vector<16xi32>], vector<16xf32>,
      %mul3A_764 = arith.constant 256 : i32
      %mul3A_765 = vector.broadcast %mul3A_764 : i32 to vector<16xi32>
      %mul3A_766 = arith.muli %add3A_758, %mul3A_765 : vector<16xi32>
      %add3A_767 = arith.addi %mul3A_766, %add3A_659 : vector<16xi32>
      %gather3A_768 = tpu.vector_load_idx %arg6[%add3A_767] : memref<65536xf32, #tpu.memory_space<vmem>>[vector<16xi32>], vector<16xf32>,
      %mul3A_769 = arith.constant 8 : i32
      %mul3A_770 = vector.broadcast %mul3A_769 : i32 to vector<16xi32>
      %mul3A_771 = arith.muli %select_n3A_582, %mul3A_770 : vector<16xi32>
      %add3A_772 = arith.constant 5 : i32
      %add3A_773 = vector.broadcast %add3A_772 : i32 to vector<16xi32>
      %add3A_774 = arith.addi %mul3A_771, %add3A_773 : vector<16xi32>
      %mul3A_775 = arith.constant 8 : i32
      %mul3A_776 = vector.broadcast %mul3A_775 : i32 to vector<16xi32>
      %mul3A_777 = arith.muli %select_n3A_656, %mul3A_776 : vector<16xi32>
      %add3A_778 = arith.constant 5 : i32
      %add3A_779 = vector.broadcast %add3A_778 : i32 to vector<16xi32>
      %add3A_780 = arith.addi %mul3A_777, %add3A_779 : vector<16xi32>
      %mul3A_781 = arith.constant 256 : i32
      %mul3A_782 = vector.broadcast %mul3A_781 : i32 to vector<16xi32>
      %mul3A_783 = arith.muli %add3A_774, %mul3A_782 : vector<16xi32>
      %add3A_784 = arith.addi %mul3A_783, %add3A_659 : vector<16xi32>
      %gather3A_785 = tpu.vector_load_idx %arg6[%add3A_784] : memref<65536xf32, #tpu.memory_space<vmem>>[vector<16xi32>], vector<16xf32>,
      %mul3A_786 = arith.constant 256 : i32
      %mul3A_787 = vector.broadcast %mul3A_786 : i32 to vector<16xi32>
      %mul3A_788 = arith.muli %add3A_780, %mul3A_787 : vector<16xi32>
      %add3A_789 = arith.addi %mul3A_788, %add3A_659 : vector<16xi32>
      %gather3A_790 = tpu.vector_load_idx %arg6[%add3A_789] : memref<65536xf32, #tpu.memory_space<vmem>>[vector<16xi32>], vector<16xf32>,
      %mul3A_791 = arith.constant 8 : i32
      %mul3A_792 = vector.broadcast %mul3A_791 : i32 to vector<16xi32>
      %mul3A_793 = arith.muli %select_n3A_582, %mul3A_792 : vector<16xi32>
      %add3A_794 = arith.constant 6 : i32
      %add3A_795 = vector.broadcast %add3A_794 : i32 to vector<16xi32>
      %add3A_796 = arith.addi %mul3A_793, %add3A_795 : vector<16xi32>
      %mul3A_797 = arith.constant 8 : i32
      %mul3A_798 = vector.broadcast %mul3A_797 : i32 to vector<16xi32>
      %mul3A_799 = arith.muli %select_n3A_656, %mul3A_798 : vector<16xi32>
      %add3A_800 = arith.constant 6 : i32
      %add3A_801 = vector.broadcast %add3A_800 : i32 to vector<16xi32>
      %add3A_802 = arith.addi %mul3A_799, %add3A_801 : vector<16xi32>
      %mul3A_803 = arith.constant 256 : i32
      %mul3A_804 = vector.broadcast %mul3A_803 : i32 to vector<16xi32>
      %mul3A_805 = arith.muli %add3A_796, %mul3A_804 : vector<16xi32>
      %add3A_806 = arith.addi %mul3A_805, %add3A_659 : vector<16xi32>
      %gather3A_807 = tpu.vector_load_idx %arg6[%add3A_806] : memref<65536xf32, #tpu.memory_space<vmem>>[vector<16xi32>], vector<16xf32>,
      %mul3A_808 = arith.constant 256 : i32
      %mul3A_809 = vector.broadcast %mul3A_808 : i32 to vector<16xi32>
      %mul3A_810 = arith.muli %add3A_802, %mul3A_809 : vector<16xi32>
      %add3A_811 = arith.addi %mul3A_810, %add3A_659 : vector<16xi32>
      %gather3A_812 = tpu.vector_load_idx %arg6[%add3A_811] : memref<65536xf32, #tpu.memory_space<vmem>>[vector<16xi32>], vector<16xf32>,
      %mul3A_813 = arith.constant 8 : i32
      %mul3A_814 = vector.broadcast %mul3A_813 : i32 to vector<16xi32>
      %mul3A_815 = arith.muli %select_n3A_582, %mul3A_814 : vector<16xi32>
      %add3A_816 = arith.constant 7 : i32
      %add3A_817 = vector.broadcast %add3A_816 : i32 to vector<16xi32>
      %add3A_818 = arith.addi %mul3A_815, %add3A_817 : vector<16xi32>
      %mul3A_819 = arith.constant 8 : i32
      %mul3A_820 = vector.broadcast %mul3A_819 : i32 to vector<16xi32>
      %mul3A_821 = arith.muli %select_n3A_656, %mul3A_820 : vector<16xi32>
      %add3A_822 = arith.constant 7 : i32
      %add3A_823 = vector.broadcast %add3A_822 : i32 to vector<16xi32>
      %add3A_824 = arith.addi %mul3A_821, %add3A_823 : vector<16xi32>
      %mul3A_825 = arith.constant 256 : i32
      %mul3A_826 = vector.broadcast %mul3A_825 : i32 to vector<16xi32>
      %mul3A_827 = arith.muli %add3A_818, %mul3A_826 : vector<16xi32>
      %add3A_828 = arith.addi %mul3A_827, %add3A_659 : vector<16xi32>
      %gather3A_829 = tpu.vector_load_idx %arg6[%add3A_828] : memref<65536xf32, #tpu.memory_space<vmem>>[vector<16xi32>], vector<16xf32>,
      %mul3A_830 = arith.constant 256 : i32
      %mul3A_831 = vector.broadcast %mul3A_830 : i32 to vector<16xi32>
      %mul3A_832 = arith.muli %add3A_824, %mul3A_831 : vector<16xi32>
      %add3A_833 = arith.addi %mul3A_832, %add3A_659 : vector<16xi32>
      %gather3A_834 = tpu.vector_load_idx %arg6[%add3A_833] : memref<65536xf32, #tpu.memory_space<vmem>>[vector<16xi32>], vector<16xf32>,
      %gt3A_835 = arith.cmpf ogt, %gather3A, %gather3A_697 : vector<16xf32>
      %select_n3A_836 = arith.select %gt3A_835, %gather3A, %gather3A_697 : vector<16xi1>, vector<16xf32>
      %select_n3A_837 = arith.select %gt3A_835, %gather3A_697, %gather3A : vector<16xi1>, vector<16xf32>
      %select_n3A_838 = arith.select %gt3A_835, %add3A_665, %add3A_686 : vector<16xi1>, vector<16xi32>
      %select_n3A_839 = arith.select %gt3A_835, %add3A_686, %add3A_665 : vector<16xi1>, vector<16xi32>
      %gt3A_840 = arith.cmpf ogt, %gather3A_680, %gather3A_702 : vector<16xf32>
      %select_n3A_841 = arith.select %gt3A_840, %gather3A_680, %gather3A_702 : vector<16xi1>, vector<16xf32>
      %select_n3A_842 = arith.select %gt3A_840, %gather3A_702, %gather3A_680 : vector<16xi1>, vector<16xf32>
      %select_n3A_843 = arith.select %gt3A_840, %add3A_671, %add3A_692 : vector<16xi1>, vector<16xi32>
      %select_n3A_844 = arith.select %gt3A_840, %add3A_692, %add3A_671 : vector<16xi1>, vector<16xi32>
      %gt3A_845 = arith.cmpf ogt, %gather3A_719, %gather3A_741 : vector<16xf32>
      %select_n3A_846 = arith.select %gt3A_845, %gather3A_719, %gather3A_741 : vector<16xi1>, vector<16xf32>
      %select_n3A_847 = arith.select %gt3A_845, %gather3A_741, %gather3A_719 : vector<16xi1>, vector<16xf32>
      %select_n3A_848 = arith.select %gt3A_845, %add3A_708, %add3A_730 : vector<16xi1>, vector<16xi32>
      %select_n3A_849 = arith.select %gt3A_845, %add3A_730, %add3A_708 : vector<16xi1>, vector<16xi32>
      %gt3A_850 = arith.cmpf ogt, %gather3A_724, %gather3A_746 : vector<16xf32>
      %select_n3A_851 = arith.select %gt3A_850, %gather3A_724, %gather3A_746 : vector<16xi1>, vector<16xf32>
      %select_n3A_852 = arith.select %gt3A_850, %gather3A_746, %gather3A_724 : vector<16xi1>, vector<16xf32>
      %select_n3A_853 = arith.select %gt3A_850, %add3A_714, %add3A_736 : vector<16xi1>, vector<16xi32>
      %select_n3A_854 = arith.select %gt3A_850, %add3A_736, %add3A_714 : vector<16xi1>, vector<16xi32>
      %gt3A_855 = arith.cmpf ogt, %gather3A_763, %gather3A_785 : vector<16xf32>
      %select_n3A_856 = arith.select %gt3A_855, %gather3A_763, %gather3A_785 : vector<16xi1>, vector<16xf32>
      %select_n3A_857 = arith.select %gt3A_855, %gather3A_785, %gather3A_763 : vector<16xi1>, vector<16xf32>
      %select_n3A_858 = arith.select %gt3A_855, %add3A_752, %add3A_774 : vector<16xi1>, vector<16xi32>
      %select_n3A_859 = arith.select %gt3A_855, %add3A_774, %add3A_752 : vector<16xi1>, vector<16xi32>
      %gt3A_860 = arith.cmpf ogt, %gather3A_768, %gather3A_790 : vector<16xf32>
      %select_n3A_861 = arith.select %gt3A_860, %gather3A_768, %gather3A_790 : vector<16xi1>, vector<16xf32>
      %select_n3A_862 = arith.select %gt3A_860, %gather3A_790, %gather3A_768 : vector<16xi1>, vector<16xf32>
      %select_n3A_863 = arith.select %gt3A_860, %add3A_758, %add3A_780 : vector<16xi1>, vector<16xi32>
      %select_n3A_864 = arith.select %gt3A_860, %add3A_780, %add3A_758 : vector<16xi1>, vector<16xi32>
      %gt3A_865 = arith.cmpf ogt, %gather3A_807, %gather3A_829 : vector<16xf32>
      %select_n3A_866 = arith.select %gt3A_865, %gather3A_807, %gather3A_829 : vector<16xi1>, vector<16xf32>
      %select_n3A_867 = arith.select %gt3A_865, %gather3A_829, %gather3A_807 : vector<16xi1>, vector<16xf32>
      %select_n3A_868 = arith.select %gt3A_865, %add3A_796, %add3A_818 : vector<16xi1>, vector<16xi32>
      %select_n3A_869 = arith.select %gt3A_865, %add3A_818, %add3A_796 : vector<16xi1>, vector<16xi32>
      %gt3A_870 = arith.cmpf ogt, %gather3A_812, %gather3A_834 : vector<16xf32>
      %select_n3A_871 = arith.select %gt3A_870, %gather3A_812, %gather3A_834 : vector<16xi1>, vector<16xf32>
      %select_n3A_872 = arith.select %gt3A_870, %gather3A_834, %gather3A_812 : vector<16xi1>, vector<16xf32>
      %select_n3A_873 = arith.select %gt3A_870, %add3A_802, %add3A_824 : vector<16xi1>, vector<16xi32>
      %select_n3A_874 = arith.select %gt3A_870, %add3A_824, %add3A_802 : vector<16xi1>, vector<16xi32>
      %gt3A_875 = arith.cmpf ogt, %select_n3A_836, %select_n3A_846 : vector<16xf32>
      %select_n3A_876 = arith.select %gt3A_875, %select_n3A_836, %select_n3A_846 : vector<16xi1>, vector<16xf32>
      %select_n3A_877 = arith.select %gt3A_875, %select_n3A_846, %select_n3A_836 : vector<16xi1>, vector<16xf32>
      %select_n3A_878 = arith.select %gt3A_875, %select_n3A_838, %select_n3A_848 : vector<16xi1>, vector<16xi32>
      %select_n3A_879 = arith.select %gt3A_875, %select_n3A_848, %select_n3A_838 : vector<16xi1>, vector<16xi32>
      %gt3A_880 = arith.cmpf ogt, %select_n3A_841, %select_n3A_851 : vector<16xf32>
      %select_n3A_881 = arith.select %gt3A_880, %select_n3A_841, %select_n3A_851 : vector<16xi1>, vector<16xf32>
      %select_n3A_882 = arith.select %gt3A_880, %select_n3A_851, %select_n3A_841 : vector<16xi1>, vector<16xf32>
      %select_n3A_883 = arith.select %gt3A_880, %select_n3A_843, %select_n3A_853 : vector<16xi1>, vector<16xi32>
      %select_n3A_884 = arith.select %gt3A_880, %select_n3A_853, %select_n3A_843 : vector<16xi1>, vector<16xi32>
      %gt3A_885 = arith.cmpf ogt, %select_n3A_837, %select_n3A_847 : vector<16xf32>
      %select_n3A_886 = arith.select %gt3A_885, %select_n3A_837, %select_n3A_847 : vector<16xi1>, vector<16xf32>
      %select_n3A_887 = arith.select %gt3A_885, %select_n3A_847, %select_n3A_837 : vector<16xi1>, vector<16xf32>
      %select_n3A_888 = arith.select %gt3A_885, %select_n3A_839, %select_n3A_849 : vector<16xi1>, vector<16xi32>
      %select_n3A_889 = arith.select %gt3A_885, %select_n3A_849, %select_n3A_839 : vector<16xi1>, vector<16xi32>
      %gt3A_890 = arith.cmpf ogt, %select_n3A_842, %select_n3A_852 : vector<16xf32>
      %select_n3A_891 = arith.select %gt3A_890, %select_n3A_842, %select_n3A_852 : vector<16xi1>, vector<16xf32>
      %select_n3A_892 = arith.select %gt3A_890, %select_n3A_852, %select_n3A_842 : vector<16xi1>, vector<16xf32>
      %select_n3A_893 = arith.select %gt3A_890, %select_n3A_844, %select_n3A_854 : vector<16xi1>, vector<16xi32>
      %select_n3A_894 = arith.select %gt3A_890, %select_n3A_854, %select_n3A_844 : vector<16xi1>, vector<16xi32>
      %gt3A_895 = arith.cmpf ogt, %select_n3A_856, %select_n3A_866 : vector<16xf32>
      %select_n3A_896 = arith.select %gt3A_895, %select_n3A_856, %select_n3A_866 : vector<16xi1>, vector<16xf32>
      %select_n3A_897 = arith.select %gt3A_895, %select_n3A_866, %select_n3A_856 : vector<16xi1>, vector<16xf32>
      %select_n3A_898 = arith.select %gt3A_895, %select_n3A_858, %select_n3A_868 : vector<16xi1>, vector<16xi32>
      %select_n3A_899 = arith.select %gt3A_895, %select_n3A_868, %select_n3A_858 : vector<16xi1>, vector<16xi32>
      %gt3A_900 = arith.cmpf ogt, %select_n3A_861, %select_n3A_871 : vector<16xf32>
      %select_n3A_901 = arith.select %gt3A_900, %select_n3A_861, %select_n3A_871 : vector<16xi1>, vector<16xf32>
      %select_n3A_902 = arith.select %gt3A_900, %select_n3A_871, %select_n3A_861 : vector<16xi1>, vector<16xf32>
      %select_n3A_903 = arith.select %gt3A_900, %select_n3A_863, %select_n3A_873 : vector<16xi1>, vector<16xi32>
      %select_n3A_904 = arith.select %gt3A_900, %select_n3A_873, %select_n3A_863 : vector<16xi1>, vector<16xi32>
      %gt3A_905 = arith.cmpf ogt, %select_n3A_857, %select_n3A_867 : vector<16xf32>
      %select_n3A_906 = arith.select %gt3A_905, %select_n3A_857, %select_n3A_867 : vector<16xi1>, vector<16xf32>
      %select_n3A_907 = arith.select %gt3A_905, %select_n3A_867, %select_n3A_857 : vector<16xi1>, vector<16xf32>
      %select_n3A_908 = arith.select %gt3A_905, %select_n3A_859, %select_n3A_869 : vector<16xi1>, vector<16xi32>
      %select_n3A_909 = arith.select %gt3A_905, %select_n3A_869, %select_n3A_859 : vector<16xi1>, vector<16xi32>
      %gt3A_910 = arith.cmpf ogt, %select_n3A_862, %select_n3A_872 : vector<16xf32>
      %select_n3A_911 = arith.select %gt3A_910, %select_n3A_862, %select_n3A_872 : vector<16xi1>, vector<16xf32>
      %select_n3A_912 = arith.select %gt3A_910, %select_n3A_872, %select_n3A_862 : vector<16xi1>, vector<16xf32>
      %select_n3A_913 = arith.select %gt3A_910, %select_n3A_864, %select_n3A_874 : vector<16xi1>, vector<16xi32>
      %select_n3A_914 = arith.select %gt3A_910, %select_n3A_874, %select_n3A_864 : vector<16xi1>, vector<16xi32>
      %gt3A_915 = arith.cmpf ogt, %select_n3A_886, %select_n3A_877 : vector<16xf32>
      %select_n3A_916 = arith.select %gt3A_915, %select_n3A_886, %select_n3A_877 : vector<16xi1>, vector<16xf32>
      %select_n3A_917 = arith.select %gt3A_915, %select_n3A_877, %select_n3A_886 : vector<16xi1>, vector<16xf32>
      %select_n3A_918 = arith.select %gt3A_915, %select_n3A_888, %select_n3A_879 : vector<16xi1>, vector<16xi32>
      %select_n3A_919 = arith.select %gt3A_915, %select_n3A_879, %select_n3A_888 : vector<16xi1>, vector<16xi32>
      %gt3A_920 = arith.cmpf ogt, %select_n3A_891, %select_n3A_882 : vector<16xf32>
      %select_n3A_921 = arith.select %gt3A_920, %select_n3A_891, %select_n3A_882 : vector<16xi1>, vector<16xf32>
      %select_n3A_922 = arith.select %gt3A_920, %select_n3A_882, %select_n3A_891 : vector<16xi1>, vector<16xf32>
      %select_n3A_923 = arith.select %gt3A_920, %select_n3A_893, %select_n3A_884 : vector<16xi1>, vector<16xi32>
      %select_n3A_924 = arith.select %gt3A_920, %select_n3A_884, %select_n3A_893 : vector<16xi1>, vector<16xi32>
      %gt3A_925 = arith.cmpf ogt, %select_n3A_906, %select_n3A_897 : vector<16xf32>
      %select_n3A_926 = arith.select %gt3A_925, %select_n3A_906, %select_n3A_897 : vector<16xi1>, vector<16xf32>
      %select_n3A_927 = arith.select %gt3A_925, %select_n3A_897, %select_n3A_906 : vector<16xi1>, vector<16xf32>
      %select_n3A_928 = arith.select %gt3A_925, %select_n3A_908, %select_n3A_899 : vector<16xi1>, vector<16xi32>
      %select_n3A_929 = arith.select %gt3A_925, %select_n3A_899, %select_n3A_908 : vector<16xi1>, vector<16xi32>
      %gt3A_930 = arith.cmpf ogt, %select_n3A_911, %select_n3A_902 : vector<16xf32>
      %select_n3A_931 = arith.select %gt3A_930, %select_n3A_911, %select_n3A_902 : vector<16xi1>, vector<16xf32>
      %select_n3A_932 = arith.select %gt3A_930, %select_n3A_902, %select_n3A_911 : vector<16xi1>, vector<16xf32>
      %select_n3A_933 = arith.select %gt3A_930, %select_n3A_913, %select_n3A_904 : vector<16xi1>, vector<16xi32>
      %select_n3A_934 = arith.select %gt3A_930, %select_n3A_904, %select_n3A_913 : vector<16xi1>, vector<16xi32>
      %gt3A_935 = arith.cmpf ogt, %select_n3A_876, %select_n3A_896 : vector<16xf32>
      %select_n3A_936 = arith.select %gt3A_935, %select_n3A_876, %select_n3A_896 : vector<16xi1>, vector<16xf32>
      %select_n3A_937 = arith.select %gt3A_935, %select_n3A_896, %select_n3A_876 : vector<16xi1>, vector<16xf32>
      %select_n3A_938 = arith.select %gt3A_935, %select_n3A_878, %select_n3A_898 : vector<16xi1>, vector<16xi32>
      %select_n3A_939 = arith.select %gt3A_935, %select_n3A_898, %select_n3A_878 : vector<16xi1>, vector<16xi32>
      %gt3A_940 = arith.cmpf ogt, %select_n3A_881, %select_n3A_901 : vector<16xf32>
      %select_n3A_941 = arith.select %gt3A_940, %select_n3A_881, %select_n3A_901 : vector<16xi1>, vector<16xf32>
      %select_n3A_942 = arith.select %gt3A_940, %select_n3A_901, %select_n3A_881 : vector<16xi1>, vector<16xf32>
      %select_n3A_943 = arith.select %gt3A_940, %select_n3A_883, %select_n3A_903 : vector<16xi1>, vector<16xi32>
      %select_n3A_944 = arith.select %gt3A_940, %select_n3A_903, %select_n3A_883 : vector<16xi1>, vector<16xi32>
      %gt3A_945 = arith.cmpf ogt, %select_n3A_887, %select_n3A_907 : vector<16xf32>
      %select_n3A_946 = arith.select %gt3A_945, %select_n3A_887, %select_n3A_907 : vector<16xi1>, vector<16xf32>
      %select_n3A_947 = arith.select %gt3A_945, %select_n3A_907, %select_n3A_887 : vector<16xi1>, vector<16xf32>
      %select_n3A_948 = arith.select %gt3A_945, %select_n3A_889, %select_n3A_909 : vector<16xi1>, vector<16xi32>
      %select_n3A_949 = arith.select %gt3A_945, %select_n3A_909, %select_n3A_889 : vector<16xi1>, vector<16xi32>
      %gt3A_950 = arith.cmpf ogt, %select_n3A_892, %select_n3A_912 : vector<16xf32>
      %select_n3A_951 = arith.select %gt3A_950, %select_n3A_892, %select_n3A_912 : vector<16xi1>, vector<16xf32>
      %select_n3A_952 = arith.select %gt3A_950, %select_n3A_912, %select_n3A_892 : vector<16xi1>, vector<16xf32>
      %select_n3A_953 = arith.select %gt3A_950, %select_n3A_894, %select_n3A_914 : vector<16xi1>, vector<16xi32>
      %select_n3A_954 = arith.select %gt3A_950, %select_n3A_914, %select_n3A_894 : vector<16xi1>, vector<16xi32>
      %gt3A_955 = arith.cmpf ogt, %select_n3A_916, %select_n3A_926 : vector<16xf32>
      %select_n3A_956 = arith.select %gt3A_955, %select_n3A_916, %select_n3A_926 : vector<16xi1>, vector<16xf32>
      %select_n3A_957 = arith.select %gt3A_955, %select_n3A_926, %select_n3A_916 : vector<16xi1>, vector<16xf32>
      %select_n3A_958 = arith.select %gt3A_955, %select_n3A_918, %select_n3A_928 : vector<16xi1>, vector<16xi32>
      %select_n3A_959 = arith.select %gt3A_955, %select_n3A_928, %select_n3A_918 : vector<16xi1>, vector<16xi32>
      %gt3A_960 = arith.cmpf ogt, %select_n3A_921, %select_n3A_931 : vector<16xf32>
      %select_n3A_961 = arith.select %gt3A_960, %select_n3A_921, %select_n3A_931 : vector<16xi1>, vector<16xf32>
      %select_n3A_962 = arith.select %gt3A_960, %select_n3A_931, %select_n3A_921 : vector<16xi1>, vector<16xf32>
      %select_n3A_963 = arith.select %gt3A_960, %select_n3A_923, %select_n3A_933 : vector<16xi1>, vector<16xi32>
      %select_n3A_964 = arith.select %gt3A_960, %select_n3A_933, %select_n3A_923 : vector<16xi1>, vector<16xi32>
      %gt3A_965 = arith.cmpf ogt, %select_n3A_917, %select_n3A_927 : vector<16xf32>
      %select_n3A_966 = arith.select %gt3A_965, %select_n3A_917, %select_n3A_927 : vector<16xi1>, vector<16xf32>
      %select_n3A_967 = arith.select %gt3A_965, %select_n3A_927, %select_n3A_917 : vector<16xi1>, vector<16xf32>
      %select_n3A_968 = arith.select %gt3A_965, %select_n3A_919, %select_n3A_929 : vector<16xi1>, vector<16xi32>
      %select_n3A_969 = arith.select %gt3A_965, %select_n3A_929, %select_n3A_919 : vector<16xi1>, vector<16xi32>
      %gt3A_970 = arith.cmpf ogt, %select_n3A_922, %select_n3A_932 : vector<16xf32>
      %select_n3A_971 = arith.select %gt3A_970, %select_n3A_922, %select_n3A_932 : vector<16xi1>, vector<16xf32>
      %select_n3A_972 = arith.select %gt3A_970, %select_n3A_932, %select_n3A_922 : vector<16xi1>, vector<16xf32>
      %select_n3A_973 = arith.select %gt3A_970, %select_n3A_924, %select_n3A_934 : vector<16xi1>, vector<16xi32>
      %select_n3A_974 = arith.select %gt3A_970, %select_n3A_934, %select_n3A_924 : vector<16xi1>, vector<16xi32>
      %gt3A_975 = arith.cmpf ogt, %select_n3A_956, %select_n3A_937 : vector<16xf32>
      %select_n3A_976 = arith.select %gt3A_975, %select_n3A_956, %select_n3A_937 : vector<16xi1>, vector<16xf32>
      %select_n3A_977 = arith.select %gt3A_975, %select_n3A_937, %select_n3A_956 : vector<16xi1>, vector<16xf32>
      %select_n3A_978 = arith.select %gt3A_975, %select_n3A_958, %select_n3A_939 : vector<16xi1>, vector<16xi32>
      %select_n3A_979 = arith.select %gt3A_975, %select_n3A_939, %select_n3A_958 : vector<16xi1>, vector<16xi32>
      %gt3A_980 = arith.cmpf ogt, %select_n3A_961, %select_n3A_942 : vector<16xf32>
      %select_n3A_981 = arith.select %gt3A_980, %select_n3A_961, %select_n3A_942 : vector<16xi1>, vector<16xf32>
      %select_n3A_982 = arith.select %gt3A_980, %select_n3A_942, %select_n3A_961 : vector<16xi1>, vector<16xf32>
      %select_n3A_983 = arith.select %gt3A_980, %select_n3A_963, %select_n3A_944 : vector<16xi1>, vector<16xi32>
      %select_n3A_984 = arith.select %gt3A_980, %select_n3A_944, %select_n3A_963 : vector<16xi1>, vector<16xi32>
      %gt3A_985 = arith.cmpf ogt, %select_n3A_946, %select_n3A_967 : vector<16xf32>
      %select_n3A_986 = arith.select %gt3A_985, %select_n3A_946, %select_n3A_967 : vector<16xi1>, vector<16xf32>
      %select_n3A_987 = arith.select %gt3A_985, %select_n3A_967, %select_n3A_946 : vector<16xi1>, vector<16xf32>
      %select_n3A_988 = arith.select %gt3A_985, %select_n3A_948, %select_n3A_969 : vector<16xi1>, vector<16xi32>
      %select_n3A_989 = arith.select %gt3A_985, %select_n3A_969, %select_n3A_948 : vector<16xi1>, vector<16xi32>
      %gt3A_990 = arith.cmpf ogt, %select_n3A_951, %select_n3A_972 : vector<16xf32>
      %select_n3A_991 = arith.select %gt3A_990, %select_n3A_951, %select_n3A_972 : vector<16xi1>, vector<16xf32>
      %select_n3A_992 = arith.select %gt3A_990, %select_n3A_972, %select_n3A_951 : vector<16xi1>, vector<16xf32>
      %select_n3A_993 = arith.select %gt3A_990, %select_n3A_953, %select_n3A_974 : vector<16xi1>, vector<16xi32>
      %select_n3A_994 = arith.select %gt3A_990, %select_n3A_974, %select_n3A_953 : vector<16xi1>, vector<16xi32>
      %gt3A_995 = arith.cmpf ogt, %select_n3A_966, %select_n3A_977 : vector<16xf32>
      %select_n3A_996 = arith.select %gt3A_995, %select_n3A_966, %select_n3A_977 : vector<16xi1>, vector<16xf32>
      %select_n3A_997 = arith.select %gt3A_995, %select_n3A_977, %select_n3A_966 : vector<16xi1>, vector<16xf32>
      %select_n3A_998 = arith.select %gt3A_995, %select_n3A_968, %select_n3A_979 : vector<16xi1>, vector<16xi32>
      %select_n3A_999 = arith.select %gt3A_995, %select_n3A_979, %select_n3A_968 : vector<16xi1>, vector<16xi32>
      %gt3A_1000 = arith.cmpf ogt, %select_n3A_971, %select_n3A_982 : vector<16xf32>
      %select_n3A_1001 = arith.select %gt3A_1000, %select_n3A_971, %select_n3A_982 : vector<16xi1>, vector<16xf32>
      %select_n3A_1002 = arith.select %gt3A_1000, %select_n3A_982, %select_n3A_971 : vector<16xi1>, vector<16xf32>
      %select_n3A_1003 = arith.select %gt3A_1000, %select_n3A_973, %select_n3A_984 : vector<16xi1>, vector<16xi32>
      %select_n3A_1004 = arith.select %gt3A_1000, %select_n3A_984, %select_n3A_973 : vector<16xi1>, vector<16xi32>
      %gt3A_1005 = arith.cmpf ogt, %select_n3A_986, %select_n3A_957 : vector<16xf32>
      %select_n3A_1006 = arith.select %gt3A_1005, %select_n3A_986, %select_n3A_957 : vector<16xi1>, vector<16xf32>
      %select_n3A_1007 = arith.select %gt3A_1005, %select_n3A_957, %select_n3A_986 : vector<16xi1>, vector<16xf32>
      %select_n3A_1008 = arith.select %gt3A_1005, %select_n3A_988, %select_n3A_959 : vector<16xi1>, vector<16xi32>
      %select_n3A_1009 = arith.select %gt3A_1005, %select_n3A_959, %select_n3A_988 : vector<16xi1>, vector<16xi32>
      %gt3A_1010 = arith.cmpf ogt, %select_n3A_991, %select_n3A_962 : vector<16xf32>
      %select_n3A_1011 = arith.select %gt3A_1010, %select_n3A_991, %select_n3A_962 : vector<16xi1>, vector<16xf32>
      %select_n3A_1012 = arith.select %gt3A_1010, %select_n3A_962, %select_n3A_991 : vector<16xi1>, vector<16xf32>
      %select_n3A_1013 = arith.select %gt3A_1010, %select_n3A_993, %select_n3A_964 : vector<16xi1>, vector<16xi32>
      %select_n3A_1014 = arith.select %gt3A_1010, %select_n3A_964, %select_n3A_993 : vector<16xi1>, vector<16xi32>
      %gt3A_1015 = arith.cmpf ogt, %select_n3A_1006, %select_n3A_997 : vector<16xf32>
      %select_n3A_1016 = arith.select %gt3A_1015, %select_n3A_1006, %select_n3A_997 : vector<16xi1>, vector<16xf32>
      %select_n3A_1017 = arith.select %gt3A_1015, %select_n3A_997, %select_n3A_1006 : vector<16xi1>, vector<16xf32>
      %select_n3A_1018 = arith.select %gt3A_1015, %select_n3A_1008, %select_n3A_999 : vector<16xi1>, vector<16xi32>
      %select_n3A_1019 = arith.select %gt3A_1015, %select_n3A_999, %select_n3A_1008 : vector<16xi1>, vector<16xi32>
      %gt3A_1020 = arith.cmpf ogt, %select_n3A_1011, %select_n3A_1002 : vector<16xf32>
      %select_n3A_1021 = arith.select %gt3A_1020, %select_n3A_1011, %select_n3A_1002 : vector<16xi1>, vector<16xf32>
      %select_n3A_1022 = arith.select %gt3A_1020, %select_n3A_1002, %select_n3A_1011 : vector<16xi1>, vector<16xf32>
      %select_n3A_1023 = arith.select %gt3A_1020, %select_n3A_1013, %select_n3A_1004 : vector<16xi1>, vector<16xi32>
      %select_n3A_1024 = arith.select %gt3A_1020, %select_n3A_1004, %select_n3A_1013 : vector<16xi1>, vector<16xi32>
      %gt3A_1025 = arith.cmpf ogt, %select_n3A_936, %select_n3A_952 : vector<16xf32>
      %eq3A = arith.cmpf oeq, %select_n3A_936, %select_n3A_952 : vector<16xf32>
      %lt3A = arith.cmpi slt, %select_n3A_938, %select_n3A_954 : vector<16xi32>
      %and3A_1026 = arith.andi %eq3A, %lt3A : vector<16xi1>
      %or3A = arith.ori %gt3A_1025, %and3A_1026 : vector<16xi1>
      %select_n3A_1027 = arith.select %or3A, %select_n3A_936, %select_n3A_952 : vector<16xi1>, vector<16xf32>
      %select_n3A_1028 = arith.select %or3A, %select_n3A_938, %select_n3A_954 : vector<16xi1>, vector<16xi32>
      %gt3A_1029 = arith.cmpf ogt, %select_n3A_976, %select_n3A_992 : vector<16xf32>
      %eq3A_1030 = arith.cmpf oeq, %select_n3A_976, %select_n3A_992 : vector<16xf32>
      %lt3A_1031 = arith.cmpi slt, %select_n3A_978, %select_n3A_994 : vector<16xi32>
      %and3A_1032 = arith.andi %eq3A_1030, %lt3A_1031 : vector<16xi1>
      %or3A_1033 = arith.ori %gt3A_1029, %and3A_1032 : vector<16xi1>
      %select_n3A_1034 = arith.select %or3A_1033, %select_n3A_976, %select_n3A_992 : vector<16xi1>, vector<16xf32>
      %select_n3A_1035 = arith.select %or3A_1033, %select_n3A_978, %select_n3A_994 : vector<16xi1>, vector<16xi32>
      %gt3A_1036 = arith.cmpf ogt, %select_n3A_996, %select_n3A_1012 : vector<16xf32>
      %eq3A_1037 = arith.cmpf oeq, %select_n3A_996, %select_n3A_1012 : vector<16xf32>
      %lt3A_1038 = arith.cmpi slt, %select_n3A_998, %select_n3A_1014 : vector<16xi32>
      %and3A_1039 = arith.andi %eq3A_1037, %lt3A_1038 : vector<16xi1>
      %or3A_1040 = arith.ori %gt3A_1036, %and3A_1039 : vector<16xi1>
      %select_n3A_1041 = arith.select %or3A_1040, %select_n3A_996, %select_n3A_1012 : vector<16xi1>, vector<16xf32>
      %select_n3A_1042 = arith.select %or3A_1040, %select_n3A_998, %select_n3A_1014 : vector<16xi1>, vector<16xi32>
      %gt3A_1043 = arith.cmpf ogt, %select_n3A_1016, %select_n3A_1022 : vector<16xf32>
      %eq3A_1044 = arith.cmpf oeq, %select_n3A_1016, %select_n3A_1022 : vector<16xf32>
      %lt3A_1045 = arith.cmpi slt, %select_n3A_1018, %select_n3A_1024 : vector<16xi32>
      %and3A_1046 = arith.andi %eq3A_1044, %lt3A_1045 : vector<16xi1>
      %or3A_1047 = arith.ori %gt3A_1043, %and3A_1046 : vector<16xi1>
      %select_n3A_1048 = arith.select %or3A_1047, %select_n3A_1016, %select_n3A_1022 : vector<16xi1>, vector<16xf32>
      %select_n3A_1049 = arith.select %or3A_1047, %select_n3A_1018, %select_n3A_1024 : vector<16xi1>, vector<16xi32>
      %gt3A_1050 = arith.cmpf ogt, %select_n3A_1017, %select_n3A_1021 : vector<16xf32>
      %eq3A_1051 = arith.cmpf oeq, %select_n3A_1017, %select_n3A_1021 : vector<16xf32>
      %lt3A_1052 = arith.cmpi slt, %select_n3A_1019, %select_n3A_1023 : vector<16xi32>
      %and3A_1053 = arith.andi %eq3A_1051, %lt3A_1052 : vector<16xi1>
      %or3A_1054 = arith.ori %gt3A_1050, %and3A_1053 : vector<16xi1>
      %select_n3A_1055 = arith.select %or3A_1054, %select_n3A_1017, %select_n3A_1021 : vector<16xi1>, vector<16xf32>
      %select_n3A_1056 = arith.select %or3A_1054, %select_n3A_1019, %select_n3A_1023 : vector<16xi1>, vector<16xi32>
      %gt3A_1057 = arith.cmpf ogt, %select_n3A_1007, %select_n3A_1001 : vector<16xf32>
      %eq3A_1058 = arith.cmpf oeq, %select_n3A_1007, %select_n3A_1001 : vector<16xf32>
      %lt3A_1059 = arith.cmpi slt, %select_n3A_1009, %select_n3A_1003 : vector<16xi32>
      %and3A_1060 = arith.andi %eq3A_1058, %lt3A_1059 : vector<16xi1>
      %or3A_1061 = arith.ori %gt3A_1057, %and3A_1060 : vector<16xi1>
      %select_n3A_1062 = arith.select %or3A_1061, %select_n3A_1007, %select_n3A_1001 : vector<16xi1>, vector<16xf32>
      %select_n3A_1063 = arith.select %or3A_1061, %select_n3A_1009, %select_n3A_1003 : vector<16xi1>, vector<16xi32>
      %gt3A_1064 = arith.cmpf ogt, %select_n3A_987, %select_n3A_981 : vector<16xf32>
      %eq3A_1065 = arith.cmpf oeq, %select_n3A_987, %select_n3A_981 : vector<16xf32>
      %lt3A_1066 = arith.cmpi slt, %select_n3A_989, %select_n3A_983 : vector<16xi32>
      %and3A_1067 = arith.andi %eq3A_1065, %lt3A_1066 : vector<16xi1>
      %or3A_1068 = arith.ori %gt3A_1064, %and3A_1067 : vector<16xi1>
      %select_n3A_1069 = arith.select %or3A_1068, %select_n3A_987, %select_n3A_981 : vector<16xi1>, vector<16xf32>
      %select_n3A_1070 = arith.select %or3A_1068, %select_n3A_989, %select_n3A_983 : vector<16xi1>, vector<16xi32>
      %gt3A_1071 = arith.cmpf ogt, %select_n3A_947, %select_n3A_941 : vector<16xf32>
      %eq3A_1072 = arith.cmpf oeq, %select_n3A_947, %select_n3A_941 : vector<16xf32>
      %lt3A_1073 = arith.cmpi slt, %select_n3A_949, %select_n3A_943 : vector<16xi32>
      %and3A_1074 = arith.andi %eq3A_1072, %lt3A_1073 : vector<16xi1>
      %or3A_1075 = arith.ori %gt3A_1071, %and3A_1074 : vector<16xi1>
      %select_n3A_1076 = arith.select %or3A_1075, %select_n3A_947, %select_n3A_941 : vector<16xi1>, vector<16xf32>
      %select_n3A_1077 = arith.select %or3A_1075, %select_n3A_949, %select_n3A_943 : vector<16xi1>, vector<16xi32>
      %gt3A_1078 = arith.cmpf ogt, %select_n3A_1027, %select_n3A_1055 : vector<16xf32>
      %eq3A_1079 = arith.cmpf oeq, %select_n3A_1027, %select_n3A_1055 : vector<16xf32>
      %lt3A_1080 = arith.cmpi slt, %select_n3A_1028, %select_n3A_1056 : vector<16xi32>
      %and3A_1081 = arith.andi %eq3A_1079, %lt3A_1080 : vector<16xi1>
      %or3A_1082 = arith.ori %gt3A_1078, %and3A_1081 : vector<16xi1>
      %select_n3A_1083 = arith.select %or3A_1082, %select_n3A_1027, %select_n3A_1055 : vector<16xi1>, vector<16xf32>
      %select_n3A_1084 = arith.select %or3A_1082, %select_n3A_1055, %select_n3A_1027 : vector<16xi1>, vector<16xf32>
      %select_n3A_1085 = arith.select %or3A_1082, %select_n3A_1028, %select_n3A_1056 : vector<16xi1>, vector<16xi32>
      %select_n3A_1086 = arith.select %or3A_1082, %select_n3A_1056, %select_n3A_1028 : vector<16xi1>, vector<16xi32>
      %gt3A_1087 = arith.cmpf ogt, %select_n3A_1034, %select_n3A_1062 : vector<16xf32>
      %eq3A_1088 = arith.cmpf oeq, %select_n3A_1034, %select_n3A_1062 : vector<16xf32>
      %lt3A_1089 = arith.cmpi slt, %select_n3A_1035, %select_n3A_1063 : vector<16xi32>
      %and3A_1090 = arith.andi %eq3A_1088, %lt3A_1089 : vector<16xi1>
      %or3A_1091 = arith.ori %gt3A_1087, %and3A_1090 : vector<16xi1>
      %select_n3A_1092 = arith.select %or3A_1091, %select_n3A_1034, %select_n3A_1062 : vector<16xi1>, vector<16xf32>
      %select_n3A_1093 = arith.select %or3A_1091, %select_n3A_1062, %select_n3A_1034 : vector<16xi1>, vector<16xf32>
      %select_n3A_1094 = arith.select %or3A_1091, %select_n3A_1035, %select_n3A_1063 : vector<16xi1>, vector<16xi32>
      %select_n3A_1095 = arith.select %or3A_1091, %select_n3A_1063, %select_n3A_1035 : vector<16xi1>, vector<16xi32>
      %gt3A_1096 = arith.cmpf ogt, %select_n3A_1041, %select_n3A_1069 : vector<16xf32>
      %eq3A_1097 = arith.cmpf oeq, %select_n3A_1041, %select_n3A_1069 : vector<16xf32>
      %lt3A_1098 = arith.cmpi slt, %select_n3A_1042, %select_n3A_1070 : vector<16xi32>
      %and3A_1099 = arith.andi %eq3A_1097, %lt3A_1098 : vector<16xi1>
      %or3A_1100 = arith.ori %gt3A_1096, %and3A_1099 : vector<16xi1>
      %select_n3A_1101 = arith.select %or3A_1100, %select_n3A_1041, %select_n3A_1069 : vector<16xi1>, vector<16xf32>
      %select_n3A_1102 = arith.select %or3A_1100, %select_n3A_1069, %select_n3A_1041 : vector<16xi1>, vector<16xf32>
      %select_n3A_1103 = arith.select %or3A_1100, %select_n3A_1042, %select_n3A_1070 : vector<16xi1>, vector<16xi32>
      %select_n3A_1104 = arith.select %or3A_1100, %select_n3A_1070, %select_n3A_1042 : vector<16xi1>, vector<16xi32>
      %gt3A_1105 = arith.cmpf ogt, %select_n3A_1048, %select_n3A_1076 : vector<16xf32>
      %eq3A_1106 = arith.cmpf oeq, %select_n3A_1048, %select_n3A_1076 : vector<16xf32>
      %lt3A_1107 = arith.cmpi slt, %select_n3A_1049, %select_n3A_1077 : vector<16xi32>
      %and3A_1108 = arith.andi %eq3A_1106, %lt3A_1107 : vector<16xi1>
      %or3A_1109 = arith.ori %gt3A_1105, %and3A_1108 : vector<16xi1>
      %select_n3A_1110 = arith.select %or3A_1109, %select_n3A_1048, %select_n3A_1076 : vector<16xi1>, vector<16xf32>
      %select_n3A_1111 = arith.select %or3A_1109, %select_n3A_1076, %select_n3A_1048 : vector<16xi1>, vector<16xf32>
      %select_n3A_1112 = arith.select %or3A_1109, %select_n3A_1049, %select_n3A_1077 : vector<16xi1>, vector<16xi32>
      %select_n3A_1113 = arith.select %or3A_1109, %select_n3A_1077, %select_n3A_1049 : vector<16xi1>, vector<16xi32>
      %gt3A_1114 = arith.cmpf ogt, %select_n3A_1083, %select_n3A_1101 : vector<16xf32>
      %eq3A_1115 = arith.cmpf oeq, %select_n3A_1083, %select_n3A_1101 : vector<16xf32>
      %lt3A_1116 = arith.cmpi slt, %select_n3A_1085, %select_n3A_1103 : vector<16xi32>
      %and3A_1117 = arith.andi %eq3A_1115, %lt3A_1116 : vector<16xi1>
      %or3A_1118 = arith.ori %gt3A_1114, %and3A_1117 : vector<16xi1>
      %select_n3A_1119 = arith.select %or3A_1118, %select_n3A_1083, %select_n3A_1101 : vector<16xi1>, vector<16xf32>
      %select_n3A_1120 = arith.select %or3A_1118, %select_n3A_1101, %select_n3A_1083 : vector<16xi1>, vector<16xf32>
      %select_n3A_1121 = arith.select %or3A_1118, %select_n3A_1085, %select_n3A_1103 : vector<16xi1>, vector<16xi32>
      %select_n3A_1122 = arith.select %or3A_1118, %select_n3A_1103, %select_n3A_1085 : vector<16xi1>, vector<16xi32>
      %gt3A_1123 = arith.cmpf ogt, %select_n3A_1092, %select_n3A_1110 : vector<16xf32>
      %eq3A_1124 = arith.cmpf oeq, %select_n3A_1092, %select_n3A_1110 : vector<16xf32>
      %lt3A_1125 = arith.cmpi slt, %select_n3A_1094, %select_n3A_1112 : vector<16xi32>
      %and3A_1126 = arith.andi %eq3A_1124, %lt3A_1125 : vector<16xi1>
      %or3A_1127 = arith.ori %gt3A_1123, %and3A_1126 : vector<16xi1>
      %select_n3A_1128 = arith.select %or3A_1127, %select_n3A_1092, %select_n3A_1110 : vector<16xi1>, vector<16xf32>
      %select_n3A_1129 = arith.select %or3A_1127, %select_n3A_1110, %select_n3A_1092 : vector<16xi1>, vector<16xf32>
      %select_n3A_1130 = arith.select %or3A_1127, %select_n3A_1094, %select_n3A_1112 : vector<16xi1>, vector<16xi32>
      %select_n3A_1131 = arith.select %or3A_1127, %select_n3A_1112, %select_n3A_1094 : vector<16xi1>, vector<16xi32>
      %gt3A_1132 = arith.cmpf ogt, %select_n3A_1084, %select_n3A_1102 : vector<16xf32>
      %eq3A_1133 = arith.cmpf oeq, %select_n3A_1084, %select_n3A_1102 : vector<16xf32>
      %lt3A_1134 = arith.cmpi slt, %select_n3A_1086, %select_n3A_1104 : vector<16xi32>
      %and3A_1135 = arith.andi %eq3A_1133, %lt3A_1134 : vector<16xi1>
      %or3A_1136 = arith.ori %gt3A_1132, %and3A_1135 : vector<16xi1>
      %select_n3A_1137 = arith.select %or3A_1136, %select_n3A_1084, %select_n3A_1102 : vector<16xi1>, vector<16xf32>
      %select_n3A_1138 = arith.select %or3A_1136, %select_n3A_1102, %select_n3A_1084 : vector<16xi1>, vector<16xf32>
      %select_n3A_1139 = arith.select %or3A_1136, %select_n3A_1086, %select_n3A_1104 : vector<16xi1>, vector<16xi32>
      %select_n3A_1140 = arith.select %or3A_1136, %select_n3A_1104, %select_n3A_1086 : vector<16xi1>, vector<16xi32>
      %gt3A_1141 = arith.cmpf ogt, %select_n3A_1093, %select_n3A_1111 : vector<16xf32>
      %eq3A_1142 = arith.cmpf oeq, %select_n3A_1093, %select_n3A_1111 : vector<16xf32>
      %lt3A_1143 = arith.cmpi slt, %select_n3A_1095, %select_n3A_1113 : vector<16xi32>
      %and3A_1144 = arith.andi %eq3A_1142, %lt3A_1143 : vector<16xi1>
      %or3A_1145 = arith.ori %gt3A_1141, %and3A_1144 : vector<16xi1>
      %select_n3A_1146 = arith.select %or3A_1145, %select_n3A_1093, %select_n3A_1111 : vector<16xi1>, vector<16xf32>
      %select_n3A_1147 = arith.select %or3A_1145, %select_n3A_1111, %select_n3A_1093 : vector<16xi1>, vector<16xf32>
      %select_n3A_1148 = arith.select %or3A_1145, %select_n3A_1095, %select_n3A_1113 : vector<16xi1>, vector<16xi32>
      %select_n3A_1149 = arith.select %or3A_1145, %select_n3A_1113, %select_n3A_1095 : vector<16xi1>, vector<16xi32>
      %gt3A_1150 = arith.cmpf ogt, %select_n3A_1119, %select_n3A_1128 : vector<16xf32>
      %eq3A_1151 = arith.cmpf oeq, %select_n3A_1119, %select_n3A_1128 : vector<16xf32>
      %lt3A_1152 = arith.cmpi slt, %select_n3A_1121, %select_n3A_1130 : vector<16xi32>
      %and3A_1153 = arith.andi %eq3A_1151, %lt3A_1152 : vector<16xi1>
      %or3A_1154 = arith.ori %gt3A_1150, %and3A_1153 : vector<16xi1>
      %select_n3A_1155 = arith.select %or3A_1154, %select_n3A_1119, %select_n3A_1128 : vector<16xi1>, vector<16xf32>
      %select_n3A_1156 = arith.select %or3A_1154, %select_n3A_1128, %select_n3A_1119 : vector<16xi1>, vector<16xf32>
      %select_n3A_1157 = arith.select %or3A_1154, %select_n3A_1121, %select_n3A_1130 : vector<16xi1>, vector<16xi32>
      %select_n3A_1158 = arith.select %or3A_1154, %select_n3A_1130, %select_n3A_1121 : vector<16xi1>, vector<16xi32>
      %gt3A_1159 = arith.cmpf ogt, %select_n3A_1120, %select_n3A_1129 : vector<16xf32>
      %eq3A_1160 = arith.cmpf oeq, %select_n3A_1120, %select_n3A_1129 : vector<16xf32>
      %lt3A_1161 = arith.cmpi slt, %select_n3A_1122, %select_n3A_1131 : vector<16xi32>
      %and3A_1162 = arith.andi %eq3A_1160, %lt3A_1161 : vector<16xi1>
      %or3A_1163 = arith.ori %gt3A_1159, %and3A_1162 : vector<16xi1>
      %select_n3A_1164 = arith.select %or3A_1163, %select_n3A_1120, %select_n3A_1129 : vector<16xi1>, vector<16xf32>
      %select_n3A_1165 = arith.select %or3A_1163, %select_n3A_1129, %select_n3A_1120 : vector<16xi1>, vector<16xf32>
      %select_n3A_1166 = arith.select %or3A_1163, %select_n3A_1122, %select_n3A_1131 : vector<16xi1>, vector<16xi32>
      %select_n3A_1167 = arith.select %or3A_1163, %select_n3A_1131, %select_n3A_1122 : vector<16xi1>, vector<16xi32>
      %gt3A_1168 = arith.cmpf ogt, %select_n3A_1137, %select_n3A_1146 : vector<16xf32>
      %eq3A_1169 = arith.cmpf oeq, %select_n3A_1137, %select_n3A_1146 : vector<16xf32>
      %lt3A_1170 = arith.cmpi slt, %select_n3A_1139, %select_n3A_1148 : vector<16xi32>
      %and3A_1171 = arith.andi %eq3A_1169, %lt3A_1170 : vector<16xi1>
      %or3A_1172 = arith.ori %gt3A_1168, %and3A_1171 : vector<16xi1>
      %select_n3A_1173 = arith.select %or3A_1172, %select_n3A_1137, %select_n3A_1146 : vector<16xi1>, vector<16xf32>
      %select_n3A_1174 = arith.select %or3A_1172, %select_n3A_1146, %select_n3A_1137 : vector<16xi1>, vector<16xf32>
      %select_n3A_1175 = arith.select %or3A_1172, %select_n3A_1139, %select_n3A_1148 : vector<16xi1>, vector<16xi32>
      %select_n3A_1176 = arith.select %or3A_1172, %select_n3A_1148, %select_n3A_1139 : vector<16xi1>, vector<16xi32>
      %gt3A_1177 = arith.cmpf ogt, %select_n3A_1138, %select_n3A_1147 : vector<16xf32>
      %eq3A_1178 = arith.cmpf oeq, %select_n3A_1138, %select_n3A_1147 : vector<16xf32>
      %lt3A_1179 = arith.cmpi slt, %select_n3A_1140, %select_n3A_1149 : vector<16xi32>
      %and3A_1180 = arith.andi %eq3A_1178, %lt3A_1179 : vector<16xi1>
      %or3A_1181 = arith.ori %gt3A_1177, %and3A_1180 : vector<16xi1>
      %select_n3A_1182 = arith.select %or3A_1181, %select_n3A_1138, %select_n3A_1147 : vector<16xi1>, vector<16xf32>
      %select_n3A_1183 = arith.select %or3A_1181, %select_n3A_1147, %select_n3A_1138 : vector<16xi1>, vector<16xf32>
      %select_n3A_1184 = arith.select %or3A_1181, %select_n3A_1140, %select_n3A_1149 : vector<16xi1>, vector<16xi32>
      %select_n3A_1185 = arith.select %or3A_1181, %select_n3A_1149, %select_n3A_1140 : vector<16xi1>, vector<16xi32>
      %add3A_1186 = arith.constant 768 : i32
      %add3A_1187 = vector.broadcast %add3A_1186 : i32 to vector<16xi32>
      %add3A_1188 = arith.addi %add3A_1187, %add3A_238 : vector<16xi32>
      %mul3A_1189 = arith.constant 8 : i32
      %mul3A_1190 = vector.broadcast %mul3A_1189 : i32 to vector<16xi32>
      %mul3A_1191 = arith.muli %add3A_1188, %mul3A_1190 : vector<16xi32>
      %add3A_1192 = arith.constant 0 : i32
      %add3A_1193 = vector.broadcast %add3A_1192 : i32 to vector<16xi32>
      %add3A_1194 = arith.addi %mul3A_1191, %add3A_1193 : vector<16xi32>
      tpu.vector_store_idx %arg7[%add3A_1194], %select_n3A_1155 : memref<8192xf32, #tpu.memory_space<vmem>>[vector<16xi32>], vector<16xf32>,
      %add3A_1195 = arith.constant 0 : i32
      %add3A_1196 = vector.broadcast %add3A_1195 : i32 to vector<16xi32>
      %add3A_1197 = arith.addi %mul3A_1191, %add3A_1196 : vector<16xi32>
      tpu.vector_store_idx %arg8[%add3A_1197], %select_n3A_1157 : memref<8192xi32, #tpu.memory_space<vmem>>[vector<16xi32>], vector<16xi32>,
      tpu.vector_store_idx %arg9[%select_n3A_1157], %broadcast_in_dim3A_59 {add = true} : memref<64xf32, #tpu.memory_space<vmem>>[vector<16xi32>], vector<16xf32>,
      %add3A_1198 = arith.constant 1 : i32
      %add3A_1199 = vector.broadcast %add3A_1198 : i32 to vector<16xi32>
      %add3A_1200 = arith.addi %mul3A_1191, %add3A_1199 : vector<16xi32>
      tpu.vector_store_idx %arg7[%add3A_1200], %select_n3A_1156 : memref<8192xf32, #tpu.memory_space<vmem>>[vector<16xi32>], vector<16xf32>,
      %add3A_1201 = arith.constant 1 : i32
      %add3A_1202 = vector.broadcast %add3A_1201 : i32 to vector<16xi32>
      %add3A_1203 = arith.addi %mul3A_1191, %add3A_1202 : vector<16xi32>
      tpu.vector_store_idx %arg8[%add3A_1203], %select_n3A_1158 : memref<8192xi32, #tpu.memory_space<vmem>>[vector<16xi32>], vector<16xi32>,
      tpu.vector_store_idx %arg9[%select_n3A_1158], %broadcast_in_dim3A_59 {add = true} : memref<64xf32, #tpu.memory_space<vmem>>[vector<16xi32>], vector<16xf32>,
      %add3A_1204 = arith.constant 2 : i32
      %add3A_1205 = vector.broadcast %add3A_1204 : i32 to vector<16xi32>
      %add3A_1206 = arith.addi %mul3A_1191, %add3A_1205 : vector<16xi32>
      tpu.vector_store_idx %arg7[%add3A_1206], %select_n3A_1164 : memref<8192xf32, #tpu.memory_space<vmem>>[vector<16xi32>], vector<16xf32>,
      %add3A_1207 = arith.constant 2 : i32
      %add3A_1208 = vector.broadcast %add3A_1207 : i32 to vector<16xi32>
      %add3A_1209 = arith.addi %mul3A_1191, %add3A_1208 : vector<16xi32>
      tpu.vector_store_idx %arg8[%add3A_1209], %select_n3A_1166 : memref<8192xi32, #tpu.memory_space<vmem>>[vector<16xi32>], vector<16xi32>,
      tpu.vector_store_idx %arg9[%select_n3A_1166], %broadcast_in_dim3A_59 {add = true} : memref<64xf32, #tpu.memory_space<vmem>>[vector<16xi32>], vector<16xf32>,
      %add3A_1210 = arith.constant 3 : i32
      %add3A_1211 = vector.broadcast %add3A_1210 : i32 to vector<16xi32>
      %add3A_1212 = arith.addi %mul3A_1191, %add3A_1211 : vector<16xi32>
      tpu.vector_store_idx %arg7[%add3A_1212], %select_n3A_1165 : memref<8192xf32, #tpu.memory_space<vmem>>[vector<16xi32>], vector<16xf32>,
      %add3A_1213 = arith.constant 3 : i32
      %add3A_1214 = vector.broadcast %add3A_1213 : i32 to vector<16xi32>
      %add3A_1215 = arith.addi %mul3A_1191, %add3A_1214 : vector<16xi32>
      tpu.vector_store_idx %arg8[%add3A_1215], %select_n3A_1167 : memref<8192xi32, #tpu.memory_space<vmem>>[vector<16xi32>], vector<16xi32>,
      tpu.vector_store_idx %arg9[%select_n3A_1167], %broadcast_in_dim3A_59 {add = true} : memref<64xf32, #tpu.memory_space<vmem>>[vector<16xi32>], vector<16xf32>,
      %add3A_1216 = arith.constant 4 : i32
      %add3A_1217 = vector.broadcast %add3A_1216 : i32 to vector<16xi32>
      %add3A_1218 = arith.addi %mul3A_1191, %add3A_1217 : vector<16xi32>
      tpu.vector_store_idx %arg7[%add3A_1218], %select_n3A_1173 : memref<8192xf32, #tpu.memory_space<vmem>>[vector<16xi32>], vector<16xf32>,
      %add3A_1219 = arith.constant 4 : i32
      %add3A_1220 = vector.broadcast %add3A_1219 : i32 to vector<16xi32>
      %add3A_1221 = arith.addi %mul3A_1191, %add3A_1220 : vector<16xi32>
      tpu.vector_store_idx %arg8[%add3A_1221], %select_n3A_1175 : memref<8192xi32, #tpu.memory_space<vmem>>[vector<16xi32>], vector<16xi32>,
      tpu.vector_store_idx %arg9[%select_n3A_1175], %broadcast_in_dim3A_59 {add = true} : memref<64xf32, #tpu.memory_space<vmem>>[vector<16xi32>], vector<16xf32>,
      %add3A_1222 = arith.constant 5 : i32
      %add3A_1223 = vector.broadcast %add3A_1222 : i32 to vector<16xi32>
      %add3A_1224 = arith.addi %mul3A_1191, %add3A_1223 : vector<16xi32>
      tpu.vector_store_idx %arg7[%add3A_1224], %select_n3A_1174 : memref<8192xf32, #tpu.memory_space<vmem>>[vector<16xi32>], vector<16xf32>,
      %add3A_1225 = arith.constant 5 : i32
      %add3A_1226 = vector.broadcast %add3A_1225 : i32 to vector<16xi32>
      %add3A_1227 = arith.addi %mul3A_1191, %add3A_1226 : vector<16xi32>
      tpu.vector_store_idx %arg8[%add3A_1227], %select_n3A_1176 : memref<8192xi32, #tpu.memory_space<vmem>>[vector<16xi32>], vector<16xi32>,
      tpu.vector_store_idx %arg9[%select_n3A_1176], %broadcast_in_dim3A_59 {add = true} : memref<64xf32, #tpu.memory_space<vmem>>[vector<16xi32>], vector<16xf32>,
      %add3A_1228 = arith.constant 6 : i32
      %add3A_1229 = vector.broadcast %add3A_1228 : i32 to vector<16xi32>
      %add3A_1230 = arith.addi %mul3A_1191, %add3A_1229 : vector<16xi32>
      tpu.vector_store_idx %arg7[%add3A_1230], %select_n3A_1182 : memref<8192xf32, #tpu.memory_space<vmem>>[vector<16xi32>], vector<16xf32>,
      %add3A_1231 = arith.constant 6 : i32
      %add3A_1232 = vector.broadcast %add3A_1231 : i32 to vector<16xi32>
      %add3A_1233 = arith.addi %mul3A_1191, %add3A_1232 : vector<16xi32>
      tpu.vector_store_idx %arg8[%add3A_1233], %select_n3A_1184 : memref<8192xi32, #tpu.memory_space<vmem>>[vector<16xi32>], vector<16xi32>,
      tpu.vector_store_idx %arg9[%select_n3A_1184], %broadcast_in_dim3A_59 {add = true} : memref<64xf32, #tpu.memory_space<vmem>>[vector<16xi32>], vector<16xf32>,
      %add3A_1234 = arith.constant 7 : i32
      %add3A_1235 = vector.broadcast %add3A_1234 : i32 to vector<16xi32>
      %add3A_1236 = arith.addi %mul3A_1191, %add3A_1235 : vector<16xi32>
      tpu.vector_store_idx %arg7[%add3A_1236], %select_n3A_1183 : memref<8192xf32, #tpu.memory_space<vmem>>[vector<16xi32>], vector<16xf32>,
      %add3A_1237 = arith.constant 7 : i32
      %add3A_1238 = vector.broadcast %add3A_1237 : i32 to vector<16xi32>
      %add3A_1239 = arith.addi %mul3A_1191, %add3A_1238 : vector<16xi32>
      tpu.vector_store_idx %arg8[%add3A_1239], %select_n3A_1185 : memref<8192xi32, #tpu.memory_space<vmem>>[vector<16xi32>], vector<16xi32>,
      tpu.vector_store_idx %arg9[%select_n3A_1185], %broadcast_in_dim3A_59 {add = true} : memref<64xf32, #tpu.memory_space<vmem>>[vector<16xi32>], vector<16xf32>,
    }
    %scan3A_165 = arith.constant 16 : i32
    %mul3A_166 = arith.constant 8 : i32
    %mul3A_167 = arith.muli %mul3A_2, %mul3A_166 : i32
    %add3A_168 = arith.constant 6144 : i32
    %add3A_169 = arith.addi %mul3A_167, %add3A_168 : i32
    %dma_start3A_170 = arith.constant 6144 : i32
    %dma_start3A_171 = tpu.memref_slice %arg7[%dma_start3A_170] : memref<8192xf32, #tpu.memory_space<vmem>> -> memref<2048xf32, #tpu.memory_space<vmem>>
    %dma_start3A_172 = tpu.memref_slice %arg3[%add3A_169] : memref<262144xf32, #tpu.memory_space<hbm>> -> memref<2048xf32, #tpu.memory_space<hbm>>
    %dma_start3A_173 = tpu.memref_slice %arg3[%add3A_169] : memref<262144xf32, #tpu.memory_space<hbm>> -> memref<2048xf32, #tpu.memory_space<hbm>>
    %dma_start3A_174 = arith.constant 6144 : i32
    %dma_start3A_175 = tpu.memref_slice %arg7[%dma_start3A_174] : memref<8192xf32, #tpu.memory_space<vmem>> -> memref<2048xf32, #tpu.memory_space<vmem>>
    tpu.enqueue_dma source(%dma_start3A_175 : memref<2048xf32, #tpu.memory_space<vmem>>) target(%dma_start3A_173 : memref<2048xf32, #tpu.memory_space<hbm>>) target_semaphore(%arg14 : memref<!tpu.dma_semaphore, #tpu.memory_space<semaphore_mem>>)
    %mul3A_176 = arith.constant 8 : i32
    %mul3A_177 = arith.muli %mul3A_2, %mul3A_176 : i32
    %add3A_178 = arith.constant 6144 : i32
    %add3A_179 = arith.addi %mul3A_177, %add3A_178 : i32
    %dma_start3A_180 = arith.constant 6144 : i32
    %dma_start3A_181 = tpu.memref_slice %arg8[%dma_start3A_180] : memref<8192xi32, #tpu.memory_space<vmem>> -> memref<2048xi32, #tpu.memory_space<vmem>>
    %dma_start3A_182 = tpu.memref_slice %arg4[%add3A_179] : memref<262144xi32, #tpu.memory_space<hbm>> -> memref<2048xi32, #tpu.memory_space<hbm>>
    %dma_start3A_183 = tpu.memref_slice %arg4[%add3A_179] : memref<262144xi32, #tpu.memory_space<hbm>> -> memref<2048xi32, #tpu.memory_space<hbm>>
    %dma_start3A_184 = arith.constant 6144 : i32
    %dma_start3A_185 = tpu.memref_slice %arg8[%dma_start3A_184] : memref<8192xi32, #tpu.memory_space<vmem>> -> memref<2048xi32, #tpu.memory_space<vmem>>
    tpu.enqueue_dma source(%dma_start3A_185 : memref<2048xi32, #tpu.memory_space<vmem>>) target(%dma_start3A_183 : memref<2048xi32, #tpu.memory_space<hbm>>) target_semaphore(%arg14 : memref<!tpu.dma_semaphore, #tpu.memory_space<semaphore_mem>>)
    "tpu.region"() ({
      %run_scoped3A = tpu.sem_alloc : memref<!tpu.dma_semaphore, #tpu.memory_space<semaphore_mem>>
      %dma_start3A_234 = arith.constant 0 : i32
      %dma_start3A_235 = tpu.memref_slice %arg5[%add3A, %dma_start3A_234] : memref<32x64xf32, #tpu.memory_space<hbm>> -> memref<1x64xf32, #tpu.memory_space<hbm>>
      %dma_start3A_236 = tpu.memref_squeeze %dma_start3A_235 : memref<1x64xf32, #tpu.memory_space<hbm>> -> memref<64xf32, #tpu.memory_space<hbm>>
      %dma_start3A_237 = arith.constant 0 : i32
      %dma_start3A_238 = tpu.memref_slice %arg5[%add3A, %dma_start3A_237] : memref<32x64xf32, #tpu.memory_space<hbm>> -> memref<1x64xf32, #tpu.memory_space<hbm>>
      %dma_start3A_239 = tpu.memref_squeeze %dma_start3A_238 : memref<1x64xf32, #tpu.memory_space<hbm>> -> memref<64xf32, #tpu.memory_space<hbm>>
      tpu.enqueue_dma source(%arg9 : memref<64xf32, #tpu.memory_space<vmem>>) target(%dma_start3A_239 : memref<64xf32, #tpu.memory_space<hbm>>) target_semaphore(%run_scoped3A : memref<!tpu.dma_semaphore, #tpu.memory_space<semaphore_mem>>)
      %dma_wait3A_240 = arith.constant 0 : i32
      %dma_wait3A_241 = tpu.memref_slice %arg5[%add3A, %dma_wait3A_240] : memref<32x64xf32, #tpu.memory_space<hbm>> -> memref<1x64xf32, #tpu.memory_space<hbm>>
      %dma_wait3A_242 = tpu.memref_squeeze %dma_wait3A_241 : memref<1x64xf32, #tpu.memory_space<hbm>> -> memref<64xf32, #tpu.memory_space<hbm>>
      %dma_wait3A_243 = arith.constant 0 : i32
      %dma_wait3A_244 = tpu.memref_slice %arg5[%add3A, %dma_wait3A_243] : memref<32x64xf32, #tpu.memory_space<hbm>> -> memref<1x64xf32, #tpu.memory_space<hbm>>
      %dma_wait3A_245 = tpu.memref_squeeze %dma_wait3A_244 : memref<1x64xf32, #tpu.memory_space<hbm>> -> memref<64xf32, #tpu.memory_space<hbm>>
      tpu.wait_dma2 semaphore(%run_scoped3A : memref<!tpu.dma_semaphore, #tpu.memory_space<semaphore_mem>>) src(%arg9 : memref<64xf32, #tpu.memory_space<vmem>>) dst(%dma_wait3A_245 : memref<64xf32, #tpu.memory_space<hbm>>)
      tpu.yield
    }) : () -> ()
    %dma_wait3A_186 = arith.constant 0 : i32
    %dma_wait3A_187 = tpu.memref_slice %arg7[%dma_wait3A_186] : memref<8192xf32, #tpu.memory_space<vmem>> -> memref<2048xf32, #tpu.memory_space<vmem>>
    %dma_wait3A_188 = tpu.memref_slice %arg3[%add3A_73] : memref<262144xf32, #tpu.memory_space<hbm>> -> memref<2048xf32, #tpu.memory_space<hbm>>
    %dma_wait3A_189 = tpu.memref_slice %arg3[%add3A_73] : memref<262144xf32, #tpu.memory_space<hbm>> -> memref<2048xf32, #tpu.memory_space<hbm>>
    %dma_wait3A_190 = arith.constant 0 : i32
    %dma_wait3A_191 = tpu.memref_slice %arg7[%dma_wait3A_190] : memref<8192xf32, #tpu.memory_space<vmem>> -> memref<2048xf32, #tpu.memory_space<vmem>>
    tpu.wait_dma2 semaphore(%arg14 : memref<!tpu.dma_semaphore, #tpu.memory_space<semaphore_mem>>) src(%dma_wait3A_191 : memref<2048xf32, #tpu.memory_space<vmem>>) dst(%dma_wait3A_189 : memref<2048xf32, #tpu.memory_space<hbm>>)
    %dma_wait3A_192 = arith.constant 0 : i32
    %dma_wait3A_193 = tpu.memref_slice %arg8[%dma_wait3A_192] : memref<8192xi32, #tpu.memory_space<vmem>> -> memref<2048xi32, #tpu.memory_space<vmem>>
    %dma_wait3A_194 = tpu.memref_slice %arg4[%add3A_83] : memref<262144xi32, #tpu.memory_space<hbm>> -> memref<2048xi32, #tpu.memory_space<hbm>>
    %dma_wait3A_195 = tpu.memref_slice %arg4[%add3A_83] : memref<262144xi32, #tpu.memory_space<hbm>> -> memref<2048xi32, #tpu.memory_space<hbm>>
    %dma_wait3A_196 = arith.constant 0 : i32
    %dma_wait3A_197 = tpu.memref_slice %arg8[%dma_wait3A_196] : memref<8192xi32, #tpu.memory_space<vmem>> -> memref<2048xi32, #tpu.memory_space<vmem>>
    tpu.wait_dma2 semaphore(%arg14 : memref<!tpu.dma_semaphore, #tpu.memory_space<semaphore_mem>>) src(%dma_wait3A_197 : memref<2048xi32, #tpu.memory_space<vmem>>) dst(%dma_wait3A_195 : memref<2048xi32, #tpu.memory_space<hbm>>)
    %dma_wait3A_198 = arith.constant 2048 : i32
    %dma_wait3A_199 = tpu.memref_slice %arg7[%dma_wait3A_198] : memref<8192xf32, #tpu.memory_space<vmem>> -> memref<2048xf32, #tpu.memory_space<vmem>>
    %dma_wait3A_200 = tpu.memref_slice %arg3[%add3A_105] : memref<262144xf32, #tpu.memory_space<hbm>> -> memref<2048xf32, #tpu.memory_space<hbm>>
    %dma_wait3A_201 = tpu.memref_slice %arg3[%add3A_105] : memref<262144xf32, #tpu.memory_space<hbm>> -> memref<2048xf32, #tpu.memory_space<hbm>>
    %dma_wait3A_202 = arith.constant 2048 : i32
    %dma_wait3A_203 = tpu.memref_slice %arg7[%dma_wait3A_202] : memref<8192xf32, #tpu.memory_space<vmem>> -> memref<2048xf32, #tpu.memory_space<vmem>>
    tpu.wait_dma2 semaphore(%arg14 : memref<!tpu.dma_semaphore, #tpu.memory_space<semaphore_mem>>) src(%dma_wait3A_203 : memref<2048xf32, #tpu.memory_space<vmem>>) dst(%dma_wait3A_201 : memref<2048xf32, #tpu.memory_space<hbm>>)
    %dma_wait3A_204 = arith.constant 2048 : i32
    %dma_wait3A_205 = tpu.memref_slice %arg8[%dma_wait3A_204] : memref<8192xi32, #tpu.memory_space<vmem>> -> memref<2048xi32, #tpu.memory_space<vmem>>
    %dma_wait3A_206 = tpu.memref_slice %arg4[%add3A_115] : memref<262144xi32, #tpu.memory_space<hbm>> -> memref<2048xi32, #tpu.memory_space<hbm>>
    %dma_wait3A_207 = tpu.memref_slice %arg4[%add3A_115] : memref<262144xi32, #tpu.memory_space<hbm>> -> memref<2048xi32, #tpu.memory_space<hbm>>
    %dma_wait3A_208 = arith.constant 2048 : i32
    %dma_wait3A_209 = tpu.memref_slice %arg8[%dma_wait3A_208] : memref<8192xi32, #tpu.memory_space<vmem>> -> memref<2048xi32, #tpu.memory_space<vmem>>
    tpu.wait_dma2 semaphore(%arg14 : memref<!tpu.dma_semaphore, #tpu.memory_space<semaphore_mem>>) src(%dma_wait3A_209 : memref<2048xi32, #tpu.memory_space<vmem>>) dst(%dma_wait3A_207 : memref<2048xi32, #tpu.memory_space<hbm>>)
    %dma_wait3A_210 = arith.constant 4096 : i32
    %dma_wait3A_211 = tpu.memref_slice %arg7[%dma_wait3A_210] : memref<8192xf32, #tpu.memory_space<vmem>> -> memref<2048xf32, #tpu.memory_space<vmem>>
    %dma_wait3A_212 = tpu.memref_slice %arg3[%add3A_137] : memref<262144xf32, #tpu.memory_space<hbm>> -> memref<2048xf32, #tpu.memory_space<hbm>>
    %dma_wait3A_213 = tpu.memref_slice %arg3[%add3A_137] : memref<262144xf32, #tpu.memory_space<hbm>> -> memref<2048xf32, #tpu.memory_space<hbm>>
    %dma_wait3A_214 = arith.constant 4096 : i32
    %dma_wait3A_215 = tpu.memref_slice %arg7[%dma_wait3A_214] : memref<8192xf32, #tpu.memory_space<vmem>> -> memref<2048xf32, #tpu.memory_space<vmem>>
    tpu.wait_dma2 semaphore(%arg14 : memref<!tpu.dma_semaphore, #tpu.memory_space<semaphore_mem>>) src(%dma_wait3A_215 : memref<2048xf32, #tpu.memory_space<vmem>>) dst(%dma_wait3A_213 : memref<2048xf32, #tpu.memory_space<hbm>>)
    %dma_wait3A_216 = arith.constant 4096 : i32
    %dma_wait3A_217 = tpu.memref_slice %arg8[%dma_wait3A_216] : memref<8192xi32, #tpu.memory_space<vmem>> -> memref<2048xi32, #tpu.memory_space<vmem>>
    %dma_wait3A_218 = tpu.memref_slice %arg4[%add3A_147] : memref<262144xi32, #tpu.memory_space<hbm>> -> memref<2048xi32, #tpu.memory_space<hbm>>
    %dma_wait3A_219 = tpu.memref_slice %arg4[%add3A_147] : memref<262144xi32, #tpu.memory_space<hbm>> -> memref<2048xi32, #tpu.memory_space<hbm>>
    %dma_wait3A_220 = arith.constant 4096 : i32
    %dma_wait3A_221 = tpu.memref_slice %arg8[%dma_wait3A_220] : memref<8192xi32, #tpu.memory_space<vmem>> -> memref<2048xi32, #tpu.memory_space<vmem>>
    tpu.wait_dma2 semaphore(%arg14 : memref<!tpu.dma_semaphore, #tpu.memory_space<semaphore_mem>>) src(%dma_wait3A_221 : memref<2048xi32, #tpu.memory_space<vmem>>) dst(%dma_wait3A_219 : memref<2048xi32, #tpu.memory_space<hbm>>)
    %dma_wait3A_222 = arith.constant 6144 : i32
    %dma_wait3A_223 = tpu.memref_slice %arg7[%dma_wait3A_222] : memref<8192xf32, #tpu.memory_space<vmem>> -> memref<2048xf32, #tpu.memory_space<vmem>>
    %dma_wait3A_224 = tpu.memref_slice %arg3[%add3A_169] : memref<262144xf32, #tpu.memory_space<hbm>> -> memref<2048xf32, #tpu.memory_space<hbm>>
    %dma_wait3A_225 = tpu.memref_slice %arg3[%add3A_169] : memref<262144xf32, #tpu.memory_space<hbm>> -> memref<2048xf32, #tpu.memory_space<hbm>>
    %dma_wait3A_226 = arith.constant 6144 : i32
    %dma_wait3A_227 = tpu.memref_slice %arg7[%dma_wait3A_226] : memref<8192xf32, #tpu.memory_space<vmem>> -> memref<2048xf32, #tpu.memory_space<vmem>>
    tpu.wait_dma2 semaphore(%arg14 : memref<!tpu.dma_semaphore, #tpu.memory_space<semaphore_mem>>) src(%dma_wait3A_227 : memref<2048xf32, #tpu.memory_space<vmem>>) dst(%dma_wait3A_225 : memref<2048xf32, #tpu.memory_space<hbm>>)
    %dma_wait3A_228 = arith.constant 6144 : i32
    %dma_wait3A_229 = tpu.memref_slice %arg8[%dma_wait3A_228] : memref<8192xi32, #tpu.memory_space<vmem>> -> memref<2048xi32, #tpu.memory_space<vmem>>
    %dma_wait3A_230 = tpu.memref_slice %arg4[%add3A_179] : memref<262144xi32, #tpu.memory_space<hbm>> -> memref<2048xi32, #tpu.memory_space<hbm>>
    %dma_wait3A_231 = tpu.memref_slice %arg4[%add3A_179] : memref<262144xi32, #tpu.memory_space<hbm>> -> memref<2048xi32, #tpu.memory_space<hbm>>
    %dma_wait3A_232 = arith.constant 6144 : i32
    %dma_wait3A_233 = tpu.memref_slice %arg8[%dma_wait3A_232] : memref<8192xi32, #tpu.memory_space<vmem>> -> memref<2048xi32, #tpu.memory_space<vmem>>
    tpu.wait_dma2 semaphore(%arg14 : memref<!tpu.dma_semaphore, #tpu.memory_space<semaphore_mem>>) src(%dma_wait3A_233 : memref<2048xi32, #tpu.memory_space<vmem>>) dst(%dma_wait3A_231 : memref<2048xi32, #tpu.memory_space<hbm>>)
    return
  }
}

module attributes {stable_mosaic.version = 14 : i64} {
  func.func @_gate_softmax_body(%arg0: i32, %arg1: memref<1024x4096xf32, #tpu.memory_space<vmem>>, %arg2: memref<64x4096xf32, #tpu.memory_space<vmem>>, %arg3: memref<512x128xf32, #tpu.memory_space<vmem>>) attributes {dimension_semantics = [#tpu.dimension_semantics<arbitrary>], iteration_bounds = array<i64: 32>, scalar_prefetch = 0 : i64, scratch_operands = 0 : i64, tpu.core_type = #tpu.core_type<tc>, window_params = [{transform_indices = @transform_0, window_bounds = array<i64: 1024, 4096>}, {pipeline_mode = #tpu.pipeline_mode<synchronous>, transform_indices = @transform_1, window_bounds = array<i64: 64, 4096>}, {transform_indices = @transform_2, window_bounds = array<i64: 512, 128>}]} {
    %get3A = arith.constant 0 : index
    %get3A_0 = arith.constant 0 : index
    %get3A_1 = vector.load %arg2[%get3A, %get3A_0] : memref<64x4096xf32, #tpu.memory_space<vmem>>, vector<64x4096xf32>
    %get3A_2 = arith.constant 0 : index
    %get3A_3 = arith.constant 0 : index
    %get3A_4 = vector.load %arg1[%get3A_2, %get3A_3] : memref<1024x4096xf32, #tpu.memory_space<vmem>>, vector<1024x4096xf32>
    %dot_general3A = arith.constant dense<0.000000e+00> : vector<64x1024xf32>
    %dot_general3A_5 = tpu.matmul %get3A_1, %get3A_4, %dot_general3A {dimension_numbers = #tpu.dot_dimension_numbers<[1], [1], [0], [0], [0, 0, 1, 0], [], []>, transpose_lhs_hint = false} : vector<64x4096xf32>, vector<1024x4096xf32>, vector<64x1024xf32> -> vector<64x1024xf32>
    %reduce_max3A = arith.constant dense<0xFF800000> : vector<1024xf32>
    %reduce_max3A_6 = vector.multi_reduction <maximumf>, %dot_general3A_5, %reduce_max3A [0] : vector<64x1024xf32> to vector<1024xf32>
    %broadcast_in_dim3A = vector.shape_cast %reduce_max3A_6 : vector<1024xf32> to vector<1x1024xf32>
    %sub3A = vector.broadcast %broadcast_in_dim3A : vector<1x1024xf32> to vector<64x1024xf32>
    %sub3A_7 = arith.subf %dot_general3A_5, %sub3A : vector<64x1024xf32>
    %exp3A = math.exp %sub3A_7 : vector<64x1024xf32>
    %reduce_sum3A = arith.constant dense<0.000000e+00> : vector<1024xf32>
    %reduce_sum3A_8 = vector.multi_reduction <add>, %exp3A, %reduce_sum3A [0] : vector<64x1024xf32> to vector<1024xf32>
    %broadcast_in_dim3A_9 = vector.shape_cast %reduce_sum3A_8 : vector<1024xf32> to vector<1x1024xf32>
    %div3A = vector.broadcast %broadcast_in_dim3A_9 : vector<1x1024xf32> to vector<64x1024xf32>
    %div3A_10 = arith.divf %exp3A, %div3A : vector<64x1024xf32>
    %slice3A = vector.extract_strided_slice %div3A_10 {offsets = [0, 0], sizes = [64, 256], strides = [1, 1]} : vector<64x1024xf32> to vector<64x256xf32>
    %reshape3A = vector.shape_cast %slice3A : vector<64x256xf32> to vector<128x128xf32>
    %slice3A_11 = vector.extract_strided_slice %div3A_10 {offsets = [0, 256], sizes = [64, 256], strides = [1, 1]} : vector<64x1024xf32> to vector<64x256xf32>
    %reshape3A_12 = vector.shape_cast %slice3A_11 : vector<64x256xf32> to vector<128x128xf32>
    %slice3A_13 = vector.extract_strided_slice %div3A_10 {offsets = [0, 512], sizes = [64, 256], strides = [1, 1]} : vector<64x1024xf32> to vector<64x256xf32>
    %reshape3A_14 = vector.shape_cast %slice3A_13 : vector<64x256xf32> to vector<128x128xf32>
    %slice3A_15 = vector.extract_strided_slice %div3A_10 {offsets = [0, 768], sizes = [64, 256], strides = [1, 1]} : vector<64x1024xf32> to vector<64x256xf32>
    %reshape3A_16 = vector.shape_cast %slice3A_15 : vector<64x256xf32> to vector<128x128xf32>
    %concatenate3A = tpu.concatenate %reshape3A, %reshape3A_12, %reshape3A_14, %reshape3A_16 in 0 : vector<128x128xf32>, vector<128x128xf32>, vector<128x128xf32>, vector<128x128xf32> -> vector<512x128xf32>
    %swap3A = arith.constant 0 : index
    %swap3A_17 = arith.constant 0 : index
    %swap3A_18 = vector.load %arg3[%swap3A, %swap3A_17] : memref<512x128xf32, #tpu.memory_space<vmem>>, vector<512x128xf32>
    tpu.vector_store %arg3[%swap3A, %swap3A_17], %concatenate3A {strides = array<i32>} : memref<512x128xf32, #tpu.memory_space<vmem>>, vector<512x128xf32>,
    return
  }
  func.func @transform_0(%arg0: i32) -> (i32, i32) {
    %add3A = arith.constant 0 : i32
    %add3A_0 = arith.addi %arg0, %add3A : i32
    %c0_i32 = arith.constant 0 : i32
    %c0_i32_1 = arith.constant 0 : i32
    return %add3A_0, %c0_i32 : i32, i32
  }
  func.func @transform_1(%arg0: i32) -> (i32, i32) {
    %c0_i32 = arith.constant 0 : i32
    %c0_i32_0 = arith.constant 0 : i32
    %c0_i32_1 = arith.constant 0 : i32
    return %c0_i32, %c0_i32_0 : i32, i32
  }
  func.func @transform_2(%arg0: i32) -> (i32, i32) {
    %c0_i32 = arith.constant 0 : i32
    %c0_i32_0 = arith.constant 0 : i32
    return %arg0, %c0_i32 : i32, i32
  }
}

</mosaic_0001>

<sc_bundles>
// kernel: kernel.4.cloned.1.call-start
scs
__scs_entry_jumppad:
0x0: {  	(pc) =	sbr.rel $0x88, $3  }
0x1: {  	(tag) =	ssettag $0x0;
	lr =	simm.s32 $0x1  }
0x2: {  	[smem:$0x3F9F] =	sst lr;
	_ =	strace $0xD0000000  }
0x3: {  	_ = 	snop  }
0x4: {  	_ = 	snop  }
0x5: {  	_ = 	snop  }
0x6: {  	_ = 	snop  }
0x7: {  	_ = 	snop  }
__scs_overlays_trampoline_lowered:
0x8: {  	[smem:$0x3FAE] =	sst s0  }
0x9: {  	[smem:$0x3FAF] =	sst s1  }
0xa: {  	[smem:$0x3FB0] =	sst s2  }
0xb: {  	[smem:$0x3FB1] =	sst s3  }
0xc: {  	[smem:$0x3FB2] =	sst s4  }
0xd: {  	[smem:$0x3FB3] =	sst s5  }
0xe: {  	[smem:$0x3FB4] =	sst s6  }
0xf: {  	[smem:$0x3FB5] =	sst s7  }
0x10: {  	[smem:$0x3FB6] =	sst s8  }
0x11: {  	[smem:$0x3FB7] =	sst s9;
	s0 =	simm.s32 @!p0 $0x0  }
0x12: {  	s1 =	sld [smem:$0x3F9D];
	s0 =	simm.s32 @p0 $0x1  }
0x13: {  	[smem:$0x3FB8] =	sst s0;
	s0 =	simm.s32 @!p1 $0x0  }
0x14: {  	s2 =	sld [smem:$0x3F9C];
	s0 =	simm.s32 @p1 $0x1  }
0x15: {  	[smem:$0x3FB9] =	sst s0;
	s0 =	simm.s32 @!p2 $0x0  }
0x16: {  	s3 =	sld [smem:$0x3FDB];
	s0 =	simm.s32 @p2 $0x1  }
0x17: {  	s4 =	simm.s32 $0x1BF5;
	[smem:$0x3FBB] =	sst s0  }
0x18: {  	s0 =	sld [smem:$0x3F9E];
	_ =	swait.ge [sflag:s4], $0x0  }
0x19: {  	s7 =	sld [smem:$0x3F9F]  }
0x1a: {  	s8 =	sadd.s32 $0xFFFFE003, lr  }
0x1b: {  	s9 =	sadd.s32 $0xFFFFFEF7, lr;
	s5 =	simm.s32 $0xFFFFFFFF;
	p2 =	slt.u32 s8, $0xFFFFF086  }
0x1c: {  	p1 =	slt.u32 s9, $0xF7A;
	s5 =	simm.s32 @!p2 $0x0  }
0x1d: {  	s5 =	simm.s32 @p1 $0x1;
	p0 =	seq.s32 s7, s2  }
0x1e: {  	s7 =	smul.u32 @!p0 $0xF7A, s2;
	p2 =	seq.s32 @!p0 s5, $0x0  }
0x1f: {  	s9 =	smul.u32 $0xF7A, s1;
	s8 =	simm.s32 @!p0 $0x1BF5;
	p2 =	por !p2, p0  }
0x20: {  	[sflag:s8] =	ssyncset.s32 @!p0 $0xFFFFF086;
	s6 =	sadd.s32 @!p0 s3, s7;
	s7 =	simm.s32 @!p0 $0x108  }
0x21: {  	s3 =	sadd.s32 s3, s9;
	s6 =	sadd.s32 @!p0 $0x88, s6;
	s7 =	simm.s32 @p2 $0x1082  }
0x22: {  	[simem:s7], [sflag:s8] =	dma.local @!p0 [hbm:s6], $0xF7A  }
0x23: {  	s9 =	sor.u32 $0xD0000000, s2;
	s6 =	simm.s32 $0x108;
	_ =	swait.ge @!p0 [sflag:s8], $0x0  }
0x24: {  	s3 =	sadd.s32 $0x88, s3;
	s6 =	simm.s32 @!p1 $0x1082;
	[sflag:s4] =	ssyncset.s32 $0xFFFFF086  }
0x25: {  	[simem:s6], [sflag:s4] =	dma.local [hbm:s3], $0xF7A  }
0x26: {  	[smem:$0x3F9F] =	sst s1;
	(tag) =	ssettag s2;
	_ =	strace s9  }
0x27: {  	s1 =	sld [smem:$0x3FAF]  }
0x28: {  	s2 =	sld [smem:$0x3FB0]  }
0x29: {  	s4 =	sld [smem:$0x3FB2]  }
0x2a: {  	p0 =	seq.s32 s5, $0x0;
	s5 =	sld [smem:$0x3FB3]  }
0x2b: {  	s6 =	sld [smem:$0x3FB4]  }
0x2c: {  	s7 =	sld [smem:$0x3FB5]  }
0x2d: {  	s3 =	simm.s32 $0x108;
	s8 =	sld [smem:$0x3FB6]  }
0x2e: {  	s3 =	simm.s32 @!p0 $0x1082;
	s9 =	sld [smem:$0x3FB7]  }
0x2f: {  	lr =	sadd.s32 s0, s3;
	s0 =	sld [smem:$0x3FAE]  }
0x30: {  	s3 =	sld [smem:$0x3FB1]  }
0x31: {  	[smem:$0x3FBA] =	sst s10  }
0x32: {  	s10 =	sld [smem:$0x3FB8];
	_ =	sdelay $0x3  }
0x33: {  	p0 =	seq.s32 s10, $0x1;
	s10 =	sld [smem:$0x3FBA];
	_ =	sdelay $0x3  }
0x34: {  	[smem:$0x3FBA] =	sst s10  }
0x35: {  	s10 =	sld [smem:$0x3FB9];
	_ =	sdelay $0x3  }
0x36: {  	p1 =	seq.s32 s10, $0x1;
	s10 =	sld [smem:$0x3FBA];
	_ =	sdelay $0x3  }
0x37: {  	[smem:$0x3FBA] =	sst s10  }
0x38: {  	s10 =	sld [smem:$0x3FBB]  }
0x39: {  	_ = 	snop;
	(pc) =	sbr.ind lr, $3  }
0x3a: {  	_ = 	snop  }
0x3b: {  	_ = 	snop  }
0x3c: {  	p2 =	seq.s32 s10, $0x1;
	s10 =	sld [smem:$0x3FBA]  }
0x3d: {  	_ =	shalt  }
0x3e: {  	_ =	shalt  }
0x3f: {  	_ =	shalt  }
0x40: {  	_ =	shalt  }
0x41: {  	_ =	shalt  }
0x42: {  	_ =	shalt  }
0x43: {  	_ =	shalt  }
0x44: {  	_ =	shalt  }
0x45: {  	_ =	shalt  }
0x46: {  	_ =	shalt  }
0x47: {  	_ =	shalt  }
0x48: {  	_ =	shalt  }
0x49: {  	_ =	shalt  }
0x4a: {  	_ =	shalt  }
0x4b: {  	_ =	shalt  }
0x4c: {  	_ =	shalt  }
0x4d: {  	_ =	shalt  }
0x4e: {  	_ =	shalt  }
0x4f: {  	_ =	shalt  }
0x50: {  	_ =	shalt  }
0x51: {  	_ =	shalt  }
0x52: {  	_ =	shalt  }
0x53: {  	_ =	shalt  }
0x54: {  	_ =	shalt  }
0x55: {  	_ =	shalt  }
0x56: {  	_ =	shalt  }
0x57: {  	_ =	shalt  }
0x58: {  	_ =	shalt  }
0x59: {  	_ =	shalt  }
0x5a: {  	_ =	shalt  }
0x5b: {  	_ =	shalt  }
0x5c: {  	_ =	shalt  }
0x5d: {  	_ =	shalt  }
0x5e: {  	_ =	shalt  }
0x5f: {  	_ =	shalt  }
0x60: {  	_ =	shalt  }
0x61: {  	_ =	shalt  }
0x62: {  	_ =	shalt  }
0x63: {  	_ =	shalt  }
0x64: {  	_ =	shalt  }
0x65: {  	_ =	shalt  }
0x66: {  	_ =	shalt  }
0x67: {  	_ =	shalt  }
0x68: {  	_ =	shalt  }
0x69: {  	_ =	shalt  }
0x6a: {  	_ =	shalt  }
0x6b: {  	_ =	shalt  }
0x6c: {  	_ =	shalt  }
0x6d: {  	_ =	shalt  }
0x6e: {  	_ =	shalt  }
0x6f: {  	_ =	shalt  }
0x70: {  	_ =	shalt  }
0x71: {  	_ =	shalt  }
0x72: {  	_ =	shalt  }
0x73: {  	_ =	shalt  }
0x74: {  	_ =	shalt  }
0x75: {  	_ =	shalt  }
0x76: {  	_ =	shalt  }
0x77: {  	_ =	shalt  }
0x78: {  	_ =	shalt  }
0x79: {  	_ =	shalt  }
0x7a: {  	_ =	shalt  }
0x7b: {  	_ =	shalt  }
0x7c: {  	_ =	shalt  }
0x7d: {  	_ =	shalt  }
0x7e: {  	_ =	shalt  }
0x7f: {  	_ =	shalt  }
0x80: {  	_ =	shalt  }
0x81: {  	_ =	shalt  }
0x82: {  	_ =	shalt  }
0x83: {  	_ =	shalt  }
0x84: {  	_ =	shalt  }
0x85: {  	_ =	shalt  }
0x86: {  	_ =	shalt  }
0x87: {  	_ =	shalt  }
.Lfunc_end0:
.L_simem_size_0:
called_computation_lowered:
.L_overlay_start_0:
0x88: {  	s2 =	sld [smem:$0x3FD9]  }
0x89: {  	s3 =	sld [smem:$0x3FFE];
	_ =	sdelay $0x1  }
0x8a: {  	s1 =	srdreg.scid  }
0x8b: {  	s0 =	sand.u32 $0x1, s1  }
0x8c: {  	s14 =	sshll.u32 s0, $0xA;
	s2 =	sadd.s32 s3, s2  }
0x8d: {  	s2 =	sadd.s32 s2, s14  }
0x8e: {  	[smem:$0x3FC6] =	sst s2  }
0x8f: {  	_ = 	snop  }
0x90: {  	s2 =	sld [smem:$0x3FD0];
	_ =	sdelay $0x2  }
0x91: {  	s15 =	simm.s32 $0xA;
	s4 =	simm.s32 $0x10  }
0x92: {  	[smem:s4], [sflag:s15] =	dma.local [hbm:s2], $0x1  }
0x93: {  	_ =	swait.eq [sflag:s15], $0x1  }
0x94: {  	[sflag:s15] =	ssyncset.done $0x0  }
0x95: {  	[sflag:s15] =	ssyncadd.s32 $0xFFFFFFFF  }
0x96: {  	s16 =	sld [smem:$0x11];
	(tm) =	ssettm $0x1  }
0x97: {  	s17 =	sld [smem:$0x3FFB];
	_ =	sdelay $0x3  }
0x98: {  	_ =	strace s17  }
0x99: {  	s3 =	sld [smem:$0x3FFC];
	_ =	sdelay $0x3  }
0x9a: {  	_ =	strace s3  }
0x9b: {  	s3 =	sld [smem:$0x3FFD];
	_ =	sdelay $0x3  }
0x9c: {  	_ =	strace s3  }
0x9d: {  	_ =	strace $0x8FFFFFFF  }
0x9e: {  	s18 =	sld [smem:$0x3FDB];
	_ =	sdelay $0x1  }
0x9f: {  	s19 =	simm.s32 $_scs_section_size  }
0xa0: {  	s5 =	simm.s32 $_size__tile_overlayer_lowered;
	s6 =	simm.s32 $_tile_overlayer_lowered  }
0xa1: {  	s22 =	simm.s32 $0x1BFF;
	s21 =	sshll.u32 s6, $0x1;
	s3 =	sadd.s32 s19, s18  }
0xa2: {  	s7 =	simm.s32 $0x0;
	s20 =	sshll.u32 s5, $0x1;
	s5 =	sadd.s32 s21, s3  }
0xa3: {  	[timem:s7], [sflag:s22] =	dma.local [hbm:s5], s20  }
0xa4: {  	_ =	swait.ge [sflag:s22], s20  }
0xa5: {  	s4 =	ssub.s32 $0x0, s20;
	[sflag:s22] =	ssyncset.done $0x0  }
0xa6: {  	[sflag:s22] =	ssyncadd.s32 s4;
	_ =	sdelay $0x1  }
0xa7: {  	s23 =	simm.s32 $0x1B8B  }
0xa8: {  	_ =	swait.ge [sflag:s23], $0x1  }
0xa9: {  	[sflag:s23] =	ssyncset.done $0x0  }
0xaa: {  	s25 =	simm.s32 $0x1B8E;
	s24 =	sld [smem:$0x3FFE];
	[sflag:s23] =	ssyncadd.s32 $0xFFFFFFFF  }
0xab: {  	s26 =	simm.s32 $execute0_lowered;
	[smem:$0x3FD2] =	sst s25  }
0xac: {  	s5 =	sshll.u32 s26, $0x1;
	_ =	strace $0x80000046;
	[dreg:$0x1] =	wrdreg $0xFFFFFFFF  }
0xad: {  	s28 =	simm.s32 $_size_execute0_lowered;
	s3 =	sadd.s32 s3, s5;
	[dreg:$0x0] =	wrdreg $0x0  }
0xae: {  	s5 =	sshll.u32 s28, $0x1;
	[dreg:$0x2] =	wrdreg s3  }
0xaf: {  	[dreg:$0x3] =	wrdreg s5  }
0xb0: {  	[dreg:$0x4] =	wrdreg $0xC0  }
0xb1: {  	_ =	task [dreg:s7], $0x5FFFF  }
0xb2: {  	[dreg:$0x1] =	wrdreg $0xFFFFFFFF  }
0xb3: {  	[dreg:$0x0] =	wrdreg $0x60  }
0xb4: {  	[dreg:$0x2] =	wrdreg s24  }
0xb5: {  	[dreg:$0x3] =	wrdreg s16  }
0xb6: {  	[dreg:$0x4] =	wrdreg $0x9  }
0xb7: {  	_ =	task.clear_ibuf [dreg:s7], $0x5FFFF;
	_ =	strace $0x90000046  }
0xb8: {  	s29 =	simm.s32 $0x9;
	_ =	strace $0x80000048  }
0xb9: {  	_ =	swait.ge [sflag:s29], $0x1  }
0xba: {  	[sflag:s29] =	ssyncadd.s32 $0xFFFFFFFF  }
0xbb: {  	_ =	strace $0x90000048  }
0xbc: {  	_ =	sfence  }
0xbd: {  	s30 =	sld [smem:$0x0];
	_ =	sdelay $0x2  }
0xbe: {  	s31 =	sshll.u32 s1, $0xD;
	s1 =	sshrl.u32 s1, $0x2  }
0xbf: {  	s3 =	sand.u32 $0x4000, s31;
	s1 =	sadd.s32 s1, s30  }
0xc0: {  	s0 =	sor.u32 s3, s0;
	s1 =	sshll.u32 s1, $0x11  }
0xc1: {  	s0 =	sor.u32 s1, s0  }
0xc2: {  	s0 =	sadd.s32 $0x8F2B, s0  }
0xc3: {  	[sflag:s0] =	ssyncadd.remote.s32 $0x1  }
0xc4: {  	_ =	sfence.sel $0xFFFF  }
0xc5: {  	[dreg:$0x0] =	wrdreg $0xFFFFFFFF;
	(pc) =	sbr.abs _section_cstart, $3  }
0xc6: {  	[dreg:$0x1] =	wrdreg $0xFFFFFFFF  }
0xc7: {  	_ =	task.clear_ibuf [dreg:s7], $0x2FFFF;
	_ =	strace $0x9FFFFFFF  }
0xc8: {  	(tm) =	ssettm $0x7FFFFFFF  }
0xc9: {  	_ =	shalt  }
tec
execute0_lowered:
.L_overlay_start_1:
0x0: {  	(tag) =	ssettag $0x1  }
0x1: {  	s0 =	rddreg [dreg:$0x0];
	s1 =	srdreg.scid  }
0x2: {  	s2 =	stileid.u32;
	s13 =	rddreg [dreg:$0x1]  }
0x3: {  	s20 =	simm.s32 $0x1;
	s21 =	simm.s32 $0x10000;
	s22 =	simm.s32 $0x12000  }
0x4: {  	s23 =	simm.s32 $0x14000;
	s24 =	simm.s32 $0x2;
	s28 =	simm.s32 $0x3  }
0x5: {  	s30 =	simm.s32 $0x13000;
	s31 =	simm.s32 $0x4;
	s17 =	simm.s32 $0x6  }
0x6: {  	s18 =	simm.s32 $0x5;
	s19 =	simm.s32 $0x0;
	s1 =	sand.u32 $0x1, s1  }
0x7: {  	s3 =	sshll.u32 s2, $0x1;
	s2 =	simm.s32 $0x0;
	s14 =	sadd.s32 $0x40C00, s0  }
0x8: {  	s6 =	sor.u32 s1, s3;
	[smem:$0x7FF] =	sst s2;
	s1 =	ssub.s32 $0x2, s1  }
0x9: {  	s3 =	sshll.u32 s6, $0xD;
	_ =	strace $0x80000047;
	s29 =	sshll.u32 s6, $0x4  }
0xa: {  	s4 =	sshrl.u32 s1, $0x1;
	s12 =	sshll.u32 s6, $0xA;
	s7 =	sadd.s32 s3, s0  }
0xb: {  	s0 =	sadd.s32 s29, s0;
	s1 =	ssub.s32 s1, s4;
	s10 =	sor.u32 $0x100, s12  }
0xc: {  	s8 =	sadd.s32 s14, s12;
	s15 =	sor.u32 $0x200, s12;
	s16 =	sor.u32 $0x300, s12  }
0xd: {  	s3 =	sadd.s32 $0xC00, s7;
	s4 =	sadd.s32 $0x1400, s7;
	s5 =	sadd.s32 $0x1C00, s7  }
0xe: {  	s6 =	sadd.s32 $0x2400, s7;
	s7 =	sadd.s32 s13, s12;
	s9 =	sadd.s32 s13, s10  }
0xf: {  	s10 =	sadd.s32 s14, s10;
	s11 =	sadd.s32 s13, s15;
	s12 =	sadd.s32 s14, s15  }
0x10: {  	v0 =	vimm.f32 $0.0e+00;
	s13 =	sadd.s32 s13, s16;
	s14 =	sadd.s32 s14, s16;
	s15 =	sadd.s32 $0x48C00, s0  }
0x11: {  	v1 =	vlaneseq.u32;
	v2 =	vimm.s32 $0x0;
	v3 =	vimm.f32 $1.000000000e+00;
	s16 =	smax.u32 s1, $0x1;
	s1 =	simm.s32 $0x11800;
	s0 =	simm.s32 $0x13800  }
.LBB2_1:
0x12: {  	[tilespmem:s2], [sflag:$0x1] =	stream.linear.gather [hbm4b:s3+s2], $0x4000, $0x38;
	[tilespmem:$0x14080] =	vst v63  }
0x13: {  	s25 =	simm.s32 $0x4000  }
0x14: {  	[tilespmem:s25], [sflag:$0x2] =	stream.linear.gather [hbm4b:s4+s2], $0x4000, $0x38;
	[tilespmem:$0x14080] =	vst v63  }
0x15: {  	s26 =	simm.s32 $0x8000  }
0x16: {  	[tilespmem:s26], [sflag:$0x3] =	stream.linear.gather [hbm4b:s5+s2], $0x4000, $0x38;
	[tilespmem:$0x14080] =	vst v63  }
0x17: {  	s29 =	simm.s32 $0xC000  }
0x18: {  	[tilespmem:s29], [sflag:$0x4] =	stream.linear.gather [hbm4b:s6+s2], $0x4000, $0x38;
	[tilespmem:$0x14080] =	vst v63  }
0x19: {  	[tilespmem:$0x14000] =	vst v0  }
0x1a: {  	[tilespmem:$0x14010] =	vst v0  }
0x1b: {  	[tilespmem:$0x14020] =	vst v0  }
0x1c: {  	[tilespmem:$0x14030] =	vst v0  }
0x1d: {  	_ =	swait.ge [sflag:s20], $0x4000  }
0x1e: {  	[sflag:s20] =	ssyncset.done $0x0  }
0x1f: {  	s25 =	simm.s32 $0x0;
	s26 =	simm.s32 $0x0;
	[sflag:s20] =	ssyncadd.s32 $0xFFFFC000  }
.LBB2_2:
0x20: {  	v4 =	vld [tilespmem:s25+$0x0];
	s29 =	sand.u32 $0xF0, s26  }
0x21: {  	v5 =	vld [tilespmem:s29+$0x100]  }
0x22: {  	v6 =	vld [tilespmem:s29+$0x200]  }
0x23: {  	v7 =	vld [tilespmem:s29+$0x300]  }
0x24: {  	v8 =	vld [tilespmem:s29+$0x400]  }
0x25: {  	v9 =	vld [tilespmem:s29+$0x500]  }
0x26: {  	v10 =	vld [tilespmem:s29+$0x600]  }
0x27: {  	v11 =	vld [tilespmem:s29+$0x700]  }
0x28: {  	v12 =	vld [tilespmem:s29+$0x800]  }
0x29: {  	v13 =	vld [tilespmem:s29+$0x900]  }
0x2a: {  	v14 =	vld [tilespmem:s29+$0xA00]  }
0x2b: {  	v15 =	vld [tilespmem:s29+$0xB00]  }
0x2c: {  	v16 =	vld [tilespmem:s29+$0xC00]  }
0x2d: {  	v17 =	vld [tilespmem:s29+$0xD00]  }
0x2e: {  	v18 =	vld [tilespmem:s29+$0xE00]  }
0x2f: {  	v19 =	vld [tilespmem:s29+$0xF00]  }
0x30: {  	v20 =	vld [tilespmem:s29+$0x1000]  }
0x31: {  	v21 =	vld [tilespmem:s29+$0x1100]  }
0x32: {  	v22 =	vld [tilespmem:s29+$0x1200]  }
0x33: {  	v23 =	vld [tilespmem:s29+$0x1300]  }
0x34: {  	v24 =	vld [tilespmem:s29+$0x1400]  }
0x35: {  	v25 =	vld [tilespmem:s29+$0x1500]  }
0x36: {  	v26 =	vld [tilespmem:s29+$0x1600]  }
0x37: {  	v27 =	vld [tilespmem:s29+$0x1700]  }
0x38: {  	v28 =	vld [tilespmem:s29+$0x1800]  }
0x39: {  	v29 =	vld [tilespmem:s29+$0x1900]  }
0x3a: {  	v30 =	vld [tilespmem:s29+$0x1A00]  }
0x3b: {  	v31 =	vld [tilespmem:s29+$0x1B00]  }
0x3c: {  	v32 =	vld [tilespmem:s29+$0x1C00]  }
0x3d: {  	v33 =	vld [tilespmem:s29+$0x1D00]  }
0x3e: {  	v34 =	vld [tilespmem:s29+$0x1E00]  }
0x3f: {  	v35 =	vld [tilespmem:s29+$0x1F00]  }
0x40: {  	v36 =	vld [tilespmem:s29+$0x2000]  }
0x41: {  	v37 =	vld [tilespmem:s29+$0x2100]  }
0x42: {  	v38 =	vld [tilespmem:s29+$0x2200]  }
0x43: {  	v39 =	vld [tilespmem:s29+$0x2300]  }
0x44: {  	v40 =	vld [tilespmem:s29+$0x2400]  }
0x45: {  	v41 =	vld [tilespmem:s29+$0x2500]  }
0x46: {  	v42 =	vld [tilespmem:s29+$0x2600]  }
0x47: {  	v43 =	vld [tilespmem:s29+$0x2700]  }
0x48: {  	v44 =	vld [tilespmem:s29+$0x2800]  }
0x49: {  	v45 =	vld [tilespmem:s29+$0x2900]  }
0x4a: {  	v46 =	vld [tilespmem:s29+$0x2A00]  }
0x4b: {  	v57 =	vld [tilespmem:s29+$0x2C00]  }
0x4c: {  	v58 =	vld [tilespmem:s29+$0x2D00]  }
0x4d: {  	v59 =	vld [tilespmem:s29+$0x2E00];
	v4 =	vmax.f32 v4, v5;
	v56 =	vmax.f32 v12, v13;
	v61 =	vmax.f32 v20, v21  }
0x4e: {  	v60 =	vld [tilespmem:s29+$0x2F00];
	v28 =	vmax.f32 v28, v29;
	v36 =	vmax.f32 v36, v37;
	v44 =	vmax.f32 v44, v45  }
0x4f: {  	v62 =	vld [tilespmem:s29+$0x3000];
	v4 =	vmax.f32 v4, v6;
	v6 =	vmax.f32 v56, v14;
	v14 =	vmax.f32 v28, v30  }
0x50: {  	v5 =	vld [tilespmem:s29+$0x2B00];
	v21 =	vmax.f32 v44, v46;
	v4 =	vmax.f32 v4, v7;
	v6 =	vmax.f32 v6, v15  }
0x51: {  	v63 =	vld [tilespmem:s29+$0x3100];
	v14 =	vmax.f32 v14, v31;
	v4 =	vmax.f32 v4, v8;
	v6 =	vmax.f32 v6, v16  }
0x52: {  	v47 =	vld [tilespmem:s29+$0x3900];
	v16 =	vmax.f32 v36, v38;
	v14 =	vmax.f32 v14, v32;
	v4 =	vmax.f32 v4, v9  }
0x53: {  	v48 =	vld [tilespmem:s29+$0x3A00];
	v6 =	vmax.f32 v6, v17;
	v16 =	vmax.f32 v16, v39;
	v14 =	vmax.f32 v14, v33  }
0x54: {  	v46 =	vld [tilespmem:s29+$0x3800];
	v4 =	vmax.f32 v4, v10;
	v6 =	vmax.f32 v6, v18;
	v10 =	vmax.f32 v61, v22  }
0x55: {  	v51 =	vld [tilespmem:s29+$0x3B00];
	v16 =	vmax.f32 v16, v40;
	v14 =	vmax.f32 v14, v34;
	v5 =	vmax.f32 v21, v5  }
0x56: {  	v29 =	vld [tilespmem:s29+$0x3200];
	v4 =	vmax.f32 v4, v11;
	v6 =	vmax.f32 v6, v19;
	v10 =	vmax.f32 v10, v23  }
0x57: {  	v52 =	vld [tilespmem:s29+$0x3C00];
	v16 =	vmax.f32 v16, v41;
	v14 =	vmax.f32 v14, v35;
	v10 =	vmax.f32 v10, v24  }
0x58: {  	v37 =	vld [tilespmem:s29+$0x3300];
	v5 =	vmax.f32 v5, v57;
	v11 =	vmax.f32 v62, v63;
	v10 =	vmax.f32 v10, v25  }
0x59: {  	v53 =	vld [tilespmem:s29+$0x3D00];
	v54 =	vmax.f32 v46, v47;
	vm0 =	vgt.f32 v6, v4;
	v10 =	vmax.f32 v10, v26  }
0x5a: {  	v38 =	vld [tilespmem:s29+$0x3400];
	v16 =	vmax.f32 v16, v42;
	v49 =	vsel vm0, v6, v4;
	v10 =	vmax.f32 v10, v27  }
0x5b: {  	v39 =	vld [tilespmem:s29+$0x3500];
	v5 =	vmax.f32 v5, v58;
	v50 =	vmax.f32 v11, v29;
	vm1 =	vgt.f32 v10, v49  }
0x5c: {  	v40 =	vld [tilespmem:s29+$0x3600];
	v12 =	vmax.f32 v54, v48;
	v16 =	vmax.f32 v16, v43;
	v13 =	vsel vm1, v10, v49  }
0x5d: {  	v45 =	vld [tilespmem:s29+$0x3700];
	v5 =	vmax.f32 v5, v59;
	v7 =	vmax.f32 v50, v37;
	vm2 =	vgt.f32 v14, v13  }
0x5e: {  	v55 =	vld [tilespmem:s29+$0x3E00];
	v11 =	vmax.f32 v12, v51;
	v58 =	vsel vm0, $0x1, v2;
	v13 =	vsel vm2, v14, v13  }
0x5f: {  	v56 =	vld [tilespmem:s29+$0x3F00];
	v5 =	vmax.f32 v5, v60;
	v7 =	vmax.f32 v7, v38;
	vm3 =	vgt.f32 v16, v13  }
0x60: {  	v8 =	vmax.f32 v11, v52;
	v7 =	vmax.f32 v7, v39;
	v57 =	vsel vm3, v16, v13  }
0x61: {  	v8 =	vmax.f32 v8, v53;
	v7 =	vmax.f32 v7, v40;
	vm5 =	vgt.f32 v5, v57  }
0x62: {  	v7 =	vmax.f32 v7, v45;
	v59 =	vsel vm1, $0x2, v58;
	v60 =	vsel vm5, v5, v57  }
0x63: {  	v8 =	vmax.f32 v8, v55;
	v9 =	vsel vm2, $0x3, v59;
	vm6 =	vgt.f32 v7, v60  }
0x64: {  	v8 =	vmax.f32 v8, v56;
	v9 =	vsel vm3, $0x4, v9;
	v11 =	vsel vm6, v7, v60  }
0x65: {  	v9 =	vsel vm5, $0x5, v9;
	vm7 =	vgt.f32 v8, v11  }
0x66: {  	v9 =	vsel vm6, $0x6, v9;
	vm0 =	vmneg vm7  }
0x67: {  	vm8 =	vlt.f32 v4, $-Inf;
	vm9 =	vgt.f32 v4, $-Inf;
	v9 =	vnsel vm0, $0x7, v9  }
0x68: {  	vm1 =	vmor vm9, vm8;
	vm10 =	vne.s32 v9, $0x0  }
0x69: {  	vm1 =	vmand vm1, vm10  }
0x6a: {  	v4 =	vnsel vm1, $0xFF800000, v4  }
0x6b: {  	vm11 =	vne.s32 v9, $0x1;
	vm12 =	vgt.f32 v6, v4  }
0x6c: {  	vm1 =	vmand vm11, vm12  }
0x6d: {  	v4 =	vsel vm1, v6, v4  }
0x6e: {  	vm13 =	vne.s32 v9, $0x2;
	vm14 =	vgt.f32 v10, v4  }
0x6f: {  	vm2 =	vmand vm13, vm14  }
0x70: {  	v4 =	vsel vm2, v10, v4  }
0x71: {  	vm15 =	vne.s32 v9, $0x3;
	vm4 =	vgt.f32 v14, v4  }
0x72: {  	vm3 =	vmand vm15, vm4  }
0x73: {  	v4 =	vsel vm3, v14, v4  }
0x74: {  	vm8 =	vne.s32 v9, $0x4;
	vm5 =	vgt.f32 v16, v4  }
0x75: {  	vm4 =	vmand vm8, vm5  }
0x76: {  	vm9 =	vne.s32 v9, $0x5;
	v4 =	vsel vm4, v16, v4  }
0x77: {  	v62 =	vshll.u32 v9, $0xB;
	v63 =	vshll.u32 v9, $0x3;
	vm6 =	vgt.f32 v5, v4  }
0x78: {  	vm10 =	vne.s32 v9, $0x6;
	v9 =	vor.u32 $0x1, v63;
	vm5 =	vmand vm9, vm6  }
0x79: {  	v13 =	vor.u32 $0x2, v63;
	v43 =	vor.u32 $0x3, v63;
	v4 =	vsel vm5, v5, v4  }
0x7a: {  	v21 =	vor.u32 $0x4, v63;
	v49 =	vor.u32 $0x5, v63;
	vm11 =	vgt.f32 v7, v4  }
0x7b: {  	v28 =	vor.u32 $0x6, v63;
	v5 =	vsel vm1, $0x8, v2;
	vm1 =	vmand vm10, vm11  }
0x7c: {  	v55 =	vor.u32 $0x7, v63;
	v61 =	vsel vm1, v7, v4;
	v4 =	vor.u32 s26, v1  }
0x7d: {  	v40 =	vshll.u32 v9, $0x8;
	v42 =	vshll.u32 v13, $0x8;
	v6 =	vadd.s32 v4, v62  }
0x7e: {  	v45 =	vshll.u32 v43, $0x8;
	v47 =	vshll.u32 v21, $0x8;
	v11 =	vadd.s32 v4, v40  }
0x7f: {  	v51 =	vshll.u32 v49, $0x8;
	v5 =	vsel vm2, $0x10, v5;
	v15 =	vadd.s32 v4, v42  }
0x80: {  	v53 =	vshll.u32 v28, $0x8;
	v5 =	vsel vm3, $0x18, v5;
	v18 =	vadd.s32 v4, v45  }
0x81: {  	v57 =	vshll.u32 v55, $0x8;
	v5 =	vsel vm4, $0x20, v5;
	v23 =	vadd.s32 v4, v47  }
0x82: {  	vm12 =	vgt.f32 v8, v61;
	v5 =	vsel vm5, $0x28, v5;
	v27 =	vadd.s32 v4, v51;
	v6 =	vld.idx.msk [tilespmem:v6+s2+$0x0], $0xffff  }
0x83: {  	v30 =	vadd.s32 v4, v53;
	vm0 =	vmand vm0, vm12;
	v5 =	vsel vm1, $0x30, v5;
	v11 =	vld.idx.msk [tilespmem:v11+s2+$0x0], $0xffff  }
0x84: {  	v35 =	vadd.s32 v4, v57;
	v5 =	vsel vm0, $0x38, v5;
	v15 =	vld.idx.msk [tilespmem:v15+s2+$0x0], $0xffff  }
0x85: {  	v39 =	vshll.u32 v5, $0x8;
	v10 =	vadd.s32 $0x1, v5;
	v18 =	vld.idx.msk [tilespmem:v18+s2+$0x0], $0xffff  }
0x86: {  	v14 =	vadd.s32 $0x2, v5;
	v19 =	vadd.s32 $0x3, v5;
	v22 =	vadd.s32 $0x4, v5;
	v23 =	vld.idx.msk [tilespmem:v23+s2+$0x0], $0xffff  }
0x87: {  	v50 =	vadd.s32 $0x5, v5;
	v31 =	vadd.s32 $0x6, v5;
	v56 =	vadd.s32 $0x7, v5;
	v27 =	vld.idx.msk [tilespmem:v27+s2+$0x0], $0xffff  }
0x88: {  	v8 =	vadd.s32 v4, v39;
	v41 =	vshll.u32 v10, $0x8;
	v44 =	vshll.u32 v14, $0x8;
	v30 =	vld.idx.msk [tilespmem:v30+s2+$0x0], $0xffff  }
0x89: {  	v46 =	vshll.u32 v19, $0x8;
	v48 =	vshll.u32 v22, $0x8;
	v12 =	vadd.s32 v4, v41;
	v41 =	vld.idx.msk [tilespmem:v35+s2+$0x0], $0xffff  }
0x8a: {  	v52 =	vshll.u32 v50, $0x8;
	v54 =	vshll.u32 v31, $0x8;
	v17 =	vadd.s32 v4, v44  }
0x8b: {  	v58 =	vshll.u32 v56, $0x8;
	v20 =	vadd.s32 v4, v46;
	v24 =	vadd.s32 v4, v48  }
0x8c: {  	v29 =	vadd.s32 v4, v52;
	v32 =	vadd.s32 v4, v54;
	v36 =	vadd.s32 v4, v58  }
0x8d: {  	v4 =	vshll.u32 v4, $0x3;
	v8 =	vld.idx.msk [tilespmem:v8+s2+$0x0], $0xffff;
	vm13 =	vgt.f32 v6, v11;
	vm15 =	vgt.f32 v15, v18  }
0x8e: {  	v12 =	vld.idx.msk [tilespmem:v12+s2+$0x0], $0xffff;
	vm5 =	vgt.f32 v23, v27;
	vm7 =	vgt.f32 v30, v41;
	v59 =	vsel vm13, v6, v11  }
0x8f: {  	v17 =	vld.idx.msk [tilespmem:v17+s2+$0x0], $0xffff;
	v6 =	vsel vm13, v11, v6;
	v61 =	vsel vm13, v63, v9;
	v7 =	vsel vm13, v9, v63  }
0x90: {  	v20 =	vld.idx.msk [tilespmem:v20+s2+$0x0], $0xffff;
	v40 =	vsel vm15, v15, v18;
	v15 =	vsel vm15, v18, v15;
	v42 =	vsel vm15, v13, v43  }
0x91: {  	v24 =	vld.idx.msk [tilespmem:v24+s2+$0x0], $0xffff;
	v13 =	vsel vm15, v43, v13;
	v46 =	vsel vm5, v23, v27;
	v23 =	vsel vm5, v27, v23  }
0x92: {  	v60 =	vld.idx.msk [tilespmem:v29+s2+$0x0], $0xffff;
	v47 =	vsel vm5, v21, v49;
	v21 =	vsel vm5, v49, v21;
	v18 =	vsel vm7, v41, v30  }
0x93: {  	v51 =	vsel vm7, v28, v55;
	v28 =	vsel vm7, v55, v28;
	vm9 =	vgt.f32 v59, v40  }
0x94: {  	vm11 =	vgt.f32 v6, v15;
	vm15 =	vgt.f32 v23, v18;
	v34 =	vsel vm9, v59, v40  }
0x95: {  	v32 =	vld.idx.msk [tilespmem:v32+s2+$0x0], $0xffff;
	v37 =	vsel vm9, v61, v42;
	v29 =	vsel vm9, v42, v61;
	v55 =	vsel vm11, v6, v15  }
0x96: {  	v43 =	vld.idx.msk [tilespmem:v36+s2+$0x0], $0xffff;
	v15 =	vsel vm11, v15, v6;
	vm14 =	vgt.f32 v8, v12;
	vm4 =	vgt.f32 v17, v20  }
0x97: {  	vm6 =	vgt.f32 v24, v60;
	v62 =	vsel vm14, v8, v12;
	v8 =	vsel vm14, v12, v8  }
0x98: {  	v63 =	vsel vm14, v5, v10;
	v5 =	vsel vm14, v10, v5;
	v44 =	vsel vm4, v17, v20  }
0x99: {  	v17 =	vsel vm4, v20, v17;
	v45 =	vsel vm4, v14, v19;
	v14 =	vsel vm4, v19, v14  }
0x9a: {  	v48 =	vsel vm6, v24, v60;
	v11 =	vsel vm6, v60, v24;
	v49 =	vsel vm6, v22, v50  }
0x9b: {  	v22 =	vsel vm6, v50, v22;
	v50 =	vsel vm7, v30, v41;
	vm8 =	vgt.f32 v32, v43  }
0x9c: {  	v10 =	vsel vm9, v40, v59;
	v52 =	vsel vm8, v32, v43;
	v16 =	vsel vm8, v43, v32  }
0x9d: {  	v53 =	vsel vm8, v31, v56;
	v31 =	vsel vm8, v56, v31;
	vm10 =	vgt.f32 v62, v44  }
0x9e: {  	v56 =	vsel vm11, v7, v13;
	vm12 =	vgt.f32 v8, v17;
	v13 =	vsel vm11, v13, v7  }
0x9f: {  	vm13 =	vgt.f32 v46, v50;
	vm5 =	vgt.f32 v55, v10;
	v35 =	vsel vm10, v62, v44  }
0xa0: {  	v9 =	vsel vm10, v44, v62;
	v54 =	vsel vm10, v63, v45;
	v12 =	vsel vm10, v45, v63  }
0xa1: {  	v57 =	vsel vm12, v8, v17;
	v17 =	vsel vm12, v17, v8;
	v58 =	vsel vm12, v5, v14  }
0xa2: {  	v14 =	vsel vm12, v14, v5;
	v5 =	vsel vm13, v46, v50;
	v19 =	vsel vm13, v50, v46  }
0xa3: {  	vm14 =	vgt.f32 v48, v52;
	v59 =	vsel vm13, v47, v51;
	v27 =	vsel vm13, v51, v47  }
0xa4: {  	v62 =	vsel vm15, v23, v18;
	v18 =	vsel vm15, v18, v23;
	v63 =	vsel vm15, v21, v28  }
0xa5: {  	v21 =	vsel vm15, v28, v21;
	vm4 =	vgt.f32 v11, v16;
	v46 =	vsel vm5, v55, v10  }
0xa6: {  	v10 =	vsel vm5, v10, v55;
	v47 =	vsel vm5, v56, v29;
	v29 =	vsel vm5, v29, v56  }
0xa7: {  	v60 =	vsel vm14, v48, v52;
	v25 =	vsel vm14, v52, v48;
	v61 =	vsel vm14, v49, v53  }
0xa8: {  	v24 =	vsel vm14, v53, v49;
	v44 =	vsel vm4, v11, v16;
	v11 =	vsel vm4, v16, v11  }
0xa9: {  	v45 =	vsel vm4, v22, v31;
	v22 =	vsel vm4, v31, v22;
	vm6 =	vgt.f32 v57, v9  }
0xaa: {  	vm7 =	vgt.f32 v62, v19;
	vm9 =	vgt.f32 v34, v5;
	vm11 =	vgt.f32 v15, v18  }
0xab: {  	v48 =	vsel vm6, v57, v9;
	v9 =	vsel vm6, v9, v57;
	v49 =	vsel vm6, v58, v12  }
0xac: {  	v12 =	vsel vm6, v12, v58;
	v50 =	vsel vm7, v62, v19;
	v19 =	vsel vm7, v19, v62  }
0xad: {  	vm8 =	vgt.f32 v44, v25;
	v51 =	vsel vm7, v63, v27;
	v23 =	vsel vm7, v27, v63  }
0xae: {  	v41 =	vsel vm9, v37, v59;
	v26 =	vsel vm9, v59, v37;
	vm10 =	vgt.f32 v35, v60  }
0xaf: {  	v7 =	vsel vm11, v18, v15;
	v55 =	vsel vm11, v13, v21;
	vm12 =	vgt.f32 v17, v11  }
0xb0: {  	v8 =	vsel vm11, v21, v13;
	v52 =	vsel vm8, v44, v25;
	v25 =	vsel vm8, v25, v44  }
0xb1: {  	v53 =	vsel vm8, v45, v24;
	v16 =	vsel vm8, v24, v45;
	v24 =	vsel vm9, v34, v5  }
0xb2: {  	v34 =	vsel vm9, v5, v34;
	v5 =	vsel vm10, v35, v60;
	v30 =	vsel vm10, v60, v35  }
0xb3: {  	v6 =	vsel vm10, v54, v61;
	v33 =	vsel vm10, v61, v54;
	v54 =	vsel vm11, v15, v18  }
0xb4: {  	v56 =	vsel vm12, v17, v11;
	v11 =	vsel vm12, v11, v17;
	v57 =	vsel vm12, v14, v22  }
0xb5: {  	v14 =	vsel vm12, v22, v14;
	vm13 =	vgt.f32 v46, v50;
	vm15 =	vgt.f32 v10, v19  }
0xb6: {  	v58 =	vsel vm13, v46, v50;
	v59 =	vsel vm13, v50, v46;
	vm14 =	vgt.f32 v48, v52  }
0xb7: {  	v60 =	vsel vm13, v47, v51;
	v20 =	vsel vm13, v51, v47;
	v63 =	vsel vm15, v10, v19  }
0xb8: {  	v10 =	vsel vm15, v19, v10;
	v40 =	vsel vm15, v29, v23;
	v23 =	vsel vm15, v23, v29  }
0xb9: {  	vm4 =	vgt.f32 v9, v25;
	vm15 =	vgt.f32 v24, v11;
	v61 =	vsel vm14, v48, v52  }
0xba: {  	v27 =	vsel vm14, v52, v48;
	v62 =	vsel vm14, v49, v53;
	v28 =	vsel vm14, v53, v49  }
0xbb: {  	v42 =	vsel vm4, v9, v25;
	v9 =	vsel vm4, v25, v9;
	vm5 =	vgt.f32 v58, v34  }
0xbc: {  	v43 =	vsel vm4, v12, v16;
	v12 =	vsel vm4, v16, v12;
	vm7 =	vgt.f32 v54, v10  }
0xbd: {  	vm4 =	veq.f32 v24, v11;
	v44 =	vsel vm5, v58, v34;
	v18 =	vsel vm5, v34, v58  }
0xbe: {  	v45 =	vsel vm5, v60, v26;
	vm6 =	vgt.f32 v61, v30;
	v22 =	vsel vm5, v26, v60  }
0xbf: {  	v48 =	vsel vm7, v54, v10;
	v10 =	vsel vm7, v10, v54;
	vm8 =	vgt.f32 v56, v9  }
0xc0: {  	v49 =	vsel vm7, v55, v23;
	v15 =	vsel vm7, v23, v55;
	vm5 =	vlt.u32 v41, v14  }
0xc1: {  	v46 =	vsel vm6, v61, v30;
	v30 =	vsel vm6, v30, v61;
	v47 =	vsel vm6, v62, v33  }
0xc2: {  	v32 =	vsel vm6, v33, v62;
	v50 =	vsel vm8, v56, v9;
	v9 =	vsel vm8, v9, v56  }
0xc3: {  	v51 =	vsel vm8, v57, v12;
	vm9 =	vgt.f32 v63, v18;
	v12 =	vsel vm8, v12, v57  }
0xc4: {  	vm11 =	vgt.f32 v48, v59;
	vm1 =	vmand vm4, vm5;
	v52 =	vsel vm9, v63, v18  }
0xc5: {  	v18 =	vsel vm9, v18, v63;
	v53 =	vsel vm9, v40, v22;
	v19 =	vsel vm9, v22, v40  }
0xc6: {  	vm10 =	vgt.f32 v42, v30;
	v56 =	vsel vm11, v48, v59;
	v21 =	vsel vm11, v59, v48  }
0xc7: {  	v57 =	vsel vm11, v49, v20;
	vm12 =	vgt.f32 v50, v27;
	v20 =	vsel vm11, v20, v49  }
0xc8: {  	vm6 =	veq.f32 v44, v9;
	vm7 =	vlt.u32 v45, v12;
	vm0 =	vmor vm15, vm1  }
0xc9: {  	vm9 =	vgt.f32 v44, v9;
	v54 =	vsel vm10, v42, v30;
	v29 =	vsel vm10, v30, v42  }
0xca: {  	v55 =	vsel vm10, v43, v32;
	v25 =	vsel vm10, v32, v43;
	v58 =	vsel vm12, v50, v27  }
0xcb: {  	v23 =	vsel vm12, v27, v50;
	v59 =	vsel vm12, v51, v28;
	v13 =	vsel vm12, v28, v51  }
0xcc: {  	vm13 =	vgt.f32 v56, v18;
	vm8 =	vmand vm6, vm7;
	v11 =	vsel vm0, v24, v11  }
0xcd: {  	v14 =	vsel vm0, v41, v14;
	v60 =	vsel vm13, v56, v18;
	v18 =	vsel vm13, v18, v56  }
0xce: {  	vm14 =	vgt.f32 v58, v29;
	v61 =	vsel vm13, v57, v19;
	v19 =	vsel vm13, v19, v57  }
0xcf: {  	vm10 =	vmor vm9, vm8;
	vm11 =	vgt.f32 v52, v23;
	vm12 =	veq.f32 v52, v23  }
0xd0: {  	vm13 =	vlt.u32 v53, v13;
	vm7 =	vgt.f32 v21, v54;
	v62 =	vsel vm14, v58, v29  }
0xd1: {  	v29 =	vsel vm14, v29, v58;
	v63 =	vsel vm14, v59, v25;
	v25 =	vsel vm14, v25, v59  }
0xd2: {  	v9 =	vsel vm10, v44, v9;
	vm2 =	vmand vm12, vm13;
	v12 =	vsel vm10, v45, v12  }
0xd3: {  	vm14 =	veq.f32 v60, v29;
	vm15 =	vlt.u32 v61, v25;
	vm8 =	vgt.f32 v60, v29  }
0xd4: {  	vm9 =	vmor vm11, vm2;
	vm11 =	vgt.f32 v18, v62;
	vm12 =	veq.f32 v18, v62  }
0xd5: {  	vm13 =	vlt.u32 v19, v63;
	vm4 =	vmand vm14, vm15;
	v27 =	vsel vm9, v52, v23  }
0xd6: {  	v13 =	vsel vm9, v53, v13;
	vm2 =	vmand vm12, vm13;
	vm14 =	veq.f32 v21, v54  }
0xd7: {  	vm15 =	vlt.u32 v20, v55;
	vm9 =	vgt.f32 v10, v46;
	vm12 =	veq.f32 v7, v5  }
0xd8: {  	vm13 =	vlt.u32 v8, v6;
	vm10 =	vmor vm8, vm4;
	vm0 =	vmor vm11, vm2  }
0xd9: {  	vm3 =	vmand vm14, vm15;
	vm11 =	vlt.u32 v15, v47;
	vm14 =	vgt.f32 v7, v5  }
0xda: {  	vm2 =	vmand vm12, vm13;
	v28 =	vsel vm10, v60, v29;
	v29 =	vsel vm10, v61, v25  }
0xdb: {  	v18 =	vsel vm0, v18, v62;
	vm8 =	vmor vm7, vm3;
	v19 =	vsel vm0, v19, v63  }
0xdc: {  	vm10 =	veq.f32 v10, v46;
	vm15 =	vmor vm14, vm2;
	v21 =	vsel vm8, v21, v54  }
0xdd: {  	v20 =	vsel vm8, v20, v55;
	vm1 =	vmand vm10, vm11;
	v5 =	vsel vm15, v7, v5  }
0xde: {  	vm4 =	veq.f32 v11, v18;
	vm5 =	vlt.u32 v14, v19;
	v6 =	vsel vm15, v8, v6  }
0xdf: {  	vm6 =	vgt.f32 v11, v18;
	vm0 =	vmor vm9, vm1;
	vm1 =	vmand vm4, vm5  }
0xe0: {  	vm7 =	veq.f32 v9, v21;
	vm8 =	vlt.u32 v12, v20;
	vm9 =	vgt.f32 v9, v21  }
0xe1: {  	vm13 =	veq.f32 v28, v5;
	vm14 =	vlt.u32 v29, v6;
	vm15 =	vgt.f32 v28, v5  }
0xe2: {  	v10 =	vsel vm0, v10, v46;
	v15 =	vsel vm0, v15, v47;
	vm0 =	vmor vm6, vm1  }
0xe3: {  	vm1 =	vmand vm7, vm8;
	v30 =	vsel vm0, v11, v18;
	v31 =	vsel vm0, v18, v11  }
0xe4: {  	v32 =	vsel vm0, v14, v19;
	vm1 =	vmor vm9, vm1;
	v14 =	vsel vm0, v19, v14  }
0xe5: {  	vm10 =	veq.f32 v27, v10;
	vm11 =	vlt.u32 v13, v15;
	vm12 =	vgt.f32 v27, v10  }
0xe6: {  	v33 =	vsel vm1, v9, v21;
	v9 =	vsel vm1, v21, v9;
	v34 =	vsel vm1, v12, v20  }
0xe7: {  	v12 =	vsel vm1, v20, v12;
	vm0 =	vmand vm10, vm11;
	vm1 =	vmand vm13, vm14  }
0xe8: {  	v45 =	vor.u32 $0x1, v4;
	vm0 =	vmor vm12, vm0;
	vm1 =	vmor vm15, vm1  }
0xe9: {  	v35 =	vsel vm0, v27, v10;
	v10 =	vsel vm0, v10, v27;
	v36 =	vsel vm0, v13, v15  }
0xea: {  	v13 =	vsel vm0, v15, v13;
	v37 =	vsel vm1, v28, v5;
	v5 =	vsel vm1, v5, v28  }
0xeb: {  	v38 =	vsel vm1, v29, v6;
	v6 =	vsel vm1, v6, v29;
	vm6 =	veq.f32 v30, v35  }
0xec: {  	vm7 =	vlt.u32 v32, v36;
	vm8 =	vgt.f32 v30, v35;
	vm9 =	veq.f32 v33, v37  }
0xed: {  	vm10 =	vlt.u32 v34, v38;
	vm11 =	vgt.f32 v33, v37;
	vm0 =	vmand vm6, vm7  }
0xee: {  	vm12 =	vgt.f32 v31, v10;
	vm1 =	vmand vm9, vm10;
	vm0 =	vmor vm8, vm0  }
0xef: {  	vm13 =	veq.f32 v31, v10;
	vm1 =	vmor vm11, vm1;
	v39 =	vsel vm0, v30, v35  }
0xf0: {  	v40 =	vsel vm0, v32, v36;
	v41 =	vsel vm1, v33, v37;
	v42 =	vsel vm1, v34, v38  }
0xf1: {  	vm14 =	vlt.u32 v14, v13;
	vm15 =	veq.f32 v39, v41;
	vm8 =	vlt.u32 v40, v42  }
0xf2: {  	vm2 =	vmand vm13, vm14;
	vm9 =	vgt.f32 v39, v41;
	vm3 =	vmand vm15, vm8  }
0xf3: {  	vm13 =	vlt.u32 v12, v6;
	vm11 =	vgt.f32 v9, v5;
	vm10 =	vmor vm9, vm3  }
0xf4: {  	v7 =	vsel vm0, v35, v30;
	v11 =	vsel vm0, v36, v32;
	v44 =	vsel vm10, v40, v42  }
0xf5: {  	v15 =	vsel vm1, v37, v33;
	vm0 =	vmor vm12, vm2;
	v17 =	vsel vm1, v38, v34  }
0xf6: {  	vm12 =	veq.f32 v9, v5;
	vm14 =	veq.f32 v7, v15;
	v46 =	vsel vm10, v39, v41  }
0xf7: {  	v47 =	vor.u32 $0x2, v4;
	vm15 =	vlt.u32 v11, v17;
	v20 =	vsel vm10, v42, v40;
	[tilespmem:v4+s21+$0x0] =	vst.idx.msk $0xffff, v46  }
0xf8: {  	v43 =	vsel vm0, v31, v10;
	vm7 =	vgt.f32 v7, v15;
	vm5 =	vmand vm14, vm15;
	[tilespmem:v4+s22+$0x0] =	vst.idx.msk $0xffff, v44  }
0xf9: {  	vm3 =	vmand vm12, vm13;
	v16 =	vsel vm10, v41, v39;
	vm9 =	vmor vm7, vm5;
	[tilespmem:v44+s23+$0x0] =	vst.idx.add.f32.msk $0xffff, v3  }
0xfa: {  	v48 =	vsel vm0, v14, v13;
	vm1 =	vmor vm11, vm3;
	v49 =	vsel vm9, v11, v17;
	[tilespmem:v45+s21+$0x0] =	vst.idx.msk $0xffff, v16  }
0xfb: {  	v52 =	vor.u32 $0x3, v4;
	v50 =	vsel vm1, v9, v5;
	v51 =	vsel vm1, v12, v6;
	[tilespmem:v45+s22+$0x0] =	vst.idx.msk $0xffff, v20  }
0xfc: {  	v53 =	vsel vm9, v7, v15;
	v11 =	vsel vm9, v17, v11;
	[tilespmem:v20+s23+$0x0] =	vst.idx.add.f32.msk $0xffff, v3  }
0xfd: {  	vm10 =	veq.f32 v43, v50;
	vm11 =	vlt.u32 v48, v51;
	[tilespmem:v47+s21+$0x0] =	vst.idx.msk $0xffff, v53  }
0xfe: {  	v54 =	vor.u32 $0x4, v4;
	vm12 =	vgt.f32 v43, v50;
	vm3 =	vmand vm10, vm11;
	[tilespmem:v47+s22+$0x0] =	vst.idx.msk $0xffff, v49  }
0xff: {  	v8 =	vsel vm0, v10, v31;
	v7 =	vsel vm9, v15, v7;
	vm13 =	vmor vm12, vm3;
	[tilespmem:v49+s23+$0x0] =	vst.idx.add.f32.msk $0xffff, v3  }
0x100: {  	v55 =	vsel vm0, v13, v14;
	v56 =	vsel vm13, v48, v51;
	[tilespmem:v52+s21+$0x0] =	vst.idx.msk $0xffff, v7  }
0x101: {  	v57 =	vor.u32 $0x5, v4;
	v5 =	vsel vm1, v5, v9;
	v6 =	vsel vm1, v6, v12;
	[tilespmem:v52+s22+$0x0] =	vst.idx.msk $0xffff, v11  }
0x102: {  	vm14 =	veq.f32 v8, v5;
	v58 =	vsel vm13, v43, v50;
	[tilespmem:v11+s23+$0x0] =	vst.idx.add.f32.msk $0xffff, v3  }
0x103: {  	vm1 =	vlt.u32 v55, v6;
	v59 =	vsel vm13, v51, v48;
	[tilespmem:v54+s21+$0x0] =	vst.idx.msk $0xffff, v58  }
0x104: {  	v60 =	vor.u32 $0x6, v4;
	vm15 =	vgt.f32 v8, v5;
	vm0 =	vmand vm14, vm1;
	[tilespmem:v54+s22+$0x0] =	vst.idx.msk $0xffff, v56  }
0x105: {  	vm0 =	vmor vm15, vm0;
	v61 =	vsel vm13, v50, v43;
	[tilespmem:v56+s23+$0x0] =	vst.idx.add.f32.msk $0xffff, v3  }
0x106: {  	v62 =	vsel vm0, v55, v6;
	[tilespmem:v57+s21+$0x0] =	vst.idx.msk $0xffff, v61  }
0x107: {  	v4 =	vor.u32 $0x7, v4;
	[tilespmem:v57+s22+$0x0] =	vst.idx.msk $0xffff, v59  }
0x108: {  	v63 =	vsel vm0, v8, v5;
	[tilespmem:v59+s23+$0x0] =	vst.idx.add.f32.msk $0xffff, v3  }
0x109: {  	p0 =	sne.s32 s26, $0xF0;
	v6 =	vsel vm0, v6, v55;
	[tilespmem:v60+s21+$0x0] =	vst.idx.msk $0xffff, v63  }
.Ltmp0:
0x10a: {  	[tilespmem:v60+s22+$0x0] =	vst.idx.msk $0xffff, v62;
	(pc) =	sbr.rel @p0 .LBB2_2-.Ltmp0, $4  }
0x10b: {  	v5 =	vsel vm0, v5, v8;
	[tilespmem:v62+s23+$0x0] =	vst.idx.add.f32.msk $0xffff, v3  }
0x10c: {  	[tilespmem:v4+s21+$0x0] =	vst.idx.msk $0xffff, v5  }
0x10d: {  	[tilespmem:v4+s22+$0x0] =	vst.idx.msk $0xffff, v6  }
0x10e: {  	s25 =	sadd.s32 $0x10, s25;
	s26 =	sadd.s32 $0x10, s26;
	[tilespmem:v6+s23+$0x0] =	vst.idx.add.f32.msk $0xffff, v3  }
0x10f: {  	s25 =	simm.s32 $0x0  }
0x110: {  	[hbm4b:s7+s25] =	stream.linear.scatter [tilespmem:s21], [sflag:$0x5], $0x800, $0x38;
	[tilespmem:$0x14080] =	vst v63  }
0x111: {  	_ = 	snop  }
0x112: {  	[hbm4b:s8+s25] =	stream.linear.scatter [tilespmem:s22], [sflag:$0x5], $0x800, $0x38;
	[tilespmem:$0x14080] =	vst v63  }
0x113: {  	_ =	swait.ge [sflag:s24], $0x4000  }
0x114: {  	[sflag:s24] =	ssyncset.done $0x0  }
0x115: {  	[sflag:s24] =	ssyncadd.s32 $0xFFFFC000  }
.LBB2_4:
0x116: {  	s26 =	sand.u32 $0xF0, s25  }
0x117: {  	v4 =	vld [tilespmem:s26+$0x4000]  }
0x118: {  	v5 =	vld [tilespmem:s26+$0x4100]  }
0x119: {  	v6 =	vld [tilespmem:s26+$0x4200]  }
0x11a: {  	v7 =	vld [tilespmem:s26+$0x4300]  }
0x11b: {  	v8 =	vld [tilespmem:s26+$0x4400]  }
0x11c: {  	v9 =	vld [tilespmem:s26+$0x4500]  }
0x11d: {  	v10 =	vld [tilespmem:s26+$0x4600]  }
0x11e: {  	v11 =	vld [tilespmem:s26+$0x4700]  }
0x11f: {  	v12 =	vld [tilespmem:s26+$0x4800]  }
0x120: {  	v13 =	vld [tilespmem:s26+$0x4900]  }
0x121: {  	v14 =	vld [tilespmem:s26+$0x4A00]  }
0x122: {  	v15 =	vld [tilespmem:s26+$0x4B00]  }
0x123: {  	v16 =	vld [tilespmem:s26+$0x4C00]  }
0x124: {  	v17 =	vld [tilespmem:s26+$0x4D00]  }
0x125: {  	v18 =	vld [tilespmem:s26+$0x4E00]  }
0x126: {  	v19 =	vld [tilespmem:s26+$0x4F00]  }
0x127: {  	v20 =	vld [tilespmem:s26+$0x5000]  }
0x128: {  	v21 =	vld [tilespmem:s26+$0x5100]  }
0x129: {  	v22 =	vld [tilespmem:s26+$0x5200]  }
0x12a: {  	v23 =	vld [tilespmem:s26+$0x5300]  }
0x12b: {  	v24 =	vld [tilespmem:s26+$0x5400]  }
0x12c: {  	v25 =	vld [tilespmem:s26+$0x5500]  }
0x12d: {  	v26 =	vld [tilespmem:s26+$0x5600]  }
0x12e: {  	v27 =	vld [tilespmem:s26+$0x5700]  }
0x12f: {  	v28 =	vld [tilespmem:s26+$0x5800]  }
0x130: {  	v29 =	vld [tilespmem:s26+$0x5900]  }
0x131: {  	v30 =	vld [tilespmem:s26+$0x5A00]  }
0x132: {  	v31 =	vld [tilespmem:s26+$0x5B00]  }
0x133: {  	v32 =	vld [tilespmem:s26+$0x5C00]  }
0x134: {  	v33 =	vld [tilespmem:s26+$0x5D00]  }
0x135: {  	v34 =	vld [tilespmem:s26+$0x5E00]  }
0x136: {  	v35 =	vld [tilespmem:s26+$0x5F00]  }
0x137: {  	v36 =	vld [tilespmem:s26+$0x6000]  }
0x138: {  	v37 =	vld [tilespmem:s26+$0x6100]  }
0x139: {  	v38 =	vld [tilespmem:s26+$0x6200]  }
0x13a: {  	v39 =	vld [tilespmem:s26+$0x6300]  }
0x13b: {  	v40 =	vld [tilespmem:s26+$0x6400]  }
0x13c: {  	v41 =	vld [tilespmem:s26+$0x6500]  }
0x13d: {  	v42 =	vld [tilespmem:s26+$0x6600]  }
0x13e: {  	v43 =	vld [tilespmem:s26+$0x6700]  }
0x13f: {  	v44 =	vld [tilespmem:s26+$0x6800]  }
0x140: {  	v45 =	vld [tilespmem:s26+$0x6900]  }
0x141: {  	v46 =	vld [tilespmem:s26+$0x6A00]  }
0x142: {  	v58 =	vld [tilespmem:s26+$0x6C00]  }
0x143: {  	v59 =	vld [tilespmem:s26+$0x6E00]  }
0x144: {  	v60 =	vld [tilespmem:s26+$0x6F00];
	v4 =	vmax.f32 v4, v5;
	v61 =	vmax.f32 v20, v21;
	v28 =	vmax.f32 v28, v29  }
0x145: {  	v62 =	vld [tilespmem:s26+$0x7000];
	v36 =	vmax.f32 v36, v37;
	v4 =	vmax.f32 v4, v6;
	v6 =	vmax.f32 v12, v13  }
0x146: {  	v63 =	vld [tilespmem:s26+$0x7100];
	v4 =	vmax.f32 v4, v7;
	v6 =	vmax.f32 v6, v14;
	v14 =	vmax.f32 v28, v30  }
0x147: {  	v47 =	vld [tilespmem:s26+$0x7A00];
	v4 =	vmax.f32 v4, v8;
	v6 =	vmax.f32 v6, v15;
	v14 =	vmax.f32 v14, v31  }
0x148: {  	v49 =	vld [tilespmem:s26+$0x7B00];
	v4 =	vmax.f32 v4, v9;
	v6 =	vmax.f32 v6, v16;
	v16 =	vmax.f32 v36, v38  }
0x149: {  	v50 =	vld [tilespmem:s26+$0x7C00];
	v14 =	vmax.f32 v14, v32;
	v4 =	vmax.f32 v4, v10;
	v6 =	vmax.f32 v6, v17  }
0x14a: {  	v51 =	vld [tilespmem:s26+$0x7D00];
	v10 =	vmax.f32 v61, v22;
	v16 =	vmax.f32 v16, v39;
	v14 =	vmax.f32 v14, v33  }
0x14b: {  	v5 =	vld [tilespmem:s26+$0x6B00];
	v4 =	vmax.f32 v4, v11;
	v6 =	vmax.f32 v6, v18;
	v10 =	vmax.f32 v10, v23  }
0x14c: {  	v29 =	vld [tilespmem:s26+$0x7200];
	v16 =	vmax.f32 v16, v40;
	v14 =	vmax.f32 v14, v34;
	v11 =	vmax.f32 v62, v63  }
0x14d: {  	v7 =	vld [tilespmem:s26+$0x6D00];
	v6 =	vmax.f32 v6, v19;
	v10 =	vmax.f32 v10, v24;
	v16 =	vmax.f32 v16, v41  }
0x14e: {  	v37 =	vld [tilespmem:s26+$0x7300];
	v41 =	vmax.f32 v44, v45;
	v14 =	vmax.f32 v14, v35;
	v10 =	vmax.f32 v10, v25  }
0x14f: {  	v45 =	vld [tilespmem:s26+$0x7800];
	v16 =	vmax.f32 v16, v42;
	v21 =	vmax.f32 v41, v46;
	vm0 =	vgt.f32 v6, v4  }
0x150: {  	v46 =	vld [tilespmem:s26+$0x7900];
	v10 =	vmax.f32 v10, v26;
	v16 =	vmax.f32 v16, v43;
	v5 =	vmax.f32 v21, v5  }
0x151: {  	v38 =	vld [tilespmem:s26+$0x7400];
	v48 =	vsel vm0, v6, v4;
	v10 =	vmax.f32 v10, v27;
	v5 =	vmax.f32 v5, v58  }
0x152: {  	v39 =	vld [tilespmem:s26+$0x7500];
	v56 =	vsel vm0, $0x1, v2;
	v5 =	vmax.f32 v5, v7;
	vm1 =	vgt.f32 v10, v48  }
0x153: {  	v40 =	vld [tilespmem:s26+$0x7600];
	v7 =	vmax.f32 v11, v29;
	v5 =	vmax.f32 v5, v59;
	v13 =	vsel vm1, v10, v48  }
0x154: {  	v44 =	vld [tilespmem:s26+$0x7700];
	v7 =	vmax.f32 v7, v37;
	v57 =	vsel vm1, $0x2, v56;
	vm2 =	vgt.f32 v14, v13  }
0x155: {  	v53 =	vld [tilespmem:s26+$0x7E00];
	v5 =	vmax.f32 v5, v60;
	v52 =	vmax.f32 v45, v46;
	v13 =	vsel vm2, v14, v13  }
0x156: {  	v54 =	vld [tilespmem:s26+$0x7F00];
	v7 =	vmax.f32 v7, v38;
	v12 =	vmax.f32 v52, v47;
	vm3 =	vgt.f32 v16, v13  }
0x157: {  	v7 =	vmax.f32 v7, v39;
	v11 =	vmax.f32 v12, v49;
	v55 =	vsel vm3, v16, v13  }
0x158: {  	v7 =	vmax.f32 v7, v40;
	v8 =	vmax.f32 v11, v50;
	vm11 =	vgt.f32 v5, v55  }
0x159: {  	v7 =	vmax.f32 v7, v44;
	v8 =	vmax.f32 v8, v51;
	v58 =	vsel vm11, v5, v55  }
0x15a: {  	v9 =	vsel vm2, $0x3, v57;
	v8 =	vmax.f32 v8, v53;
	vm12 =	vgt.f32 v7, v58  }
0x15b: {  	v9 =	vsel vm3, $0x4, v9;
	v8 =	vmax.f32 v8, v54;
	v11 =	vsel vm12, v7, v58  }
0x15c: {  	v9 =	vsel vm11, $0x5, v9;
	vm13 =	vgt.f32 v8, v11  }
0x15d: {  	v9 =	vsel vm12, $0x6, v9;
	vm0 =	vmneg vm13  }
0x15e: {  	vm14 =	vlt.f32 v4, $-Inf;
	vm15 =	vgt.f32 v4, $-Inf;
	v9 =	vnsel vm0, $0x7, v9  }
0x15f: {  	vm1 =	vmor vm15, vm14;
	vm6 =	vne.s32 v9, $0x0  }
0x160: {  	vm1 =	vmand vm1, vm6  }
0x161: {  	v4 =	vnsel vm1, $0xFF800000, v4  }
0x162: {  	vm7 =	vne.s32 v9, $0x1;
	vm8 =	vgt.f32 v6, v4  }
0x163: {  	vm1 =	vmand vm7, vm8  }
0x164: {  	v4 =	vsel vm1, v6, v4  }
0x165: {  	vm9 =	vne.s32 v9, $0x2;
	vm10 =	vgt.f32 v10, v4  }
0x166: {  	vm2 =	vmand vm9, vm10  }
0x167: {  	v4 =	vsel vm2, v10, v4  }
0x168: {  	vm11 =	vne.s32 v9, $0x3;
	vm4 =	vgt.f32 v14, v4  }
0x169: {  	vm3 =	vmand vm11, vm4  }
0x16a: {  	v4 =	vsel vm3, v14, v4  }
0x16b: {  	vm12 =	vne.s32 v9, $0x4;
	vm5 =	vgt.f32 v16, v4  }
0x16c: {  	vm4 =	vmand vm12, vm5  }
0x16d: {  	v4 =	vsel vm4, v16, v4  }
0x16e: {  	vm13 =	vne.s32 v9, $0x5;
	vm6 =	vgt.f32 v5, v4  }
0x16f: {  	vm5 =	vmand vm13, vm6  }
0x170: {  	vm14 =	vne.s32 v9, $0x6;
	v60 =	vshll.u32 v9, $0x3;
	v6 =	vsel vm5, v5, v4  }
0x171: {  	v9 =	vshll.u32 v9, $0xB;
	v62 =	vor.u32 $0x1, v60;
	vm15 =	vgt.f32 v7, v6  }
0x172: {  	v15 =	vor.u32 $0x2, v60;
	v4 =	vsel vm1, $0x8, v2;
	vm1 =	vmand vm14, vm15  }
0x173: {  	v41 =	vor.u32 $0x3, v60;
	v23 =	vor.u32 $0x4, v60;
	v6 =	vsel vm1, v7, v6  }
0x174: {  	v46 =	vor.u32 $0x5, v60;
	vm9 =	vgt.f32 v8, v6;
	v6 =	vor.u32 $0x4000, v1  }
0x175: {  	v49 =	vor.u32 $0x6, v60;
	v52 =	vor.u32 $0x7, v60;
	v6 =	vor.u32 s25, v6  }
0x176: {  	v37 =	vshll.u32 v62, $0x8;
	v39 =	vshll.u32 v15, $0x8;
	v9 =	vadd.s32 v6, v9  }
0x177: {  	v42 =	vshll.u32 v41, $0x8;
	v4 =	vsel vm2, $0x10, v4;
	v13 =	vadd.s32 v6, v37  }
0x178: {  	v44 =	vshll.u32 v23, $0x8;
	v59 =	vsel vm3, $0x18, v4;
	v17 =	vadd.s32 v6, v39  }
0x179: {  	v47 =	vshll.u32 v46, $0x8;
	v7 =	vsel vm4, $0x20, v59;
	v21 =	vadd.s32 v6, v42  }
0x17a: {  	v50 =	vshll.u32 v49, $0x8;
	v7 =	vsel vm5, $0x28, v7;
	v25 =	vadd.s32 v6, v44  }
0x17b: {  	vm0 =	vmand vm0, vm9;
	v7 =	vsel vm1, $0x30, v7;
	v29 =	vadd.s32 v6, v47;
	v9 =	vld.idx.msk [tilespmem:v9+s2+$0x0], $0xffff  }
0x17c: {  	v54 =	vshll.u32 v52, $0x8;
	v7 =	vsel vm0, $0x38, v7;
	v33 =	vadd.s32 v6, v50;
	v13 =	vld.idx.msk [tilespmem:v13+s2+$0x0], $0xffff  }
0x17d: {  	v37 =	vadd.s32 v6, v54;
	v61 =	vshll.u32 v7, $0x8;
	v63 =	vadd.s32 $0x1, v7;
	v17 =	vld.idx.msk [tilespmem:v17+s2+$0x0], $0xffff  }
0x17e: {  	v16 =	vadd.s32 $0x2, v7;
	v10 =	vadd.s32 v6, v61;
	v38 =	vshll.u32 v63, $0x8;
	v21 =	vld.idx.msk [tilespmem:v21+s2+$0x0], $0xffff  }
0x17f: {  	v20 =	vadd.s32 $0x3, v7;
	v40 =	vshll.u32 v16, $0x8;
	v14 =	vadd.s32 v6, v38;
	v25 =	vld.idx.msk [tilespmem:v25+s2+$0x0], $0xffff  }
0x180: {  	v24 =	vadd.s32 $0x4, v7;
	v43 =	vshll.u32 v20, $0x8;
	v18 =	vadd.s32 v6, v40;
	v57 =	vld.idx.msk [tilespmem:v29+s2+$0x0], $0xffff  }
0x181: {  	v28 =	vadd.s32 $0x5, v7;
	v45 =	vshll.u32 v24, $0x8;
	v22 =	vadd.s32 v6, v43;
	v61 =	vld.idx.msk [tilespmem:v33+s2+$0x0], $0xffff  }
0x182: {  	v32 =	vadd.s32 $0x6, v7;
	v48 =	vshll.u32 v28, $0x8;
	v26 =	vadd.s32 v6, v45;
	v37 =	vld.idx.msk [tilespmem:v37+s2+$0x0], $0xffff  }
0x183: {  	v53 =	vadd.s32 $0x7, v7;
	v51 =	vshll.u32 v32, $0x8;
	v30 =	vadd.s32 v6, v48;
	v10 =	vld.idx.msk [tilespmem:v10+s2+$0x0], $0xffff  }
0x184: {  	v55 =	vshll.u32 v53, $0x8;
	v34 =	vadd.s32 v6, v51;
	v14 =	vld.idx.msk [tilespmem:v14+s2+$0x0], $0xffff  }
0x185: {  	v6 =	vadd.s32 v6, v55;
	v18 =	vld.idx.msk [tilespmem:v18+s2+$0x0], $0xffff  }
0x186: {  	v22 =	vld.idx.msk [tilespmem:v22+s2+$0x0], $0xffff  }
0x187: {  	v5 =	vmov s25;
	v26 =	vld.idx.msk [tilespmem:v26+s2+$0x0], $0xffff  }
0x188: {  	v5 =	vshll.u32 v5, $0x3;
	v4 =	vmul.u32 $0x8, v1;
	v59 =	vld.idx.msk [tilespmem:v30+s2+$0x0], $0xffff;
	vm10 =	vgt.f32 v9, v13  }
0x189: {  	v34 =	vld.idx.msk [tilespmem:v34+s2+$0x0], $0xffff;
	vm12 =	vgt.f32 v17, v21;
	vm14 =	vgt.f32 v25, v57;
	vm4 =	vgt.f32 v61, v37  }
0x18a: {  	v6 =	vld.idx.msk [tilespmem:v6+s2+$0x0], $0xffff;
	v56 =	vsel vm10, v9, v13;
	v9 =	vsel vm10, v13, v9;
	v58 =	vsel vm10, v60, v62  }
0x18b: {  	v8 =	vsel vm10, v62, v60;
	v40 =	vsel vm12, v15, v41;
	v15 =	vsel vm12, v41, v15  }
0x18c: {  	v43 =	vsel vm14, v25, v57;
	v13 =	vsel vm14, v57, v25;
	v44 =	vsel vm14, v23, v46  }
0x18d: {  	v23 =	vsel vm14, v46, v23;
	v47 =	vsel vm4, v61, v37;
	v48 =	vsel vm4, v49, v52  }
0x18e: {  	v31 =	vsel vm4, v52, v49;
	vm10 =	vgt.f32 v43, v47;
	vm11 =	vgt.f32 v10, v14  }
0x18f: {  	vm13 =	vgt.f32 v18, v22;
	vm15 =	vgt.f32 v26, v59;
	vm5 =	vgt.f32 v34, v6  }
0x190: {  	v57 =	vsel vm10, v44, v48;
	v25 =	vsel vm10, v48, v44;
	v60 =	vsel vm11, v10, v14  }
0x191: {  	v10 =	vsel vm11, v14, v10;
	v62 =	vsel vm11, v7, v63;
	v7 =	vsel vm11, v63, v7  }
0x192: {  	v63 =	vsel vm12, v17, v21;
	v17 =	vsel vm12, v21, v17;
	v41 =	vsel vm13, v18, v22  }
0x193: {  	v18 =	vsel vm13, v22, v18;
	v42 =	vsel vm13, v16, v20;
	v16 =	vsel vm13, v20, v16  }
0x194: {  	v45 =	vsel vm15, v26, v59;
	v11 =	vsel vm15, v59, v26;
	v46 =	vsel vm15, v24, v28  }
0x195: {  	v24 =	vsel vm15, v28, v24;
	v14 =	vsel vm4, v37, v61;
	v49 =	vsel vm5, v34, v6  }
0x196: {  	v6 =	vsel vm5, v6, v34;
	v50 =	vsel vm5, v32, v53;
	v32 =	vsel vm5, v53, v32  }
0x197: {  	v20 =	vsel vm10, v47, v43;
	vm6 =	vgt.f32 v56, v63;
	vm7 =	vgt.f32 v60, v41  }
0x198: {  	vm8 =	vgt.f32 v9, v17;
	vm9 =	vgt.f32 v10, v18;
	vm11 =	vgt.f32 v45, v49  }
0x199: {  	vm12 =	vgt.f32 v13, v14;
	vm13 =	vgt.f32 v11, v6;
	v36 =	vsel vm6, v56, v63  }
0x19a: {  	v12 =	vsel vm6, v63, v56;
	v38 =	vsel vm6, v58, v40;
	v21 =	vsel vm6, v40, v58  }
0x19b: {  	v51 =	vsel vm7, v60, v41;
	v19 =	vsel vm7, v41, v60;
	v52 =	vsel vm7, v62, v42  }
0x19c: {  	v22 =	vsel vm7, v42, v62;
	v53 =	vsel vm8, v9, v17;
	v9 =	vsel vm8, v17, v9  }
0x19d: {  	v54 =	vsel vm8, v8, v15;
	v15 =	vsel vm8, v15, v8;
	v55 =	vsel vm9, v10, v18  }
0x19e: {  	v10 =	vsel vm9, v18, v10;
	v56 =	vsel vm9, v7, v16;
	v16 =	vsel vm9, v16, v7  }
0x19f: {  	v7 =	vsel vm10, v43, v47;
	v58 =	vsel vm11, v45, v49;
	v27 =	vsel vm11, v49, v45  }
0x1a0: {  	v59 =	vsel vm11, v46, v50;
	v26 =	vsel vm11, v50, v46;
	v60 =	vsel vm12, v13, v14  }
0x1a1: {  	v13 =	vsel vm12, v14, v13;
	v61 =	vsel vm12, v23, v31;
	v23 =	vsel vm12, v31, v23  }
0x1a2: {  	v62 =	vsel vm13, v11, v6;
	v11 =	vsel vm13, v6, v11;
	v6 =	vsel vm13, v24, v32  }
0x1a3: {  	v24 =	vsel vm13, v32, v24;
	vm14 =	vgt.f32 v53, v12;
	vm15 =	vgt.f32 v55, v19  }
0x1a4: {  	vm4 =	vgt.f32 v60, v20;
	vm5 =	vgt.f32 v62, v27;
	vm6 =	vgt.f32 v36, v7  }
0x1a5: {  	vm7 =	vgt.f32 v51, v58;
	vm8 =	vgt.f32 v9, v13;
	vm9 =	vgt.f32 v10, v11  }
0x1a6: {  	v63 =	vsel vm14, v53, v12;
	v12 =	vsel vm14, v12, v53;
	v44 =	vsel vm14, v54, v21  }
0x1a7: {  	v17 =	vsel vm14, v21, v54;
	v45 =	vsel vm15, v55, v19;
	v19 =	vsel vm15, v19, v55  }
0x1a8: {  	v46 =	vsel vm15, v56, v22;
	v18 =	vsel vm15, v22, v56;
	v47 =	vsel vm4, v60, v20  }
0x1a9: {  	v20 =	vsel vm4, v20, v60;
	v48 =	vsel vm4, v61, v25;
	v14 =	vsel vm4, v25, v61  }
0x1aa: {  	v49 =	vsel vm5, v62, v27;
	v27 =	vsel vm5, v27, v62;
	v50 =	vsel vm5, v6, v26  }
0x1ab: {  	v26 =	vsel vm5, v26, v6;
	v40 =	vsel vm6, v36, v7;
	v36 =	vsel vm6, v7, v36  }
0x1ac: {  	v41 =	vsel vm6, v38, v57;
	v28 =	vsel vm6, v57, v38;
	v6 =	vsel vm7, v51, v58  }
0x1ad: {  	v29 =	vsel vm7, v58, v51;
	v7 =	vsel vm7, v52, v59;
	v30 =	vsel vm7, v59, v52  }
0x1ae: {  	v51 =	vsel vm8, v9, v13;
	v8 =	vsel vm8, v13, v9;
	v52 =	vsel vm8, v15, v23  }
0x1af: {  	v9 =	vsel vm8, v23, v15;
	v53 =	vsel vm9, v10, v11;
	v10 =	vsel vm9, v11, v10  }
0x1b0: {  	v54 =	vsel vm9, v16, v24;
	v16 =	vsel vm9, v24, v16;
	vm10 =	vgt.f32 v63, v47  }
0x1b1: {  	vm11 =	vgt.f32 v45, v49;
	vm12 =	vgt.f32 v12, v20;
	vm13 =	vgt.f32 v19, v27  }
0x1b2: {  	v55 =	vsel vm10, v63, v47;
	v22 =	vsel vm10, v47, v63;
	v56 =	vsel vm10, v44, v48  }
0x1b3: {  	v57 =	vsel vm10, v48, v44;
	v58 =	vsel vm11, v45, v49;
	v21 =	vsel vm11, v49, v45  }
0x1b4: {  	v59 =	vsel vm11, v46, v50;
	v31 =	vsel vm11, v50, v46;
	v60 =	vsel vm12, v12, v20  }
0x1b5: {  	v12 =	vsel vm12, v20, v12;
	v61 =	vsel vm12, v17, v14;
	v14 =	vsel vm12, v14, v17  }
0x1b6: {  	v62 =	vsel vm13, v19, v27;
	v19 =	vsel vm13, v27, v19;
	v63 =	vsel vm13, v18, v26  }
0x1b7: {  	v18 =	vsel vm13, v26, v18;
	vm12 =	veq.f32 v40, v10;
	vm13 =	vlt.u32 v41, v16  }
0x1b8: {  	vm14 =	vgt.f32 v55, v36;
	vm15 =	vgt.f32 v58, v29;
	vm4 =	vgt.f32 v51, v12  }
0x1b9: {  	vm5 =	vgt.f32 v53, v19;
	vm1 =	vmand vm12, vm13;
	v42 =	vsel vm14, v55, v36  }
0x1ba: {  	v23 =	vsel vm14, v36, v55;
	v43 =	vsel vm14, v56, v28;
	v24 =	vsel vm14, v28, v56  }
0x1bb: {  	v44 =	vsel vm15, v58, v29;
	v29 =	vsel vm15, v29, v58;
	v45 =	vsel vm15, v59, v30  }
0x1bc: {  	v25 =	vsel vm15, v30, v59;
	v46 =	vsel vm4, v51, v12;
	v12 =	vsel vm4, v12, v51  }
0x1bd: {  	v47 =	vsel vm4, v52, v14;
	v13 =	vsel vm4, v14, v52;
	v48 =	vsel vm5, v53, v19  }
0x1be: {  	v15 =	vsel vm5, v19, v53;
	v49 =	vsel vm5, v54, v18;
	v11 =	vsel vm5, v18, v54  }
0x1bf: {  	vm14 =	vgt.f32 v40, v10;
	vm6 =	vgt.f32 v60, v23;
	vm7 =	vgt.f32 v62, v29  }
0x1c0: {  	vm8 =	vgt.f32 v46, v22;
	vm9 =	vgt.f32 v48, v21;
	vm1 =	vmor vm14, vm1  }
0x1c1: {  	vm15 =	vgt.f32 v42, v15;
	vm4 =	veq.f32 v42, v15;
	vm5 =	vlt.u32 v43, v11  }
0x1c2: {  	v50 =	vsel vm6, v60, v23;
	v23 =	vsel vm6, v23, v60;
	v51 =	vsel vm6, v61, v24  }
0x1c3: {  	v20 =	vsel vm6, v24, v61;
	v52 =	vsel vm7, v62, v29;
	v17 =	vsel vm7, v29, v62  }
0x1c4: {  	v53 =	vsel vm7, v63, v25;
	v25 =	vsel vm7, v25, v63;
	v54 =	vsel vm8, v46, v22  }
0x1c5: {  	v22 =	vsel vm8, v22, v46;
	v55 =	vsel vm8, v47, v57;
	v32 =	vsel vm8, v57, v47  }
0x1c6: {  	v56 =	vsel vm9, v48, v21;
	v14 =	vsel vm9, v21, v48;
	v57 =	vsel vm9, v49, v31  }
0x1c7: {  	v19 =	vsel vm9, v31, v49;
	v61 =	vor.u32 $0x800, v4;
	v10 =	vsel vm1, v40, v10  }
0x1c8: {  	v16 =	vsel vm1, v41, v16;
	vm1 =	vmand vm4, vm5;
	vm10 =	vgt.f32 v54, v23  }
0x1c9: {  	vm11 =	vgt.f32 v56, v17;
	vm6 =	veq.f32 v50, v14;
	vm7 =	vlt.u32 v51, v19  }
0x1ca: {  	vm0 =	vmor vm15, vm1;
	vm8 =	vgt.f32 v50, v14;
	v5 =	vor.u32 v61, v5  }
0x1cb: {  	v58 =	vsel vm10, v54, v23;
	v23 =	vsel vm10, v23, v54;
	v59 =	vsel vm10, v55, v20  }
0x1cc: {  	v20 =	vsel vm10, v20, v55;
	v60 =	vsel vm11, v56, v17;
	v17 =	vsel vm11, v17, v56  }
0x1cd: {  	v62 =	vsel vm11, v57, v25;
	v21 =	vsel vm11, v25, v57;
	vm2 =	vmand vm6, vm7  }
0x1ce: {  	v15 =	vsel vm0, v42, v15;
	v11 =	vsel vm0, v43, v11;
	vm7 =	vgt.f32 v8, v6  }
0x1cf: {  	vm9 =	vmor vm8, vm2;
	vm10 =	vgt.f32 v58, v17;
	vm11 =	veq.f32 v58, v17  }
0x1d0: {  	vm12 =	vlt.u32 v59, v21;
	vm13 =	veq.f32 v23, v60;
	vm14 =	vlt.u32 v20, v62  }
0x1d1: {  	vm15 =	vgt.f32 v23, v60;
	v14 =	vsel vm9, v50, v14;
	vm2 =	vmand vm11, vm12  }
0x1d2: {  	vm4 =	vmand vm13, vm14;
	v63 =	vsel vm9, v51, v19;
	vm11 =	veq.f32 v22, v52  }
0x1d3: {  	vm12 =	vlt.u32 v32, v53;
	vm13 =	veq.f32 v12, v44;
	vm14 =	vlt.u32 v13, v45  }
0x1d4: {  	vm8 =	vmor vm10, vm2;
	vm9 =	vmor vm15, vm4;
	vm10 =	vgt.f32 v22, v52  }
0x1d5: {  	vm2 =	vmand vm11, vm12;
	vm15 =	vgt.f32 v12, v44;
	vm3 =	vmand vm13, vm14  }
0x1d6: {  	v17 =	vsel vm8, v58, v17;
	v25 =	vsel vm8, v59, v21;
	v26 =	vsel vm9, v23, v60  }
0x1d7: {  	vm0 =	vmor vm10, vm2;
	v20 =	vsel vm9, v20, v62;
	vm6 =	vmor vm15, vm3  }
0x1d8: {  	vm8 =	veq.f32 v8, v6;
	vm9 =	vlt.u32 v9, v7;
	v22 =	vsel vm0, v22, v52  }
0x1d9: {  	v27 =	vsel vm0, v32, v53;
	v12 =	vsel vm6, v12, v44;
	v13 =	vsel vm6, v13, v45  }
0x1da: {  	vm1 =	vmand vm8, vm9;
	vm10 =	veq.f32 v10, v26;
	vm11 =	vlt.u32 v16, v20  }
0x1db: {  	vm12 =	vgt.f32 v10, v26;
	v45 =	vor.u32 $0x1, v5;
	vm0 =	vmor vm7, vm1  }
0x1dc: {  	vm2 =	vmand vm10, vm11;
	vm14 =	veq.f32 v15, v22;
	vm15 =	vlt.u32 v11, v27  }
0x1dd: {  	vm6 =	vgt.f32 v15, v22;
	vm8 =	veq.f32 v14, v12;
	vm9 =	vlt.u32 v63, v13  }
0x1de: {  	vm10 =	vgt.f32 v14, v12;
	v6 =	vsel vm0, v8, v6;
	vm13 =	vmor vm12, vm2  }
0x1df: {  	v7 =	vsel vm0, v9, v7;
	vm1 =	vmand vm14, vm15;
	v29 =	vsel vm13, v10, v26  }
0x1e0: {  	v30 =	vsel vm13, v26, v10;
	v31 =	vsel vm13, v16, v20;
	v16 =	vsel vm13, v20, v16  }
0x1e1: {  	vm7 =	vmor vm6, vm1;
	vm1 =	vmand vm8, vm9;
	vm12 =	veq.f32 v17, v6  }
0x1e2: {  	vm13 =	vlt.u32 v25, v7;
	vm14 =	vgt.f32 v17, v6;
	v32 =	vsel vm7, v15, v22  }
0x1e3: {  	v15 =	vsel vm7, v22, v15;
	v33 =	vsel vm7, v11, v27;
	vm11 =	vmor vm10, vm1  }
0x1e4: {  	v11 =	vsel vm7, v27, v11;
	vm1 =	vmand vm12, vm13;
	v34 =	vsel vm11, v14, v12  }
0x1e5: {  	v12 =	vsel vm11, v12, v14;
	v36 =	vsel vm11, v63, v13;
	vm15 =	vmor vm14, vm1  }
0x1e6: {  	v13 =	vsel vm11, v13, v63;
	v37 =	vsel vm15, v17, v6;
	vm6 =	veq.f32 v29, v34  }
0x1e7: {  	vm7 =	vlt.u32 v31, v36;
	v6 =	vsel vm15, v6, v17;
	vm8 =	vgt.f32 v29, v34  }
0x1e8: {  	v38 =	vsel vm15, v25, v7;
	v7 =	vsel vm15, v7, v25;
	vm13 =	veq.f32 v30, v12  }
0x1e9: {  	vm1 =	vmand vm6, vm7;
	vm10 =	veq.f32 v32, v37;
	vm11 =	vlt.u32 v33, v38  }
0x1ea: {  	vm12 =	vgt.f32 v32, v37;
	vm9 =	vmor vm8, vm1;
	vm1 =	vmand vm10, vm11  }
0x1eb: {  	v39 =	vsel vm9, v29, v34;
	v8 =	vsel vm9, v34, v29;
	vm1 =	vmor vm12, vm1  }
0x1ec: {  	v40 =	vsel vm9, v31, v36;
	v41 =	vsel vm1, v32, v37;
	v42 =	vsel vm1, v33, v38  }
0x1ed: {  	v10 =	vsel vm9, v36, v31;
	vm8 =	veq.f32 v39, v41;
	vm9 =	vlt.u32 v40, v42  }
0x1ee: {  	vm14 =	vlt.u32 v16, v13;
	vm10 =	vgt.f32 v39, v41;
	vm2 =	vmand vm8, vm9  }
0x1ef: {  	vm15 =	vgt.f32 v30, v12;
	vm0 =	vmand vm13, vm14;
	vm2 =	vmor vm10, vm2  }
0x1f0: {  	vm13 =	vlt.u32 v11, v7;
	vm0 =	vmor vm15, vm0;
	v44 =	vsel vm2, v40, v42  }
0x1f1: {  	vm11 =	vgt.f32 v15, v6;
	v43 =	vsel vm0, v30, v12;
	v18 =	vsel vm1, v37, v32  }
0x1f2: {  	v17 =	vsel vm1, v38, v33;
	vm14 =	veq.f32 v8, v18;
	v46 =	vsel vm2, v39, v41  }
0x1f3: {  	v47 =	vor.u32 $0x2, v5;
	vm15 =	vlt.u32 v10, v17;
	v22 =	vsel vm2, v42, v40;
	[tilespmem:v5+s21+$0x0] =	vst.idx.msk $0xffff, v46  }
0x1f4: {  	vm12 =	veq.f32 v15, v6;
	vm7 =	vgt.f32 v8, v18;
	vm5 =	vmand vm14, vm15;
	[tilespmem:v5+s22+$0x0] =	vst.idx.msk $0xffff, v44  }
0x1f5: {  	vm3 =	vmand vm12, vm13;
	vm9 =	vmor vm7, vm5;
	v14 =	vsel vm2, v41, v39;
	[tilespmem:v44+s23+$0x0] =	vst.idx.add.f32.msk $0xffff, v3  }
0x1f6: {  	v48 =	vsel vm0, v16, v13;
	vm1 =	vmor vm11, vm3;
	v49 =	vsel vm9, v10, v17;
	[tilespmem:v45+s21+$0x0] =	vst.idx.msk $0xffff, v14  }
0x1f7: {  	v52 =	vor.u32 $0x3, v5;
	v50 =	vsel vm1, v15, v6;
	v51 =	vsel vm1, v11, v7;
	[tilespmem:v45+s22+$0x0] =	vst.idx.msk $0xffff, v22  }
0x1f8: {  	vm10 =	veq.f32 v43, v50;
	v53 =	vsel vm9, v8, v18;
	[tilespmem:v22+s23+$0x0] =	vst.idx.add.f32.msk $0xffff, v3  }
0x1f9: {  	vm11 =	vlt.u32 v48, v51;
	v10 =	vsel vm9, v17, v10;
	[tilespmem:v47+s21+$0x0] =	vst.idx.msk $0xffff, v53  }
0x1fa: {  	v54 =	vor.u32 $0x4, v5;
	vm12 =	vgt.f32 v43, v50;
	vm3 =	vmand vm10, vm11;
	[tilespmem:v47+s22+$0x0] =	vst.idx.msk $0xffff, v49  }
0x1fb: {  	v9 =	vsel vm0, v12, v30;
	v8 =	vsel vm9, v18, v8;
	vm13 =	vmor vm12, vm3;
	[tilespmem:v49+s23+$0x0] =	vst.idx.add.f32.msk $0xffff, v3  }
0x1fc: {  	v55 =	vsel vm0, v13, v16;
	v56 =	vsel vm13, v48, v51;
	[tilespmem:v52+s21+$0x0] =	vst.idx.msk $0xffff, v8  }
0x1fd: {  	v57 =	vor.u32 $0x5, v5;
	v6 =	vsel vm1, v6, v15;
	v7 =	vsel vm1, v7, v11;
	[tilespmem:v52+s22+$0x0] =	vst.idx.msk $0xffff, v10  }
0x1fe: {  	vm14 =	veq.f32 v9, v6;
	v58 =	vsel vm13, v43, v50;
	[tilespmem:v10+s23+$0x0] =	vst.idx.add.f32.msk $0xffff, v3  }
0x1ff: {  	vm1 =	vlt.u32 v55, v7;
	v59 =	vsel vm13, v51, v48;
	[tilespmem:v54+s21+$0x0] =	vst.idx.msk $0xffff, v58  }
0x200: {  	v60 =	vor.u32 $0x6, v5;
	vm15 =	vgt.f32 v9, v6;
	vm0 =	vmand vm14, vm1;
	[tilespmem:v54+s22+$0x0] =	vst.idx.msk $0xffff, v56  }
0x201: {  	vm0 =	vmor vm15, vm0;
	v61 =	vsel vm13, v50, v43;
	[tilespmem:v56+s23+$0x0] =	vst.idx.add.f32.msk $0xffff, v3  }
0x202: {  	v62 =	vsel vm0, v55, v7;
	[tilespmem:v57+s21+$0x0] =	vst.idx.msk $0xffff, v61  }
0x203: {  	v5 =	vor.u32 $0x7, v5;
	[tilespmem:v57+s22+$0x0] =	vst.idx.msk $0xffff, v59  }
0x204: {  	v63 =	vsel vm0, v9, v6;
	[tilespmem:v59+s23+$0x0] =	vst.idx.add.f32.msk $0xffff, v3  }
0x205: {  	p0 =	sne.s32 s25, $0xF0;
	v7 =	vsel vm0, v7, v55;
	[tilespmem:v60+s21+$0x0] =	vst.idx.msk $0xffff, v63  }
.Ltmp1:
0x206: {  	[tilespmem:v60+s22+$0x0] =	vst.idx.msk $0xffff, v62;
	(pc) =	sbr.rel @p0 .LBB2_4-.Ltmp1, $4  }
0x207: {  	v6 =	vsel vm0, v6, v9;
	[tilespmem:v62+s23+$0x0] =	vst.idx.add.f32.msk $0xffff, v3  }
0x208: {  	[tilespmem:v5+s21+$0x0] =	vst.idx.msk $0xffff, v6  }
0x209: {  	[tilespmem:v5+s22+$0x0] =	vst.idx.msk $0xffff, v7  }
0x20a: {  	s25 =	sadd.s32 $0x10, s25;
	[tilespmem:v7+s23+$0x0] =	vst.idx.add.f32.msk $0xffff, v3  }
0x20b: {  	s25 =	simm.s32 $0x0;
	s26 =	simm.s32 $0x10800  }
0x20c: {  	[hbm4b:s9+s25] =	stream.linear.scatter [tilespmem:s26], [sflag:$0x5], $0x800, $0x38;
	[tilespmem:$0x14080] =	vst v63  }
0x20d: {  	s29 =	simm.s32 $0x12800  }
0x20e: {  	[hbm4b:s10+s25] =	stream.linear.scatter [tilespmem:s29], [sflag:$0x5], $0x800, $0x38;
	[tilespmem:$0x14080] =	vst v63  }
0x20f: {  	_ =	swait.ge [sflag:s28], $0x4000  }
0x210: {  	[sflag:s28] =	ssyncset.done $0x0  }
0x211: {  	[sflag:s28] =	ssyncadd.s32 $0xFFFFC000  }
.LBB2_6:
0x212: {  	s26 =	sand.u32 $0xF0, s25  }
0x213: {  	v5 =	vld [tilespmem:s26+$0x8000]  }
0x214: {  	v6 =	vld [tilespmem:s26+$0x8100]  }
0x215: {  	v7 =	vld [tilespmem:s26+$0x8200]  }
0x216: {  	v8 =	vld [tilespmem:s26+$0x8300]  }
0x217: {  	v9 =	vld [tilespmem:s26+$0x8400]  }
0x218: {  	v10 =	vld [tilespmem:s26+$0x8500]  }
0x219: {  	v11 =	vld [tilespmem:s26+$0x8600]  }
0x21a: {  	v12 =	vld [tilespmem:s26+$0x8700]  }
0x21b: {  	v13 =	vld [tilespmem:s26+$0x8800]  }
0x21c: {  	v14 =	vld [tilespmem:s26+$0x8900]  }
0x21d: {  	v15 =	vld [tilespmem:s26+$0x8A00]  }
0x21e: {  	v16 =	vld [tilespmem:s26+$0x8B00]  }
0x21f: {  	v17 =	vld [tilespmem:s26+$0x8C00]  }
0x220: {  	v18 =	vld [tilespmem:s26+$0x8D00]  }
0x221: {  	v19 =	vld [tilespmem:s26+$0x8E00]  }
0x222: {  	v20 =	vld [tilespmem:s26+$0x8F00]  }
0x223: {  	v21 =	vld [tilespmem:s26+$0x9000]  }
0x224: {  	v22 =	vld [tilespmem:s26+$0x9100]  }
0x225: {  	v23 =	vld [tilespmem:s26+$0x9200]  }
0x226: {  	v24 =	vld [tilespmem:s26+$0x9300]  }
0x227: {  	v25 =	vld [tilespmem:s26+$0x9400]  }
0x228: {  	v26 =	vld [tilespmem:s26+$0x9500]  }
0x229: {  	v27 =	vld [tilespmem:s26+$0x9600]  }
0x22a: {  	v28 =	vld [tilespmem:s26+$0x9700]  }
0x22b: {  	v29 =	vld [tilespmem:s26+$0x9800]  }
0x22c: {  	v30 =	vld [tilespmem:s26+$0x9900]  }
0x22d: {  	v31 =	vld [tilespmem:s26+$0x9A00]  }
0x22e: {  	v32 =	vld [tilespmem:s26+$0x9B00]  }
0x22f: {  	v33 =	vld [tilespmem:s26+$0x9C00]  }
0x230: {  	v34 =	vld [tilespmem:s26+$0x9D00]  }
0x231: {  	v35 =	vld [tilespmem:s26+$0x9E00]  }
0x232: {  	v36 =	vld [tilespmem:s26+$0x9F00]  }
0x233: {  	v37 =	vld [tilespmem:s26+$0xA000]  }
0x234: {  	v38 =	vld [tilespmem:s26+$0xA100]  }
0x235: {  	v39 =	vld [tilespmem:s26+$0xA200]  }
0x236: {  	v40 =	vld [tilespmem:s26+$0xA300]  }
0x237: {  	v41 =	vld [tilespmem:s26+$0xA400]  }
0x238: {  	v42 =	vld [tilespmem:s26+$0xA500]  }
0x239: {  	v43 =	vld [tilespmem:s26+$0xA600]  }
0x23a: {  	v44 =	vld [tilespmem:s26+$0xA700]  }
0x23b: {  	v45 =	vld [tilespmem:s26+$0xA800]  }
0x23c: {  	v46 =	vld [tilespmem:s26+$0xA900]  }
0x23d: {  	v47 =	vld [tilespmem:s26+$0xAA00]  }
0x23e: {  	v57 =	vld [tilespmem:s26+$0xAC00]  }
0x23f: {  	v58 =	vld [tilespmem:s26+$0xAD00];
	v5 =	vmax.f32 v5, v6  }
0x240: {  	v59 =	vld [tilespmem:s26+$0xAE00];
	v61 =	vmax.f32 v21, v22;
	v5 =	vmax.f32 v5, v7  }
0x241: {  	v60 =	vld [tilespmem:s26+$0xAF00];
	v29 =	vmax.f32 v29, v30;
	v7 =	vmax.f32 v13, v14;
	v5 =	vmax.f32 v5, v8  }
0x242: {  	v62 =	vld [tilespmem:s26+$0xB000];
	v7 =	vmax.f32 v7, v15;
	v15 =	vmax.f32 v29, v31;
	v31 =	vmax.f32 v37, v38  }
0x243: {  	v63 =	vld [tilespmem:s26+$0xB100];
	v5 =	vmax.f32 v5, v9;
	v7 =	vmax.f32 v7, v16;
	v15 =	vmax.f32 v15, v32  }
0x244: {  	v49 =	vld [tilespmem:s26+$0xBB00];
	v5 =	vmax.f32 v5, v10;
	v7 =	vmax.f32 v7, v17;
	v17 =	vmax.f32 v31, v39  }
0x245: {  	v6 =	vld [tilespmem:s26+$0xAB00];
	v15 =	vmax.f32 v15, v33;
	v5 =	vmax.f32 v5, v11;
	v7 =	vmax.f32 v7, v18  }
0x246: {  	v30 =	vld [tilespmem:s26+$0xB200];
	v11 =	vmax.f32 v61, v23;
	v17 =	vmax.f32 v17, v40;
	v15 =	vmax.f32 v15, v34  }
0x247: {  	v37 =	vld [tilespmem:s26+$0xB300];
	v5 =	vmax.f32 v5, v12;
	v7 =	vmax.f32 v7, v19;
	v11 =	vmax.f32 v11, v24  }
0x248: {  	v38 =	vld [tilespmem:s26+$0xB400];
	v17 =	vmax.f32 v17, v41;
	v15 =	vmax.f32 v15, v35;
	v41 =	vmax.f32 v45, v46  }
0x249: {  	v39 =	vld [tilespmem:s26+$0xB500];
	v12 =	vmax.f32 v62, v63;
	v7 =	vmax.f32 v7, v20;
	v11 =	vmax.f32 v11, v25  }
0x24a: {  	v40 =	vld [tilespmem:s26+$0xB600];
	v17 =	vmax.f32 v17, v42;
	v15 =	vmax.f32 v15, v36;
	v22 =	vmax.f32 v41, v47  }
0x24b: {  	v45 =	vld [tilespmem:s26+$0xB900];
	v48 =	vmax.f32 v12, v30;
	v11 =	vmax.f32 v11, v26;
	v17 =	vmax.f32 v17, v43  }
0x24c: {  	v43 =	vld [tilespmem:s26+$0xB800];
	v6 =	vmax.f32 v22, v6;
	vm0 =	vgt.f32 v7, v5;
	v11 =	vmax.f32 v11, v27  }
0x24d: {  	v46 =	vld [tilespmem:s26+$0xBA00];
	v8 =	vmax.f32 v48, v37;
	v47 =	vsel vm0, v7, v5;
	v11 =	vmax.f32 v11, v28  }
0x24e: {  	v50 =	vld [tilespmem:s26+$0xBC00];
	v17 =	vmax.f32 v17, v44;
	v6 =	vmax.f32 v6, v57;
	vm1 =	vgt.f32 v11, v47  }
0x24f: {  	v42 =	vld [tilespmem:s26+$0xB700];
	v8 =	vmax.f32 v8, v38;
	v56 =	vsel vm0, $0x1, v2;
	v14 =	vsel vm1, v11, v47  }
0x250: {  	v51 =	vld [tilespmem:s26+$0xBD00];
	v6 =	vmax.f32 v6, v58;
	v8 =	vmax.f32 v8, v39;
	vm2 =	vgt.f32 v15, v14  }
0x251: {  	v53 =	vld [tilespmem:s26+$0xBE00];
	v6 =	vmax.f32 v6, v59;
	v52 =	vmax.f32 v43, v45;
	v14 =	vsel vm2, v15, v14  }
0x252: {  	v54 =	vld [tilespmem:s26+$0xBF00];
	v8 =	vmax.f32 v8, v40;
	v13 =	vmax.f32 v52, v46;
	vm3 =	vgt.f32 v17, v14  }
0x253: {  	v6 =	vmax.f32 v6, v60;
	v12 =	vmax.f32 v13, v49;
	v55 =	vsel vm3, v17, v14  }
0x254: {  	v8 =	vmax.f32 v8, v42;
	v9 =	vmax.f32 v12, v50;
	vm11 =	vgt.f32 v6, v55  }
0x255: {  	v57 =	vsel vm1, $0x2, v56;
	v9 =	vmax.f32 v9, v51;
	v58 =	vsel vm11, v6, v55  }
0x256: {  	v10 =	vsel vm2, $0x3, v57;
	v9 =	vmax.f32 v9, v53;
	vm12 =	vgt.f32 v8, v58  }
0x257: {  	v10 =	vsel vm3, $0x4, v10;
	v9 =	vmax.f32 v9, v54;
	v12 =	vsel vm12, v8, v58  }
0x258: {  	v10 =	vsel vm11, $0x5, v10;
	vm13 =	vgt.f32 v9, v12  }
0x259: {  	v10 =	vsel vm12, $0x6, v10;
	vm0 =	vmneg vm13  }
0x25a: {  	vm14 =	vlt.f32 v5, $-Inf;
	vm15 =	vgt.f32 v5, $-Inf;
	v10 =	vnsel vm0, $0x7, v10  }
0x25b: {  	vm1 =	vmor vm15, vm14;
	vm6 =	vne.s32 v10, $0x0  }
0x25c: {  	vm1 =	vmand vm1, vm6  }
0x25d: {  	v5 =	vnsel vm1, $0xFF800000, v5  }
0x25e: {  	vm7 =	vne.s32 v10, $0x1;
	vm8 =	vgt.f32 v7, v5  }
0x25f: {  	vm1 =	vmand vm7, vm8  }
0x260: {  	v5 =	vsel vm1, v7, v5  }
0x261: {  	vm9 =	vne.s32 v10, $0x2;
	vm10 =	vgt.f32 v11, v5  }
0x262: {  	vm2 =	vmand vm9, vm10  }
0x263: {  	v5 =	vsel vm2, v11, v5  }
0x264: {  	vm11 =	vne.s32 v10, $0x3;
	vm4 =	vgt.f32 v15, v5  }
0x265: {  	vm3 =	vmand vm11, vm4  }
0x266: {  	v5 =	vsel vm3, v15, v5  }
0x267: {  	vm12 =	vne.s32 v10, $0x4;
	vm5 =	vgt.f32 v17, v5  }
0x268: {  	vm4 =	vmand vm12, vm5  }
0x269: {  	v5 =	vsel vm4, v17, v5  }
0x26a: {  	vm13 =	vne.s32 v10, $0x5;
	vm14 =	vne.s32 v10, $0x6;
	vm6 =	vgt.f32 v6, v5  }
0x26b: {  	v59 =	vshll.u32 v10, $0x3;
	v60 =	vshll.u32 v10, $0xB;
	vm5 =	vmand vm13, vm6  }
0x26c: {  	v62 =	vor.u32 $0x1, v59;
	v41 =	vor.u32 $0x3, v59;
	v6 =	vsel vm5, v6, v5  }
0x26d: {  	v23 =	vor.u32 $0x4, v59;
	v46 =	vor.u32 $0x5, v59;
	vm15 =	vgt.f32 v8, v6  }
0x26e: {  	v49 =	vor.u32 $0x6, v59;
	v5 =	vsel vm1, $0x8, v2;
	vm1 =	vmand vm14, vm15  }
0x26f: {  	v52 =	vor.u32 $0x7, v59;
	v37 =	vshll.u32 v62, $0x8;
	v6 =	vsel vm1, v8, v6  }
0x270: {  	v42 =	vshll.u32 v41, $0x8;
	vm9 =	vgt.f32 v9, v6;
	v6 =	vor.u32 $0x8000, v1  }
0x271: {  	v44 =	vshll.u32 v23, $0x8;
	v47 =	vshll.u32 v46, $0x8;
	v6 =	vor.u32 s25, v6  }
0x272: {  	v15 =	vor.u32 $0x2, v59;
	v5 =	vsel vm2, $0x10, v5;
	v9 =	vadd.s32 v6, v60  }
0x273: {  	v39 =	vshll.u32 v15, $0x8;
	v7 =	vsel vm3, $0x18, v5;
	v13 =	vadd.s32 v6, v37  }
0x274: {  	v50 =	vshll.u32 v49, $0x8;
	v7 =	vsel vm4, $0x20, v7;
	v17 =	vadd.s32 v6, v39  }
0x275: {  	v54 =	vshll.u32 v52, $0x8;
	v7 =	vsel vm5, $0x28, v7;
	v21 =	vadd.s32 v6, v42  }
0x276: {  	vm0 =	vmand vm0, vm9;
	v7 =	vsel vm1, $0x30, v7;
	v25 =	vadd.s32 v6, v44  }
0x277: {  	v7 =	vsel vm0, $0x38, v7;
	v29 =	vadd.s32 v6, v47;
	v33 =	vadd.s32 v6, v50;
	v9 =	vld.idx.msk [tilespmem:v9+s2+$0x0], $0xffff  }
0x278: {  	v37 =	vadd.s32 v6, v54;
	v61 =	vshll.u32 v7, $0x8;
	v63 =	vadd.s32 $0x1, v7;
	v13 =	vld.idx.msk [tilespmem:v13+s2+$0x0], $0xffff  }
0x279: {  	v16 =	vadd.s32 $0x2, v7;
	v20 =	vadd.s32 $0x3, v7;
	v24 =	vadd.s32 $0x4, v7;
	v17 =	vld.idx.msk [tilespmem:v17+s2+$0x0], $0xffff  }
0x27a: {  	v28 =	vadd.s32 $0x5, v7;
	v10 =	vadd.s32 v6, v61;
	v38 =	vshll.u32 v63, $0x8;
	v21 =	vld.idx.msk [tilespmem:v21+s2+$0x0], $0xffff  }
0x27b: {  	v32 =	vadd.s32 $0x6, v7;
	v40 =	vshll.u32 v16, $0x8;
	v14 =	vadd.s32 v6, v38;
	v25 =	vld.idx.msk [tilespmem:v25+s2+$0x0], $0xffff  }
0x27c: {  	v53 =	vadd.s32 $0x7, v7;
	v43 =	vshll.u32 v20, $0x8;
	v18 =	vadd.s32 v6, v40;
	v57 =	vld.idx.msk [tilespmem:v29+s2+$0x0], $0xffff  }
0x27d: {  	v45 =	vshll.u32 v24, $0x8;
	v51 =	vshll.u32 v32, $0x8;
	v22 =	vadd.s32 v6, v43;
	v61 =	vld.idx.msk [tilespmem:v33+s2+$0x0], $0xffff  }
0x27e: {  	v48 =	vshll.u32 v28, $0x8;
	v55 =	vshll.u32 v53, $0x8;
	v34 =	vadd.s32 v6, v51;
	v37 =	vld.idx.msk [tilespmem:v37+s2+$0x0], $0xffff  }
0x27f: {  	v26 =	vadd.s32 v6, v45;
	v30 =	vadd.s32 v6, v48;
	v6 =	vadd.s32 v6, v55;
	v10 =	vld.idx.msk [tilespmem:v10+s2+$0x0], $0xffff  }
0x280: {  	v14 =	vld.idx.msk [tilespmem:v14+s2+$0x0], $0xffff  }
0x281: {  	v5 =	vmov s25;
	v18 =	vld.idx.msk [tilespmem:v18+s2+$0x0], $0xffff  }
0x282: {  	v5 =	vshll.u32 v5, $0x3;
	v22 =	vld.idx.msk [tilespmem:v22+s2+$0x0], $0xffff;
	vm10 =	vgt.f32 v9, v13  }
0x283: {  	v34 =	vld.idx.msk [tilespmem:v34+s2+$0x0], $0xffff;
	vm12 =	vgt.f32 v17, v21;
	vm14 =	vgt.f32 v25, v57;
	vm4 =	vgt.f32 v61, v37  }
0x284: {  	v6 =	vld.idx.msk [tilespmem:v6+s2+$0x0], $0xffff;
	v56 =	vsel vm10, v9, v13;
	v9 =	vsel vm10, v13, v9;
	v58 =	vsel vm10, v59, v62  }
0x285: {  	v8 =	vsel vm10, v62, v59;
	v40 =	vsel vm12, v15, v41;
	v15 =	vsel vm12, v41, v15  }
0x286: {  	v43 =	vsel vm14, v25, v57;
	v13 =	vsel vm14, v57, v25;
	v44 =	vsel vm14, v23, v46  }
0x287: {  	v23 =	vsel vm14, v46, v23;
	v47 =	vsel vm4, v61, v37;
	v48 =	vsel vm4, v49, v52  }
0x288: {  	v31 =	vsel vm4, v52, v49;
	vm10 =	vgt.f32 v43, v47;
	vm11 =	vgt.f32 v10, v14  }
0x289: {  	vm13 =	vgt.f32 v18, v22;
	vm5 =	vgt.f32 v34, v6;
	v57 =	vsel vm10, v44, v48  }
0x28a: {  	v25 =	vsel vm10, v48, v44;
	v60 =	vsel vm11, v10, v14;
	v10 =	vsel vm11, v14, v10  }
0x28b: {  	v26 =	vld.idx.msk [tilespmem:v26+s2+$0x0], $0xffff;
	v62 =	vsel vm11, v7, v63;
	v7 =	vsel vm11, v63, v7;
	v63 =	vsel vm12, v17, v21  }
0x28c: {  	v59 =	vld.idx.msk [tilespmem:v30+s2+$0x0], $0xffff;
	v17 =	vsel vm12, v21, v17;
	v41 =	vsel vm13, v18, v22;
	v18 =	vsel vm13, v22, v18  }
0x28d: {  	v42 =	vsel vm13, v16, v20;
	v16 =	vsel vm13, v20, v16;
	v14 =	vsel vm4, v37, v61  }
0x28e: {  	v49 =	vsel vm5, v34, v6;
	v6 =	vsel vm5, v6, v34;
	v50 =	vsel vm5, v32, v53  }
0x28f: {  	v32 =	vsel vm5, v53, v32;
	v20 =	vsel vm10, v47, v43;
	vm6 =	vgt.f32 v56, v63  }
0x290: {  	vm7 =	vgt.f32 v60, v41;
	vm8 =	vgt.f32 v9, v17;
	vm9 =	vgt.f32 v10, v18  }
0x291: {  	vm12 =	vgt.f32 v13, v14;
	vm15 =	vgt.f32 v26, v59;
	v36 =	vsel vm6, v56, v63  }
0x292: {  	v12 =	vsel vm6, v63, v56;
	v38 =	vsel vm6, v58, v40;
	v21 =	vsel vm6, v40, v58  }
0x293: {  	v51 =	vsel vm7, v60, v41;
	v19 =	vsel vm7, v41, v60;
	v52 =	vsel vm7, v62, v42  }
0x294: {  	v22 =	vsel vm7, v42, v62;
	v53 =	vsel vm8, v9, v17;
	v9 =	vsel vm8, v17, v9  }
0x295: {  	v54 =	vsel vm8, v8, v15;
	v15 =	vsel vm8, v15, v8;
	v55 =	vsel vm9, v10, v18  }
0x296: {  	v10 =	vsel vm9, v18, v10;
	v56 =	vsel vm9, v7, v16;
	v16 =	vsel vm9, v16, v7  }
0x297: {  	v7 =	vsel vm10, v43, v47;
	v60 =	vsel vm12, v13, v14;
	v13 =	vsel vm12, v14, v13  }
0x298: {  	v61 =	vsel vm12, v23, v31;
	v23 =	vsel vm12, v31, v23;
	v45 =	vsel vm15, v26, v59  }
0x299: {  	v11 =	vsel vm15, v59, v26;
	v46 =	vsel vm15, v24, v28;
	v24 =	vsel vm15, v28, v24  }
0x29a: {  	vm14 =	vgt.f32 v53, v12;
	vm15 =	vgt.f32 v55, v19;
	vm4 =	vgt.f32 v60, v20  }
0x29b: {  	vm6 =	vgt.f32 v36, v7;
	vm8 =	vgt.f32 v9, v13;
	vm11 =	vgt.f32 v45, v49  }
0x29c: {  	vm13 =	vgt.f32 v11, v6;
	v63 =	vsel vm14, v53, v12;
	v12 =	vsel vm14, v12, v53  }
0x29d: {  	v44 =	vsel vm14, v54, v21;
	v17 =	vsel vm14, v21, v54;
	v18 =	vsel vm15, v22, v56  }
0x29e: {  	v47 =	vsel vm4, v60, v20;
	v20 =	vsel vm4, v20, v60;
	v48 =	vsel vm4, v61, v25  }
0x29f: {  	v14 =	vsel vm4, v25, v61;
	v40 =	vsel vm6, v36, v7;
	v36 =	vsel vm6, v7, v36  }
0x2a0: {  	v41 =	vsel vm6, v38, v57;
	v28 =	vsel vm6, v57, v38;
	v8 =	vsel vm8, v13, v9  }
0x2a1: {  	v58 =	vsel vm11, v45, v49;
	v27 =	vsel vm11, v49, v45;
	v59 =	vsel vm11, v46, v50  }
0x2a2: {  	v26 =	vsel vm11, v50, v46;
	v62 =	vsel vm13, v11, v6;
	v11 =	vsel vm13, v6, v11  }
0x2a3: {  	v6 =	vsel vm13, v24, v32;
	v24 =	vsel vm13, v32, v24;
	v45 =	vsel vm15, v55, v19  }
0x2a4: {  	v19 =	vsel vm15, v19, v55;
	v46 =	vsel vm15, v56, v22;
	vm10 =	vgt.f32 v63, v47  }
0x2a5: {  	vm12 =	vgt.f32 v12, v20;
	vm5 =	vgt.f32 v62, v27;
	vm7 =	vgt.f32 v51, v58  }
0x2a6: {  	vm9 =	vgt.f32 v10, v11;
	v55 =	vsel vm10, v63, v47;
	v22 =	vsel vm10, v47, v63  }
0x2a7: {  	v56 =	vsel vm10, v44, v48;
	v57 =	vsel vm10, v48, v44;
	v60 =	vsel vm12, v12, v20  }
0x2a8: {  	v12 =	vsel vm12, v20, v12;
	v61 =	vsel vm12, v17, v14;
	v14 =	vsel vm12, v14, v17  }
0x2a9: {  	v49 =	vsel vm5, v62, v27;
	v27 =	vsel vm5, v27, v62;
	v50 =	vsel vm5, v6, v26  }
0x2aa: {  	v26 =	vsel vm5, v26, v6;
	v6 =	vsel vm7, v51, v58;
	v29 =	vsel vm7, v58, v51  }
0x2ab: {  	v7 =	vsel vm7, v52, v59;
	v30 =	vsel vm7, v59, v52;
	v51 =	vsel vm8, v9, v13  }
0x2ac: {  	v52 =	vsel vm8, v15, v23;
	v9 =	vsel vm8, v23, v15;
	v53 =	vsel vm9, v10, v11  }
0x2ad: {  	v10 =	vsel vm9, v11, v10;
	v54 =	vsel vm9, v16, v24;
	v16 =	vsel vm9, v24, v16  }
0x2ae: {  	vm14 =	vgt.f32 v55, v36;
	vm11 =	vgt.f32 v45, v49;
	vm13 =	vgt.f32 v19, v27  }
0x2af: {  	v42 =	vsel vm14, v55, v36;
	v23 =	vsel vm14, v36, v55;
	v43 =	vsel vm14, v56, v28  }
0x2b0: {  	v24 =	vsel vm14, v28, v56;
	vm4 =	vgt.f32 v51, v12;
	vm12 =	veq.f32 v40, v10  }
0x2b1: {  	vm14 =	vgt.f32 v40, v10;
	v58 =	vsel vm11, v45, v49;
	v21 =	vsel vm11, v49, v45  }
0x2b2: {  	v59 =	vsel vm11, v46, v50;
	v31 =	vsel vm11, v50, v46;
	v62 =	vsel vm13, v19, v27  }
0x2b3: {  	v19 =	vsel vm13, v27, v19;
	v63 =	vsel vm13, v18, v26;
	v18 =	vsel vm13, v26, v18  }
0x2b4: {  	v46 =	vsel vm4, v51, v12;
	v12 =	vsel vm4, v12, v51;
	v47 =	vsel vm4, v52, v14  }
0x2b5: {  	v13 =	vsel vm4, v14, v52;
	vm6 =	vgt.f32 v60, v23;
	vm13 =	vlt.u32 v41, v16  }
0x2b6: {  	vm15 =	vgt.f32 v58, v29;
	vm5 =	vgt.f32 v53, v19;
	v50 =	vsel vm6, v60, v23  }
0x2b7: {  	v23 =	vsel vm6, v23, v60;
	v51 =	vsel vm6, v61, v24;
	v20 =	vsel vm6, v24, v61  }
0x2b8: {  	vm8 =	vgt.f32 v46, v22;
	vm1 =	vmand vm12, vm13;
	v61 =	vor.u32 $0x1000, v4  }
0x2b9: {  	v44 =	vsel vm15, v58, v29;
	v29 =	vsel vm15, v29, v58;
	v45 =	vsel vm15, v59, v30  }
0x2ba: {  	v25 =	vsel vm15, v30, v59;
	v48 =	vsel vm5, v53, v19;
	v15 =	vsel vm5, v19, v53  }
0x2bb: {  	v49 =	vsel vm5, v54, v18;
	v11 =	vsel vm5, v18, v54;
	v54 =	vsel vm8, v46, v22  }
0x2bc: {  	v22 =	vsel vm8, v22, v46;
	v55 =	vsel vm8, v47, v57;
	v32 =	vsel vm8, v57, v47  }
0x2bd: {  	vm1 =	vmor vm14, vm1;
	v5 =	vor.u32 v61, v5;
	vm7 =	vgt.f32 v62, v29  }
0x2be: {  	vm9 =	vgt.f32 v48, v21;
	vm10 =	vgt.f32 v54, v23;
	v10 =	vsel vm1, v40, v10  }
0x2bf: {  	v16 =	vsel vm1, v41, v16;
	vm15 =	vgt.f32 v42, v15;
	vm4 =	veq.f32 v42, v15  }
0x2c0: {  	vm5 =	vlt.u32 v43, v11;
	v52 =	vsel vm7, v62, v29;
	v17 =	vsel vm7, v29, v62  }
0x2c1: {  	v53 =	vsel vm7, v63, v25;
	v25 =	vsel vm7, v25, v63;
	v56 =	vsel vm9, v48, v21  }
0x2c2: {  	v14 =	vsel vm9, v21, v48;
	v57 =	vsel vm9, v49, v31;
	v19 =	vsel vm9, v31, v49  }
0x2c3: {  	v58 =	vsel vm10, v54, v23;
	v23 =	vsel vm10, v23, v54;
	v59 =	vsel vm10, v55, v20  }
0x2c4: {  	v20 =	vsel vm10, v20, v55;
	vm1 =	vmand vm4, vm5;
	vm11 =	vgt.f32 v56, v17  }
0x2c5: {  	vm6 =	veq.f32 v50, v14;
	vm7 =	vlt.u32 v51, v19;
	vm0 =	vmor vm15, vm1  }
0x2c6: {  	vm8 =	vgt.f32 v50, v14;
	v60 =	vsel vm11, v56, v17;
	v17 =	vsel vm11, v17, v56  }
0x2c7: {  	v62 =	vsel vm11, v57, v25;
	v21 =	vsel vm11, v25, v57;
	vm2 =	vmand vm6, vm7  }
0x2c8: {  	v15 =	vsel vm0, v42, v15;
	v11 =	vsel vm0, v43, v11;
	vm7 =	vgt.f32 v8, v6  }
0x2c9: {  	vm9 =	vmor vm8, vm2;
	vm10 =	vgt.f32 v58, v17;
	vm11 =	veq.f32 v58, v17  }
0x2ca: {  	vm12 =	vlt.u32 v59, v21;
	vm13 =	veq.f32 v23, v60;
	vm14 =	vlt.u32 v20, v62  }
0x2cb: {  	vm15 =	vgt.f32 v23, v60;
	v14 =	vsel vm9, v50, v14;
	vm2 =	vmand vm11, vm12  }
0x2cc: {  	vm4 =	vmand vm13, vm14;
	v63 =	vsel vm9, v51, v19;
	vm11 =	veq.f32 v22, v52  }
0x2cd: {  	vm12 =	vlt.u32 v32, v53;
	vm13 =	veq.f32 v12, v44;
	vm14 =	vlt.u32 v13, v45  }
0x2ce: {  	vm8 =	vmor vm10, vm2;
	vm9 =	vmor vm15, vm4;
	vm10 =	vgt.f32 v22, v52  }
0x2cf: {  	vm2 =	vmand vm11, vm12;
	vm15 =	vgt.f32 v12, v44;
	vm3 =	vmand vm13, vm14  }
0x2d0: {  	v17 =	vsel vm8, v58, v17;
	v25 =	vsel vm8, v59, v21;
	v26 =	vsel vm9, v23, v60  }
0x2d1: {  	vm0 =	vmor vm10, vm2;
	v20 =	vsel vm9, v20, v62;
	vm6 =	vmor vm15, vm3  }
0x2d2: {  	vm8 =	veq.f32 v8, v6;
	vm9 =	vlt.u32 v9, v7;
	v22 =	vsel vm0, v22, v52  }
0x2d3: {  	v27 =	vsel vm0, v32, v53;
	v12 =	vsel vm6, v12, v44;
	v13 =	vsel vm6, v13, v45  }
0x2d4: {  	vm1 =	vmand vm8, vm9;
	vm10 =	veq.f32 v10, v26;
	vm11 =	vlt.u32 v16, v20  }
0x2d5: {  	vm12 =	vgt.f32 v10, v26;
	v45 =	vor.u32 $0x1, v5;
	vm0 =	vmor vm7, vm1  }
0x2d6: {  	vm2 =	vmand vm10, vm11;
	vm14 =	veq.f32 v15, v22;
	vm15 =	vlt.u32 v11, v27  }
0x2d7: {  	vm6 =	vgt.f32 v15, v22;
	vm8 =	veq.f32 v14, v12;
	vm9 =	vlt.u32 v63, v13  }
0x2d8: {  	vm10 =	vgt.f32 v14, v12;
	v6 =	vsel vm0, v8, v6;
	vm13 =	vmor vm12, vm2  }
0x2d9: {  	v7 =	vsel vm0, v9, v7;
	vm1 =	vmand vm14, vm15;
	v29 =	vsel vm13, v10, v26  }
0x2da: {  	v30 =	vsel vm13, v26, v10;
	v31 =	vsel vm13, v16, v20;
	v16 =	vsel vm13, v20, v16  }
0x2db: {  	vm7 =	vmor vm6, vm1;
	vm1 =	vmand vm8, vm9;
	vm12 =	veq.f32 v17, v6  }
0x2dc: {  	vm13 =	vlt.u32 v25, v7;
	vm14 =	vgt.f32 v17, v6;
	v32 =	vsel vm7, v15, v22  }
0x2dd: {  	v15 =	vsel vm7, v22, v15;
	v33 =	vsel vm7, v11, v27;
	vm11 =	vmor vm10, vm1  }
0x2de: {  	v11 =	vsel vm7, v27, v11;
	vm1 =	vmand vm12, vm13;
	v34 =	vsel vm11, v14, v12  }
0x2df: {  	v12 =	vsel vm11, v12, v14;
	v36 =	vsel vm11, v63, v13;
	vm15 =	vmor vm14, vm1  }
0x2e0: {  	v13 =	vsel vm11, v13, v63;
	v37 =	vsel vm15, v17, v6;
	vm6 =	veq.f32 v29, v34  }
0x2e1: {  	vm7 =	vlt.u32 v31, v36;
	v6 =	vsel vm15, v6, v17;
	vm8 =	vgt.f32 v29, v34  }
0x2e2: {  	v38 =	vsel vm15, v25, v7;
	v7 =	vsel vm15, v7, v25;
	vm13 =	veq.f32 v30, v12  }
0x2e3: {  	vm1 =	vmand vm6, vm7;
	vm10 =	veq.f32 v32, v37;
	vm11 =	vlt.u32 v33, v38  }
0x2e4: {  	vm12 =	vgt.f32 v32, v37;
	vm9 =	vmor vm8, vm1;
	vm1 =	vmand vm10, vm11  }
0x2e5: {  	v39 =	vsel vm9, v29, v34;
	v8 =	vsel vm9, v34, v29;
	vm1 =	vmor vm12, vm1  }
0x2e6: {  	v40 =	vsel vm9, v31, v36;
	v41 =	vsel vm1, v32, v37;
	v42 =	vsel vm1, v33, v38  }
0x2e7: {  	v10 =	vsel vm9, v36, v31;
	vm8 =	veq.f32 v39, v41;
	vm9 =	vlt.u32 v40, v42  }
0x2e8: {  	vm14 =	vlt.u32 v16, v13;
	vm10 =	vgt.f32 v39, v41;
	vm2 =	vmand vm8, vm9  }
0x2e9: {  	vm15 =	vgt.f32 v30, v12;
	vm0 =	vmand vm13, vm14;
	vm2 =	vmor vm10, vm2  }
0x2ea: {  	vm13 =	vlt.u32 v11, v7;
	vm0 =	vmor vm15, vm0;
	v44 =	vsel vm2, v40, v42  }
0x2eb: {  	vm11 =	vgt.f32 v15, v6;
	v43 =	vsel vm0, v30, v12;
	v18 =	vsel vm1, v37, v32  }
0x2ec: {  	v17 =	vsel vm1, v38, v33;
	vm14 =	veq.f32 v8, v18;
	v46 =	vsel vm2, v39, v41  }
0x2ed: {  	v47 =	vor.u32 $0x2, v5;
	vm15 =	vlt.u32 v10, v17;
	v22 =	vsel vm2, v42, v40;
	[tilespmem:v5+s21+$0x0] =	vst.idx.msk $0xffff, v46  }
0x2ee: {  	vm12 =	veq.f32 v15, v6;
	vm7 =	vgt.f32 v8, v18;
	vm5 =	vmand vm14, vm15;
	[tilespmem:v5+s22+$0x0] =	vst.idx.msk $0xffff, v44  }
0x2ef: {  	vm3 =	vmand vm12, vm13;
	vm9 =	vmor vm7, vm5;
	v14 =	vsel vm2, v41, v39;
	[tilespmem:v44+s23+$0x0] =	vst.idx.add.f32.msk $0xffff, v3  }
0x2f0: {  	v48 =	vsel vm0, v16, v13;
	vm1 =	vmor vm11, vm3;
	v49 =	vsel vm9, v10, v17;
	[tilespmem:v45+s21+$0x0] =	vst.idx.msk $0xffff, v14  }
0x2f1: {  	v52 =	vor.u32 $0x3, v5;
	v50 =	vsel vm1, v15, v6;
	v51 =	vsel vm1, v11, v7;
	[tilespmem:v45+s22+$0x0] =	vst.idx.msk $0xffff, v22  }
0x2f2: {  	vm10 =	veq.f32 v43, v50;
	v53 =	vsel vm9, v8, v18;
	[tilespmem:v22+s23+$0x0] =	vst.idx.add.f32.msk $0xffff, v3  }
0x2f3: {  	vm11 =	vlt.u32 v48, v51;
	v10 =	vsel vm9, v17, v10;
	[tilespmem:v47+s21+$0x0] =	vst.idx.msk $0xffff, v53  }
0x2f4: {  	v54 =	vor.u32 $0x4, v5;
	vm12 =	vgt.f32 v43, v50;
	vm3 =	vmand vm10, vm11;
	[tilespmem:v47+s22+$0x0] =	vst.idx.msk $0xffff, v49  }
0x2f5: {  	v9 =	vsel vm0, v12, v30;
	v8 =	vsel vm9, v18, v8;
	vm13 =	vmor vm12, vm3;
	[tilespmem:v49+s23+$0x0] =	vst.idx.add.f32.msk $0xffff, v3  }
0x2f6: {  	v55 =	vsel vm0, v13, v16;
	v56 =	vsel vm13, v48, v51;
	[tilespmem:v52+s21+$0x0] =	vst.idx.msk $0xffff, v8  }
0x2f7: {  	v57 =	vor.u32 $0x5, v5;
	v6 =	vsel vm1, v6, v15;
	v7 =	vsel vm1, v7, v11;
	[tilespmem:v52+s22+$0x0] =	vst.idx.msk $0xffff, v10  }
0x2f8: {  	vm14 =	veq.f32 v9, v6;
	v58 =	vsel vm13, v43, v50;
	[tilespmem:v10+s23+$0x0] =	vst.idx.add.f32.msk $0xffff, v3  }
0x2f9: {  	vm1 =	vlt.u32 v55, v7;
	v59 =	vsel vm13, v51, v48;
	[tilespmem:v54+s21+$0x0] =	vst.idx.msk $0xffff, v58  }
0x2fa: {  	v60 =	vor.u32 $0x6, v5;
	vm15 =	vgt.f32 v9, v6;
	vm0 =	vmand vm14, vm1;
	[tilespmem:v54+s22+$0x0] =	vst.idx.msk $0xffff, v56  }
0x2fb: {  	vm0 =	vmor vm15, vm0;
	v61 =	vsel vm13, v50, v43;
	[tilespmem:v56+s23+$0x0] =	vst.idx.add.f32.msk $0xffff, v3  }
0x2fc: {  	v62 =	vsel vm0, v55, v7;
	[tilespmem:v57+s21+$0x0] =	vst.idx.msk $0xffff, v61  }
0x2fd: {  	v5 =	vor.u32 $0x7, v5;
	[tilespmem:v57+s22+$0x0] =	vst.idx.msk $0xffff, v59  }
0x2fe: {  	v63 =	vsel vm0, v9, v6;
	[tilespmem:v59+s23+$0x0] =	vst.idx.add.f32.msk $0xffff, v3  }
0x2ff: {  	p0 =	sne.s32 s25, $0xF0;
	v7 =	vsel vm0, v7, v55;
	[tilespmem:v60+s21+$0x0] =	vst.idx.msk $0xffff, v63  }
.Ltmp2:
0x300: {  	[tilespmem:v60+s22+$0x0] =	vst.idx.msk $0xffff, v62;
	(pc) =	sbr.rel @p0 .LBB2_6-.Ltmp2, $4  }
0x301: {  	v6 =	vsel vm0, v6, v9;
	[tilespmem:v62+s23+$0x0] =	vst.idx.add.f32.msk $0xffff, v3  }
0x302: {  	[tilespmem:v5+s21+$0x0] =	vst.idx.msk $0xffff, v6  }
0x303: {  	[tilespmem:v5+s22+$0x0] =	vst.idx.msk $0xffff, v7  }
0x304: {  	s25 =	sadd.s32 $0x10, s25;
	[tilespmem:v7+s23+$0x0] =	vst.idx.add.f32.msk $0xffff, v3  }
0x305: {  	s25 =	simm.s32 $0x0;
	s26 =	simm.s32 $0x11000  }
0x306: {  	[hbm4b:s11+s25] =	stream.linear.scatter [tilespmem:s26], [sflag:$0x5], $0x800, $0x38;
	[tilespmem:$0x14080] =	vst v63  }
0x307: {  	_ = 	snop  }
0x308: {  	[hbm4b:s12+s25] =	stream.linear.scatter [tilespmem:s30], [sflag:$0x5], $0x800, $0x38;
	[tilespmem:$0x14080] =	vst v63  }
0x309: {  	_ =	swait.ge [sflag:s31], $0x4000  }
0x30a: {  	[sflag:s31] =	ssyncset.done $0x0  }
0x30b: {  	[sflag:s31] =	ssyncadd.s32 $0xFFFFC000  }
.LBB2_8:
0x30c: {  	s26 =	sand.u32 $0xF0, s25  }
0x30d: {  	v5 =	vld [tilespmem:s26+$0xC000]  }
0x30e: {  	v6 =	vld [tilespmem:s26+$0xC100]  }
0x30f: {  	v7 =	vld [tilespmem:s26+$0xC200]  }
0x310: {  	v8 =	vld [tilespmem:s26+$0xC300]  }
0x311: {  	v9 =	vld [tilespmem:s26+$0xC400]  }
0x312: {  	v10 =	vld [tilespmem:s26+$0xC500]  }
0x313: {  	v11 =	vld [tilespmem:s26+$0xC600]  }
0x314: {  	v12 =	vld [tilespmem:s26+$0xC700]  }
0x315: {  	v13 =	vld [tilespmem:s26+$0xC800]  }
0x316: {  	v14 =	vld [tilespmem:s26+$0xC900]  }
0x317: {  	v15 =	vld [tilespmem:s26+$0xCA00]  }
0x318: {  	v16 =	vld [tilespmem:s26+$0xCB00]  }
0x319: {  	v17 =	vld [tilespmem:s26+$0xCC00]  }
0x31a: {  	v18 =	vld [tilespmem:s26+$0xCD00]  }
0x31b: {  	v19 =	vld [tilespmem:s26+$0xCE00]  }
0x31c: {  	v20 =	vld [tilespmem:s26+$0xCF00]  }
0x31d: {  	v21 =	vld [tilespmem:s26+$0xD000]  }
0x31e: {  	v22 =	vld [tilespmem:s26+$0xD100]  }
0x31f: {  	v23 =	vld [tilespmem:s26+$0xD200]  }
0x320: {  	v24 =	vld [tilespmem:s26+$0xD300]  }
0x321: {  	v25 =	vld [tilespmem:s26+$0xD400]  }
0x322: {  	v26 =	vld [tilespmem:s26+$0xD500]  }
0x323: {  	v27 =	vld [tilespmem:s26+$0xD600]  }
0x324: {  	v28 =	vld [tilespmem:s26+$0xD700]  }
0x325: {  	v29 =	vld [tilespmem:s26+$0xD800]  }
0x326: {  	v30 =	vld [tilespmem:s26+$0xD900]  }
0x327: {  	v31 =	vld [tilespmem:s26+$0xDA00]  }
0x328: {  	v32 =	vld [tilespmem:s26+$0xDB00]  }
0x329: {  	v33 =	vld [tilespmem:s26+$0xDC00]  }
0x32a: {  	v34 =	vld [tilespmem:s26+$0xDD00]  }
0x32b: {  	v35 =	vld [tilespmem:s26+$0xDE00]  }
0x32c: {  	v36 =	vld [tilespmem:s26+$0xDF00]  }
0x32d: {  	v37 =	vld [tilespmem:s26+$0xE000]  }
0x32e: {  	v38 =	vld [tilespmem:s26+$0xE100]  }
0x32f: {  	v39 =	vld [tilespmem:s26+$0xE200]  }
0x330: {  	v40 =	vld [tilespmem:s26+$0xE300]  }
0x331: {  	v41 =	vld [tilespmem:s26+$0xE400]  }
0x332: {  	v42 =	vld [tilespmem:s26+$0xE500]  }
0x333: {  	v43 =	vld [tilespmem:s26+$0xE600]  }
0x334: {  	v44 =	vld [tilespmem:s26+$0xE700]  }
0x335: {  	v45 =	vld [tilespmem:s26+$0xE800]  }
0x336: {  	v46 =	vld [tilespmem:s26+$0xE900]  }
0x337: {  	v47 =	vld [tilespmem:s26+$0xEA00]  }
0x338: {  	v57 =	vld [tilespmem:s26+$0xEC00]  }
0x339: {  	v58 =	vld [tilespmem:s26+$0xED00];
	v5 =	vmax.f32 v5, v6  }
0x33a: {  	v59 =	vld [tilespmem:s26+$0xEE00];
	v61 =	vmax.f32 v21, v22;
	v5 =	vmax.f32 v5, v7  }
0x33b: {  	v60 =	vld [tilespmem:s26+$0xEF00];
	v29 =	vmax.f32 v29, v30;
	v7 =	vmax.f32 v13, v14;
	v5 =	vmax.f32 v5, v8  }
0x33c: {  	v62 =	vld [tilespmem:s26+$0xF000];
	v7 =	vmax.f32 v7, v15;
	v15 =	vmax.f32 v29, v31;
	v31 =	vmax.f32 v37, v38  }
0x33d: {  	v63 =	vld [tilespmem:s26+$0xF100];
	v5 =	vmax.f32 v5, v9;
	v7 =	vmax.f32 v7, v16;
	v15 =	vmax.f32 v15, v32  }
0x33e: {  	v49 =	vld [tilespmem:s26+$0xFB00];
	v5 =	vmax.f32 v5, v10;
	v7 =	vmax.f32 v7, v17;
	v17 =	vmax.f32 v31, v39  }
0x33f: {  	v6 =	vld [tilespmem:s26+$0xEB00];
	v15 =	vmax.f32 v15, v33;
	v5 =	vmax.f32 v5, v11;
	v7 =	vmax.f32 v7, v18  }
0x340: {  	v30 =	vld [tilespmem:s26+$0xF200];
	v11 =	vmax.f32 v61, v23;
	v17 =	vmax.f32 v17, v40;
	v15 =	vmax.f32 v15, v34  }
0x341: {  	v37 =	vld [tilespmem:s26+$0xF300];
	v5 =	vmax.f32 v5, v12;
	v7 =	vmax.f32 v7, v19;
	v11 =	vmax.f32 v11, v24  }
0x342: {  	v38 =	vld [tilespmem:s26+$0xF400];
	v17 =	vmax.f32 v17, v41;
	v15 =	vmax.f32 v15, v35;
	v41 =	vmax.f32 v45, v46  }
0x343: {  	v39 =	vld [tilespmem:s26+$0xF500];
	v12 =	vmax.f32 v62, v63;
	v7 =	vmax.f32 v7, v20;
	v11 =	vmax.f32 v11, v25  }
0x344: {  	v40 =	vld [tilespmem:s26+$0xF600];
	v17 =	vmax.f32 v17, v42;
	v15 =	vmax.f32 v15, v36;
	v22 =	vmax.f32 v41, v47  }
0x345: {  	v45 =	vld [tilespmem:s26+$0xF900];
	v48 =	vmax.f32 v12, v30;
	v11 =	vmax.f32 v11, v26;
	v17 =	vmax.f32 v17, v43  }
0x346: {  	v43 =	vld [tilespmem:s26+$0xF800];
	v6 =	vmax.f32 v22, v6;
	vm0 =	vgt.f32 v7, v5;
	v11 =	vmax.f32 v11, v27  }
0x347: {  	v46 =	vld [tilespmem:s26+$0xFA00];
	v8 =	vmax.f32 v48, v37;
	v47 =	vsel vm0, v7, v5;
	v11 =	vmax.f32 v11, v28  }
0x348: {  	v50 =	vld [tilespmem:s26+$0xFC00];
	v17 =	vmax.f32 v17, v44;
	v6 =	vmax.f32 v6, v57;
	vm1 =	vgt.f32 v11, v47  }
0x349: {  	v42 =	vld [tilespmem:s26+$0xF700];
	v8 =	vmax.f32 v8, v38;
	v56 =	vsel vm0, $0x1, v2;
	v14 =	vsel vm1, v11, v47  }
0x34a: {  	v51 =	vld [tilespmem:s26+$0xFD00];
	v6 =	vmax.f32 v6, v58;
	v8 =	vmax.f32 v8, v39;
	vm2 =	vgt.f32 v15, v14  }
0x34b: {  	v53 =	vld [tilespmem:s26+$0xFE00];
	v6 =	vmax.f32 v6, v59;
	v52 =	vmax.f32 v43, v45;
	v14 =	vsel vm2, v15, v14  }
0x34c: {  	v54 =	vld [tilespmem:s26+$0xFF00];
	v8 =	vmax.f32 v8, v40;
	v13 =	vmax.f32 v52, v46;
	vm3 =	vgt.f32 v17, v14  }
0x34d: {  	v6 =	vmax.f32 v6, v60;
	v12 =	vmax.f32 v13, v49;
	v55 =	vsel vm3, v17, v14  }
0x34e: {  	v8 =	vmax.f32 v8, v42;
	v9 =	vmax.f32 v12, v50;
	vm11 =	vgt.f32 v6, v55  }
0x34f: {  	v57 =	vsel vm1, $0x2, v56;
	v9 =	vmax.f32 v9, v51;
	v58 =	vsel vm11, v6, v55  }
0x350: {  	v10 =	vsel vm2, $0x3, v57;
	v9 =	vmax.f32 v9, v53;
	vm12 =	vgt.f32 v8, v58  }
0x351: {  	v10 =	vsel vm3, $0x4, v10;
	v9 =	vmax.f32 v9, v54;
	v12 =	vsel vm12, v8, v58  }
0x352: {  	v10 =	vsel vm11, $0x5, v10;
	vm13 =	vgt.f32 v9, v12  }
0x353: {  	v10 =	vsel vm12, $0x6, v10;
	vm0 =	vmneg vm13  }
0x354: {  	vm14 =	vlt.f32 v5, $-Inf;
	vm15 =	vgt.f32 v5, $-Inf;
	v10 =	vnsel vm0, $0x7, v10  }
0x355: {  	vm1 =	vmor vm15, vm14;
	vm6 =	vne.s32 v10, $0x0  }
0x356: {  	vm1 =	vmand vm1, vm6  }
0x357: {  	v5 =	vnsel vm1, $0xFF800000, v5  }
0x358: {  	vm7 =	vne.s32 v10, $0x1;
	vm8 =	vgt.f32 v7, v5  }
0x359: {  	vm1 =	vmand vm7, vm8  }
0x35a: {  	v5 =	vsel vm1, v7, v5  }
0x35b: {  	vm9 =	vne.s32 v10, $0x2;
	vm10 =	vgt.f32 v11, v5  }
0x35c: {  	vm2 =	vmand vm9, vm10  }
0x35d: {  	v5 =	vsel vm2, v11, v5  }
0x35e: {  	vm11 =	vne.s32 v10, $0x3;
	vm4 =	vgt.f32 v15, v5  }
0x35f: {  	vm3 =	vmand vm11, vm4  }
0x360: {  	v5 =	vsel vm3, v15, v5  }
0x361: {  	vm12 =	vne.s32 v10, $0x4;
	vm5 =	vgt.f32 v17, v5  }
0x362: {  	vm4 =	vmand vm12, vm5  }
0x363: {  	v5 =	vsel vm4, v17, v5  }
0x364: {  	vm13 =	vne.s32 v10, $0x5;
	vm14 =	vne.s32 v10, $0x6;
	vm6 =	vgt.f32 v6, v5  }
0x365: {  	v59 =	vshll.u32 v10, $0x3;
	v60 =	vshll.u32 v10, $0xB;
	vm5 =	vmand vm13, vm6  }
0x366: {  	v62 =	vor.u32 $0x1, v59;
	v41 =	vor.u32 $0x3, v59;
	v6 =	vsel vm5, v6, v5  }
0x367: {  	v23 =	vor.u32 $0x4, v59;
	v46 =	vor.u32 $0x5, v59;
	vm15 =	vgt.f32 v8, v6  }
0x368: {  	v49 =	vor.u32 $0x6, v59;
	v5 =	vsel vm1, $0x8, v2;
	vm1 =	vmand vm14, vm15  }
0x369: {  	v52 =	vor.u32 $0x7, v59;
	v37 =	vshll.u32 v62, $0x8;
	v6 =	vsel vm1, v8, v6  }
0x36a: {  	v42 =	vshll.u32 v41, $0x8;
	vm9 =	vgt.f32 v9, v6;
	v6 =	vor.u32 $0xC000, v1  }
0x36b: {  	v44 =	vshll.u32 v23, $0x8;
	v47 =	vshll.u32 v46, $0x8;
	v6 =	vor.u32 s25, v6  }
0x36c: {  	v15 =	vor.u32 $0x2, v59;
	v5 =	vsel vm2, $0x10, v5;
	v9 =	vadd.s32 v6, v60  }
0x36d: {  	v39 =	vshll.u32 v15, $0x8;
	v7 =	vsel vm3, $0x18, v5;
	v13 =	vadd.s32 v6, v37  }
0x36e: {  	v50 =	vshll.u32 v49, $0x8;
	v7 =	vsel vm4, $0x20, v7;
	v17 =	vadd.s32 v6, v39  }
0x36f: {  	v54 =	vshll.u32 v52, $0x8;
	v7 =	vsel vm5, $0x28, v7;
	v21 =	vadd.s32 v6, v42  }
0x370: {  	vm0 =	vmand vm0, vm9;
	v7 =	vsel vm1, $0x30, v7;
	v25 =	vadd.s32 v6, v44  }
0x371: {  	v7 =	vsel vm0, $0x38, v7;
	v29 =	vadd.s32 v6, v47;
	v33 =	vadd.s32 v6, v50;
	v9 =	vld.idx.msk [tilespmem:v9+s2+$0x0], $0xffff  }
0x372: {  	v37 =	vadd.s32 v6, v54;
	v61 =	vshll.u32 v7, $0x8;
	v63 =	vadd.s32 $0x1, v7;
	v13 =	vld.idx.msk [tilespmem:v13+s2+$0x0], $0xffff  }
0x373: {  	v16 =	vadd.s32 $0x2, v7;
	v20 =	vadd.s32 $0x3, v7;
	v24 =	vadd.s32 $0x4, v7;
	v17 =	vld.idx.msk [tilespmem:v17+s2+$0x0], $0xffff  }
0x374: {  	v28 =	vadd.s32 $0x5, v7;
	v10 =	vadd.s32 v6, v61;
	v38 =	vshll.u32 v63, $0x8;
	v21 =	vld.idx.msk [tilespmem:v21+s2+$0x0], $0xffff  }
0x375: {  	v32 =	vadd.s32 $0x6, v7;
	v40 =	vshll.u32 v16, $0x8;
	v14 =	vadd.s32 v6, v38;
	v25 =	vld.idx.msk [tilespmem:v25+s2+$0x0], $0xffff  }
0x376: {  	v53 =	vadd.s32 $0x7, v7;
	v43 =	vshll.u32 v20, $0x8;
	v18 =	vadd.s32 v6, v40;
	v57 =	vld.idx.msk [tilespmem:v29+s2+$0x0], $0xffff  }
0x377: {  	v45 =	vshll.u32 v24, $0x8;
	v51 =	vshll.u32 v32, $0x8;
	v22 =	vadd.s32 v6, v43;
	v61 =	vld.idx.msk [tilespmem:v33+s2+$0x0], $0xffff  }
0x378: {  	v48 =	vshll.u32 v28, $0x8;
	v55 =	vshll.u32 v53, $0x8;
	v34 =	vadd.s32 v6, v51;
	v37 =	vld.idx.msk [tilespmem:v37+s2+$0x0], $0xffff  }
0x379: {  	v26 =	vadd.s32 v6, v45;
	v30 =	vadd.s32 v6, v48;
	v6 =	vadd.s32 v6, v55;
	v10 =	vld.idx.msk [tilespmem:v10+s2+$0x0], $0xffff  }
0x37a: {  	v14 =	vld.idx.msk [tilespmem:v14+s2+$0x0], $0xffff  }
0x37b: {  	v5 =	vmov s25;
	v18 =	vld.idx.msk [tilespmem:v18+s2+$0x0], $0xffff  }
0x37c: {  	v5 =	vshll.u32 v5, $0x3;
	v22 =	vld.idx.msk [tilespmem:v22+s2+$0x0], $0xffff;
	vm10 =	vgt.f32 v9, v13  }
0x37d: {  	v34 =	vld.idx.msk [tilespmem:v34+s2+$0x0], $0xffff;
	vm12 =	vgt.f32 v17, v21;
	vm14 =	vgt.f32 v25, v57;
	vm4 =	vgt.f32 v61, v37  }
0x37e: {  	v6 =	vld.idx.msk [tilespmem:v6+s2+$0x0], $0xffff;
	v56 =	vsel vm10, v9, v13;
	v9 =	vsel vm10, v13, v9;
	v58 =	vsel vm10, v59, v62  }
0x37f: {  	v8 =	vsel vm10, v62, v59;
	v40 =	vsel vm12, v15, v41;
	v15 =	vsel vm12, v41, v15  }
0x380: {  	v43 =	vsel vm14, v25, v57;
	v13 =	vsel vm14, v57, v25;
	v44 =	vsel vm14, v23, v46  }
0x381: {  	v23 =	vsel vm14, v46, v23;
	v47 =	vsel vm4, v61, v37;
	v48 =	vsel vm4, v49, v52  }
0x382: {  	v31 =	vsel vm4, v52, v49;
	vm10 =	vgt.f32 v43, v47;
	vm11 =	vgt.f32 v10, v14  }
0x383: {  	vm13 =	vgt.f32 v18, v22;
	vm5 =	vgt.f32 v34, v6;
	v57 =	vsel vm10, v44, v48  }
0x384: {  	v25 =	vsel vm10, v48, v44;
	v60 =	vsel vm11, v10, v14;
	v10 =	vsel vm11, v14, v10  }
0x385: {  	v26 =	vld.idx.msk [tilespmem:v26+s2+$0x0], $0xffff;
	v62 =	vsel vm11, v7, v63;
	v7 =	vsel vm11, v63, v7;
	v63 =	vsel vm12, v17, v21  }
0x386: {  	v59 =	vld.idx.msk [tilespmem:v30+s2+$0x0], $0xffff;
	v17 =	vsel vm12, v21, v17;
	v41 =	vsel vm13, v18, v22;
	v18 =	vsel vm13, v22, v18  }
0x387: {  	v42 =	vsel vm13, v16, v20;
	v16 =	vsel vm13, v20, v16;
	v14 =	vsel vm4, v37, v61  }
0x388: {  	v49 =	vsel vm5, v34, v6;
	v6 =	vsel vm5, v6, v34;
	v50 =	vsel vm5, v32, v53  }
0x389: {  	v32 =	vsel vm5, v53, v32;
	v20 =	vsel vm10, v47, v43;
	vm6 =	vgt.f32 v56, v63  }
0x38a: {  	vm7 =	vgt.f32 v60, v41;
	vm8 =	vgt.f32 v9, v17;
	vm9 =	vgt.f32 v10, v18  }
0x38b: {  	vm12 =	vgt.f32 v13, v14;
	vm15 =	vgt.f32 v26, v59;
	v36 =	vsel vm6, v56, v63  }
0x38c: {  	v12 =	vsel vm6, v63, v56;
	v38 =	vsel vm6, v58, v40;
	v21 =	vsel vm6, v40, v58  }
0x38d: {  	v51 =	vsel vm7, v60, v41;
	v19 =	vsel vm7, v41, v60;
	v52 =	vsel vm7, v62, v42  }
0x38e: {  	v22 =	vsel vm7, v42, v62;
	v53 =	vsel vm8, v9, v17;
	v9 =	vsel vm8, v17, v9  }
0x38f: {  	v54 =	vsel vm8, v8, v15;
	v15 =	vsel vm8, v15, v8;
	v55 =	vsel vm9, v10, v18  }
0x390: {  	v10 =	vsel vm9, v18, v10;
	v56 =	vsel vm9, v7, v16;
	v16 =	vsel vm9, v16, v7  }
0x391: {  	v7 =	vsel vm10, v43, v47;
	v60 =	vsel vm12, v13, v14;
	v13 =	vsel vm12, v14, v13  }
0x392: {  	v61 =	vsel vm12, v23, v31;
	v23 =	vsel vm12, v31, v23;
	v45 =	vsel vm15, v26, v59  }
0x393: {  	v11 =	vsel vm15, v59, v26;
	v46 =	vsel vm15, v24, v28;
	v24 =	vsel vm15, v28, v24  }
0x394: {  	vm14 =	vgt.f32 v53, v12;
	vm15 =	vgt.f32 v55, v19;
	vm4 =	vgt.f32 v60, v20  }
0x395: {  	vm6 =	vgt.f32 v36, v7;
	vm8 =	vgt.f32 v9, v13;
	vm11 =	vgt.f32 v45, v49  }
0x396: {  	vm13 =	vgt.f32 v11, v6;
	v63 =	vsel vm14, v53, v12;
	v12 =	vsel vm14, v12, v53  }
0x397: {  	v44 =	vsel vm14, v54, v21;
	v17 =	vsel vm14, v21, v54;
	v18 =	vsel vm15, v22, v56  }
0x398: {  	v47 =	vsel vm4, v60, v20;
	v20 =	vsel vm4, v20, v60;
	v48 =	vsel vm4, v61, v25  }
0x399: {  	v14 =	vsel vm4, v25, v61;
	v40 =	vsel vm6, v36, v7;
	v36 =	vsel vm6, v7, v36  }
0x39a: {  	v41 =	vsel vm6, v38, v57;
	v28 =	vsel vm6, v57, v38;
	v8 =	vsel vm8, v13, v9  }
0x39b: {  	v58 =	vsel vm11, v45, v49;
	v27 =	vsel vm11, v49, v45;
	v59 =	vsel vm11, v46, v50  }
0x39c: {  	v26 =	vsel vm11, v50, v46;
	v62 =	vsel vm13, v11, v6;
	v11 =	vsel vm13, v6, v11  }
0x39d: {  	v6 =	vsel vm13, v24, v32;
	v24 =	vsel vm13, v32, v24;
	v45 =	vsel vm15, v55, v19  }
0x39e: {  	v19 =	vsel vm15, v19, v55;
	v46 =	vsel vm15, v56, v22;
	vm10 =	vgt.f32 v63, v47  }
0x39f: {  	vm12 =	vgt.f32 v12, v20;
	vm5 =	vgt.f32 v62, v27;
	vm7 =	vgt.f32 v51, v58  }
0x3a0: {  	vm9 =	vgt.f32 v10, v11;
	v55 =	vsel vm10, v63, v47;
	v22 =	vsel vm10, v47, v63  }
0x3a1: {  	v56 =	vsel vm10, v44, v48;
	v57 =	vsel vm10, v48, v44;
	v60 =	vsel vm12, v12, v20  }
0x3a2: {  	v12 =	vsel vm12, v20, v12;
	v61 =	vsel vm12, v17, v14;
	v14 =	vsel vm12, v14, v17  }
0x3a3: {  	v49 =	vsel vm5, v62, v27;
	v27 =	vsel vm5, v27, v62;
	v50 =	vsel vm5, v6, v26  }
0x3a4: {  	v26 =	vsel vm5, v26, v6;
	v6 =	vsel vm7, v51, v58;
	v29 =	vsel vm7, v58, v51  }
0x3a5: {  	v7 =	vsel vm7, v52, v59;
	v30 =	vsel vm7, v59, v52;
	v51 =	vsel vm8, v9, v13  }
0x3a6: {  	v52 =	vsel vm8, v15, v23;
	v9 =	vsel vm8, v23, v15;
	v53 =	vsel vm9, v10, v11  }
0x3a7: {  	v10 =	vsel vm9, v11, v10;
	v54 =	vsel vm9, v16, v24;
	v16 =	vsel vm9, v24, v16  }
0x3a8: {  	vm14 =	vgt.f32 v55, v36;
	vm11 =	vgt.f32 v45, v49;
	vm13 =	vgt.f32 v19, v27  }
0x3a9: {  	v42 =	vsel vm14, v55, v36;
	v23 =	vsel vm14, v36, v55;
	v43 =	vsel vm14, v56, v28  }
0x3aa: {  	v24 =	vsel vm14, v28, v56;
	vm4 =	vgt.f32 v51, v12;
	vm12 =	veq.f32 v40, v10  }
0x3ab: {  	vm14 =	vgt.f32 v40, v10;
	v58 =	vsel vm11, v45, v49;
	v21 =	vsel vm11, v49, v45  }
0x3ac: {  	v59 =	vsel vm11, v46, v50;
	v31 =	vsel vm11, v50, v46;
	v62 =	vsel vm13, v19, v27  }
0x3ad: {  	v19 =	vsel vm13, v27, v19;
	v63 =	vsel vm13, v18, v26;
	v18 =	vsel vm13, v26, v18  }
0x3ae: {  	v46 =	vsel vm4, v51, v12;
	v12 =	vsel vm4, v12, v51;
	v47 =	vsel vm4, v52, v14  }
0x3af: {  	v13 =	vsel vm4, v14, v52;
	vm6 =	vgt.f32 v60, v23;
	vm13 =	vlt.u32 v41, v16  }
0x3b0: {  	vm15 =	vgt.f32 v58, v29;
	vm5 =	vgt.f32 v53, v19;
	v50 =	vsel vm6, v60, v23  }
0x3b1: {  	v23 =	vsel vm6, v23, v60;
	v51 =	vsel vm6, v61, v24;
	v20 =	vsel vm6, v24, v61  }
0x3b2: {  	vm8 =	vgt.f32 v46, v22;
	vm1 =	vmand vm12, vm13;
	v61 =	vor.u32 $0x1800, v4  }
0x3b3: {  	v44 =	vsel vm15, v58, v29;
	v29 =	vsel vm15, v29, v58;
	v45 =	vsel vm15, v59, v30  }
0x3b4: {  	v25 =	vsel vm15, v30, v59;
	v48 =	vsel vm5, v53, v19;
	v15 =	vsel vm5, v19, v53  }
0x3b5: {  	v49 =	vsel vm5, v54, v18;
	v11 =	vsel vm5, v18, v54;
	v54 =	vsel vm8, v46, v22  }
0x3b6: {  	v22 =	vsel vm8, v22, v46;
	v55 =	vsel vm8, v47, v57;
	v32 =	vsel vm8, v57, v47  }
0x3b7: {  	vm1 =	vmor vm14, vm1;
	v5 =	vor.u32 v61, v5;
	vm7 =	vgt.f32 v62, v29  }
0x3b8: {  	vm9 =	vgt.f32 v48, v21;
	vm10 =	vgt.f32 v54, v23;
	v10 =	vsel vm1, v40, v10  }
0x3b9: {  	v16 =	vsel vm1, v41, v16;
	vm15 =	vgt.f32 v42, v15;
	vm4 =	veq.f32 v42, v15  }
0x3ba: {  	vm5 =	vlt.u32 v43, v11;
	v52 =	vsel vm7, v62, v29;
	v17 =	vsel vm7, v29, v62  }
0x3bb: {  	v53 =	vsel vm7, v63, v25;
	v25 =	vsel vm7, v25, v63;
	v56 =	vsel vm9, v48, v21  }
0x3bc: {  	v14 =	vsel vm9, v21, v48;
	v57 =	vsel vm9, v49, v31;
	v19 =	vsel vm9, v31, v49  }
0x3bd: {  	v58 =	vsel vm10, v54, v23;
	v23 =	vsel vm10, v23, v54;
	v59 =	vsel vm10, v55, v20  }
0x3be: {  	v20 =	vsel vm10, v20, v55;
	vm1 =	vmand vm4, vm5;
	vm11 =	vgt.f32 v56, v17  }
0x3bf: {  	vm6 =	veq.f32 v50, v14;
	vm7 =	vlt.u32 v51, v19;
	vm0 =	vmor vm15, vm1  }
0x3c0: {  	vm8 =	vgt.f32 v50, v14;
	v60 =	vsel vm11, v56, v17;
	v17 =	vsel vm11, v17, v56  }
0x3c1: {  	v62 =	vsel vm11, v57, v25;
	v21 =	vsel vm11, v25, v57;
	vm2 =	vmand vm6, vm7  }
0x3c2: {  	v15 =	vsel vm0, v42, v15;
	v11 =	vsel vm0, v43, v11;
	vm7 =	vgt.f32 v8, v6  }
0x3c3: {  	vm9 =	vmor vm8, vm2;
	vm10 =	vgt.f32 v58, v17;
	vm11 =	veq.f32 v58, v17  }
0x3c4: {  	vm12 =	vlt.u32 v59, v21;
	vm13 =	veq.f32 v23, v60;
	vm14 =	vlt.u32 v20, v62  }
0x3c5: {  	vm15 =	vgt.f32 v23, v60;
	v14 =	vsel vm9, v50, v14;
	vm2 =	vmand vm11, vm12  }
0x3c6: {  	vm4 =	vmand vm13, vm14;
	v63 =	vsel vm9, v51, v19;
	vm11 =	veq.f32 v22, v52  }
0x3c7: {  	vm12 =	vlt.u32 v32, v53;
	vm13 =	veq.f32 v12, v44;
	vm14 =	vlt.u32 v13, v45  }
0x3c8: {  	vm8 =	vmor vm10, vm2;
	vm9 =	vmor vm15, vm4;
	vm10 =	vgt.f32 v22, v52  }
0x3c9: {  	vm2 =	vmand vm11, vm12;
	vm15 =	vgt.f32 v12, v44;
	vm3 =	vmand vm13, vm14  }
0x3ca: {  	v17 =	vsel vm8, v58, v17;
	v25 =	vsel vm8, v59, v21;
	v26 =	vsel vm9, v23, v60  }
0x3cb: {  	vm0 =	vmor vm10, vm2;
	v20 =	vsel vm9, v20, v62;
	vm6 =	vmor vm15, vm3  }
0x3cc: {  	vm8 =	veq.f32 v8, v6;
	vm9 =	vlt.u32 v9, v7;
	v22 =	vsel vm0, v22, v52  }
0x3cd: {  	v27 =	vsel vm0, v32, v53;
	v12 =	vsel vm6, v12, v44;
	v13 =	vsel vm6, v13, v45  }
0x3ce: {  	vm1 =	vmand vm8, vm9;
	vm10 =	veq.f32 v10, v26;
	vm11 =	vlt.u32 v16, v20  }
0x3cf: {  	vm12 =	vgt.f32 v10, v26;
	v45 =	vor.u32 $0x1, v5;
	vm0 =	vmor vm7, vm1  }
0x3d0: {  	vm2 =	vmand vm10, vm11;
	vm14 =	veq.f32 v15, v22;
	vm15 =	vlt.u32 v11, v27  }
0x3d1: {  	vm6 =	vgt.f32 v15, v22;
	vm8 =	veq.f32 v14, v12;
	vm9 =	vlt.u32 v63, v13  }
0x3d2: {  	vm10 =	vgt.f32 v14, v12;
	v6 =	vsel vm0, v8, v6;
	vm13 =	vmor vm12, vm2  }
0x3d3: {  	v7 =	vsel vm0, v9, v7;
	vm1 =	vmand vm14, vm15;
	v29 =	vsel vm13, v10, v26  }
0x3d4: {  	v30 =	vsel vm13, v26, v10;
	v31 =	vsel vm13, v16, v20;
	v16 =	vsel vm13, v20, v16  }
0x3d5: {  	vm7 =	vmor vm6, vm1;
	vm1 =	vmand vm8, vm9;
	vm12 =	veq.f32 v17, v6  }
0x3d6: {  	vm13 =	vlt.u32 v25, v7;
	vm14 =	vgt.f32 v17, v6;
	v32 =	vsel vm7, v15, v22  }
0x3d7: {  	v15 =	vsel vm7, v22, v15;
	v33 =	vsel vm7, v11, v27;
	vm11 =	vmor vm10, vm1  }
0x3d8: {  	v11 =	vsel vm7, v27, v11;
	vm1 =	vmand vm12, vm13;
	v34 =	vsel vm11, v14, v12  }
0x3d9: {  	v12 =	vsel vm11, v12, v14;
	v36 =	vsel vm11, v63, v13;
	vm15 =	vmor vm14, vm1  }
0x3da: {  	v13 =	vsel vm11, v13, v63;
	v37 =	vsel vm15, v17, v6;
	vm6 =	veq.f32 v29, v34  }
0x3db: {  	vm7 =	vlt.u32 v31, v36;
	v6 =	vsel vm15, v6, v17;
	vm8 =	vgt.f32 v29, v34  }
0x3dc: {  	v38 =	vsel vm15, v25, v7;
	v7 =	vsel vm15, v7, v25;
	vm13 =	veq.f32 v30, v12  }
0x3dd: {  	vm1 =	vmand vm6, vm7;
	vm10 =	veq.f32 v32, v37;
	vm11 =	vlt.u32 v33, v38  }
0x3de: {  	vm12 =	vgt.f32 v32, v37;
	vm9 =	vmor vm8, vm1;
	vm1 =	vmand vm10, vm11  }
0x3df: {  	v39 =	vsel vm9, v29, v34;
	v8 =	vsel vm9, v34, v29;
	vm1 =	vmor vm12, vm1  }
0x3e0: {  	v40 =	vsel vm9, v31, v36;
	v41 =	vsel vm1, v32, v37;
	v42 =	vsel vm1, v33, v38  }
0x3e1: {  	v10 =	vsel vm9, v36, v31;
	vm8 =	veq.f32 v39, v41;
	vm9 =	vlt.u32 v40, v42  }
0x3e2: {  	vm14 =	vlt.u32 v16, v13;
	vm10 =	vgt.f32 v39, v41;
	vm2 =	vmand vm8, vm9  }
0x3e3: {  	vm15 =	vgt.f32 v30, v12;
	vm0 =	vmand vm13, vm14;
	vm2 =	vmor vm10, vm2  }
0x3e4: {  	vm13 =	vlt.u32 v11, v7;
	vm0 =	vmor vm15, vm0;
	v44 =	vsel vm2, v40, v42  }
0x3e5: {  	vm11 =	vgt.f32 v15, v6;
	v43 =	vsel vm0, v30, v12;
	v18 =	vsel vm1, v37, v32  }
0x3e6: {  	v17 =	vsel vm1, v38, v33;
	vm14 =	veq.f32 v8, v18;
	v46 =	vsel vm2, v39, v41  }
0x3e7: {  	v47 =	vor.u32 $0x2, v5;
	vm15 =	vlt.u32 v10, v17;
	v22 =	vsel vm2, v42, v40;
	[tilespmem:v5+s21+$0x0] =	vst.idx.msk $0xffff, v46  }
0x3e8: {  	vm12 =	veq.f32 v15, v6;
	vm7 =	vgt.f32 v8, v18;
	vm5 =	vmand vm14, vm15;
	[tilespmem:v5+s22+$0x0] =	vst.idx.msk $0xffff, v44  }
0x3e9: {  	vm3 =	vmand vm12, vm13;
	vm9 =	vmor vm7, vm5;
	v14 =	vsel vm2, v41, v39;
	[tilespmem:v44+s23+$0x0] =	vst.idx.add.f32.msk $0xffff, v3  }
0x3ea: {  	v48 =	vsel vm0, v16, v13;
	vm1 =	vmor vm11, vm3;
	v49 =	vsel vm9, v10, v17;
	[tilespmem:v45+s21+$0x0] =	vst.idx.msk $0xffff, v14  }
0x3eb: {  	v52 =	vor.u32 $0x3, v5;
	v50 =	vsel vm1, v15, v6;
	v51 =	vsel vm1, v11, v7;
	[tilespmem:v45+s22+$0x0] =	vst.idx.msk $0xffff, v22  }
0x3ec: {  	vm10 =	veq.f32 v43, v50;
	v53 =	vsel vm9, v8, v18;
	[tilespmem:v22+s23+$0x0] =	vst.idx.add.f32.msk $0xffff, v3  }
0x3ed: {  	vm11 =	vlt.u32 v48, v51;
	v10 =	vsel vm9, v17, v10;
	[tilespmem:v47+s21+$0x0] =	vst.idx.msk $0xffff, v53  }
0x3ee: {  	v54 =	vor.u32 $0x4, v5;
	vm12 =	vgt.f32 v43, v50;
	vm3 =	vmand vm10, vm11;
	[tilespmem:v47+s22+$0x0] =	vst.idx.msk $0xffff, v49  }
0x3ef: {  	v9 =	vsel vm0, v12, v30;
	v8 =	vsel vm9, v18, v8;
	vm13 =	vmor vm12, vm3;
	[tilespmem:v49+s23+$0x0] =	vst.idx.add.f32.msk $0xffff, v3  }
0x3f0: {  	v55 =	vsel vm0, v13, v16;
	v56 =	vsel vm13, v48, v51;
	[tilespmem:v52+s21+$0x0] =	vst.idx.msk $0xffff, v8  }
0x3f1: {  	v57 =	vor.u32 $0x5, v5;
	v6 =	vsel vm1, v6, v15;
	v7 =	vsel vm1, v7, v11;
	[tilespmem:v52+s22+$0x0] =	vst.idx.msk $0xffff, v10  }
0x3f2: {  	vm14 =	veq.f32 v9, v6;
	v58 =	vsel vm13, v43, v50;
	[tilespmem:v10+s23+$0x0] =	vst.idx.add.f32.msk $0xffff, v3  }
0x3f3: {  	vm1 =	vlt.u32 v55, v7;
	v59 =	vsel vm13, v51, v48;
	[tilespmem:v54+s21+$0x0] =	vst.idx.msk $0xffff, v58  }
0x3f4: {  	v60 =	vor.u32 $0x6, v5;
	vm15 =	vgt.f32 v9, v6;
	vm0 =	vmand vm14, vm1;
	[tilespmem:v54+s22+$0x0] =	vst.idx.msk $0xffff, v56  }
0x3f5: {  	vm0 =	vmor vm15, vm0;
	v61 =	vsel vm13, v50, v43;
	[tilespmem:v56+s23+$0x0] =	vst.idx.add.f32.msk $0xffff, v3  }
0x3f6: {  	v62 =	vsel vm0, v55, v7;
	[tilespmem:v57+s21+$0x0] =	vst.idx.msk $0xffff, v61  }
0x3f7: {  	v5 =	vor.u32 $0x7, v5;
	[tilespmem:v57+s22+$0x0] =	vst.idx.msk $0xffff, v59  }
0x3f8: {  	v63 =	vsel vm0, v9, v6;
	[tilespmem:v59+s23+$0x0] =	vst.idx.add.f32.msk $0xffff, v3  }
0x3f9: {  	p0 =	sne.s32 s25, $0xF0;
	v7 =	vsel vm0, v7, v55;
	[tilespmem:v60+s21+$0x0] =	vst.idx.msk $0xffff, v63  }
.Ltmp3:
0x3fa: {  	[tilespmem:v60+s22+$0x0] =	vst.idx.msk $0xffff, v62;
	(pc) =	sbr.rel @p0 .LBB2_8-.Ltmp3, $4  }
0x3fb: {  	v6 =	vsel vm0, v6, v9;
	[tilespmem:v62+s23+$0x0] =	vst.idx.add.f32.msk $0xffff, v3  }
0x3fc: {  	[tilespmem:v5+s21+$0x0] =	vst.idx.msk $0xffff, v6  }
0x3fd: {  	[tilespmem:v5+s22+$0x0] =	vst.idx.msk $0xffff, v7  }
0x3fe: {  	s25 =	sadd.s32 $0x10, s25;
	[tilespmem:v7+s23+$0x0] =	vst.idx.add.f32.msk $0xffff, v3  }
0x3ff: {  	[hbm4b:s13+s2] =	stream.linear.scatter [tilespmem:s1], [sflag:$0x5], $0x800, $0x38;
	[tilespmem:$0x14080] =	vst v63  }
0x400: {  	_ = 	snop  }
0x401: {  	[hbm4b:s14+s2] =	stream.linear.scatter [tilespmem:s0], [sflag:$0x5], $0x800, $0x38;
	[tilespmem:$0x14080] =	vst v63  }
0x402: {  	_ = 	snop  }
0x403: {  	[hbm4b:s15+s2] =	stream.linear.scatter [tilespmem:s23], [sflag:$0x6], $0x80, $0x38;
	[tilespmem:$0x14080] =	vst v63  }
0x404: {  	_ =	swait.ge [sflag:s17], $0x80  }
0x405: {  	[sflag:s17] =	ssyncset.done $0x0  }
0x406: {  	[sflag:s17] =	ssyncadd.s32 $0xFFFFFF80  }
0x407: {  	_ =	swait.ge [sflag:s18], $0x800  }
0x408: {  	[sflag:s18] =	ssyncset.done $0x0  }
0x409: {  	[sflag:s18] =	ssyncadd.s32 $0xFFFFF800  }
0x40a: {  	_ =	swait.ge [sflag:s18], $0x800  }
0x40b: {  	[sflag:s18] =	ssyncset.done $0x0  }
0x40c: {  	[sflag:s18] =	ssyncadd.s32 $0xFFFFF800  }
0x40d: {  	_ =	swait.ge [sflag:s18], $0x800  }
0x40e: {  	[sflag:s18] =	ssyncset.done $0x0  }
0x40f: {  	[sflag:s18] =	ssyncadd.s32 $0xFFFFF800  }
0x410: {  	_ =	swait.ge [sflag:s18], $0x800  }
0x411: {  	[sflag:s18] =	ssyncset.done $0x0  }
0x412: {  	[sflag:s18] =	ssyncadd.s32 $0xFFFFF800  }
0x413: {  	_ =	swait.ge [sflag:s18], $0x800  }
0x414: {  	[sflag:s18] =	ssyncset.done $0x0  }
0x415: {  	[sflag:s18] =	ssyncadd.s32 $0xFFFFF800  }
0x416: {  	_ =	swait.ge [sflag:s18], $0x800  }
0x417: {  	[sflag:s18] =	ssyncset.done $0x0  }
0x418: {  	s19 =	sadd.s32 $0x1, s19;
	[sflag:s18] =	ssyncadd.s32 $0xFFFFF800  }
0x419: {  	p0 =	sne.s32 s19, s16;
	_ =	swait.ge [sflag:s18], $0x800  }
.Ltmp4:
0x41a: {  	[sflag:s18] =	ssyncset.done $0x0;
	(pc) =	sbr.rel @p0 .LBB2_1-.Ltmp4, $4  }
0x41b: {  	[sflag:s18] =	ssyncadd.s32 $0xFFFFF800  }
0x41c: {  	_ =	swait.ge [sflag:s18], $0x800  }
0x41d: {  	[sflag:s18] =	ssyncset.done $0x0  }
0x41e: {  	[sflag:s18] =	ssyncadd.s32 $0xFFFFF800  }
0x41f: {  	_ =	sfence.sel $0x180000  }
0x420: {  	[bflag:$0x0] =	sbarrier.arrive $0xFFFF  }
0x421: {  	_ =	strace $0x90000047  }
0x422: {  	s0 =	stileid.u32;
	[bflag:$0x2] =	sbarrier.arrive $0xFFFF  }
0x423: {  	p0 =	sne.s32 s0, $0x0;
	s0 =	rddreg [dreg:$0x2]  }
0x424: {  	s0 =	sadd.s32 @!p0 $0x100000, s0  }
0x425: {  	[sflag:s0] =	ssyncadd.tile.s32 @!p0 $0x1;
	_ =	shalt  }
.Lfunc_end2:
_tile_overlayer_lowered:
.L_overlay_start_2:
0x426: {  	(tag) =	ssettag $0x2  }
0x427: {  	s0 =	rddreg [dreg:$0x0];
	s2 =	stileid.u32  }
0x428: {  	s1 =	rddreg [dreg:$0x1];
	p0 =	sne.s32 s2, $0x0  }
0x429: {  	s3 =	rddreg [dreg:$0x2];
	[bflag:$0x3] =	sbarrier.arrive $0xFFFF;
	s2 =	simm.s32 @!p0 $0x1C06  }
0x42a: {  	[timem:s3], [sflag:s2] =	dma.local @!p0 [hbm:s0], s1  }
0x42b: {  	s0 =	simm.s32 @!p0 $0x6  }
0x42c: {  	_ =	swait.ge @!p0 [sflag:s0], s1  }
0x42d: {  	s1 =	ssub.s32 @!p0 $0x0, s1;
	[sflag:s0] =	ssyncset.done @!p0 $0x0  }
0x42e: {  	[sflag:s0] =	ssyncadd.s32 @!p0 s1  }
0x42f: {  	[bflag:$0x3] =	sbarrier.arrive $0xFFFF  }
0x430: {  	_ =	shalt  }

</sc_bundles>
